<compile_context>
chip_gen: v7x
topology: tpu7x:2x2x1
jax: 0.10.2.dev20260603
libtpu: 0.0.44.dev20260713+nightly
codegen_flags: <defaults>
</compile_context>

<pallas_src>
import functools

import jax
import jax.numpy as jnp
from jax import lax
from jax.experimental import pallas as pl
from jax.experimental.pallas import tpu as pltpu
from jax.experimental.pallas import tpu_sc as plsc

_D = 64
_S = 200
_B = 4096
_JB = _B // 128
_UNITS = _S * _JB
_NW = 32
_UPW = _UNITS // _NW


def _body(idx_hbm, table_hbm, out_hbm, idx_all, raws, transs, gsems, wsems):
    wid = lax.axis_index("s") * 2 + lax.axis_index("c")
    ubase = wid * _UPW

    pltpu.sync_copy(idx_hbm.at[pl.ds(ubase * 128, _UPW * 128)], idx_all)

    iota16 = lax.iota(jnp.int32, 16)
    rows16 = [iota16 + (16 * g) for g in range(8)]

    def gather(t, b):
        return pltpu.make_async_copy(
            table_hbm.at[idx_all.at[pl.ds(t * 128, 128)]], raws[b], gsems[b])

    def tile_write(t, b, k):
        v = ubase + t
        s = (v // 256) * 8 + v % 8
        j = (v // 8) % _JB
        return pltpu.make_async_copy(
            transs[b].at[pl.ds(8 * k, 8), :], out_hbm.at[s, k, j], wsems[b])

    gather(0, 0).start()

    def step(o, carry):
        for b in range(2):
            t = o * 2 + b

            @pl.when(t + 1 < _UPW)
            def _():
                gather(t + 1, 1 - b).start()

            gather(t, b).wait()

            @pl.when(t >= 2)
            def _():
                for k in range(8):
                    tile_write(t - 2, b, k).wait()

            raw = raws[b]
            tr = transs[b]

            def col(c, carry2):
                for cc in range(4):
                    cvec = (c * 4 + cc + iota16) & (_D - 1)
                    for g in range(8):
                        vec = plsc.load_gather(raw, [rows16[g], cvec])
                        plsc.store_scatter(tr, [cvec, rows16[g]], vec)
                return carry2

            lax.fori_loop(0, _D // 4, col, 0)

            for k in range(8):
                tile_write(t, b, k).start()
        return carry

    lax.fori_loop(0, _UPW // 2, step, 0)

    for b in range(2):
        for k in range(8):
            tile_write(_UPW - 2 + b, b, k).wait()


def kernel(x, table):
    idx_flat = (x.T.reshape(_S // 8, 8, _JB, 128)
                .transpose(0, 2, 1, 3).reshape(-1))

    mesh = plsc.VectorSubcoreMesh(core_axis_name="c", subcore_axis_name="s")
    run = functools.partial(
        pl.kernel,
        mesh=mesh,
        out_type=jax.ShapeDtypeStruct((_S, 8, _JB, 8, 128), table.dtype),
        scratch_types=[
            pltpu.VMEM((_UPW * 128,), jnp.int32),
            [pltpu.VMEM((128, _D), jnp.float32) for _ in range(2)],
            [pltpu.VMEM((_D, 128), jnp.float32) for _ in range(2)],
            [pltpu.SemaphoreType.DMA for _ in range(2)],
            [pltpu.SemaphoreType.DMA for _ in range(2)],
        ],
        compiler_params=pltpu.CompilerParams(
            use_tc_tiling_on_sc=False, needs_layout_passes=False,
            skip_device_barrier=True, disable_bounds_checks=True,
            disable_semaphore_checks=True),
    )(_body)
    out5 = run(idx_flat, table)
    return out5.transpose(2, 4, 0, 1, 3).reshape(_B, _S, _D)

# --- scband reference (transcript-rebuilt; emitter-appended) ---
"""Pipeline reference for scband-sentence-saver-773 (READ-ONLY COPY).

The authoritative reference and input builder live on the scoring server;
editing this copy changes nothing except your own understanding.
"""

import jax, jax.numpy as jnp
import numpy as np

NUM_EMBEDDINGS = 1000000
EMBED_DIM = 64

def setup_inputs(seed: int = 0) -> dict:
    key = jax.random.key(seed)
    k1, k2 = jax.random.split(key)
    x = jax.random.randint(k1, (4096, 200), 0, NUM_EMBEDDINGS, dtype=jnp.int64 if jax.config.jax_enable_x64 else jnp.int32)
    table = jax.random.normal(k2, (NUM_EMBEDDINGS, EMBED_DIM), dtype=jnp.float32) * 0.02
    return {"x": x, "table": table}

def reference(x, table):
    # SentenceSaver.forward: saves x (side effect, no math), then embedding lookup.
    out = jnp.take(table, x, axis=0)
    return out

if __name__ == "__main__":
    import jax
    _d = setup_inputs()
    print(jax.jit(kernel)(*tuple(_d.values())))

</pallas_src>

<mosaic_0001>
#map = affine_map<(d0, d1) -> (0)>
#map1 = affine_map<(d0, d1) -> (0, 0)>
#map2 = affine_map<(d0, d1) -> (0, 0, 0, 0, 0)>
module attributes {stable_mosaic.version = 14 : i64} {
  func.func @_body(%arg0: i32, %arg1: i32, %arg2: memref<819200xi32, #tpu.memory_space<hbm>>, %arg3: memref<1000000x64xf32, #tpu.memory_space<hbm>>, %arg4: memref<200x8x32x8x128xf32, #tpu.memory_space<hbm>>, %arg5: memref<25600xi32, #tpu.memory_space<vmem>>, %arg6: memref<128x64xf32, #tpu.memory_space<vmem>>, %arg7: memref<128x64xf32, #tpu.memory_space<vmem>>, %arg8: memref<64x128xf32, #tpu.memory_space<vmem>>, %arg9: memref<64x128xf32, #tpu.memory_space<vmem>>, %arg10: memref<!tpu.dma_semaphore, #tpu.memory_space<semaphore_mem>>, %arg11: memref<!tpu.dma_semaphore, #tpu.memory_space<semaphore_mem>>, %arg12: memref<!tpu.dma_semaphore, #tpu.memory_space<semaphore_mem>>, %arg13: memref<!tpu.dma_semaphore, #tpu.memory_space<semaphore_mem>>) attributes {dimension_semantics = [#tpu.dimension_semantics<core_parallel>, #tpu.dimension_semantics<subcore_parallel>], iteration_bounds = array<i64: 2, 16>, scalar_prefetch = 0 : i64, scratch_operands = 9 : i64, tpu.core_type = #tpu.core_type<sc_vector_subcore>, window_params = [{transform_indices = #map}, {transform_indices = #map1}, {transform_indices = #map2}]} {
    %mul3A = arith.constant 2 : i32
    %mul3A_0 = arith.muli %arg1, %mul3A : i32
    %add3A = arith.addi %mul3A_0, %arg0 : i32
    %mul3A_1 = arith.constant 200 : i32
    %mul3A_2 = arith.muli %add3A, %mul3A_1 : i32
    %mul3A_3 = arith.constant 128 : i32
    %mul3A_4 = arith.muli %mul3A_2, %mul3A_3 : i32
    "tpu.region"() ({
      %run_scoped3A = tpu.sem_alloc : memref<!tpu.dma_semaphore, #tpu.memory_space<semaphore_mem>>
      %dma_start3A_1627 = tpu.memref_slice %arg2[%mul3A_4] : memref<819200xi32, #tpu.memory_space<hbm>> -> memref<25600xi32, #tpu.memory_space<hbm>>
      %dma_start3A_1628 = tpu.memref_slice %arg2[%mul3A_4] : memref<819200xi32, #tpu.memory_space<hbm>> -> memref<25600xi32, #tpu.memory_space<hbm>>
      tpu.enqueue_dma source(%dma_start3A_1628 : memref<25600xi32, #tpu.memory_space<hbm>>) target(%arg5 : memref<25600xi32, #tpu.memory_space<vmem>>) target_semaphore(%run_scoped3A : memref<!tpu.dma_semaphore, #tpu.memory_space<semaphore_mem>>)
      %dma_wait3A_1629 = tpu.memref_slice %arg2[%mul3A_4] : memref<819200xi32, #tpu.memory_space<hbm>> -> memref<25600xi32, #tpu.memory_space<hbm>>
      %dma_wait3A_1630 = tpu.memref_slice %arg2[%mul3A_4] : memref<819200xi32, #tpu.memory_space<hbm>> -> memref<25600xi32, #tpu.memory_space<hbm>>
      tpu.wait_dma2 semaphore(%run_scoped3A : memref<!tpu.dma_semaphore, #tpu.memory_space<semaphore_mem>>) src(%dma_wait3A_1630 : memref<25600xi32, #tpu.memory_space<hbm>>) dst(%arg5 : memref<25600xi32, #tpu.memory_space<vmem>>)
      tpu.yield
    }) : () -> ()
    %iota3A = tpu.iota {dimensions = array<i32: 0>} : vector<16xi32>
    %add3A_5 = arith.constant 0 : i32
    %add3A_6 = vector.broadcast %add3A_5 : i32 to vector<16xi32>
    %add3A_7 = arith.addi %iota3A, %add3A_6 : vector<16xi32>
    %add3A_8 = arith.constant 16 : i32
    %add3A_9 = vector.broadcast %add3A_8 : i32 to vector<16xi32>
    %add3A_10 = arith.addi %iota3A, %add3A_9 : vector<16xi32>
    %add3A_11 = arith.constant 32 : i32
    %add3A_12 = vector.broadcast %add3A_11 : i32 to vector<16xi32>
    %add3A_13 = arith.addi %iota3A, %add3A_12 : vector<16xi32>
    %add3A_14 = arith.constant 48 : i32
    %add3A_15 = vector.broadcast %add3A_14 : i32 to vector<16xi32>
    %add3A_16 = arith.addi %iota3A, %add3A_15 : vector<16xi32>
    %add3A_17 = arith.constant 64 : i32
    %add3A_18 = vector.broadcast %add3A_17 : i32 to vector<16xi32>
    %add3A_19 = arith.addi %iota3A, %add3A_18 : vector<16xi32>
    %add3A_20 = arith.constant 80 : i32
    %add3A_21 = vector.broadcast %add3A_20 : i32 to vector<16xi32>
    %add3A_22 = arith.addi %iota3A, %add3A_21 : vector<16xi32>
    %add3A_23 = arith.constant 96 : i32
    %add3A_24 = vector.broadcast %add3A_23 : i32 to vector<16xi32>
    %add3A_25 = arith.addi %iota3A, %add3A_24 : vector<16xi32>
    %add3A_26 = arith.constant 112 : i32
    %add3A_27 = vector.broadcast %add3A_26 : i32 to vector<16xi32>
    %add3A_28 = arith.addi %iota3A, %add3A_27 : vector<16xi32>
    %dma_start3A = arith.constant 0 : i32
    %dma_start3A_29 = tpu.memref_slice %arg5[%dma_start3A] : memref<25600xi32, #tpu.memory_space<vmem>> -> memref<128xi32, #tpu.memory_space<vmem>>
    %dma_start3A_30 = arith.constant 0 : i32
    %dma_start3A_31 = arith.constant 0 : i32
    %dma_start3A_32 = tpu.memref_slice %arg3[%dma_start3A_30, %dma_start3A_31] : memref<1000000x64xf32, #tpu.memory_space<hbm>> -> memref<1000000x64xf32, #tpu.memory_space<hbm>>
    tpu.enqueue_indirect_dma source(%dma_start3A_32 : memref<1000000x64xf32, #tpu.memory_space<hbm>>) target(%arg6 : memref<128x64xf32, #tpu.memory_space<vmem>>) offsets(%dma_start3A_29 : memref<128xi32, #tpu.memory_space<vmem>>) semaphore(%arg10 : memref<!tpu.dma_semaphore, #tpu.memory_space<semaphore_mem>>)
    %scan3A = arith.constant 0 : i32
    %scan3A_33 = arith.constant 0 : i32
    %scan3A_34 = arith.constant 100 : i32
    %scan3A_35 = arith.addi %scan3A_33, %scan3A_34 : i32
    %scan3A_36 = arith.constant 1 : i32
    scf.for %scan3A_1627 = %scan3A_33 to %scan3A_35 step %scan3A_36  : i32 {
      %mul3A_1628 = arith.constant 2 : i32
      %mul3A_1629 = arith.muli %scan3A_1627, %mul3A_1628 : i32
      %add3A_1630 = arith.constant 0 : i32
      %add3A_1631 = arith.addi %mul3A_1629, %add3A_1630 : i32
      %add3A_1632 = arith.constant 1 : i32
      %add3A_1633 = arith.addi %add3A_1631, %add3A_1632 : i32
      %lt3A_1634 = arith.constant 200 : i32
      %lt3A_1635 = arith.cmpi slt, %add3A_1633, %lt3A_1634 : i32
      %convert_element_type3A = arith.extui %lt3A_1635 : i1 to i32
      %cond3A = arith.constant 0 : i32
      %cond3A_1636 = arith.cmpi ne, %convert_element_type3A, %cond3A : i32
      scf.if %cond3A_1636 {
        %add3A_3265 = arith.constant 1 : i32
        %add3A_3266 = arith.addi %add3A_1631, %add3A_3265 : i32
        %mul3A_3267 = arith.constant 128 : i32
        %mul3A_3268 = arith.muli %add3A_3266, %mul3A_3267 : i32
        %dma_start3A_3269 = tpu.memref_slice %arg5[%mul3A_3268] : memref<25600xi32, #tpu.memory_space<vmem>> -> memref<128xi32, #tpu.memory_space<vmem>>
        %dma_start3A_3270 = arith.constant 0 : i32
        %dma_start3A_3271 = arith.constant 0 : i32
        %dma_start3A_3272 = tpu.memref_slice %arg3[%dma_start3A_3270, %dma_start3A_3271] : memref<1000000x64xf32, #tpu.memory_space<hbm>> -> memref<1000000x64xf32, #tpu.memory_space<hbm>>
        tpu.enqueue_indirect_dma source(%dma_start3A_3272 : memref<1000000x64xf32, #tpu.memory_space<hbm>>) target(%arg7 : memref<128x64xf32, #tpu.memory_space<vmem>>) offsets(%dma_start3A_3269 : memref<128xi32, #tpu.memory_space<vmem>>) semaphore(%arg11 : memref<!tpu.dma_semaphore, #tpu.memory_space<semaphore_mem>>)
      } else {
      }
      %mul3A_1637 = arith.constant 128 : i32
      %mul3A_1638 = arith.muli %add3A_1631, %mul3A_1637 : i32
      %dma_wait3A_1639 = tpu.memref_slice %arg5[%mul3A_1638] : memref<25600xi32, #tpu.memory_space<vmem>> -> memref<128xi32, #tpu.memory_space<vmem>>
      %dma_wait3A_1640 = arith.constant 0 : i32
      %dma_wait3A_1641 = arith.constant 0 : i32
      %dma_wait3A_1642 = tpu.memref_slice %arg3[%dma_wait3A_1640, %dma_wait3A_1641] : memref<1000000x64xf32, #tpu.memory_space<hbm>> -> memref<1000000x64xf32, #tpu.memory_space<hbm>>
      tpu.wait_indirect_dma semaphore(%arg10 : memref<!tpu.dma_semaphore, #tpu.memory_space<semaphore_mem>>) src(%dma_wait3A_1642 : memref<1000000x64xf32, #tpu.memory_space<hbm>>) dst(%arg6 : memref<128x64xf32, #tpu.memory_space<vmem>>)
      %ge3A = arith.constant 2 : i32
      %ge3A_1643 = arith.cmpi sge, %add3A_1631, %ge3A : i32
      %convert_element_type3A_1644 = arith.extui %ge3A_1643 : i1 to i32
      %cond3A_1645 = arith.constant 0 : i32
      %cond3A_1646 = arith.cmpi ne, %convert_element_type3A_1644, %cond3A_1645 : i32
      scf.if %cond3A_1646 {
        %sub3A_3265 = arith.constant 2 : i32
        %sub3A_3266 = arith.subi %add3A_1631, %sub3A_3265 : i32
        %add3A_3267 = arith.addi %mul3A_2, %sub3A_3266 : i32
        %jit3A_3268 = arith.constant 256 : i32
        %div3A_3269 = arith.divsi %add3A_3267, %jit3A_3268 : i32
        %sign3A_3270 = arith.constant 0 : i32
        %sign3A_3271 = arith.cmpi sgt, %add3A_3267, %sign3A_3270 : i32
        %sign3A_3272 = arith.extui %sign3A_3271 : i1 to i32
        %sign3A_3273 = arith.constant 0 : i32
        %sign3A_3274 = arith.cmpi slt, %add3A_3267, %sign3A_3273 : i32
        %sign3A_3275 = arith.extui %sign3A_3274 : i1 to i32
        %sign3A_3276 = arith.subi %sign3A_3272, %sign3A_3275 : i32
        %sign3A_3277 = arith.constant 0 : i32
        %sign3A_3278 = arith.cmpi sgt, %jit3A_3268, %sign3A_3277 : i32
        %sign3A_3279 = arith.extui %sign3A_3278 : i1 to i32
        %sign3A_3280 = arith.constant 0 : i32
        %sign3A_3281 = arith.cmpi slt, %jit3A_3268, %sign3A_3280 : i32
        %sign3A_3282 = arith.extui %sign3A_3281 : i1 to i32
        %sign3A_3283 = arith.subi %sign3A_3279, %sign3A_3282 : i32
        %ne3A_3284 = arith.cmpi ne, %sign3A_3276, %sign3A_3283 : i32
        %rem3A_3285 = arith.remsi %add3A_3267, %jit3A_3268 : i32
        %ne3A_3286 = arith.constant 0 : i32
        %ne3A_3287 = arith.cmpi ne, %rem3A_3285, %ne3A_3286 : i32
        %and3A_3288 = arith.andi %ne3A_3284, %ne3A_3287 : i1
        %sub3A_3289 = arith.constant 1 : i32
        %sub3A_3290 = arith.subi %div3A_3269, %sub3A_3289 : i32
        %select_n3A_3291 = arith.select %and3A_3288, %sub3A_3290, %div3A_3269 : i32
        %mul3A_3292 = arith.constant 8 : i32
        %mul3A_3293 = arith.muli %select_n3A_3291, %mul3A_3292 : i32
        %jit3A_3294 = arith.constant 8 : i32
        %eq3A_3295 = arith.constant 0 : i32
        %eq3A_3296 = arith.cmpi eq, %jit3A_3294, %eq3A_3295 : i32
        %jit3A_3297 = arith.constant 1 : i32
        %select_n3A_3298 = arith.select %eq3A_3296, %jit3A_3297, %jit3A_3294 : i32
        %rem3A_3299 = arith.remsi %add3A_3267, %select_n3A_3298 : i32
        %ne3A_3300 = arith.constant 0 : i32
        %ne3A_3301 = arith.cmpi ne, %rem3A_3299, %ne3A_3300 : i32
        %lt3A_3302 = arith.constant 0 : i32
        %lt3A_3303 = arith.cmpi slt, %rem3A_3299, %lt3A_3302 : i32
        %lt3A_3304 = arith.constant 0 : i32
        %lt3A_3305 = arith.cmpi slt, %select_n3A_3298, %lt3A_3304 : i32
        %ne3A_3306 = arith.xori %lt3A_3303, %lt3A_3305 : i1
        %and3A_3307 = arith.andi %ne3A_3306, %ne3A_3301 : i1
        %add3A_3308 = arith.addi %rem3A_3299, %select_n3A_3298 : i32
        %select_n3A_3309 = arith.select %and3A_3307, %add3A_3308, %rem3A_3299 : i32
        %add3A_3310 = arith.addi %mul3A_3293, %select_n3A_3309 : i32
        %jit3A_3311 = arith.constant 8 : i32
        %div3A_3312 = arith.divsi %add3A_3267, %jit3A_3311 : i32
        %sign3A_3313 = arith.constant 0 : i32
        %sign3A_3314 = arith.cmpi sgt, %add3A_3267, %sign3A_3313 : i32
        %sign3A_3315 = arith.extui %sign3A_3314 : i1 to i32
        %sign3A_3316 = arith.constant 0 : i32
        %sign3A_3317 = arith.cmpi slt, %add3A_3267, %sign3A_3316 : i32
        %sign3A_3318 = arith.extui %sign3A_3317 : i1 to i32
        %sign3A_3319 = arith.subi %sign3A_3315, %sign3A_3318 : i32
        %sign3A_3320 = arith.constant 0 : i32
        %sign3A_3321 = arith.cmpi sgt, %jit3A_3311, %sign3A_3320 : i32
        %sign3A_3322 = arith.extui %sign3A_3321 : i1 to i32
        %sign3A_3323 = arith.constant 0 : i32
        %sign3A_3324 = arith.cmpi slt, %jit3A_3311, %sign3A_3323 : i32
        %sign3A_3325 = arith.extui %sign3A_3324 : i1 to i32
        %sign3A_3326 = arith.subi %sign3A_3322, %sign3A_3325 : i32
        %ne3A_3327 = arith.cmpi ne, %sign3A_3319, %sign3A_3326 : i32
        %rem3A_3328 = arith.remsi %add3A_3267, %jit3A_3311 : i32
        %ne3A_3329 = arith.constant 0 : i32
        %ne3A_3330 = arith.cmpi ne, %rem3A_3328, %ne3A_3329 : i32
        %and3A_3331 = arith.andi %ne3A_3327, %ne3A_3330 : i1
        %sub3A_3332 = arith.constant 1 : i32
        %sub3A_3333 = arith.subi %div3A_3312, %sub3A_3332 : i32
        %select_n3A_3334 = arith.select %and3A_3331, %sub3A_3333, %div3A_3312 : i32
        %jit3A_3335 = arith.constant 32 : i32
        %eq3A_3336 = arith.constant 0 : i32
        %eq3A_3337 = arith.cmpi eq, %jit3A_3335, %eq3A_3336 : i32
        %jit3A_3338 = arith.constant 1 : i32
        %select_n3A_3339 = arith.select %eq3A_3337, %jit3A_3338, %jit3A_3335 : i32
        %rem3A_3340 = arith.remsi %select_n3A_3334, %select_n3A_3339 : i32
        %ne3A_3341 = arith.constant 0 : i32
        %ne3A_3342 = arith.cmpi ne, %rem3A_3340, %ne3A_3341 : i32
        %lt3A_3343 = arith.constant 0 : i32
        %lt3A_3344 = arith.cmpi slt, %rem3A_3340, %lt3A_3343 : i32
        %lt3A_3345 = arith.constant 0 : i32
        %lt3A_3346 = arith.cmpi slt, %select_n3A_3339, %lt3A_3345 : i32
        %ne3A_3347 = arith.xori %lt3A_3344, %lt3A_3346 : i1
        %and3A_3348 = arith.andi %ne3A_3347, %ne3A_3342 : i1
        %add3A_3349 = arith.addi %rem3A_3340, %select_n3A_3339 : i32
        %select_n3A_3350 = arith.select %and3A_3348, %add3A_3349, %rem3A_3340 : i32
        %dma_wait3A_3351 = arith.constant 0 : i32
        %dma_wait3A_3352 = arith.constant 0 : i32
        %dma_wait3A_3353 = arith.constant 0 : i32
        %dma_wait3A_3354 = tpu.memref_slice %arg8[%dma_wait3A_3352, %dma_wait3A_3353] : memref<64x128xf32, #tpu.memory_space<vmem>> -> memref<8x128xf32, #tpu.memory_space<vmem>>
        %dma_wait3A_3355 = arith.constant 0 : i32
        %dma_wait3A_3356 = arith.constant 0 : i32
        %dma_wait3A_3357 = tpu.memref_slice %arg4[%add3A_3310, %dma_wait3A_3351, %select_n3A_3350, %dma_wait3A_3355, %dma_wait3A_3356] : memref<200x8x32x8x128xf32, #tpu.memory_space<hbm>> -> memref<1x1x1x8x128xf32, #tpu.memory_space<hbm>>
        %dma_wait3A_3358 = tpu.memref_squeeze %dma_wait3A_3357 : memref<1x1x1x8x128xf32, #tpu.memory_space<hbm>> -> memref<8x128xf32, #tpu.memory_space<hbm>>
        %dma_wait3A_3359 = arith.constant 0 : i32
        %dma_wait3A_3360 = arith.constant 0 : i32
        %dma_wait3A_3361 = tpu.memref_slice %arg4[%add3A_3310, %dma_wait3A_3351, %select_n3A_3350, %dma_wait3A_3359, %dma_wait3A_3360] : memref<200x8x32x8x128xf32, #tpu.memory_space<hbm>> -> memref<1x1x1x8x128xf32, #tpu.memory_space<hbm>>
        %dma_wait3A_3362 = tpu.memref_squeeze %dma_wait3A_3361 : memref<1x1x1x8x128xf32, #tpu.memory_space<hbm>> -> memref<8x128xf32, #tpu.memory_space<hbm>>
        %dma_wait3A_3363 = arith.constant 0 : i32
        %dma_wait3A_3364 = arith.constant 0 : i32
        %dma_wait3A_3365 = tpu.memref_slice %arg8[%dma_wait3A_3363, %dma_wait3A_3364] : memref<64x128xf32, #tpu.memory_space<vmem>> -> memref<8x128xf32, #tpu.memory_space<vmem>>
        tpu.wait_dma2 semaphore(%arg12 : memref<!tpu.dma_semaphore, #tpu.memory_space<semaphore_mem>>) src(%dma_wait3A_3365 : memref<8x128xf32, #tpu.memory_space<vmem>>) dst(%dma_wait3A_3362 : memref<8x128xf32, #tpu.memory_space<hbm>>)
        %sub3A_3366 = arith.constant 2 : i32
        %sub3A_3367 = arith.subi %add3A_1631, %sub3A_3366 : i32
        %add3A_3368 = arith.addi %mul3A_2, %sub3A_3367 : i32
        %jit3A_3369 = arith.constant 256 : i32
        %div3A_3370 = arith.divsi %add3A_3368, %jit3A_3369 : i32
        %sign3A_3371 = arith.constant 0 : i32
        %sign3A_3372 = arith.cmpi sgt, %add3A_3368, %sign3A_3371 : i32
        %sign3A_3373 = arith.extui %sign3A_3372 : i1 to i32
        %sign3A_3374 = arith.constant 0 : i32
        %sign3A_3375 = arith.cmpi slt, %add3A_3368, %sign3A_3374 : i32
        %sign3A_3376 = arith.extui %sign3A_3375 : i1 to i32
        %sign3A_3377 = arith.subi %sign3A_3373, %sign3A_3376 : i32
        %sign3A_3378 = arith.constant 0 : i32
        %sign3A_3379 = arith.cmpi sgt, %jit3A_3369, %sign3A_3378 : i32
        %sign3A_3380 = arith.extui %sign3A_3379 : i1 to i32
        %sign3A_3381 = arith.constant 0 : i32
        %sign3A_3382 = arith.cmpi slt, %jit3A_3369, %sign3A_3381 : i32
        %sign3A_3383 = arith.extui %sign3A_3382 : i1 to i32
        %sign3A_3384 = arith.subi %sign3A_3380, %sign3A_3383 : i32
        %ne3A_3385 = arith.cmpi ne, %sign3A_3377, %sign3A_3384 : i32
        %rem3A_3386 = arith.remsi %add3A_3368, %jit3A_3369 : i32
        %ne3A_3387 = arith.constant 0 : i32
        %ne3A_3388 = arith.cmpi ne, %rem3A_3386, %ne3A_3387 : i32
        %and3A_3389 = arith.andi %ne3A_3385, %ne3A_3388 : i1
        %sub3A_3390 = arith.constant 1 : i32
        %sub3A_3391 = arith.subi %div3A_3370, %sub3A_3390 : i32
        %select_n3A_3392 = arith.select %and3A_3389, %sub3A_3391, %div3A_3370 : i32
        %mul3A_3393 = arith.constant 8 : i32
        %mul3A_3394 = arith.muli %select_n3A_3392, %mul3A_3393 : i32
        %jit3A_3395 = arith.constant 8 : i32
        %eq3A_3396 = arith.constant 0 : i32
        %eq3A_3397 = arith.cmpi eq, %jit3A_3395, %eq3A_3396 : i32
        %jit3A_3398 = arith.constant 1 : i32
        %select_n3A_3399 = arith.select %eq3A_3397, %jit3A_3398, %jit3A_3395 : i32
        %rem3A_3400 = arith.remsi %add3A_3368, %select_n3A_3399 : i32
        %ne3A_3401 = arith.constant 0 : i32
        %ne3A_3402 = arith.cmpi ne, %rem3A_3400, %ne3A_3401 : i32
        %lt3A_3403 = arith.constant 0 : i32
        %lt3A_3404 = arith.cmpi slt, %rem3A_3400, %lt3A_3403 : i32
        %lt3A_3405 = arith.constant 0 : i32
        %lt3A_3406 = arith.cmpi slt, %select_n3A_3399, %lt3A_3405 : i32
        %ne3A_3407 = arith.xori %lt3A_3404, %lt3A_3406 : i1
        %and3A_3408 = arith.andi %ne3A_3407, %ne3A_3402 : i1
        %add3A_3409 = arith.addi %rem3A_3400, %select_n3A_3399 : i32
        %select_n3A_3410 = arith.select %and3A_3408, %add3A_3409, %rem3A_3400 : i32
        %add3A_3411 = arith.addi %mul3A_3394, %select_n3A_3410 : i32
        %jit3A_3412 = arith.constant 8 : i32
        %div3A_3413 = arith.divsi %add3A_3368, %jit3A_3412 : i32
        %sign3A_3414 = arith.constant 0 : i32
        %sign3A_3415 = arith.cmpi sgt, %add3A_3368, %sign3A_3414 : i32
        %sign3A_3416 = arith.extui %sign3A_3415 : i1 to i32
        %sign3A_3417 = arith.constant 0 : i32
        %sign3A_3418 = arith.cmpi slt, %add3A_3368, %sign3A_3417 : i32
        %sign3A_3419 = arith.extui %sign3A_3418 : i1 to i32
        %sign3A_3420 = arith.subi %sign3A_3416, %sign3A_3419 : i32
        %sign3A_3421 = arith.constant 0 : i32
        %sign3A_3422 = arith.cmpi sgt, %jit3A_3412, %sign3A_3421 : i32
        %sign3A_3423 = arith.extui %sign3A_3422 : i1 to i32
        %sign3A_3424 = arith.constant 0 : i32
        %sign3A_3425 = arith.cmpi slt, %jit3A_3412, %sign3A_3424 : i32
        %sign3A_3426 = arith.extui %sign3A_3425 : i1 to i32
        %sign3A_3427 = arith.subi %sign3A_3423, %sign3A_3426 : i32
        %ne3A_3428 = arith.cmpi ne, %sign3A_3420, %sign3A_3427 : i32
        %rem3A_3429 = arith.remsi %add3A_3368, %jit3A_3412 : i32
        %ne3A_3430 = arith.constant 0 : i32
        %ne3A_3431 = arith.cmpi ne, %rem3A_3429, %ne3A_3430 : i32
        %and3A_3432 = arith.andi %ne3A_3428, %ne3A_3431 : i1
        %sub3A_3433 = arith.constant 1 : i32
        %sub3A_3434 = arith.subi %div3A_3413, %sub3A_3433 : i32
        %select_n3A_3435 = arith.select %and3A_3432, %sub3A_3434, %div3A_3413 : i32
        %jit3A_3436 = arith.constant 32 : i32
        %eq3A_3437 = arith.constant 0 : i32
        %eq3A_3438 = arith.cmpi eq, %jit3A_3436, %eq3A_3437 : i32
        %jit3A_3439 = arith.constant 1 : i32
        %select_n3A_3440 = arith.select %eq3A_3438, %jit3A_3439, %jit3A_3436 : i32
        %rem3A_3441 = arith.remsi %select_n3A_3435, %select_n3A_3440 : i32
        %ne3A_3442 = arith.constant 0 : i32
        %ne3A_3443 = arith.cmpi ne, %rem3A_3441, %ne3A_3442 : i32
        %lt3A_3444 = arith.constant 0 : i32
        %lt3A_3445 = arith.cmpi slt, %rem3A_3441, %lt3A_3444 : i32
        %lt3A_3446 = arith.constant 0 : i32
        %lt3A_3447 = arith.cmpi slt, %select_n3A_3440, %lt3A_3446 : i32
        %ne3A_3448 = arith.xori %lt3A_3445, %lt3A_3447 : i1
        %and3A_3449 = arith.andi %ne3A_3448, %ne3A_3443 : i1
        %add3A_3450 = arith.addi %rem3A_3441, %select_n3A_3440 : i32
        %select_n3A_3451 = arith.select %and3A_3449, %add3A_3450, %rem3A_3441 : i32
        %dma_wait3A_3452 = arith.constant 1 : i32
        %dma_wait3A_3453 = arith.constant 8 : i32
        %dma_wait3A_3454 = arith.constant 0 : i32
        %dma_wait3A_3455 = tpu.memref_slice %arg8[%dma_wait3A_3453, %dma_wait3A_3454] : memref<64x128xf32, #tpu.memory_space<vmem>> -> memref<8x128xf32, #tpu.memory_space<vmem>>
        %dma_wait3A_3456 = arith.constant 0 : i32
        %dma_wait3A_3457 = arith.constant 0 : i32
        %dma_wait3A_3458 = tpu.memref_slice %arg4[%add3A_3411, %dma_wait3A_3452, %select_n3A_3451, %dma_wait3A_3456, %dma_wait3A_3457] : memref<200x8x32x8x128xf32, #tpu.memory_space<hbm>> -> memref<1x1x1x8x128xf32, #tpu.memory_space<hbm>>
        %dma_wait3A_3459 = tpu.memref_squeeze %dma_wait3A_3458 : memref<1x1x1x8x128xf32, #tpu.memory_space<hbm>> -> memref<8x128xf32, #tpu.memory_space<hbm>>
        %dma_wait3A_3460 = arith.constant 0 : i32
        %dma_wait3A_3461 = arith.constant 0 : i32
        %dma_wait3A_3462 = tpu.memref_slice %arg4[%add3A_3411, %dma_wait3A_3452, %select_n3A_3451, %dma_wait3A_3460, %dma_wait3A_3461] : memref<200x8x32x8x128xf32, #tpu.memory_space<hbm>> -> memref<1x1x1x8x128xf32, #tpu.memory_space<hbm>>
        %dma_wait3A_3463 = tpu.memref_squeeze %dma_wait3A_3462 : memref<1x1x1x8x128xf32, #tpu.memory_space<hbm>> -> memref<8x128xf32, #tpu.memory_space<hbm>>
        %dma_wait3A_3464 = arith.constant 8 : i32
        %dma_wait3A_3465 = arith.constant 0 : i32
        %dma_wait3A_3466 = tpu.memref_slice %arg8[%dma_wait3A_3464, %dma_wait3A_3465] : memref<64x128xf32, #tpu.memory_space<vmem>> -> memref<8x128xf32, #tpu.memory_space<vmem>>
        tpu.wait_dma2 semaphore(%arg12 : memref<!tpu.dma_semaphore, #tpu.memory_space<semaphore_mem>>) src(%dma_wait3A_3466 : memref<8x128xf32, #tpu.memory_space<vmem>>) dst(%dma_wait3A_3463 : memref<8x128xf32, #tpu.memory_space<hbm>>)
        %sub3A_3467 = arith.constant 2 : i32
        %sub3A_3468 = arith.subi %add3A_1631, %sub3A_3467 : i32
        %add3A_3469 = arith.addi %mul3A_2, %sub3A_3468 : i32
        %jit3A_3470 = arith.constant 256 : i32
        %div3A_3471 = arith.divsi %add3A_3469, %jit3A_3470 : i32
        %sign3A_3472 = arith.constant 0 : i32
        %sign3A_3473 = arith.cmpi sgt, %add3A_3469, %sign3A_3472 : i32
        %sign3A_3474 = arith.extui %sign3A_3473 : i1 to i32
        %sign3A_3475 = arith.constant 0 : i32
        %sign3A_3476 = arith.cmpi slt, %add3A_3469, %sign3A_3475 : i32
        %sign3A_3477 = arith.extui %sign3A_3476 : i1 to i32
        %sign3A_3478 = arith.subi %sign3A_3474, %sign3A_3477 : i32
        %sign3A_3479 = arith.constant 0 : i32
        %sign3A_3480 = arith.cmpi sgt, %jit3A_3470, %sign3A_3479 : i32
        %sign3A_3481 = arith.extui %sign3A_3480 : i1 to i32
        %sign3A_3482 = arith.constant 0 : i32
        %sign3A_3483 = arith.cmpi slt, %jit3A_3470, %sign3A_3482 : i32
        %sign3A_3484 = arith.extui %sign3A_3483 : i1 to i32
        %sign3A_3485 = arith.subi %sign3A_3481, %sign3A_3484 : i32
        %ne3A_3486 = arith.cmpi ne, %sign3A_3478, %sign3A_3485 : i32
        %rem3A_3487 = arith.remsi %add3A_3469, %jit3A_3470 : i32
        %ne3A_3488 = arith.constant 0 : i32
        %ne3A_3489 = arith.cmpi ne, %rem3A_3487, %ne3A_3488 : i32
        %and3A_3490 = arith.andi %ne3A_3486, %ne3A_3489 : i1
        %sub3A_3491 = arith.constant 1 : i32
        %sub3A_3492 = arith.subi %div3A_3471, %sub3A_3491 : i32
        %select_n3A_3493 = arith.select %and3A_3490, %sub3A_3492, %div3A_3471 : i32
        %mul3A_3494 = arith.constant 8 : i32
        %mul3A_3495 = arith.muli %select_n3A_3493, %mul3A_3494 : i32
        %jit3A_3496 = arith.constant 8 : i32
        %eq3A_3497 = arith.constant 0 : i32
        %eq3A_3498 = arith.cmpi eq, %jit3A_3496, %eq3A_3497 : i32
        %jit3A_3499 = arith.constant 1 : i32
        %select_n3A_3500 = arith.select %eq3A_3498, %jit3A_3499, %jit3A_3496 : i32
        %rem3A_3501 = arith.remsi %add3A_3469, %select_n3A_3500 : i32
        %ne3A_3502 = arith.constant 0 : i32
        %ne3A_3503 = arith.cmpi ne, %rem3A_3501, %ne3A_3502 : i32
        %lt3A_3504 = arith.constant 0 : i32
        %lt3A_3505 = arith.cmpi slt, %rem3A_3501, %lt3A_3504 : i32
        %lt3A_3506 = arith.constant 0 : i32
        %lt3A_3507 = arith.cmpi slt, %select_n3A_3500, %lt3A_3506 : i32
        %ne3A_3508 = arith.xori %lt3A_3505, %lt3A_3507 : i1
        %and3A_3509 = arith.andi %ne3A_3508, %ne3A_3503 : i1
        %add3A_3510 = arith.addi %rem3A_3501, %select_n3A_3500 : i32
        %select_n3A_3511 = arith.select %and3A_3509, %add3A_3510, %rem3A_3501 : i32
        %add3A_3512 = arith.addi %mul3A_3495, %select_n3A_3511 : i32
        %jit3A_3513 = arith.constant 8 : i32
        %div3A_3514 = arith.divsi %add3A_3469, %jit3A_3513 : i32
        %sign3A_3515 = arith.constant 0 : i32
        %sign3A_3516 = arith.cmpi sgt, %add3A_3469, %sign3A_3515 : i32
        %sign3A_3517 = arith.extui %sign3A_3516 : i1 to i32
        %sign3A_3518 = arith.constant 0 : i32
        %sign3A_3519 = arith.cmpi slt, %add3A_3469, %sign3A_3518 : i32
        %sign3A_3520 = arith.extui %sign3A_3519 : i1 to i32
        %sign3A_3521 = arith.subi %sign3A_3517, %sign3A_3520 : i32
        %sign3A_3522 = arith.constant 0 : i32
        %sign3A_3523 = arith.cmpi sgt, %jit3A_3513, %sign3A_3522 : i32
        %sign3A_3524 = arith.extui %sign3A_3523 : i1 to i32
        %sign3A_3525 = arith.constant 0 : i32
        %sign3A_3526 = arith.cmpi slt, %jit3A_3513, %sign3A_3525 : i32
        %sign3A_3527 = arith.extui %sign3A_3526 : i1 to i32
        %sign3A_3528 = arith.subi %sign3A_3524, %sign3A_3527 : i32
        %ne3A_3529 = arith.cmpi ne, %sign3A_3521, %sign3A_3528 : i32
        %rem3A_3530 = arith.remsi %add3A_3469, %jit3A_3513 : i32
        %ne3A_3531 = arith.constant 0 : i32
        %ne3A_3532 = arith.cmpi ne, %rem3A_3530, %ne3A_3531 : i32
        %and3A_3533 = arith.andi %ne3A_3529, %ne3A_3532 : i1
        %sub3A_3534 = arith.constant 1 : i32
        %sub3A_3535 = arith.subi %div3A_3514, %sub3A_3534 : i32
        %select_n3A_3536 = arith.select %and3A_3533, %sub3A_3535, %div3A_3514 : i32
        %jit3A_3537 = arith.constant 32 : i32
        %eq3A_3538 = arith.constant 0 : i32
        %eq3A_3539 = arith.cmpi eq, %jit3A_3537, %eq3A_3538 : i32
        %jit3A_3540 = arith.constant 1 : i32
        %select_n3A_3541 = arith.select %eq3A_3539, %jit3A_3540, %jit3A_3537 : i32
        %rem3A_3542 = arith.remsi %select_n3A_3536, %select_n3A_3541 : i32
        %ne3A_3543 = arith.constant 0 : i32
        %ne3A_3544 = arith.cmpi ne, %rem3A_3542, %ne3A_3543 : i32
        %lt3A_3545 = arith.constant 0 : i32
        %lt3A_3546 = arith.cmpi slt, %rem3A_3542, %lt3A_3545 : i32
        %lt3A_3547 = arith.constant 0 : i32
        %lt3A_3548 = arith.cmpi slt, %select_n3A_3541, %lt3A_3547 : i32
        %ne3A_3549 = arith.xori %lt3A_3546, %lt3A_3548 : i1
        %and3A_3550 = arith.andi %ne3A_3549, %ne3A_3544 : i1
        %add3A_3551 = arith.addi %rem3A_3542, %select_n3A_3541 : i32
        %select_n3A_3552 = arith.select %and3A_3550, %add3A_3551, %rem3A_3542 : i32
        %dma_wait3A_3553 = arith.constant 2 : i32
        %dma_wait3A_3554 = arith.constant 16 : i32
        %dma_wait3A_3555 = arith.constant 0 : i32
        %dma_wait3A_3556 = tpu.memref_slice %arg8[%dma_wait3A_3554, %dma_wait3A_3555] : memref<64x128xf32, #tpu.memory_space<vmem>> -> memref<8x128xf32, #tpu.memory_space<vmem>>
        %dma_wait3A_3557 = arith.constant 0 : i32
        %dma_wait3A_3558 = arith.constant 0 : i32
        %dma_wait3A_3559 = tpu.memref_slice %arg4[%add3A_3512, %dma_wait3A_3553, %select_n3A_3552, %dma_wait3A_3557, %dma_wait3A_3558] : memref<200x8x32x8x128xf32, #tpu.memory_space<hbm>> -> memref<1x1x1x8x128xf32, #tpu.memory_space<hbm>>
        %dma_wait3A_3560 = tpu.memref_squeeze %dma_wait3A_3559 : memref<1x1x1x8x128xf32, #tpu.memory_space<hbm>> -> memref<8x128xf32, #tpu.memory_space<hbm>>
        %dma_wait3A_3561 = arith.constant 0 : i32
        %dma_wait3A_3562 = arith.constant 0 : i32
        %dma_wait3A_3563 = tpu.memref_slice %arg4[%add3A_3512, %dma_wait3A_3553, %select_n3A_3552, %dma_wait3A_3561, %dma_wait3A_3562] : memref<200x8x32x8x128xf32, #tpu.memory_space<hbm>> -> memref<1x1x1x8x128xf32, #tpu.memory_space<hbm>>
        %dma_wait3A_3564 = tpu.memref_squeeze %dma_wait3A_3563 : memref<1x1x1x8x128xf32, #tpu.memory_space<hbm>> -> memref<8x128xf32, #tpu.memory_space<hbm>>
        %dma_wait3A_3565 = arith.constant 16 : i32
        %dma_wait3A_3566 = arith.constant 0 : i32
        %dma_wait3A_3567 = tpu.memref_slice %arg8[%dma_wait3A_3565, %dma_wait3A_3566] : memref<64x128xf32, #tpu.memory_space<vmem>> -> memref<8x128xf32, #tpu.memory_space<vmem>>
        tpu.wait_dma2 semaphore(%arg12 : memref<!tpu.dma_semaphore, #tpu.memory_space<semaphore_mem>>) src(%dma_wait3A_3567 : memref<8x128xf32, #tpu.memory_space<vmem>>) dst(%dma_wait3A_3564 : memref<8x128xf32, #tpu.memory_space<hbm>>)
        %sub3A_3568 = arith.constant 2 : i32
        %sub3A_3569 = arith.subi %add3A_1631, %sub3A_3568 : i32
        %add3A_3570 = arith.addi %mul3A_2, %sub3A_3569 : i32
        %jit3A_3571 = arith.constant 256 : i32
        %div3A_3572 = arith.divsi %add3A_3570, %jit3A_3571 : i32
        %sign3A_3573 = arith.constant 0 : i32
        %sign3A_3574 = arith.cmpi sgt, %add3A_3570, %sign3A_3573 : i32
        %sign3A_3575 = arith.extui %sign3A_3574 : i1 to i32
        %sign3A_3576 = arith.constant 0 : i32
        %sign3A_3577 = arith.cmpi slt, %add3A_3570, %sign3A_3576 : i32
        %sign3A_3578 = arith.extui %sign3A_3577 : i1 to i32
        %sign3A_3579 = arith.subi %sign3A_3575, %sign3A_3578 : i32
        %sign3A_3580 = arith.constant 0 : i32
        %sign3A_3581 = arith.cmpi sgt, %jit3A_3571, %sign3A_3580 : i32
        %sign3A_3582 = arith.extui %sign3A_3581 : i1 to i32
        %sign3A_3583 = arith.constant 0 : i32
        %sign3A_3584 = arith.cmpi slt, %jit3A_3571, %sign3A_3583 : i32
        %sign3A_3585 = arith.extui %sign3A_3584 : i1 to i32
        %sign3A_3586 = arith.subi %sign3A_3582, %sign3A_3585 : i32
        %ne3A_3587 = arith.cmpi ne, %sign3A_3579, %sign3A_3586 : i32
        %rem3A_3588 = arith.remsi %add3A_3570, %jit3A_3571 : i32
        %ne3A_3589 = arith.constant 0 : i32
        %ne3A_3590 = arith.cmpi ne, %rem3A_3588, %ne3A_3589 : i32
        %and3A_3591 = arith.andi %ne3A_3587, %ne3A_3590 : i1
        %sub3A_3592 = arith.constant 1 : i32
        %sub3A_3593 = arith.subi %div3A_3572, %sub3A_3592 : i32
        %select_n3A_3594 = arith.select %and3A_3591, %sub3A_3593, %div3A_3572 : i32
        %mul3A_3595 = arith.constant 8 : i32
        %mul3A_3596 = arith.muli %select_n3A_3594, %mul3A_3595 : i32
        %jit3A_3597 = arith.constant 8 : i32
        %eq3A_3598 = arith.constant 0 : i32
        %eq3A_3599 = arith.cmpi eq, %jit3A_3597, %eq3A_3598 : i32
        %jit3A_3600 = arith.constant 1 : i32
        %select_n3A_3601 = arith.select %eq3A_3599, %jit3A_3600, %jit3A_3597 : i32
        %rem3A_3602 = arith.remsi %add3A_3570, %select_n3A_3601 : i32
        %ne3A_3603 = arith.constant 0 : i32
        %ne3A_3604 = arith.cmpi ne, %rem3A_3602, %ne3A_3603 : i32
        %lt3A_3605 = arith.constant 0 : i32
        %lt3A_3606 = arith.cmpi slt, %rem3A_3602, %lt3A_3605 : i32
        %lt3A_3607 = arith.constant 0 : i32
        %lt3A_3608 = arith.cmpi slt, %select_n3A_3601, %lt3A_3607 : i32
        %ne3A_3609 = arith.xori %lt3A_3606, %lt3A_3608 : i1
        %and3A_3610 = arith.andi %ne3A_3609, %ne3A_3604 : i1
        %add3A_3611 = arith.addi %rem3A_3602, %select_n3A_3601 : i32
        %select_n3A_3612 = arith.select %and3A_3610, %add3A_3611, %rem3A_3602 : i32
        %add3A_3613 = arith.addi %mul3A_3596, %select_n3A_3612 : i32
        %jit3A_3614 = arith.constant 8 : i32
        %div3A_3615 = arith.divsi %add3A_3570, %jit3A_3614 : i32
        %sign3A_3616 = arith.constant 0 : i32
        %sign3A_3617 = arith.cmpi sgt, %add3A_3570, %sign3A_3616 : i32
        %sign3A_3618 = arith.extui %sign3A_3617 : i1 to i32
        %sign3A_3619 = arith.constant 0 : i32
        %sign3A_3620 = arith.cmpi slt, %add3A_3570, %sign3A_3619 : i32
        %sign3A_3621 = arith.extui %sign3A_3620 : i1 to i32
        %sign3A_3622 = arith.subi %sign3A_3618, %sign3A_3621 : i32
        %sign3A_3623 = arith.constant 0 : i32
        %sign3A_3624 = arith.cmpi sgt, %jit3A_3614, %sign3A_3623 : i32
        %sign3A_3625 = arith.extui %sign3A_3624 : i1 to i32
        %sign3A_3626 = arith.constant 0 : i32
        %sign3A_3627 = arith.cmpi slt, %jit3A_3614, %sign3A_3626 : i32
        %sign3A_3628 = arith.extui %sign3A_3627 : i1 to i32
        %sign3A_3629 = arith.subi %sign3A_3625, %sign3A_3628 : i32
        %ne3A_3630 = arith.cmpi ne, %sign3A_3622, %sign3A_3629 : i32
        %rem3A_3631 = arith.remsi %add3A_3570, %jit3A_3614 : i32
        %ne3A_3632 = arith.constant 0 : i32
        %ne3A_3633 = arith.cmpi ne, %rem3A_3631, %ne3A_3632 : i32
        %and3A_3634 = arith.andi %ne3A_3630, %ne3A_3633 : i1
        %sub3A_3635 = arith.constant 1 : i32
        %sub3A_3636 = arith.subi %div3A_3615, %sub3A_3635 : i32
        %select_n3A_3637 = arith.select %and3A_3634, %sub3A_3636, %div3A_3615 : i32
        %jit3A_3638 = arith.constant 32 : i32
        %eq3A_3639 = arith.constant 0 : i32
        %eq3A_3640 = arith.cmpi eq, %jit3A_3638, %eq3A_3639 : i32
        %jit3A_3641 = arith.constant 1 : i32
        %select_n3A_3642 = arith.select %eq3A_3640, %jit3A_3641, %jit3A_3638 : i32
        %rem3A_3643 = arith.remsi %select_n3A_3637, %select_n3A_3642 : i32
        %ne3A_3644 = arith.constant 0 : i32
        %ne3A_3645 = arith.cmpi ne, %rem3A_3643, %ne3A_3644 : i32
        %lt3A_3646 = arith.constant 0 : i32
        %lt3A_3647 = arith.cmpi slt, %rem3A_3643, %lt3A_3646 : i32
        %lt3A_3648 = arith.constant 0 : i32
        %lt3A_3649 = arith.cmpi slt, %select_n3A_3642, %lt3A_3648 : i32
        %ne3A_3650 = arith.xori %lt3A_3647, %lt3A_3649 : i1
        %and3A_3651 = arith.andi %ne3A_3650, %ne3A_3645 : i1
        %add3A_3652 = arith.addi %rem3A_3643, %select_n3A_3642 : i32
        %select_n3A_3653 = arith.select %and3A_3651, %add3A_3652, %rem3A_3643 : i32
        %dma_wait3A_3654 = arith.constant 3 : i32
        %dma_wait3A_3655 = arith.constant 24 : i32
        %dma_wait3A_3656 = arith.constant 0 : i32
        %dma_wait3A_3657 = tpu.memref_slice %arg8[%dma_wait3A_3655, %dma_wait3A_3656] : memref<64x128xf32, #tpu.memory_space<vmem>> -> memref<8x128xf32, #tpu.memory_space<vmem>>
        %dma_wait3A_3658 = arith.constant 0 : i32
        %dma_wait3A_3659 = arith.constant 0 : i32
        %dma_wait3A_3660 = tpu.memref_slice %arg4[%add3A_3613, %dma_wait3A_3654, %select_n3A_3653, %dma_wait3A_3658, %dma_wait3A_3659] : memref<200x8x32x8x128xf32, #tpu.memory_space<hbm>> -> memref<1x1x1x8x128xf32, #tpu.memory_space<hbm>>
        %dma_wait3A_3661 = tpu.memref_squeeze %dma_wait3A_3660 : memref<1x1x1x8x128xf32, #tpu.memory_space<hbm>> -> memref<8x128xf32, #tpu.memory_space<hbm>>
        %dma_wait3A_3662 = arith.constant 0 : i32
        %dma_wait3A_3663 = arith.constant 0 : i32
        %dma_wait3A_3664 = tpu.memref_slice %arg4[%add3A_3613, %dma_wait3A_3654, %select_n3A_3653, %dma_wait3A_3662, %dma_wait3A_3663] : memref<200x8x32x8x128xf32, #tpu.memory_space<hbm>> -> memref<1x1x1x8x128xf32, #tpu.memory_space<hbm>>
        %dma_wait3A_3665 = tpu.memref_squeeze %dma_wait3A_3664 : memref<1x1x1x8x128xf32, #tpu.memory_space<hbm>> -> memref<8x128xf32, #tpu.memory_space<hbm>>
        %dma_wait3A_3666 = arith.constant 24 : i32
        %dma_wait3A_3667 = arith.constant 0 : i32
        %dma_wait3A_3668 = tpu.memref_slice %arg8[%dma_wait3A_3666, %dma_wait3A_3667] : memref<64x128xf32, #tpu.memory_space<vmem>> -> memref<8x128xf32, #tpu.memory_space<vmem>>
        tpu.wait_dma2 semaphore(%arg12 : memref<!tpu.dma_semaphore, #tpu.memory_space<semaphore_mem>>) src(%dma_wait3A_3668 : memref<8x128xf32, #tpu.memory_space<vmem>>) dst(%dma_wait3A_3665 : memref<8x128xf32, #tpu.memory_space<hbm>>)
        %sub3A_3669 = arith.constant 2 : i32
        %sub3A_3670 = arith.subi %add3A_1631, %sub3A_3669 : i32
        %add3A_3671 = arith.addi %mul3A_2, %sub3A_3670 : i32
        %jit3A_3672 = arith.constant 256 : i32
        %div3A_3673 = arith.divsi %add3A_3671, %jit3A_3672 : i32
        %sign3A_3674 = arith.constant 0 : i32
        %sign3A_3675 = arith.cmpi sgt, %add3A_3671, %sign3A_3674 : i32
        %sign3A_3676 = arith.extui %sign3A_3675 : i1 to i32
        %sign3A_3677 = arith.constant 0 : i32
        %sign3A_3678 = arith.cmpi slt, %add3A_3671, %sign3A_3677 : i32
        %sign3A_3679 = arith.extui %sign3A_3678 : i1 to i32
        %sign3A_3680 = arith.subi %sign3A_3676, %sign3A_3679 : i32
        %sign3A_3681 = arith.constant 0 : i32
        %sign3A_3682 = arith.cmpi sgt, %jit3A_3672, %sign3A_3681 : i32
        %sign3A_3683 = arith.extui %sign3A_3682 : i1 to i32
        %sign3A_3684 = arith.constant 0 : i32
        %sign3A_3685 = arith.cmpi slt, %jit3A_3672, %sign3A_3684 : i32
        %sign3A_3686 = arith.extui %sign3A_3685 : i1 to i32
        %sign3A_3687 = arith.subi %sign3A_3683, %sign3A_3686 : i32
        %ne3A_3688 = arith.cmpi ne, %sign3A_3680, %sign3A_3687 : i32
        %rem3A_3689 = arith.remsi %add3A_3671, %jit3A_3672 : i32
        %ne3A_3690 = arith.constant 0 : i32
        %ne3A_3691 = arith.cmpi ne, %rem3A_3689, %ne3A_3690 : i32
        %and3A_3692 = arith.andi %ne3A_3688, %ne3A_3691 : i1
        %sub3A_3693 = arith.constant 1 : i32
        %sub3A_3694 = arith.subi %div3A_3673, %sub3A_3693 : i32
        %select_n3A_3695 = arith.select %and3A_3692, %sub3A_3694, %div3A_3673 : i32
        %mul3A_3696 = arith.constant 8 : i32
        %mul3A_3697 = arith.muli %select_n3A_3695, %mul3A_3696 : i32
        %jit3A_3698 = arith.constant 8 : i32
        %eq3A_3699 = arith.constant 0 : i32
        %eq3A_3700 = arith.cmpi eq, %jit3A_3698, %eq3A_3699 : i32
        %jit3A_3701 = arith.constant 1 : i32
        %select_n3A_3702 = arith.select %eq3A_3700, %jit3A_3701, %jit3A_3698 : i32
        %rem3A_3703 = arith.remsi %add3A_3671, %select_n3A_3702 : i32
        %ne3A_3704 = arith.constant 0 : i32
        %ne3A_3705 = arith.cmpi ne, %rem3A_3703, %ne3A_3704 : i32
        %lt3A_3706 = arith.constant 0 : i32
        %lt3A_3707 = arith.cmpi slt, %rem3A_3703, %lt3A_3706 : i32
        %lt3A_3708 = arith.constant 0 : i32
        %lt3A_3709 = arith.cmpi slt, %select_n3A_3702, %lt3A_3708 : i32
        %ne3A_3710 = arith.xori %lt3A_3707, %lt3A_3709 : i1
        %and3A_3711 = arith.andi %ne3A_3710, %ne3A_3705 : i1
        %add3A_3712 = arith.addi %rem3A_3703, %select_n3A_3702 : i32
        %select_n3A_3713 = arith.select %and3A_3711, %add3A_3712, %rem3A_3703 : i32
        %add3A_3714 = arith.addi %mul3A_3697, %select_n3A_3713 : i32
        %jit3A_3715 = arith.constant 8 : i32
        %div3A_3716 = arith.divsi %add3A_3671, %jit3A_3715 : i32
        %sign3A_3717 = arith.constant 0 : i32
        %sign3A_3718 = arith.cmpi sgt, %add3A_3671, %sign3A_3717 : i32
        %sign3A_3719 = arith.extui %sign3A_3718 : i1 to i32
        %sign3A_3720 = arith.constant 0 : i32
        %sign3A_3721 = arith.cmpi slt, %add3A_3671, %sign3A_3720 : i32
        %sign3A_3722 = arith.extui %sign3A_3721 : i1 to i32
        %sign3A_3723 = arith.subi %sign3A_3719, %sign3A_3722 : i32
        %sign3A_3724 = arith.constant 0 : i32
        %sign3A_3725 = arith.cmpi sgt, %jit3A_3715, %sign3A_3724 : i32
        %sign3A_3726 = arith.extui %sign3A_3725 : i1 to i32
        %sign3A_3727 = arith.constant 0 : i32
        %sign3A_3728 = arith.cmpi slt, %jit3A_3715, %sign3A_3727 : i32
        %sign3A_3729 = arith.extui %sign3A_3728 : i1 to i32
        %sign3A_3730 = arith.subi %sign3A_3726, %sign3A_3729 : i32
        %ne3A_3731 = arith.cmpi ne, %sign3A_3723, %sign3A_3730 : i32
        %rem3A_3732 = arith.remsi %add3A_3671, %jit3A_3715 : i32
        %ne3A_3733 = arith.constant 0 : i32
        %ne3A_3734 = arith.cmpi ne, %rem3A_3732, %ne3A_3733 : i32
        %and3A_3735 = arith.andi %ne3A_3731, %ne3A_3734 : i1
        %sub3A_3736 = arith.constant 1 : i32
        %sub3A_3737 = arith.subi %div3A_3716, %sub3A_3736 : i32
        %select_n3A_3738 = arith.select %and3A_3735, %sub3A_3737, %div3A_3716 : i32
        %jit3A_3739 = arith.constant 32 : i32
        %eq3A_3740 = arith.constant 0 : i32
        %eq3A_3741 = arith.cmpi eq, %jit3A_3739, %eq3A_3740 : i32
        %jit3A_3742 = arith.constant 1 : i32
        %select_n3A_3743 = arith.select %eq3A_3741, %jit3A_3742, %jit3A_3739 : i32
        %rem3A_3744 = arith.remsi %select_n3A_3738, %select_n3A_3743 : i32
        %ne3A_3745 = arith.constant 0 : i32
        %ne3A_3746 = arith.cmpi ne, %rem3A_3744, %ne3A_3745 : i32
        %lt3A_3747 = arith.constant 0 : i32
        %lt3A_3748 = arith.cmpi slt, %rem3A_3744, %lt3A_3747 : i32
        %lt3A_3749 = arith.constant 0 : i32
        %lt3A_3750 = arith.cmpi slt, %select_n3A_3743, %lt3A_3749 : i32
        %ne3A_3751 = arith.xori %lt3A_3748, %lt3A_3750 : i1
        %and3A_3752 = arith.andi %ne3A_3751, %ne3A_3746 : i1
        %add3A_3753 = arith.addi %rem3A_3744, %select_n3A_3743 : i32
        %select_n3A_3754 = arith.select %and3A_3752, %add3A_3753, %rem3A_3744 : i32
        %dma_wait3A_3755 = arith.constant 4 : i32
        %dma_wait3A_3756 = arith.constant 32 : i32
        %dma_wait3A_3757 = arith.constant 0 : i32
        %dma_wait3A_3758 = tpu.memref_slice %arg8[%dma_wait3A_3756, %dma_wait3A_3757] : memref<64x128xf32, #tpu.memory_space<vmem>> -> memref<8x128xf32, #tpu.memory_space<vmem>>
        %dma_wait3A_3759 = arith.constant 0 : i32
        %dma_wait3A_3760 = arith.constant 0 : i32
        %dma_wait3A_3761 = tpu.memref_slice %arg4[%add3A_3714, %dma_wait3A_3755, %select_n3A_3754, %dma_wait3A_3759, %dma_wait3A_3760] : memref<200x8x32x8x128xf32, #tpu.memory_space<hbm>> -> memref<1x1x1x8x128xf32, #tpu.memory_space<hbm>>
        %dma_wait3A_3762 = tpu.memref_squeeze %dma_wait3A_3761 : memref<1x1x1x8x128xf32, #tpu.memory_space<hbm>> -> memref<8x128xf32, #tpu.memory_space<hbm>>
        %dma_wait3A_3763 = arith.constant 0 : i32
        %dma_wait3A_3764 = arith.constant 0 : i32
        %dma_wait3A_3765 = tpu.memref_slice %arg4[%add3A_3714, %dma_wait3A_3755, %select_n3A_3754, %dma_wait3A_3763, %dma_wait3A_3764] : memref<200x8x32x8x128xf32, #tpu.memory_space<hbm>> -> memref<1x1x1x8x128xf32, #tpu.memory_space<hbm>>
        %dma_wait3A_3766 = tpu.memref_squeeze %dma_wait3A_3765 : memref<1x1x1x8x128xf32, #tpu.memory_space<hbm>> -> memref<8x128xf32, #tpu.memory_space<hbm>>
        %dma_wait3A_3767 = arith.constant 32 : i32
        %dma_wait3A_3768 = arith.constant 0 : i32
        %dma_wait3A_3769 = tpu.memref_slice %arg8[%dma_wait3A_3767, %dma_wait3A_3768] : memref<64x128xf32, #tpu.memory_space<vmem>> -> memref<8x128xf32, #tpu.memory_space<vmem>>
        tpu.wait_dma2 semaphore(%arg12 : memref<!tpu.dma_semaphore, #tpu.memory_space<semaphore_mem>>) src(%dma_wait3A_3769 : memref<8x128xf32, #tpu.memory_space<vmem>>) dst(%dma_wait3A_3766 : memref<8x128xf32, #tpu.memory_space<hbm>>)
        %sub3A_3770 = arith.constant 2 : i32
        %sub3A_3771 = arith.subi %add3A_1631, %sub3A_3770 : i32
        %add3A_3772 = arith.addi %mul3A_2, %sub3A_3771 : i32
        %jit3A_3773 = arith.constant 256 : i32
        %div3A_3774 = arith.divsi %add3A_3772, %jit3A_3773 : i32
        %sign3A_3775 = arith.constant 0 : i32
        %sign3A_3776 = arith.cmpi sgt, %add3A_3772, %sign3A_3775 : i32
        %sign3A_3777 = arith.extui %sign3A_3776 : i1 to i32
        %sign3A_3778 = arith.constant 0 : i32
        %sign3A_3779 = arith.cmpi slt, %add3A_3772, %sign3A_3778 : i32
        %sign3A_3780 = arith.extui %sign3A_3779 : i1 to i32
        %sign3A_3781 = arith.subi %sign3A_3777, %sign3A_3780 : i32
        %sign3A_3782 = arith.constant 0 : i32
        %sign3A_3783 = arith.cmpi sgt, %jit3A_3773, %sign3A_3782 : i32
        %sign3A_3784 = arith.extui %sign3A_3783 : i1 to i32
        %sign3A_3785 = arith.constant 0 : i32
        %sign3A_3786 = arith.cmpi slt, %jit3A_3773, %sign3A_3785 : i32
        %sign3A_3787 = arith.extui %sign3A_3786 : i1 to i32
        %sign3A_3788 = arith.subi %sign3A_3784, %sign3A_3787 : i32
        %ne3A_3789 = arith.cmpi ne, %sign3A_3781, %sign3A_3788 : i32
        %rem3A_3790 = arith.remsi %add3A_3772, %jit3A_3773 : i32
        %ne3A_3791 = arith.constant 0 : i32
        %ne3A_3792 = arith.cmpi ne, %rem3A_3790, %ne3A_3791 : i32
        %and3A_3793 = arith.andi %ne3A_3789, %ne3A_3792 : i1
        %sub3A_3794 = arith.constant 1 : i32
        %sub3A_3795 = arith.subi %div3A_3774, %sub3A_3794 : i32
        %select_n3A_3796 = arith.select %and3A_3793, %sub3A_3795, %div3A_3774 : i32
        %mul3A_3797 = arith.constant 8 : i32
        %mul3A_3798 = arith.muli %select_n3A_3796, %mul3A_3797 : i32
        %jit3A_3799 = arith.constant 8 : i32
        %eq3A_3800 = arith.constant 0 : i32
        %eq3A_3801 = arith.cmpi eq, %jit3A_3799, %eq3A_3800 : i32
        %jit3A_3802 = arith.constant 1 : i32
        %select_n3A_3803 = arith.select %eq3A_3801, %jit3A_3802, %jit3A_3799 : i32
        %rem3A_3804 = arith.remsi %add3A_3772, %select_n3A_3803 : i32
        %ne3A_3805 = arith.constant 0 : i32
        %ne3A_3806 = arith.cmpi ne, %rem3A_3804, %ne3A_3805 : i32
        %lt3A_3807 = arith.constant 0 : i32
        %lt3A_3808 = arith.cmpi slt, %rem3A_3804, %lt3A_3807 : i32
        %lt3A_3809 = arith.constant 0 : i32
        %lt3A_3810 = arith.cmpi slt, %select_n3A_3803, %lt3A_3809 : i32
        %ne3A_3811 = arith.xori %lt3A_3808, %lt3A_3810 : i1
        %and3A_3812 = arith.andi %ne3A_3811, %ne3A_3806 : i1
        %add3A_3813 = arith.addi %rem3A_3804, %select_n3A_3803 : i32
        %select_n3A_3814 = arith.select %and3A_3812, %add3A_3813, %rem3A_3804 : i32
        %add3A_3815 = arith.addi %mul3A_3798, %select_n3A_3814 : i32
        %jit3A_3816 = arith.constant 8 : i32
        %div3A_3817 = arith.divsi %add3A_3772, %jit3A_3816 : i32
        %sign3A_3818 = arith.constant 0 : i32
        %sign3A_3819 = arith.cmpi sgt, %add3A_3772, %sign3A_3818 : i32
        %sign3A_3820 = arith.extui %sign3A_3819 : i1 to i32
        %sign3A_3821 = arith.constant 0 : i32
        %sign3A_3822 = arith.cmpi slt, %add3A_3772, %sign3A_3821 : i32
        %sign3A_3823 = arith.extui %sign3A_3822 : i1 to i32
        %sign3A_3824 = arith.subi %sign3A_3820, %sign3A_3823 : i32
        %sign3A_3825 = arith.constant 0 : i32
        %sign3A_3826 = arith.cmpi sgt, %jit3A_3816, %sign3A_3825 : i32
        %sign3A_3827 = arith.extui %sign3A_3826 : i1 to i32
        %sign3A_3828 = arith.constant 0 : i32
        %sign3A_3829 = arith.cmpi slt, %jit3A_3816, %sign3A_3828 : i32
        %sign3A_3830 = arith.extui %sign3A_3829 : i1 to i32
        %sign3A_3831 = arith.subi %sign3A_3827, %sign3A_3830 : i32
        %ne3A_3832 = arith.cmpi ne, %sign3A_3824, %sign3A_3831 : i32
        %rem3A_3833 = arith.remsi %add3A_3772, %jit3A_3816 : i32
        %ne3A_3834 = arith.constant 0 : i32
        %ne3A_3835 = arith.cmpi ne, %rem3A_3833, %ne3A_3834 : i32
        %and3A_3836 = arith.andi %ne3A_3832, %ne3A_3835 : i1
        %sub3A_3837 = arith.constant 1 : i32
        %sub3A_3838 = arith.subi %div3A_3817, %sub3A_3837 : i32
        %select_n3A_3839 = arith.select %and3A_3836, %sub3A_3838, %div3A_3817 : i32
        %jit3A_3840 = arith.constant 32 : i32
        %eq3A_3841 = arith.constant 0 : i32
        %eq3A_3842 = arith.cmpi eq, %jit3A_3840, %eq3A_3841 : i32
        %jit3A_3843 = arith.constant 1 : i32
        %select_n3A_3844 = arith.select %eq3A_3842, %jit3A_3843, %jit3A_3840 : i32
        %rem3A_3845 = arith.remsi %select_n3A_3839, %select_n3A_3844 : i32
        %ne3A_3846 = arith.constant 0 : i32
        %ne3A_3847 = arith.cmpi ne, %rem3A_3845, %ne3A_3846 : i32
        %lt3A_3848 = arith.constant 0 : i32
        %lt3A_3849 = arith.cmpi slt, %rem3A_3845, %lt3A_3848 : i32
        %lt3A_3850 = arith.constant 0 : i32
        %lt3A_3851 = arith.cmpi slt, %select_n3A_3844, %lt3A_3850 : i32
        %ne3A_3852 = arith.xori %lt3A_3849, %lt3A_3851 : i1
        %and3A_3853 = arith.andi %ne3A_3852, %ne3A_3847 : i1
        %add3A_3854 = arith.addi %rem3A_3845, %select_n3A_3844 : i32
        %select_n3A_3855 = arith.select %and3A_3853, %add3A_3854, %rem3A_3845 : i32
        %dma_wait3A_3856 = arith.constant 5 : i32
        %dma_wait3A_3857 = arith.constant 40 : i32
        %dma_wait3A_3858 = arith.constant 0 : i32
        %dma_wait3A_3859 = tpu.memref_slice %arg8[%dma_wait3A_3857, %dma_wait3A_3858] : memref<64x128xf32, #tpu.memory_space<vmem>> -> memref<8x128xf32, #tpu.memory_space<vmem>>
        %dma_wait3A_3860 = arith.constant 0 : i32
        %dma_wait3A_3861 = arith.constant 0 : i32
        %dma_wait3A_3862 = tpu.memref_slice %arg4[%add3A_3815, %dma_wait3A_3856, %select_n3A_3855, %dma_wait3A_3860, %dma_wait3A_3861] : memref<200x8x32x8x128xf32, #tpu.memory_space<hbm>> -> memref<1x1x1x8x128xf32, #tpu.memory_space<hbm>>
        %dma_wait3A_3863 = tpu.memref_squeeze %dma_wait3A_3862 : memref<1x1x1x8x128xf32, #tpu.memory_space<hbm>> -> memref<8x128xf32, #tpu.memory_space<hbm>>
        %dma_wait3A_3864 = arith.constant 0 : i32
        %dma_wait3A_3865 = arith.constant 0 : i32
        %dma_wait3A_3866 = tpu.memref_slice %arg4[%add3A_3815, %dma_wait3A_3856, %select_n3A_3855, %dma_wait3A_3864, %dma_wait3A_3865] : memref<200x8x32x8x128xf32, #tpu.memory_space<hbm>> -> memref<1x1x1x8x128xf32, #tpu.memory_space<hbm>>
        %dma_wait3A_3867 = tpu.memref_squeeze %dma_wait3A_3866 : memref<1x1x1x8x128xf32, #tpu.memory_space<hbm>> -> memref<8x128xf32, #tpu.memory_space<hbm>>
        %dma_wait3A_3868 = arith.constant 40 : i32
        %dma_wait3A_3869 = arith.constant 0 : i32
        %dma_wait3A_3870 = tpu.memref_slice %arg8[%dma_wait3A_3868, %dma_wait3A_3869] : memref<64x128xf32, #tpu.memory_space<vmem>> -> memref<8x128xf32, #tpu.memory_space<vmem>>
        tpu.wait_dma2 semaphore(%arg12 : memref<!tpu.dma_semaphore, #tpu.memory_space<semaphore_mem>>) src(%dma_wait3A_3870 : memref<8x128xf32, #tpu.memory_space<vmem>>) dst(%dma_wait3A_3867 : memref<8x128xf32, #tpu.memory_space<hbm>>)
        %sub3A_3871 = arith.constant 2 : i32
        %sub3A_3872 = arith.subi %add3A_1631, %sub3A_3871 : i32
        %add3A_3873 = arith.addi %mul3A_2, %sub3A_3872 : i32
        %jit3A_3874 = arith.constant 256 : i32
        %div3A_3875 = arith.divsi %add3A_3873, %jit3A_3874 : i32
        %sign3A_3876 = arith.constant 0 : i32
        %sign3A_3877 = arith.cmpi sgt, %add3A_3873, %sign3A_3876 : i32
        %sign3A_3878 = arith.extui %sign3A_3877 : i1 to i32
        %sign3A_3879 = arith.constant 0 : i32
        %sign3A_3880 = arith.cmpi slt, %add3A_3873, %sign3A_3879 : i32
        %sign3A_3881 = arith.extui %sign3A_3880 : i1 to i32
        %sign3A_3882 = arith.subi %sign3A_3878, %sign3A_3881 : i32
        %sign3A_3883 = arith.constant 0 : i32
        %sign3A_3884 = arith.cmpi sgt, %jit3A_3874, %sign3A_3883 : i32
        %sign3A_3885 = arith.extui %sign3A_3884 : i1 to i32
        %sign3A_3886 = arith.constant 0 : i32
        %sign3A_3887 = arith.cmpi slt, %jit3A_3874, %sign3A_3886 : i32
        %sign3A_3888 = arith.extui %sign3A_3887 : i1 to i32
        %sign3A_3889 = arith.subi %sign3A_3885, %sign3A_3888 : i32
        %ne3A_3890 = arith.cmpi ne, %sign3A_3882, %sign3A_3889 : i32
        %rem3A_3891 = arith.remsi %add3A_3873, %jit3A_3874 : i32
        %ne3A_3892 = arith.constant 0 : i32
        %ne3A_3893 = arith.cmpi ne, %rem3A_3891, %ne3A_3892 : i32
        %and3A_3894 = arith.andi %ne3A_3890, %ne3A_3893 : i1
        %sub3A_3895 = arith.constant 1 : i32
        %sub3A_3896 = arith.subi %div3A_3875, %sub3A_3895 : i32
        %select_n3A_3897 = arith.select %and3A_3894, %sub3A_3896, %div3A_3875 : i32
        %mul3A_3898 = arith.constant 8 : i32
        %mul3A_3899 = arith.muli %select_n3A_3897, %mul3A_3898 : i32
        %jit3A_3900 = arith.constant 8 : i32
        %eq3A_3901 = arith.constant 0 : i32
        %eq3A_3902 = arith.cmpi eq, %jit3A_3900, %eq3A_3901 : i32
        %jit3A_3903 = arith.constant 1 : i32
        %select_n3A_3904 = arith.select %eq3A_3902, %jit3A_3903, %jit3A_3900 : i32
        %rem3A_3905 = arith.remsi %add3A_3873, %select_n3A_3904 : i32
        %ne3A_3906 = arith.constant 0 : i32
        %ne3A_3907 = arith.cmpi ne, %rem3A_3905, %ne3A_3906 : i32
        %lt3A_3908 = arith.constant 0 : i32
        %lt3A_3909 = arith.cmpi slt, %rem3A_3905, %lt3A_3908 : i32
        %lt3A_3910 = arith.constant 0 : i32
        %lt3A_3911 = arith.cmpi slt, %select_n3A_3904, %lt3A_3910 : i32
        %ne3A_3912 = arith.xori %lt3A_3909, %lt3A_3911 : i1
        %and3A_3913 = arith.andi %ne3A_3912, %ne3A_3907 : i1
        %add3A_3914 = arith.addi %rem3A_3905, %select_n3A_3904 : i32
        %select_n3A_3915 = arith.select %and3A_3913, %add3A_3914, %rem3A_3905 : i32
        %add3A_3916 = arith.addi %mul3A_3899, %select_n3A_3915 : i32
        %jit3A_3917 = arith.constant 8 : i32
        %div3A_3918 = arith.divsi %add3A_3873, %jit3A_3917 : i32
        %sign3A_3919 = arith.constant 0 : i32
        %sign3A_3920 = arith.cmpi sgt, %add3A_3873, %sign3A_3919 : i32
        %sign3A_3921 = arith.extui %sign3A_3920 : i1 to i32
        %sign3A_3922 = arith.constant 0 : i32
        %sign3A_3923 = arith.cmpi slt, %add3A_3873, %sign3A_3922 : i32
        %sign3A_3924 = arith.extui %sign3A_3923 : i1 to i32
        %sign3A_3925 = arith.subi %sign3A_3921, %sign3A_3924 : i32
        %sign3A_3926 = arith.constant 0 : i32
        %sign3A_3927 = arith.cmpi sgt, %jit3A_3917, %sign3A_3926 : i32
        %sign3A_3928 = arith.extui %sign3A_3927 : i1 to i32
        %sign3A_3929 = arith.constant 0 : i32
        %sign3A_3930 = arith.cmpi slt, %jit3A_3917, %sign3A_3929 : i32
        %sign3A_3931 = arith.extui %sign3A_3930 : i1 to i32
        %sign3A_3932 = arith.subi %sign3A_3928, %sign3A_3931 : i32
        %ne3A_3933 = arith.cmpi ne, %sign3A_3925, %sign3A_3932 : i32
        %rem3A_3934 = arith.remsi %add3A_3873, %jit3A_3917 : i32
        %ne3A_3935 = arith.constant 0 : i32
        %ne3A_3936 = arith.cmpi ne, %rem3A_3934, %ne3A_3935 : i32
        %and3A_3937 = arith.andi %ne3A_3933, %ne3A_3936 : i1
        %sub3A_3938 = arith.constant 1 : i32
        %sub3A_3939 = arith.subi %div3A_3918, %sub3A_3938 : i32
        %select_n3A_3940 = arith.select %and3A_3937, %sub3A_3939, %div3A_3918 : i32
        %jit3A_3941 = arith.constant 32 : i32
        %eq3A_3942 = arith.constant 0 : i32
        %eq3A_3943 = arith.cmpi eq, %jit3A_3941, %eq3A_3942 : i32
        %jit3A_3944 = arith.constant 1 : i32
        %select_n3A_3945 = arith.select %eq3A_3943, %jit3A_3944, %jit3A_3941 : i32
        %rem3A_3946 = arith.remsi %select_n3A_3940, %select_n3A_3945 : i32
        %ne3A_3947 = arith.constant 0 : i32
        %ne3A_3948 = arith.cmpi ne, %rem3A_3946, %ne3A_3947 : i32
        %lt3A_3949 = arith.constant 0 : i32
        %lt3A_3950 = arith.cmpi slt, %rem3A_3946, %lt3A_3949 : i32
        %lt3A_3951 = arith.constant 0 : i32
        %lt3A_3952 = arith.cmpi slt, %select_n3A_3945, %lt3A_3951 : i32
        %ne3A_3953 = arith.xori %lt3A_3950, %lt3A_3952 : i1
        %and3A_3954 = arith.andi %ne3A_3953, %ne3A_3948 : i1
        %add3A_3955 = arith.addi %rem3A_3946, %select_n3A_3945 : i32
        %select_n3A_3956 = arith.select %and3A_3954, %add3A_3955, %rem3A_3946 : i32
        %dma_wait3A_3957 = arith.constant 6 : i32
        %dma_wait3A_3958 = arith.constant 48 : i32
        %dma_wait3A_3959 = arith.constant 0 : i32
        %dma_wait3A_3960 = tpu.memref_slice %arg8[%dma_wait3A_3958, %dma_wait3A_3959] : memref<64x128xf32, #tpu.memory_space<vmem>> -> memref<8x128xf32, #tpu.memory_space<vmem>>
        %dma_wait3A_3961 = arith.constant 0 : i32
        %dma_wait3A_3962 = arith.constant 0 : i32
        %dma_wait3A_3963 = tpu.memref_slice %arg4[%add3A_3916, %dma_wait3A_3957, %select_n3A_3956, %dma_wait3A_3961, %dma_wait3A_3962] : memref<200x8x32x8x128xf32, #tpu.memory_space<hbm>> -> memref<1x1x1x8x128xf32, #tpu.memory_space<hbm>>
        %dma_wait3A_3964 = tpu.memref_squeeze %dma_wait3A_3963 : memref<1x1x1x8x128xf32, #tpu.memory_space<hbm>> -> memref<8x128xf32, #tpu.memory_space<hbm>>
        %dma_wait3A_3965 = arith.constant 0 : i32
        %dma_wait3A_3966 = arith.constant 0 : i32
        %dma_wait3A_3967 = tpu.memref_slice %arg4[%add3A_3916, %dma_wait3A_3957, %select_n3A_3956, %dma_wait3A_3965, %dma_wait3A_3966] : memref<200x8x32x8x128xf32, #tpu.memory_space<hbm>> -> memref<1x1x1x8x128xf32, #tpu.memory_space<hbm>>
        %dma_wait3A_3968 = tpu.memref_squeeze %dma_wait3A_3967 : memref<1x1x1x8x128xf32, #tpu.memory_space<hbm>> -> memref<8x128xf32, #tpu.memory_space<hbm>>
        %dma_wait3A_3969 = arith.constant 48 : i32
        %dma_wait3A_3970 = arith.constant 0 : i32
        %dma_wait3A_3971 = tpu.memref_slice %arg8[%dma_wait3A_3969, %dma_wait3A_3970] : memref<64x128xf32, #tpu.memory_space<vmem>> -> memref<8x128xf32, #tpu.memory_space<vmem>>
        tpu.wait_dma2 semaphore(%arg12 : memref<!tpu.dma_semaphore, #tpu.memory_space<semaphore_mem>>) src(%dma_wait3A_3971 : memref<8x128xf32, #tpu.memory_space<vmem>>) dst(%dma_wait3A_3968 : memref<8x128xf32, #tpu.memory_space<hbm>>)
        %sub3A_3972 = arith.constant 2 : i32
        %sub3A_3973 = arith.subi %add3A_1631, %sub3A_3972 : i32
        %add3A_3974 = arith.addi %mul3A_2, %sub3A_3973 : i32
        %jit3A_3975 = arith.constant 256 : i32
        %div3A_3976 = arith.divsi %add3A_3974, %jit3A_3975 : i32
        %sign3A_3977 = arith.constant 0 : i32
        %sign3A_3978 = arith.cmpi sgt, %add3A_3974, %sign3A_3977 : i32
        %sign3A_3979 = arith.extui %sign3A_3978 : i1 to i32
        %sign3A_3980 = arith.constant 0 : i32
        %sign3A_3981 = arith.cmpi slt, %add3A_3974, %sign3A_3980 : i32
        %sign3A_3982 = arith.extui %sign3A_3981 : i1 to i32
        %sign3A_3983 = arith.subi %sign3A_3979, %sign3A_3982 : i32
        %sign3A_3984 = arith.constant 0 : i32
        %sign3A_3985 = arith.cmpi sgt, %jit3A_3975, %sign3A_3984 : i32
        %sign3A_3986 = arith.extui %sign3A_3985 : i1 to i32
        %sign3A_3987 = arith.constant 0 : i32
        %sign3A_3988 = arith.cmpi slt, %jit3A_3975, %sign3A_3987 : i32
        %sign3A_3989 = arith.extui %sign3A_3988 : i1 to i32
        %sign3A_3990 = arith.subi %sign3A_3986, %sign3A_3989 : i32
        %ne3A_3991 = arith.cmpi ne, %sign3A_3983, %sign3A_3990 : i32
        %rem3A_3992 = arith.remsi %add3A_3974, %jit3A_3975 : i32
        %ne3A_3993 = arith.constant 0 : i32
        %ne3A_3994 = arith.cmpi ne, %rem3A_3992, %ne3A_3993 : i32
        %and3A_3995 = arith.andi %ne3A_3991, %ne3A_3994 : i1
        %sub3A_3996 = arith.constant 1 : i32
        %sub3A_3997 = arith.subi %div3A_3976, %sub3A_3996 : i32
        %select_n3A_3998 = arith.select %and3A_3995, %sub3A_3997, %div3A_3976 : i32
        %mul3A_3999 = arith.constant 8 : i32
        %mul3A_4000 = arith.muli %select_n3A_3998, %mul3A_3999 : i32
        %jit3A_4001 = arith.constant 8 : i32
        %eq3A_4002 = arith.constant 0 : i32
        %eq3A_4003 = arith.cmpi eq, %jit3A_4001, %eq3A_4002 : i32
        %jit3A_4004 = arith.constant 1 : i32
        %select_n3A_4005 = arith.select %eq3A_4003, %jit3A_4004, %jit3A_4001 : i32
        %rem3A_4006 = arith.remsi %add3A_3974, %select_n3A_4005 : i32
        %ne3A_4007 = arith.constant 0 : i32
        %ne3A_4008 = arith.cmpi ne, %rem3A_4006, %ne3A_4007 : i32
        %lt3A_4009 = arith.constant 0 : i32
        %lt3A_4010 = arith.cmpi slt, %rem3A_4006, %lt3A_4009 : i32
        %lt3A_4011 = arith.constant 0 : i32
        %lt3A_4012 = arith.cmpi slt, %select_n3A_4005, %lt3A_4011 : i32
        %ne3A_4013 = arith.xori %lt3A_4010, %lt3A_4012 : i1
        %and3A_4014 = arith.andi %ne3A_4013, %ne3A_4008 : i1
        %add3A_4015 = arith.addi %rem3A_4006, %select_n3A_4005 : i32
        %select_n3A_4016 = arith.select %and3A_4014, %add3A_4015, %rem3A_4006 : i32
        %add3A_4017 = arith.addi %mul3A_4000, %select_n3A_4016 : i32
        %jit3A_4018 = arith.constant 8 : i32
        %div3A_4019 = arith.divsi %add3A_3974, %jit3A_4018 : i32
        %sign3A_4020 = arith.constant 0 : i32
        %sign3A_4021 = arith.cmpi sgt, %add3A_3974, %sign3A_4020 : i32
        %sign3A_4022 = arith.extui %sign3A_4021 : i1 to i32
        %sign3A_4023 = arith.constant 0 : i32
        %sign3A_4024 = arith.cmpi slt, %add3A_3974, %sign3A_4023 : i32
        %sign3A_4025 = arith.extui %sign3A_4024 : i1 to i32
        %sign3A_4026 = arith.subi %sign3A_4022, %sign3A_4025 : i32
        %sign3A_4027 = arith.constant 0 : i32
        %sign3A_4028 = arith.cmpi sgt, %jit3A_4018, %sign3A_4027 : i32
        %sign3A_4029 = arith.extui %sign3A_4028 : i1 to i32
        %sign3A_4030 = arith.constant 0 : i32
        %sign3A_4031 = arith.cmpi slt, %jit3A_4018, %sign3A_4030 : i32
        %sign3A_4032 = arith.extui %sign3A_4031 : i1 to i32
        %sign3A_4033 = arith.subi %sign3A_4029, %sign3A_4032 : i32
        %ne3A_4034 = arith.cmpi ne, %sign3A_4026, %sign3A_4033 : i32
        %rem3A_4035 = arith.remsi %add3A_3974, %jit3A_4018 : i32
        %ne3A_4036 = arith.constant 0 : i32
        %ne3A_4037 = arith.cmpi ne, %rem3A_4035, %ne3A_4036 : i32
        %and3A_4038 = arith.andi %ne3A_4034, %ne3A_4037 : i1
        %sub3A_4039 = arith.constant 1 : i32
        %sub3A_4040 = arith.subi %div3A_4019, %sub3A_4039 : i32
        %select_n3A_4041 = arith.select %and3A_4038, %sub3A_4040, %div3A_4019 : i32
        %jit3A_4042 = arith.constant 32 : i32
        %eq3A_4043 = arith.constant 0 : i32
        %eq3A_4044 = arith.cmpi eq, %jit3A_4042, %eq3A_4043 : i32
        %jit3A_4045 = arith.constant 1 : i32
        %select_n3A_4046 = arith.select %eq3A_4044, %jit3A_4045, %jit3A_4042 : i32
        %rem3A_4047 = arith.remsi %select_n3A_4041, %select_n3A_4046 : i32
        %ne3A_4048 = arith.constant 0 : i32
        %ne3A_4049 = arith.cmpi ne, %rem3A_4047, %ne3A_4048 : i32
        %lt3A_4050 = arith.constant 0 : i32
        %lt3A_4051 = arith.cmpi slt, %rem3A_4047, %lt3A_4050 : i32
        %lt3A_4052 = arith.constant 0 : i32
        %lt3A_4053 = arith.cmpi slt, %select_n3A_4046, %lt3A_4052 : i32
        %ne3A_4054 = arith.xori %lt3A_4051, %lt3A_4053 : i1
        %and3A_4055 = arith.andi %ne3A_4054, %ne3A_4049 : i1
        %add3A_4056 = arith.addi %rem3A_4047, %select_n3A_4046 : i32
        %select_n3A_4057 = arith.select %and3A_4055, %add3A_4056, %rem3A_4047 : i32
        %dma_wait3A_4058 = arith.constant 7 : i32
        %dma_wait3A_4059 = arith.constant 56 : i32
        %dma_wait3A_4060 = arith.constant 0 : i32
        %dma_wait3A_4061 = tpu.memref_slice %arg8[%dma_wait3A_4059, %dma_wait3A_4060] : memref<64x128xf32, #tpu.memory_space<vmem>> -> memref<8x128xf32, #tpu.memory_space<vmem>>
        %dma_wait3A_4062 = arith.constant 0 : i32
        %dma_wait3A_4063 = arith.constant 0 : i32
        %dma_wait3A_4064 = tpu.memref_slice %arg4[%add3A_4017, %dma_wait3A_4058, %select_n3A_4057, %dma_wait3A_4062, %dma_wait3A_4063] : memref<200x8x32x8x128xf32, #tpu.memory_space<hbm>> -> memref<1x1x1x8x128xf32, #tpu.memory_space<hbm>>
        %dma_wait3A_4065 = tpu.memref_squeeze %dma_wait3A_4064 : memref<1x1x1x8x128xf32, #tpu.memory_space<hbm>> -> memref<8x128xf32, #tpu.memory_space<hbm>>
        %dma_wait3A_4066 = arith.constant 0 : i32
        %dma_wait3A_4067 = arith.constant 0 : i32
        %dma_wait3A_4068 = tpu.memref_slice %arg4[%add3A_4017, %dma_wait3A_4058, %select_n3A_4057, %dma_wait3A_4066, %dma_wait3A_4067] : memref<200x8x32x8x128xf32, #tpu.memory_space<hbm>> -> memref<1x1x1x8x128xf32, #tpu.memory_space<hbm>>
        %dma_wait3A_4069 = tpu.memref_squeeze %dma_wait3A_4068 : memref<1x1x1x8x128xf32, #tpu.memory_space<hbm>> -> memref<8x128xf32, #tpu.memory_space<hbm>>
        %dma_wait3A_4070 = arith.constant 56 : i32
        %dma_wait3A_4071 = arith.constant 0 : i32
        %dma_wait3A_4072 = tpu.memref_slice %arg8[%dma_wait3A_4070, %dma_wait3A_4071] : memref<64x128xf32, #tpu.memory_space<vmem>> -> memref<8x128xf32, #tpu.memory_space<vmem>>
        tpu.wait_dma2 semaphore(%arg12 : memref<!tpu.dma_semaphore, #tpu.memory_space<semaphore_mem>>) src(%dma_wait3A_4072 : memref<8x128xf32, #tpu.memory_space<vmem>>) dst(%dma_wait3A_4069 : memref<8x128xf32, #tpu.memory_space<hbm>>)
      } else {
      }
      %scan3A_1647 = arith.constant 0 : i32
      %scan3A_1648 = arith.constant 0 : i32
      %scan3A_1649 = arith.constant 16 : i32
      %scan3A_1650 = arith.addi %scan3A_1648, %scan3A_1649 : i32
      %scan3A_1651 = arith.constant 1 : i32
      scf.for %scan3A_3265 = %scan3A_1648 to %scan3A_1650 step %scan3A_1651  : i32 {
        %mul3A_3266 = arith.constant 4 : i32
        %mul3A_3267 = arith.muli %scan3A_3265, %mul3A_3266 : i32
        %add3A_3268 = arith.constant 0 : i32
        %add3A_3269 = arith.addi %mul3A_3267, %add3A_3268 : i32
        %add3A_3270 = vector.broadcast %add3A_3269 : i32 to vector<16xi32>
        %add3A_3271 = arith.addi %add3A_3270, %iota3A : vector<16xi32>
        %and3A_3272 = arith.constant 63 : i32
        %and3A_3273 = vector.broadcast %and3A_3272 : i32 to vector<16xi32>
        %and3A_3274 = arith.andi %add3A_3271, %and3A_3273 : vector<16xi32>
        %gather3A = tpu.vector_load_idx %arg6[%add3A_7, %and3A_3274] : memref<128x64xf32, #tpu.memory_space<vmem>>[vector<16xi32>, vector<16xi32>], vector<16xf32>,
        tpu.vector_store_idx %arg8[%and3A_3274, %add3A_7], %gather3A : memref<64x128xf32, #tpu.memory_space<vmem>>[vector<16xi32>, vector<16xi32>], vector<16xf32>,
        %gather3A_3275 = tpu.vector_load_idx %arg6[%add3A_10, %and3A_3274] : memref<128x64xf32, #tpu.memory_space<vmem>>[vector<16xi32>, vector<16xi32>], vector<16xf32>,
        tpu.vector_store_idx %arg8[%and3A_3274, %add3A_10], %gather3A_3275 : memref<64x128xf32, #tpu.memory_space<vmem>>[vector<16xi32>, vector<16xi32>], vector<16xf32>,
        %gather3A_3276 = tpu.vector_load_idx %arg6[%add3A_13, %and3A_3274] : memref<128x64xf32, #tpu.memory_space<vmem>>[vector<16xi32>, vector<16xi32>], vector<16xf32>,
        tpu.vector_store_idx %arg8[%and3A_3274, %add3A_13], %gather3A_3276 : memref<64x128xf32, #tpu.memory_space<vmem>>[vector<16xi32>, vector<16xi32>], vector<16xf32>,
        %gather3A_3277 = tpu.vector_load_idx %arg6[%add3A_16, %and3A_3274] : memref<128x64xf32, #tpu.memory_space<vmem>>[vector<16xi32>, vector<16xi32>], vector<16xf32>,
        tpu.vector_store_idx %arg8[%and3A_3274, %add3A_16], %gather3A_3277 : memref<64x128xf32, #tpu.memory_space<vmem>>[vector<16xi32>, vector<16xi32>], vector<16xf32>,
        %gather3A_3278 = tpu.vector_load_idx %arg6[%add3A_19, %and3A_3274] : memref<128x64xf32, #tpu.memory_space<vmem>>[vector<16xi32>, vector<16xi32>], vector<16xf32>,
        tpu.vector_store_idx %arg8[%and3A_3274, %add3A_19], %gather3A_3278 : memref<64x128xf32, #tpu.memory_space<vmem>>[vector<16xi32>, vector<16xi32>], vector<16xf32>,
        %gather3A_3279 = tpu.vector_load_idx %arg6[%add3A_22, %and3A_3274] : memref<128x64xf32, #tpu.memory_space<vmem>>[vector<16xi32>, vector<16xi32>], vector<16xf32>,
        tpu.vector_store_idx %arg8[%and3A_3274, %add3A_22], %gather3A_3279 : memref<64x128xf32, #tpu.memory_space<vmem>>[vector<16xi32>, vector<16xi32>], vector<16xf32>,
        %gather3A_3280 = tpu.vector_load_idx %arg6[%add3A_25, %and3A_3274] : memref<128x64xf32, #tpu.memory_space<vmem>>[vector<16xi32>, vector<16xi32>], vector<16xf32>,
        tpu.vector_store_idx %arg8[%and3A_3274, %add3A_25], %gather3A_3280 : memref<64x128xf32, #tpu.memory_space<vmem>>[vector<16xi32>, vector<16xi32>], vector<16xf32>,
        %gather3A_3281 = tpu.vector_load_idx %arg6[%add3A_28, %and3A_3274] : memref<128x64xf32, #tpu.memory_space<vmem>>[vector<16xi32>, vector<16xi32>], vector<16xf32>,
        tpu.vector_store_idx %arg8[%and3A_3274, %add3A_28], %gather3A_3281 : memref<64x128xf32, #tpu.memory_space<vmem>>[vector<16xi32>, vector<16xi32>], vector<16xf32>,
        %mul3A_3282 = arith.constant 4 : i32
        %mul3A_3283 = arith.muli %scan3A_3265, %mul3A_3282 : i32
        %add3A_3284 = arith.constant 1 : i32
        %add3A_3285 = arith.addi %mul3A_3283, %add3A_3284 : i32
        %add3A_3286 = vector.broadcast %add3A_3285 : i32 to vector<16xi32>
        %add3A_3287 = arith.addi %add3A_3286, %iota3A : vector<16xi32>
        %and3A_3288 = arith.constant 63 : i32
        %and3A_3289 = vector.broadcast %and3A_3288 : i32 to vector<16xi32>
        %and3A_3290 = arith.andi %add3A_3287, %and3A_3289 : vector<16xi32>
        %gather3A_3291 = tpu.vector_load_idx %arg6[%add3A_7, %and3A_3290] : memref<128x64xf32, #tpu.memory_space<vmem>>[vector<16xi32>, vector<16xi32>], vector<16xf32>,
        tpu.vector_store_idx %arg8[%and3A_3290, %add3A_7], %gather3A_3291 : memref<64x128xf32, #tpu.memory_space<vmem>>[vector<16xi32>, vector<16xi32>], vector<16xf32>,
        %gather3A_3292 = tpu.vector_load_idx %arg6[%add3A_10, %and3A_3290] : memref<128x64xf32, #tpu.memory_space<vmem>>[vector<16xi32>, vector<16xi32>], vector<16xf32>,
        tpu.vector_store_idx %arg8[%and3A_3290, %add3A_10], %gather3A_3292 : memref<64x128xf32, #tpu.memory_space<vmem>>[vector<16xi32>, vector<16xi32>], vector<16xf32>,
        %gather3A_3293 = tpu.vector_load_idx %arg6[%add3A_13, %and3A_3290] : memref<128x64xf32, #tpu.memory_space<vmem>>[vector<16xi32>, vector<16xi32>], vector<16xf32>,
        tpu.vector_store_idx %arg8[%and3A_3290, %add3A_13], %gather3A_3293 : memref<64x128xf32, #tpu.memory_space<vmem>>[vector<16xi32>, vector<16xi32>], vector<16xf32>,
        %gather3A_3294 = tpu.vector_load_idx %arg6[%add3A_16, %and3A_3290] : memref<128x64xf32, #tpu.memory_space<vmem>>[vector<16xi32>, vector<16xi32>], vector<16xf32>,
        tpu.vector_store_idx %arg8[%and3A_3290, %add3A_16], %gather3A_3294 : memref<64x128xf32, #tpu.memory_space<vmem>>[vector<16xi32>, vector<16xi32>], vector<16xf32>,
        %gather3A_3295 = tpu.vector_load_idx %arg6[%add3A_19, %and3A_3290] : memref<128x64xf32, #tpu.memory_space<vmem>>[vector<16xi32>, vector<16xi32>], vector<16xf32>,
        tpu.vector_store_idx %arg8[%and3A_3290, %add3A_19], %gather3A_3295 : memref<64x128xf32, #tpu.memory_space<vmem>>[vector<16xi32>, vector<16xi32>], vector<16xf32>,
        %gather3A_3296 = tpu.vector_load_idx %arg6[%add3A_22, %and3A_3290] : memref<128x64xf32, #tpu.memory_space<vmem>>[vector<16xi32>, vector<16xi32>], vector<16xf32>,
        tpu.vector_store_idx %arg8[%and3A_3290, %add3A_22], %gather3A_3296 : memref<64x128xf32, #tpu.memory_space<vmem>>[vector<16xi32>, vector<16xi32>], vector<16xf32>,
        %gather3A_3297 = tpu.vector_load_idx %arg6[%add3A_25, %and3A_3290] : memref<128x64xf32, #tpu.memory_space<vmem>>[vector<16xi32>, vector<16xi32>], vector<16xf32>,
        tpu.vector_store_idx %arg8[%and3A_3290, %add3A_25], %gather3A_3297 : memref<64x128xf32, #tpu.memory_space<vmem>>[vector<16xi32>, vector<16xi32>], vector<16xf32>,
        %gather3A_3298 = tpu.vector_load_idx %arg6[%add3A_28, %and3A_3290] : memref<128x64xf32, #tpu.memory_space<vmem>>[vector<16xi32>, vector<16xi32>], vector<16xf32>,
        tpu.vector_store_idx %arg8[%and3A_3290, %add3A_28], %gather3A_3298 : memref<64x128xf32, #tpu.memory_space<vmem>>[vector<16xi32>, vector<16xi32>], vector<16xf32>,
        %mul3A_3299 = arith.constant 4 : i32
        %mul3A_3300 = arith.muli %scan3A_3265, %mul3A_3299 : i32
        %add3A_3301 = arith.constant 2 : i32
        %add3A_3302 = arith.addi %mul3A_3300, %add3A_3301 : i32
        %add3A_3303 = vector.broadcast %add3A_3302 : i32 to vector<16xi32>
        %add3A_3304 = arith.addi %add3A_3303, %iota3A : vector<16xi32>
        %and3A_3305 = arith.constant 63 : i32
        %and3A_3306 = vector.broadcast %and3A_3305 : i32 to vector<16xi32>
        %and3A_3307 = arith.andi %add3A_3304, %and3A_3306 : vector<16xi32>
        %gather3A_3308 = tpu.vector_load_idx %arg6[%add3A_7, %and3A_3307] : memref<128x64xf32, #tpu.memory_space<vmem>>[vector<16xi32>, vector<16xi32>], vector<16xf32>,
        tpu.vector_store_idx %arg8[%and3A_3307, %add3A_7], %gather3A_3308 : memref<64x128xf32, #tpu.memory_space<vmem>>[vector<16xi32>, vector<16xi32>], vector<16xf32>,
        %gather3A_3309 = tpu.vector_load_idx %arg6[%add3A_10, %and3A_3307] : memref<128x64xf32, #tpu.memory_space<vmem>>[vector<16xi32>, vector<16xi32>], vector<16xf32>,
        tpu.vector_store_idx %arg8[%and3A_3307, %add3A_10], %gather3A_3309 : memref<64x128xf32, #tpu.memory_space<vmem>>[vector<16xi32>, vector<16xi32>], vector<16xf32>,
        %gather3A_3310 = tpu.vector_load_idx %arg6[%add3A_13, %and3A_3307] : memref<128x64xf32, #tpu.memory_space<vmem>>[vector<16xi32>, vector<16xi32>], vector<16xf32>,
        tpu.vector_store_idx %arg8[%and3A_3307, %add3A_13], %gather3A_3310 : memref<64x128xf32, #tpu.memory_space<vmem>>[vector<16xi32>, vector<16xi32>], vector<16xf32>,
        %gather3A_3311 = tpu.vector_load_idx %arg6[%add3A_16, %and3A_3307] : memref<128x64xf32, #tpu.memory_space<vmem>>[vector<16xi32>, vector<16xi32>], vector<16xf32>,
        tpu.vector_store_idx %arg8[%and3A_3307, %add3A_16], %gather3A_3311 : memref<64x128xf32, #tpu.memory_space<vmem>>[vector<16xi32>, vector<16xi32>], vector<16xf32>,
        %gather3A_3312 = tpu.vector_load_idx %arg6[%add3A_19, %and3A_3307] : memref<128x64xf32, #tpu.memory_space<vmem>>[vector<16xi32>, vector<16xi32>], vector<16xf32>,
        tpu.vector_store_idx %arg8[%and3A_3307, %add3A_19], %gather3A_3312 : memref<64x128xf32, #tpu.memory_space<vmem>>[vector<16xi32>, vector<16xi32>], vector<16xf32>,
        %gather3A_3313 = tpu.vector_load_idx %arg6[%add3A_22, %and3A_3307] : memref<128x64xf32, #tpu.memory_space<vmem>>[vector<16xi32>, vector<16xi32>], vector<16xf32>,
        tpu.vector_store_idx %arg8[%and3A_3307, %add3A_22], %gather3A_3313 : memref<64x128xf32, #tpu.memory_space<vmem>>[vector<16xi32>, vector<16xi32>], vector<16xf32>,
        %gather3A_3314 = tpu.vector_load_idx %arg6[%add3A_25, %and3A_3307] : memref<128x64xf32, #tpu.memory_space<vmem>>[vector<16xi32>, vector<16xi32>], vector<16xf32>,
        tpu.vector_store_idx %arg8[%and3A_3307, %add3A_25], %gather3A_3314 : memref<64x128xf32, #tpu.memory_space<vmem>>[vector<16xi32>, vector<16xi32>], vector<16xf32>,
        %gather3A_3315 = tpu.vector_load_idx %arg6[%add3A_28, %and3A_3307] : memref<128x64xf32, #tpu.memory_space<vmem>>[vector<16xi32>, vector<16xi32>], vector<16xf32>,
        tpu.vector_store_idx %arg8[%and3A_3307, %add3A_28], %gather3A_3315 : memref<64x128xf32, #tpu.memory_space<vmem>>[vector<16xi32>, vector<16xi32>], vector<16xf32>,
        %mul3A_3316 = arith.constant 4 : i32
        %mul3A_3317 = arith.muli %scan3A_3265, %mul3A_3316 : i32
        %add3A_3318 = arith.constant 3 : i32
        %add3A_3319 = arith.addi %mul3A_3317, %add3A_3318 : i32
        %add3A_3320 = vector.broadcast %add3A_3319 : i32 to vector<16xi32>
        %add3A_3321 = arith.addi %add3A_3320, %iota3A : vector<16xi32>
        %and3A_3322 = arith.constant 63 : i32
        %and3A_3323 = vector.broadcast %and3A_3322 : i32 to vector<16xi32>
        %and3A_3324 = arith.andi %add3A_3321, %and3A_3323 : vector<16xi32>
        %gather3A_3325 = tpu.vector_load_idx %arg6[%add3A_7, %and3A_3324] : memref<128x64xf32, #tpu.memory_space<vmem>>[vector<16xi32>, vector<16xi32>], vector<16xf32>,
        tpu.vector_store_idx %arg8[%and3A_3324, %add3A_7], %gather3A_3325 : memref<64x128xf32, #tpu.memory_space<vmem>>[vector<16xi32>, vector<16xi32>], vector<16xf32>,
        %gather3A_3326 = tpu.vector_load_idx %arg6[%add3A_10, %and3A_3324] : memref<128x64xf32, #tpu.memory_space<vmem>>[vector<16xi32>, vector<16xi32>], vector<16xf32>,
        tpu.vector_store_idx %arg8[%and3A_3324, %add3A_10], %gather3A_3326 : memref<64x128xf32, #tpu.memory_space<vmem>>[vector<16xi32>, vector<16xi32>], vector<16xf32>,
        %gather3A_3327 = tpu.vector_load_idx %arg6[%add3A_13, %and3A_3324] : memref<128x64xf32, #tpu.memory_space<vmem>>[vector<16xi32>, vector<16xi32>], vector<16xf32>,
        tpu.vector_store_idx %arg8[%and3A_3324, %add3A_13], %gather3A_3327 : memref<64x128xf32, #tpu.memory_space<vmem>>[vector<16xi32>, vector<16xi32>], vector<16xf32>,
        %gather3A_3328 = tpu.vector_load_idx %arg6[%add3A_16, %and3A_3324] : memref<128x64xf32, #tpu.memory_space<vmem>>[vector<16xi32>, vector<16xi32>], vector<16xf32>,
        tpu.vector_store_idx %arg8[%and3A_3324, %add3A_16], %gather3A_3328 : memref<64x128xf32, #tpu.memory_space<vmem>>[vector<16xi32>, vector<16xi32>], vector<16xf32>,
        %gather3A_3329 = tpu.vector_load_idx %arg6[%add3A_19, %and3A_3324] : memref<128x64xf32, #tpu.memory_space<vmem>>[vector<16xi32>, vector<16xi32>], vector<16xf32>,
        tpu.vector_store_idx %arg8[%and3A_3324, %add3A_19], %gather3A_3329 : memref<64x128xf32, #tpu.memory_space<vmem>>[vector<16xi32>, vector<16xi32>], vector<16xf32>,
        %gather3A_3330 = tpu.vector_load_idx %arg6[%add3A_22, %and3A_3324] : memref<128x64xf32, #tpu.memory_space<vmem>>[vector<16xi32>, vector<16xi32>], vector<16xf32>,
        tpu.vector_store_idx %arg8[%and3A_3324, %add3A_22], %gather3A_3330 : memref<64x128xf32, #tpu.memory_space<vmem>>[vector<16xi32>, vector<16xi32>], vector<16xf32>,
        %gather3A_3331 = tpu.vector_load_idx %arg6[%add3A_25, %and3A_3324] : memref<128x64xf32, #tpu.memory_space<vmem>>[vector<16xi32>, vector<16xi32>], vector<16xf32>,
        tpu.vector_store_idx %arg8[%and3A_3324, %add3A_25], %gather3A_3331 : memref<64x128xf32, #tpu.memory_space<vmem>>[vector<16xi32>, vector<16xi32>], vector<16xf32>,
        %gather3A_3332 = tpu.vector_load_idx %arg6[%add3A_28, %and3A_3324] : memref<128x64xf32, #tpu.memory_space<vmem>>[vector<16xi32>, vector<16xi32>], vector<16xf32>,
        tpu.vector_store_idx %arg8[%and3A_3324, %add3A_28], %gather3A_3332 : memref<64x128xf32, #tpu.memory_space<vmem>>[vector<16xi32>, vector<16xi32>], vector<16xf32>,
      }
      %scan3A_1652 = arith.constant 16 : i32
      %add3A_1653 = arith.addi %mul3A_2, %add3A_1631 : i32
      %jit3A_1654 = arith.constant 256 : i32
      %div3A_1655 = arith.divsi %add3A_1653, %jit3A_1654 : i32
      %sign3A_1656 = arith.constant 0 : i32
      %sign3A_1657 = arith.cmpi sgt, %add3A_1653, %sign3A_1656 : i32
      %sign3A_1658 = arith.extui %sign3A_1657 : i1 to i32
      %sign3A_1659 = arith.constant 0 : i32
      %sign3A_1660 = arith.cmpi slt, %add3A_1653, %sign3A_1659 : i32
      %sign3A_1661 = arith.extui %sign3A_1660 : i1 to i32
      %sign3A_1662 = arith.subi %sign3A_1658, %sign3A_1661 : i32
      %sign3A_1663 = arith.constant 0 : i32
      %sign3A_1664 = arith.cmpi sgt, %jit3A_1654, %sign3A_1663 : i32
      %sign3A_1665 = arith.extui %sign3A_1664 : i1 to i32
      %sign3A_1666 = arith.constant 0 : i32
      %sign3A_1667 = arith.cmpi slt, %jit3A_1654, %sign3A_1666 : i32
      %sign3A_1668 = arith.extui %sign3A_1667 : i1 to i32
      %sign3A_1669 = arith.subi %sign3A_1665, %sign3A_1668 : i32
      %ne3A_1670 = arith.cmpi ne, %sign3A_1662, %sign3A_1669 : i32
      %rem3A_1671 = arith.remsi %add3A_1653, %jit3A_1654 : i32
      %ne3A_1672 = arith.constant 0 : i32
      %ne3A_1673 = arith.cmpi ne, %rem3A_1671, %ne3A_1672 : i32
      %and3A_1674 = arith.andi %ne3A_1670, %ne3A_1673 : i1
      %sub3A_1675 = arith.constant 1 : i32
      %sub3A_1676 = arith.subi %div3A_1655, %sub3A_1675 : i32
      %select_n3A_1677 = arith.select %and3A_1674, %sub3A_1676, %div3A_1655 : i32
      %mul3A_1678 = arith.constant 8 : i32
      %mul3A_1679 = arith.muli %select_n3A_1677, %mul3A_1678 : i32
      %jit3A_1680 = arith.constant 8 : i32
      %eq3A_1681 = arith.constant 0 : i32
      %eq3A_1682 = arith.cmpi eq, %jit3A_1680, %eq3A_1681 : i32
      %jit3A_1683 = arith.constant 1 : i32
      %select_n3A_1684 = arith.select %eq3A_1682, %jit3A_1683, %jit3A_1680 : i32
      %rem3A_1685 = arith.remsi %add3A_1653, %select_n3A_1684 : i32
      %ne3A_1686 = arith.constant 0 : i32
      %ne3A_1687 = arith.cmpi ne, %rem3A_1685, %ne3A_1686 : i32
      %lt3A_1688 = arith.constant 0 : i32
      %lt3A_1689 = arith.cmpi slt, %rem3A_1685, %lt3A_1688 : i32
      %lt3A_1690 = arith.constant 0 : i32
      %lt3A_1691 = arith.cmpi slt, %select_n3A_1684, %lt3A_1690 : i32
      %ne3A_1692 = arith.xori %lt3A_1689, %lt3A_1691 : i1
      %and3A_1693 = arith.andi %ne3A_1692, %ne3A_1687 : i1
      %add3A_1694 = arith.addi %rem3A_1685, %select_n3A_1684 : i32
      %select_n3A_1695 = arith.select %and3A_1693, %add3A_1694, %rem3A_1685 : i32
      %add3A_1696 = arith.addi %mul3A_1679, %select_n3A_1695 : i32
      %jit3A_1697 = arith.constant 8 : i32
      %div3A_1698 = arith.divsi %add3A_1653, %jit3A_1697 : i32
      %sign3A_1699 = arith.constant 0 : i32
      %sign3A_1700 = arith.cmpi sgt, %add3A_1653, %sign3A_1699 : i32
      %sign3A_1701 = arith.extui %sign3A_1700 : i1 to i32
      %sign3A_1702 = arith.constant 0 : i32
      %sign3A_1703 = arith.cmpi slt, %add3A_1653, %sign3A_1702 : i32
      %sign3A_1704 = arith.extui %sign3A_1703 : i1 to i32
      %sign3A_1705 = arith.subi %sign3A_1701, %sign3A_1704 : i32
      %sign3A_1706 = arith.constant 0 : i32
      %sign3A_1707 = arith.cmpi sgt, %jit3A_1697, %sign3A_1706 : i32
      %sign3A_1708 = arith.extui %sign3A_1707 : i1 to i32
      %sign3A_1709 = arith.constant 0 : i32
      %sign3A_1710 = arith.cmpi slt, %jit3A_1697, %sign3A_1709 : i32
      %sign3A_1711 = arith.extui %sign3A_1710 : i1 to i32
      %sign3A_1712 = arith.subi %sign3A_1708, %sign3A_1711 : i32
      %ne3A_1713 = arith.cmpi ne, %sign3A_1705, %sign3A_1712 : i32
      %rem3A_1714 = arith.remsi %add3A_1653, %jit3A_1697 : i32
      %ne3A_1715 = arith.constant 0 : i32
      %ne3A_1716 = arith.cmpi ne, %rem3A_1714, %ne3A_1715 : i32
      %and3A_1717 = arith.andi %ne3A_1713, %ne3A_1716 : i1
      %sub3A_1718 = arith.constant 1 : i32
      %sub3A_1719 = arith.subi %div3A_1698, %sub3A_1718 : i32
      %select_n3A_1720 = arith.select %and3A_1717, %sub3A_1719, %div3A_1698 : i32
      %jit3A_1721 = arith.constant 32 : i32
      %eq3A_1722 = arith.constant 0 : i32
      %eq3A_1723 = arith.cmpi eq, %jit3A_1721, %eq3A_1722 : i32
      %jit3A_1724 = arith.constant 1 : i32
      %select_n3A_1725 = arith.select %eq3A_1723, %jit3A_1724, %jit3A_1721 : i32
      %rem3A_1726 = arith.remsi %select_n3A_1720, %select_n3A_1725 : i32
      %ne3A_1727 = arith.constant 0 : i32
      %ne3A_1728 = arith.cmpi ne, %rem3A_1726, %ne3A_1727 : i32
      %lt3A_1729 = arith.constant 0 : i32
      %lt3A_1730 = arith.cmpi slt, %rem3A_1726, %lt3A_1729 : i32
      %lt3A_1731 = arith.constant 0 : i32
      %lt3A_1732 = arith.cmpi slt, %select_n3A_1725, %lt3A_1731 : i32
      %ne3A_1733 = arith.xori %lt3A_1730, %lt3A_1732 : i1
      %and3A_1734 = arith.andi %ne3A_1733, %ne3A_1728 : i1
      %add3A_1735 = arith.addi %rem3A_1726, %select_n3A_1725 : i32
      %select_n3A_1736 = arith.select %and3A_1734, %add3A_1735, %rem3A_1726 : i32
      %dma_start3A_1737 = arith.constant 0 : i32
      %dma_start3A_1738 = arith.constant 0 : i32
      %dma_start3A_1739 = arith.constant 0 : i32
      %dma_start3A_1740 = tpu.memref_slice %arg8[%dma_start3A_1738, %dma_start3A_1739] : memref<64x128xf32, #tpu.memory_space<vmem>> -> memref<8x128xf32, #tpu.memory_space<vmem>>
      %dma_start3A_1741 = arith.constant 0 : i32
      %dma_start3A_1742 = arith.constant 0 : i32
      %dma_start3A_1743 = tpu.memref_slice %arg4[%add3A_1696, %dma_start3A_1737, %select_n3A_1736, %dma_start3A_1741, %dma_start3A_1742] : memref<200x8x32x8x128xf32, #tpu.memory_space<hbm>> -> memref<1x1x1x8x128xf32, #tpu.memory_space<hbm>>
      %dma_start3A_1744 = tpu.memref_squeeze %dma_start3A_1743 : memref<1x1x1x8x128xf32, #tpu.memory_space<hbm>> -> memref<8x128xf32, #tpu.memory_space<hbm>>
      %dma_start3A_1745 = arith.constant 0 : i32
      %dma_start3A_1746 = arith.constant 0 : i32
      %dma_start3A_1747 = tpu.memref_slice %arg4[%add3A_1696, %dma_start3A_1737, %select_n3A_1736, %dma_start3A_1745, %dma_start3A_1746] : memref<200x8x32x8x128xf32, #tpu.memory_space<hbm>> -> memref<1x1x1x8x128xf32, #tpu.memory_space<hbm>>
      %dma_start3A_1748 = tpu.memref_squeeze %dma_start3A_1747 : memref<1x1x1x8x128xf32, #tpu.memory_space<hbm>> -> memref<8x128xf32, #tpu.memory_space<hbm>>
      %dma_start3A_1749 = arith.constant 0 : i32
      %dma_start3A_1750 = arith.constant 0 : i32
      %dma_start3A_1751 = tpu.memref_slice %arg8[%dma_start3A_1749, %dma_start3A_1750] : memref<64x128xf32, #tpu.memory_space<vmem>> -> memref<8x128xf32, #tpu.memory_space<vmem>>
      tpu.enqueue_dma source(%dma_start3A_1751 : memref<8x128xf32, #tpu.memory_space<vmem>>) target(%dma_start3A_1748 : memref<8x128xf32, #tpu.memory_space<hbm>>) target_semaphore(%arg12 : memref<!tpu.dma_semaphore, #tpu.memory_space<semaphore_mem>>)
      %add3A_1752 = arith.addi %mul3A_2, %add3A_1631 : i32
      %jit3A_1753 = arith.constant 256 : i32
      %div3A_1754 = arith.divsi %add3A_1752, %jit3A_1753 : i32
      %sign3A_1755 = arith.constant 0 : i32
      %sign3A_1756 = arith.cmpi sgt, %add3A_1752, %sign3A_1755 : i32
      %sign3A_1757 = arith.extui %sign3A_1756 : i1 to i32
      %sign3A_1758 = arith.constant 0 : i32
      %sign3A_1759 = arith.cmpi slt, %add3A_1752, %sign3A_1758 : i32
      %sign3A_1760 = arith.extui %sign3A_1759 : i1 to i32
      %sign3A_1761 = arith.subi %sign3A_1757, %sign3A_1760 : i32
      %sign3A_1762 = arith.constant 0 : i32
      %sign3A_1763 = arith.cmpi sgt, %jit3A_1753, %sign3A_1762 : i32
      %sign3A_1764 = arith.extui %sign3A_1763 : i1 to i32
      %sign3A_1765 = arith.constant 0 : i32
      %sign3A_1766 = arith.cmpi slt, %jit3A_1753, %sign3A_1765 : i32
      %sign3A_1767 = arith.extui %sign3A_1766 : i1 to i32
      %sign3A_1768 = arith.subi %sign3A_1764, %sign3A_1767 : i32
      %ne3A_1769 = arith.cmpi ne, %sign3A_1761, %sign3A_1768 : i32
      %rem3A_1770 = arith.remsi %add3A_1752, %jit3A_1753 : i32
      %ne3A_1771 = arith.constant 0 : i32
      %ne3A_1772 = arith.cmpi ne, %rem3A_1770, %ne3A_1771 : i32
      %and3A_1773 = arith.andi %ne3A_1769, %ne3A_1772 : i1
      %sub3A_1774 = arith.constant 1 : i32
      %sub3A_1775 = arith.subi %div3A_1754, %sub3A_1774 : i32
      %select_n3A_1776 = arith.select %and3A_1773, %sub3A_1775, %div3A_1754 : i32
      %mul3A_1777 = arith.constant 8 : i32
      %mul3A_1778 = arith.muli %select_n3A_1776, %mul3A_1777 : i32
      %jit3A_1779 = arith.constant 8 : i32
      %eq3A_1780 = arith.constant 0 : i32
      %eq3A_1781 = arith.cmpi eq, %jit3A_1779, %eq3A_1780 : i32
      %jit3A_1782 = arith.constant 1 : i32
      %select_n3A_1783 = arith.select %eq3A_1781, %jit3A_1782, %jit3A_1779 : i32
      %rem3A_1784 = arith.remsi %add3A_1752, %select_n3A_1783 : i32
      %ne3A_1785 = arith.constant 0 : i32
      %ne3A_1786 = arith.cmpi ne, %rem3A_1784, %ne3A_1785 : i32
      %lt3A_1787 = arith.constant 0 : i32
      %lt3A_1788 = arith.cmpi slt, %rem3A_1784, %lt3A_1787 : i32
      %lt3A_1789 = arith.constant 0 : i32
      %lt3A_1790 = arith.cmpi slt, %select_n3A_1783, %lt3A_1789 : i32
      %ne3A_1791 = arith.xori %lt3A_1788, %lt3A_1790 : i1
      %and3A_1792 = arith.andi %ne3A_1791, %ne3A_1786 : i1
      %add3A_1793 = arith.addi %rem3A_1784, %select_n3A_1783 : i32
      %select_n3A_1794 = arith.select %and3A_1792, %add3A_1793, %rem3A_1784 : i32
      %add3A_1795 = arith.addi %mul3A_1778, %select_n3A_1794 : i32
      %jit3A_1796 = arith.constant 8 : i32
      %div3A_1797 = arith.divsi %add3A_1752, %jit3A_1796 : i32
      %sign3A_1798 = arith.constant 0 : i32
      %sign3A_1799 = arith.cmpi sgt, %add3A_1752, %sign3A_1798 : i32
      %sign3A_1800 = arith.extui %sign3A_1799 : i1 to i32
      %sign3A_1801 = arith.constant 0 : i32
      %sign3A_1802 = arith.cmpi slt, %add3A_1752, %sign3A_1801 : i32
      %sign3A_1803 = arith.extui %sign3A_1802 : i1 to i32
      %sign3A_1804 = arith.subi %sign3A_1800, %sign3A_1803 : i32
      %sign3A_1805 = arith.constant 0 : i32
      %sign3A_1806 = arith.cmpi sgt, %jit3A_1796, %sign3A_1805 : i32
      %sign3A_1807 = arith.extui %sign3A_1806 : i1 to i32
      %sign3A_1808 = arith.constant 0 : i32
      %sign3A_1809 = arith.cmpi slt, %jit3A_1796, %sign3A_1808 : i32
      %sign3A_1810 = arith.extui %sign3A_1809 : i1 to i32
      %sign3A_1811 = arith.subi %sign3A_1807, %sign3A_1810 : i32
      %ne3A_1812 = arith.cmpi ne, %sign3A_1804, %sign3A_1811 : i32
      %rem3A_1813 = arith.remsi %add3A_1752, %jit3A_1796 : i32
      %ne3A_1814 = arith.constant 0 : i32
      %ne3A_1815 = arith.cmpi ne, %rem3A_1813, %ne3A_1814 : i32
      %and3A_1816 = arith.andi %ne3A_1812, %ne3A_1815 : i1
      %sub3A_1817 = arith.constant 1 : i32
      %sub3A_1818 = arith.subi %div3A_1797, %sub3A_1817 : i32
      %select_n3A_1819 = arith.select %and3A_1816, %sub3A_1818, %div3A_1797 : i32
      %jit3A_1820 = arith.constant 32 : i32
      %eq3A_1821 = arith.constant 0 : i32
      %eq3A_1822 = arith.cmpi eq, %jit3A_1820, %eq3A_1821 : i32
      %jit3A_1823 = arith.constant 1 : i32
      %select_n3A_1824 = arith.select %eq3A_1822, %jit3A_1823, %jit3A_1820 : i32
      %rem3A_1825 = arith.remsi %select_n3A_1819, %select_n3A_1824 : i32
      %ne3A_1826 = arith.constant 0 : i32
      %ne3A_1827 = arith.cmpi ne, %rem3A_1825, %ne3A_1826 : i32
      %lt3A_1828 = arith.constant 0 : i32
      %lt3A_1829 = arith.cmpi slt, %rem3A_1825, %lt3A_1828 : i32
      %lt3A_1830 = arith.constant 0 : i32
      %lt3A_1831 = arith.cmpi slt, %select_n3A_1824, %lt3A_1830 : i32
      %ne3A_1832 = arith.xori %lt3A_1829, %lt3A_1831 : i1
      %and3A_1833 = arith.andi %ne3A_1832, %ne3A_1827 : i1
      %add3A_1834 = arith.addi %rem3A_1825, %select_n3A_1824 : i32
      %select_n3A_1835 = arith.select %and3A_1833, %add3A_1834, %rem3A_1825 : i32
      %dma_start3A_1836 = arith.constant 1 : i32
      %dma_start3A_1837 = arith.constant 8 : i32
      %dma_start3A_1838 = arith.constant 0 : i32
      %dma_start3A_1839 = tpu.memref_slice %arg8[%dma_start3A_1837, %dma_start3A_1838] : memref<64x128xf32, #tpu.memory_space<vmem>> -> memref<8x128xf32, #tpu.memory_space<vmem>>
      %dma_start3A_1840 = arith.constant 0 : i32
      %dma_start3A_1841 = arith.constant 0 : i32
      %dma_start3A_1842 = tpu.memref_slice %arg4[%add3A_1795, %dma_start3A_1836, %select_n3A_1835, %dma_start3A_1840, %dma_start3A_1841] : memref<200x8x32x8x128xf32, #tpu.memory_space<hbm>> -> memref<1x1x1x8x128xf32, #tpu.memory_space<hbm>>
      %dma_start3A_1843 = tpu.memref_squeeze %dma_start3A_1842 : memref<1x1x1x8x128xf32, #tpu.memory_space<hbm>> -> memref<8x128xf32, #tpu.memory_space<hbm>>
      %dma_start3A_1844 = arith.constant 0 : i32
      %dma_start3A_1845 = arith.constant 0 : i32
      %dma_start3A_1846 = tpu.memref_slice %arg4[%add3A_1795, %dma_start3A_1836, %select_n3A_1835, %dma_start3A_1844, %dma_start3A_1845] : memref<200x8x32x8x128xf32, #tpu.memory_space<hbm>> -> memref<1x1x1x8x128xf32, #tpu.memory_space<hbm>>
      %dma_start3A_1847 = tpu.memref_squeeze %dma_start3A_1846 : memref<1x1x1x8x128xf32, #tpu.memory_space<hbm>> -> memref<8x128xf32, #tpu.memory_space<hbm>>
      %dma_start3A_1848 = arith.constant 8 : i32
      %dma_start3A_1849 = arith.constant 0 : i32
      %dma_start3A_1850 = tpu.memref_slice %arg8[%dma_start3A_1848, %dma_start3A_1849] : memref<64x128xf32, #tpu.memory_space<vmem>> -> memref<8x128xf32, #tpu.memory_space<vmem>>
      tpu.enqueue_dma source(%dma_start3A_1850 : memref<8x128xf32, #tpu.memory_space<vmem>>) target(%dma_start3A_1847 : memref<8x128xf32, #tpu.memory_space<hbm>>) target_semaphore(%arg12 : memref<!tpu.dma_semaphore, #tpu.memory_space<semaphore_mem>>)
      %add3A_1851 = arith.addi %mul3A_2, %add3A_1631 : i32
      %jit3A_1852 = arith.constant 256 : i32
      %div3A_1853 = arith.divsi %add3A_1851, %jit3A_1852 : i32
      %sign3A_1854 = arith.constant 0 : i32
      %sign3A_1855 = arith.cmpi sgt, %add3A_1851, %sign3A_1854 : i32
      %sign3A_1856 = arith.extui %sign3A_1855 : i1 to i32
      %sign3A_1857 = arith.constant 0 : i32
      %sign3A_1858 = arith.cmpi slt, %add3A_1851, %sign3A_1857 : i32
      %sign3A_1859 = arith.extui %sign3A_1858 : i1 to i32
      %sign3A_1860 = arith.subi %sign3A_1856, %sign3A_1859 : i32
      %sign3A_1861 = arith.constant 0 : i32
      %sign3A_1862 = arith.cmpi sgt, %jit3A_1852, %sign3A_1861 : i32
      %sign3A_1863 = arith.extui %sign3A_1862 : i1 to i32
      %sign3A_1864 = arith.constant 0 : i32
      %sign3A_1865 = arith.cmpi slt, %jit3A_1852, %sign3A_1864 : i32
      %sign3A_1866 = arith.extui %sign3A_1865 : i1 to i32
      %sign3A_1867 = arith.subi %sign3A_1863, %sign3A_1866 : i32
      %ne3A_1868 = arith.cmpi ne, %sign3A_1860, %sign3A_1867 : i32
      %rem3A_1869 = arith.remsi %add3A_1851, %jit3A_1852 : i32
      %ne3A_1870 = arith.constant 0 : i32
      %ne3A_1871 = arith.cmpi ne, %rem3A_1869, %ne3A_1870 : i32
      %and3A_1872 = arith.andi %ne3A_1868, %ne3A_1871 : i1
      %sub3A_1873 = arith.constant 1 : i32
      %sub3A_1874 = arith.subi %div3A_1853, %sub3A_1873 : i32
      %select_n3A_1875 = arith.select %and3A_1872, %sub3A_1874, %div3A_1853 : i32
      %mul3A_1876 = arith.constant 8 : i32
      %mul3A_1877 = arith.muli %select_n3A_1875, %mul3A_1876 : i32
      %jit3A_1878 = arith.constant 8 : i32
      %eq3A_1879 = arith.constant 0 : i32
      %eq3A_1880 = arith.cmpi eq, %jit3A_1878, %eq3A_1879 : i32
      %jit3A_1881 = arith.constant 1 : i32
      %select_n3A_1882 = arith.select %eq3A_1880, %jit3A_1881, %jit3A_1878 : i32
      %rem3A_1883 = arith.remsi %add3A_1851, %select_n3A_1882 : i32
      %ne3A_1884 = arith.constant 0 : i32
      %ne3A_1885 = arith.cmpi ne, %rem3A_1883, %ne3A_1884 : i32
      %lt3A_1886 = arith.constant 0 : i32
      %lt3A_1887 = arith.cmpi slt, %rem3A_1883, %lt3A_1886 : i32
      %lt3A_1888 = arith.constant 0 : i32
      %lt3A_1889 = arith.cmpi slt, %select_n3A_1882, %lt3A_1888 : i32
      %ne3A_1890 = arith.xori %lt3A_1887, %lt3A_1889 : i1
      %and3A_1891 = arith.andi %ne3A_1890, %ne3A_1885 : i1
      %add3A_1892 = arith.addi %rem3A_1883, %select_n3A_1882 : i32
      %select_n3A_1893 = arith.select %and3A_1891, %add3A_1892, %rem3A_1883 : i32
      %add3A_1894 = arith.addi %mul3A_1877, %select_n3A_1893 : i32
      %jit3A_1895 = arith.constant 8 : i32
      %div3A_1896 = arith.divsi %add3A_1851, %jit3A_1895 : i32
      %sign3A_1897 = arith.constant 0 : i32
      %sign3A_1898 = arith.cmpi sgt, %add3A_1851, %sign3A_1897 : i32
      %sign3A_1899 = arith.extui %sign3A_1898 : i1 to i32
      %sign3A_1900 = arith.constant 0 : i32
      %sign3A_1901 = arith.cmpi slt, %add3A_1851, %sign3A_1900 : i32
      %sign3A_1902 = arith.extui %sign3A_1901 : i1 to i32
      %sign3A_1903 = arith.subi %sign3A_1899, %sign3A_1902 : i32
      %sign3A_1904 = arith.constant 0 : i32
      %sign3A_1905 = arith.cmpi sgt, %jit3A_1895, %sign3A_1904 : i32
      %sign3A_1906 = arith.extui %sign3A_1905 : i1 to i32
      %sign3A_1907 = arith.constant 0 : i32
      %sign3A_1908 = arith.cmpi slt, %jit3A_1895, %sign3A_1907 : i32
      %sign3A_1909 = arith.extui %sign3A_1908 : i1 to i32
      %sign3A_1910 = arith.subi %sign3A_1906, %sign3A_1909 : i32
      %ne3A_1911 = arith.cmpi ne, %sign3A_1903, %sign3A_1910 : i32
      %rem3A_1912 = arith.remsi %add3A_1851, %jit3A_1895 : i32
      %ne3A_1913 = arith.constant 0 : i32
      %ne3A_1914 = arith.cmpi ne, %rem3A_1912, %ne3A_1913 : i32
      %and3A_1915 = arith.andi %ne3A_1911, %ne3A_1914 : i1
      %sub3A_1916 = arith.constant 1 : i32
      %sub3A_1917 = arith.subi %div3A_1896, %sub3A_1916 : i32
      %select_n3A_1918 = arith.select %and3A_1915, %sub3A_1917, %div3A_1896 : i32
      %jit3A_1919 = arith.constant 32 : i32
      %eq3A_1920 = arith.constant 0 : i32
      %eq3A_1921 = arith.cmpi eq, %jit3A_1919, %eq3A_1920 : i32
      %jit3A_1922 = arith.constant 1 : i32
      %select_n3A_1923 = arith.select %eq3A_1921, %jit3A_1922, %jit3A_1919 : i32
      %rem3A_1924 = arith.remsi %select_n3A_1918, %select_n3A_1923 : i32
      %ne3A_1925 = arith.constant 0 : i32
      %ne3A_1926 = arith.cmpi ne, %rem3A_1924, %ne3A_1925 : i32
      %lt3A_1927 = arith.constant 0 : i32
      %lt3A_1928 = arith.cmpi slt, %rem3A_1924, %lt3A_1927 : i32
      %lt3A_1929 = arith.constant 0 : i32
      %lt3A_1930 = arith.cmpi slt, %select_n3A_1923, %lt3A_1929 : i32
      %ne3A_1931 = arith.xori %lt3A_1928, %lt3A_1930 : i1
      %and3A_1932 = arith.andi %ne3A_1931, %ne3A_1926 : i1
      %add3A_1933 = arith.addi %rem3A_1924, %select_n3A_1923 : i32
      %select_n3A_1934 = arith.select %and3A_1932, %add3A_1933, %rem3A_1924 : i32
      %dma_start3A_1935 = arith.constant 2 : i32
      %dma_start3A_1936 = arith.constant 16 : i32
      %dma_start3A_1937 = arith.constant 0 : i32
      %dma_start3A_1938 = tpu.memref_slice %arg8[%dma_start3A_1936, %dma_start3A_1937] : memref<64x128xf32, #tpu.memory_space<vmem>> -> memref<8x128xf32, #tpu.memory_space<vmem>>
      %dma_start3A_1939 = arith.constant 0 : i32
      %dma_start3A_1940 = arith.constant 0 : i32
      %dma_start3A_1941 = tpu.memref_slice %arg4[%add3A_1894, %dma_start3A_1935, %select_n3A_1934, %dma_start3A_1939, %dma_start3A_1940] : memref<200x8x32x8x128xf32, #tpu.memory_space<hbm>> -> memref<1x1x1x8x128xf32, #tpu.memory_space<hbm>>
      %dma_start3A_1942 = tpu.memref_squeeze %dma_start3A_1941 : memref<1x1x1x8x128xf32, #tpu.memory_space<hbm>> -> memref<8x128xf32, #tpu.memory_space<hbm>>
      %dma_start3A_1943 = arith.constant 0 : i32
      %dma_start3A_1944 = arith.constant 0 : i32
      %dma_start3A_1945 = tpu.memref_slice %arg4[%add3A_1894, %dma_start3A_1935, %select_n3A_1934, %dma_start3A_1943, %dma_start3A_1944] : memref<200x8x32x8x128xf32, #tpu.memory_space<hbm>> -> memref<1x1x1x8x128xf32, #tpu.memory_space<hbm>>
      %dma_start3A_1946 = tpu.memref_squeeze %dma_start3A_1945 : memref<1x1x1x8x128xf32, #tpu.memory_space<hbm>> -> memref<8x128xf32, #tpu.memory_space<hbm>>
      %dma_start3A_1947 = arith.constant 16 : i32
      %dma_start3A_1948 = arith.constant 0 : i32
      %dma_start3A_1949 = tpu.memref_slice %arg8[%dma_start3A_1947, %dma_start3A_1948] : memref<64x128xf32, #tpu.memory_space<vmem>> -> memref<8x128xf32, #tpu.memory_space<vmem>>
      tpu.enqueue_dma source(%dma_start3A_1949 : memref<8x128xf32, #tpu.memory_space<vmem>>) target(%dma_start3A_1946 : memref<8x128xf32, #tpu.memory_space<hbm>>) target_semaphore(%arg12 : memref<!tpu.dma_semaphore, #tpu.memory_space<semaphore_mem>>)
      %add3A_1950 = arith.addi %mul3A_2, %add3A_1631 : i32
      %jit3A_1951 = arith.constant 256 : i32
      %div3A_1952 = arith.divsi %add3A_1950, %jit3A_1951 : i32
      %sign3A_1953 = arith.constant 0 : i32
      %sign3A_1954 = arith.cmpi sgt, %add3A_1950, %sign3A_1953 : i32
      %sign3A_1955 = arith.extui %sign3A_1954 : i1 to i32
      %sign3A_1956 = arith.constant 0 : i32
      %sign3A_1957 = arith.cmpi slt, %add3A_1950, %sign3A_1956 : i32
      %sign3A_1958 = arith.extui %sign3A_1957 : i1 to i32
      %sign3A_1959 = arith.subi %sign3A_1955, %sign3A_1958 : i32
      %sign3A_1960 = arith.constant 0 : i32
      %sign3A_1961 = arith.cmpi sgt, %jit3A_1951, %sign3A_1960 : i32
      %sign3A_1962 = arith.extui %sign3A_1961 : i1 to i32
      %sign3A_1963 = arith.constant 0 : i32
      %sign3A_1964 = arith.cmpi slt, %jit3A_1951, %sign3A_1963 : i32
      %sign3A_1965 = arith.extui %sign3A_1964 : i1 to i32
      %sign3A_1966 = arith.subi %sign3A_1962, %sign3A_1965 : i32
      %ne3A_1967 = arith.cmpi ne, %sign3A_1959, %sign3A_1966 : i32
      %rem3A_1968 = arith.remsi %add3A_1950, %jit3A_1951 : i32
      %ne3A_1969 = arith.constant 0 : i32
      %ne3A_1970 = arith.cmpi ne, %rem3A_1968, %ne3A_1969 : i32
      %and3A_1971 = arith.andi %ne3A_1967, %ne3A_1970 : i1
      %sub3A_1972 = arith.constant 1 : i32
      %sub3A_1973 = arith.subi %div3A_1952, %sub3A_1972 : i32
      %select_n3A_1974 = arith.select %and3A_1971, %sub3A_1973, %div3A_1952 : i32
      %mul3A_1975 = arith.constant 8 : i32
      %mul3A_1976 = arith.muli %select_n3A_1974, %mul3A_1975 : i32
      %jit3A_1977 = arith.constant 8 : i32
      %eq3A_1978 = arith.constant 0 : i32
      %eq3A_1979 = arith.cmpi eq, %jit3A_1977, %eq3A_1978 : i32
      %jit3A_1980 = arith.constant 1 : i32
      %select_n3A_1981 = arith.select %eq3A_1979, %jit3A_1980, %jit3A_1977 : i32
      %rem3A_1982 = arith.remsi %add3A_1950, %select_n3A_1981 : i32
      %ne3A_1983 = arith.constant 0 : i32
      %ne3A_1984 = arith.cmpi ne, %rem3A_1982, %ne3A_1983 : i32
      %lt3A_1985 = arith.constant 0 : i32
      %lt3A_1986 = arith.cmpi slt, %rem3A_1982, %lt3A_1985 : i32
      %lt3A_1987 = arith.constant 0 : i32
      %lt3A_1988 = arith.cmpi slt, %select_n3A_1981, %lt3A_1987 : i32
      %ne3A_1989 = arith.xori %lt3A_1986, %lt3A_1988 : i1
      %and3A_1990 = arith.andi %ne3A_1989, %ne3A_1984 : i1
      %add3A_1991 = arith.addi %rem3A_1982, %select_n3A_1981 : i32
      %select_n3A_1992 = arith.select %and3A_1990, %add3A_1991, %rem3A_1982 : i32
      %add3A_1993 = arith.addi %mul3A_1976, %select_n3A_1992 : i32
      %jit3A_1994 = arith.constant 8 : i32
      %div3A_1995 = arith.divsi %add3A_1950, %jit3A_1994 : i32
      %sign3A_1996 = arith.constant 0 : i32
      %sign3A_1997 = arith.cmpi sgt, %add3A_1950, %sign3A_1996 : i32
      %sign3A_1998 = arith.extui %sign3A_1997 : i1 to i32
      %sign3A_1999 = arith.constant 0 : i32
      %sign3A_2000 = arith.cmpi slt, %add3A_1950, %sign3A_1999 : i32
      %sign3A_2001 = arith.extui %sign3A_2000 : i1 to i32
      %sign3A_2002 = arith.subi %sign3A_1998, %sign3A_2001 : i32
      %sign3A_2003 = arith.constant 0 : i32
      %sign3A_2004 = arith.cmpi sgt, %jit3A_1994, %sign3A_2003 : i32
      %sign3A_2005 = arith.extui %sign3A_2004 : i1 to i32
      %sign3A_2006 = arith.constant 0 : i32
      %sign3A_2007 = arith.cmpi slt, %jit3A_1994, %sign3A_2006 : i32
      %sign3A_2008 = arith.extui %sign3A_2007 : i1 to i32
      %sign3A_2009 = arith.subi %sign3A_2005, %sign3A_2008 : i32
      %ne3A_2010 = arith.cmpi ne, %sign3A_2002, %sign3A_2009 : i32
      %rem3A_2011 = arith.remsi %add3A_1950, %jit3A_1994 : i32
      %ne3A_2012 = arith.constant 0 : i32
      %ne3A_2013 = arith.cmpi ne, %rem3A_2011, %ne3A_2012 : i32
      %and3A_2014 = arith.andi %ne3A_2010, %ne3A_2013 : i1
      %sub3A_2015 = arith.constant 1 : i32
      %sub3A_2016 = arith.subi %div3A_1995, %sub3A_2015 : i32
      %select_n3A_2017 = arith.select %and3A_2014, %sub3A_2016, %div3A_1995 : i32
      %jit3A_2018 = arith.constant 32 : i32
      %eq3A_2019 = arith.constant 0 : i32
      %eq3A_2020 = arith.cmpi eq, %jit3A_2018, %eq3A_2019 : i32
      %jit3A_2021 = arith.constant 1 : i32
      %select_n3A_2022 = arith.select %eq3A_2020, %jit3A_2021, %jit3A_2018 : i32
      %rem3A_2023 = arith.remsi %select_n3A_2017, %select_n3A_2022 : i32
      %ne3A_2024 = arith.constant 0 : i32
      %ne3A_2025 = arith.cmpi ne, %rem3A_2023, %ne3A_2024 : i32
      %lt3A_2026 = arith.constant 0 : i32
      %lt3A_2027 = arith.cmpi slt, %rem3A_2023, %lt3A_2026 : i32
      %lt3A_2028 = arith.constant 0 : i32
      %lt3A_2029 = arith.cmpi slt, %select_n3A_2022, %lt3A_2028 : i32
      %ne3A_2030 = arith.xori %lt3A_2027, %lt3A_2029 : i1
      %and3A_2031 = arith.andi %ne3A_2030, %ne3A_2025 : i1
      %add3A_2032 = arith.addi %rem3A_2023, %select_n3A_2022 : i32
      %select_n3A_2033 = arith.select %and3A_2031, %add3A_2032, %rem3A_2023 : i32
      %dma_start3A_2034 = arith.constant 3 : i32
      %dma_start3A_2035 = arith.constant 24 : i32
      %dma_start3A_2036 = arith.constant 0 : i32
      %dma_start3A_2037 = tpu.memref_slice %arg8[%dma_start3A_2035, %dma_start3A_2036] : memref<64x128xf32, #tpu.memory_space<vmem>> -> memref<8x128xf32, #tpu.memory_space<vmem>>
      %dma_start3A_2038 = arith.constant 0 : i32
      %dma_start3A_2039 = arith.constant 0 : i32
      %dma_start3A_2040 = tpu.memref_slice %arg4[%add3A_1993, %dma_start3A_2034, %select_n3A_2033, %dma_start3A_2038, %dma_start3A_2039] : memref<200x8x32x8x128xf32, #tpu.memory_space<hbm>> -> memref<1x1x1x8x128xf32, #tpu.memory_space<hbm>>
      %dma_start3A_2041 = tpu.memref_squeeze %dma_start3A_2040 : memref<1x1x1x8x128xf32, #tpu.memory_space<hbm>> -> memref<8x128xf32, #tpu.memory_space<hbm>>
      %dma_start3A_2042 = arith.constant 0 : i32
      %dma_start3A_2043 = arith.constant 0 : i32
      %dma_start3A_2044 = tpu.memref_slice %arg4[%add3A_1993, %dma_start3A_2034, %select_n3A_2033, %dma_start3A_2042, %dma_start3A_2043] : memref<200x8x32x8x128xf32, #tpu.memory_space<hbm>> -> memref<1x1x1x8x128xf32, #tpu.memory_space<hbm>>
      %dma_start3A_2045 = tpu.memref_squeeze %dma_start3A_2044 : memref<1x1x1x8x128xf32, #tpu.memory_space<hbm>> -> memref<8x128xf32, #tpu.memory_space<hbm>>
      %dma_start3A_2046 = arith.constant 24 : i32
      %dma_start3A_2047 = arith.constant 0 : i32
      %dma_start3A_2048 = tpu.memref_slice %arg8[%dma_start3A_2046, %dma_start3A_2047] : memref<64x128xf32, #tpu.memory_space<vmem>> -> memref<8x128xf32, #tpu.memory_space<vmem>>
      tpu.enqueue_dma source(%dma_start3A_2048 : memref<8x128xf32, #tpu.memory_space<vmem>>) target(%dma_start3A_2045 : memref<8x128xf32, #tpu.memory_space<hbm>>) target_semaphore(%arg12 : memref<!tpu.dma_semaphore, #tpu.memory_space<semaphore_mem>>)
      %add3A_2049 = arith.addi %mul3A_2, %add3A_1631 : i32
      %jit3A_2050 = arith.constant 256 : i32
      %div3A_2051 = arith.divsi %add3A_2049, %jit3A_2050 : i32
      %sign3A_2052 = arith.constant 0 : i32
      %sign3A_2053 = arith.cmpi sgt, %add3A_2049, %sign3A_2052 : i32
      %sign3A_2054 = arith.extui %sign3A_2053 : i1 to i32
      %sign3A_2055 = arith.constant 0 : i32
      %sign3A_2056 = arith.cmpi slt, %add3A_2049, %sign3A_2055 : i32
      %sign3A_2057 = arith.extui %sign3A_2056 : i1 to i32
      %sign3A_2058 = arith.subi %sign3A_2054, %sign3A_2057 : i32
      %sign3A_2059 = arith.constant 0 : i32
      %sign3A_2060 = arith.cmpi sgt, %jit3A_2050, %sign3A_2059 : i32
      %sign3A_2061 = arith.extui %sign3A_2060 : i1 to i32
      %sign3A_2062 = arith.constant 0 : i32
      %sign3A_2063 = arith.cmpi slt, %jit3A_2050, %sign3A_2062 : i32
      %sign3A_2064 = arith.extui %sign3A_2063 : i1 to i32
      %sign3A_2065 = arith.subi %sign3A_2061, %sign3A_2064 : i32
      %ne3A_2066 = arith.cmpi ne, %sign3A_2058, %sign3A_2065 : i32
      %rem3A_2067 = arith.remsi %add3A_2049, %jit3A_2050 : i32
      %ne3A_2068 = arith.constant 0 : i32
      %ne3A_2069 = arith.cmpi ne, %rem3A_2067, %ne3A_2068 : i32
      %and3A_2070 = arith.andi %ne3A_2066, %ne3A_2069 : i1
      %sub3A_2071 = arith.constant 1 : i32
      %sub3A_2072 = arith.subi %div3A_2051, %sub3A_2071 : i32
      %select_n3A_2073 = arith.select %and3A_2070, %sub3A_2072, %div3A_2051 : i32
      %mul3A_2074 = arith.constant 8 : i32
      %mul3A_2075 = arith.muli %select_n3A_2073, %mul3A_2074 : i32
      %jit3A_2076 = arith.constant 8 : i32
      %eq3A_2077 = arith.constant 0 : i32
      %eq3A_2078 = arith.cmpi eq, %jit3A_2076, %eq3A_2077 : i32
      %jit3A_2079 = arith.constant 1 : i32
      %select_n3A_2080 = arith.select %eq3A_2078, %jit3A_2079, %jit3A_2076 : i32
      %rem3A_2081 = arith.remsi %add3A_2049, %select_n3A_2080 : i32
      %ne3A_2082 = arith.constant 0 : i32
      %ne3A_2083 = arith.cmpi ne, %rem3A_2081, %ne3A_2082 : i32
      %lt3A_2084 = arith.constant 0 : i32
      %lt3A_2085 = arith.cmpi slt, %rem3A_2081, %lt3A_2084 : i32
      %lt3A_2086 = arith.constant 0 : i32
      %lt3A_2087 = arith.cmpi slt, %select_n3A_2080, %lt3A_2086 : i32
      %ne3A_2088 = arith.xori %lt3A_2085, %lt3A_2087 : i1
      %and3A_2089 = arith.andi %ne3A_2088, %ne3A_2083 : i1
      %add3A_2090 = arith.addi %rem3A_2081, %select_n3A_2080 : i32
      %select_n3A_2091 = arith.select %and3A_2089, %add3A_2090, %rem3A_2081 : i32
      %add3A_2092 = arith.addi %mul3A_2075, %select_n3A_2091 : i32
      %jit3A_2093 = arith.constant 8 : i32
      %div3A_2094 = arith.divsi %add3A_2049, %jit3A_2093 : i32
      %sign3A_2095 = arith.constant 0 : i32
      %sign3A_2096 = arith.cmpi sgt, %add3A_2049, %sign3A_2095 : i32
      %sign3A_2097 = arith.extui %sign3A_2096 : i1 to i32
      %sign3A_2098 = arith.constant 0 : i32
      %sign3A_2099 = arith.cmpi slt, %add3A_2049, %sign3A_2098 : i32
      %sign3A_2100 = arith.extui %sign3A_2099 : i1 to i32
      %sign3A_2101 = arith.subi %sign3A_2097, %sign3A_2100 : i32
      %sign3A_2102 = arith.constant 0 : i32
      %sign3A_2103 = arith.cmpi sgt, %jit3A_2093, %sign3A_2102 : i32
      %sign3A_2104 = arith.extui %sign3A_2103 : i1 to i32
      %sign3A_2105 = arith.constant 0 : i32
      %sign3A_2106 = arith.cmpi slt, %jit3A_2093, %sign3A_2105 : i32
      %sign3A_2107 = arith.extui %sign3A_2106 : i1 to i32
      %sign3A_2108 = arith.subi %sign3A_2104, %sign3A_2107 : i32
      %ne3A_2109 = arith.cmpi ne, %sign3A_2101, %sign3A_2108 : i32
      %rem3A_2110 = arith.remsi %add3A_2049, %jit3A_2093 : i32
      %ne3A_2111 = arith.constant 0 : i32
      %ne3A_2112 = arith.cmpi ne, %rem3A_2110, %ne3A_2111 : i32
      %and3A_2113 = arith.andi %ne3A_2109, %ne3A_2112 : i1
      %sub3A_2114 = arith.constant 1 : i32
      %sub3A_2115 = arith.subi %div3A_2094, %sub3A_2114 : i32
      %select_n3A_2116 = arith.select %and3A_2113, %sub3A_2115, %div3A_2094 : i32
      %jit3A_2117 = arith.constant 32 : i32
      %eq3A_2118 = arith.constant 0 : i32
      %eq3A_2119 = arith.cmpi eq, %jit3A_2117, %eq3A_2118 : i32
      %jit3A_2120 = arith.constant 1 : i32
      %select_n3A_2121 = arith.select %eq3A_2119, %jit3A_2120, %jit3A_2117 : i32
      %rem3A_2122 = arith.remsi %select_n3A_2116, %select_n3A_2121 : i32
      %ne3A_2123 = arith.constant 0 : i32
      %ne3A_2124 = arith.cmpi ne, %rem3A_2122, %ne3A_2123 : i32
      %lt3A_2125 = arith.constant 0 : i32
      %lt3A_2126 = arith.cmpi slt, %rem3A_2122, %lt3A_2125 : i32
      %lt3A_2127 = arith.constant 0 : i32
      %lt3A_2128 = arith.cmpi slt, %select_n3A_2121, %lt3A_2127 : i32
      %ne3A_2129 = arith.xori %lt3A_2126, %lt3A_2128 : i1
      %and3A_2130 = arith.andi %ne3A_2129, %ne3A_2124 : i1
      %add3A_2131 = arith.addi %rem3A_2122, %select_n3A_2121 : i32
      %select_n3A_2132 = arith.select %and3A_2130, %add3A_2131, %rem3A_2122 : i32
      %dma_start3A_2133 = arith.constant 4 : i32
      %dma_start3A_2134 = arith.constant 32 : i32
      %dma_start3A_2135 = arith.constant 0 : i32
      %dma_start3A_2136 = tpu.memref_slice %arg8[%dma_start3A_2134, %dma_start3A_2135] : memref<64x128xf32, #tpu.memory_space<vmem>> -> memref<8x128xf32, #tpu.memory_space<vmem>>
      %dma_start3A_2137 = arith.constant 0 : i32
      %dma_start3A_2138 = arith.constant 0 : i32
      %dma_start3A_2139 = tpu.memref_slice %arg4[%add3A_2092, %dma_start3A_2133, %select_n3A_2132, %dma_start3A_2137, %dma_start3A_2138] : memref<200x8x32x8x128xf32, #tpu.memory_space<hbm>> -> memref<1x1x1x8x128xf32, #tpu.memory_space<hbm>>
      %dma_start3A_2140 = tpu.memref_squeeze %dma_start3A_2139 : memref<1x1x1x8x128xf32, #tpu.memory_space<hbm>> -> memref<8x128xf32, #tpu.memory_space<hbm>>
      %dma_start3A_2141 = arith.constant 0 : i32
      %dma_start3A_2142 = arith.constant 0 : i32
      %dma_start3A_2143 = tpu.memref_slice %arg4[%add3A_2092, %dma_start3A_2133, %select_n3A_2132, %dma_start3A_2141, %dma_start3A_2142] : memref<200x8x32x8x128xf32, #tpu.memory_space<hbm>> -> memref<1x1x1x8x128xf32, #tpu.memory_space<hbm>>
      %dma_start3A_2144 = tpu.memref_squeeze %dma_start3A_2143 : memref<1x1x1x8x128xf32, #tpu.memory_space<hbm>> -> memref<8x128xf32, #tpu.memory_space<hbm>>
      %dma_start3A_2145 = arith.constant 32 : i32
      %dma_start3A_2146 = arith.constant 0 : i32
      %dma_start3A_2147 = tpu.memref_slice %arg8[%dma_start3A_2145, %dma_start3A_2146] : memref<64x128xf32, #tpu.memory_space<vmem>> -> memref<8x128xf32, #tpu.memory_space<vmem>>
      tpu.enqueue_dma source(%dma_start3A_2147 : memref<8x128xf32, #tpu.memory_space<vmem>>) target(%dma_start3A_2144 : memref<8x128xf32, #tpu.memory_space<hbm>>) target_semaphore(%arg12 : memref<!tpu.dma_semaphore, #tpu.memory_space<semaphore_mem>>)
      %add3A_2148 = arith.addi %mul3A_2, %add3A_1631 : i32
      %jit3A_2149 = arith.constant 256 : i32
      %div3A_2150 = arith.divsi %add3A_2148, %jit3A_2149 : i32
      %sign3A_2151 = arith.constant 0 : i32
      %sign3A_2152 = arith.cmpi sgt, %add3A_2148, %sign3A_2151 : i32
      %sign3A_2153 = arith.extui %sign3A_2152 : i1 to i32
      %sign3A_2154 = arith.constant 0 : i32
      %sign3A_2155 = arith.cmpi slt, %add3A_2148, %sign3A_2154 : i32
      %sign3A_2156 = arith.extui %sign3A_2155 : i1 to i32
      %sign3A_2157 = arith.subi %sign3A_2153, %sign3A_2156 : i32
      %sign3A_2158 = arith.constant 0 : i32
      %sign3A_2159 = arith.cmpi sgt, %jit3A_2149, %sign3A_2158 : i32
      %sign3A_2160 = arith.extui %sign3A_2159 : i1 to i32
      %sign3A_2161 = arith.constant 0 : i32
      %sign3A_2162 = arith.cmpi slt, %jit3A_2149, %sign3A_2161 : i32
      %sign3A_2163 = arith.extui %sign3A_2162 : i1 to i32
      %sign3A_2164 = arith.subi %sign3A_2160, %sign3A_2163 : i32
      %ne3A_2165 = arith.cmpi ne, %sign3A_2157, %sign3A_2164 : i32
      %rem3A_2166 = arith.remsi %add3A_2148, %jit3A_2149 : i32
      %ne3A_2167 = arith.constant 0 : i32
      %ne3A_2168 = arith.cmpi ne, %rem3A_2166, %ne3A_2167 : i32
      %and3A_2169 = arith.andi %ne3A_2165, %ne3A_2168 : i1
      %sub3A_2170 = arith.constant 1 : i32
      %sub3A_2171 = arith.subi %div3A_2150, %sub3A_2170 : i32
      %select_n3A_2172 = arith.select %and3A_2169, %sub3A_2171, %div3A_2150 : i32
      %mul3A_2173 = arith.constant 8 : i32
      %mul3A_2174 = arith.muli %select_n3A_2172, %mul3A_2173 : i32
      %jit3A_2175 = arith.constant 8 : i32
      %eq3A_2176 = arith.constant 0 : i32
      %eq3A_2177 = arith.cmpi eq, %jit3A_2175, %eq3A_2176 : i32
      %jit3A_2178 = arith.constant 1 : i32
      %select_n3A_2179 = arith.select %eq3A_2177, %jit3A_2178, %jit3A_2175 : i32
      %rem3A_2180 = arith.remsi %add3A_2148, %select_n3A_2179 : i32
      %ne3A_2181 = arith.constant 0 : i32
      %ne3A_2182 = arith.cmpi ne, %rem3A_2180, %ne3A_2181 : i32
      %lt3A_2183 = arith.constant 0 : i32
      %lt3A_2184 = arith.cmpi slt, %rem3A_2180, %lt3A_2183 : i32
      %lt3A_2185 = arith.constant 0 : i32
      %lt3A_2186 = arith.cmpi slt, %select_n3A_2179, %lt3A_2185 : i32
      %ne3A_2187 = arith.xori %lt3A_2184, %lt3A_2186 : i1
      %and3A_2188 = arith.andi %ne3A_2187, %ne3A_2182 : i1
      %add3A_2189 = arith.addi %rem3A_2180, %select_n3A_2179 : i32
      %select_n3A_2190 = arith.select %and3A_2188, %add3A_2189, %rem3A_2180 : i32
      %add3A_2191 = arith.addi %mul3A_2174, %select_n3A_2190 : i32
      %jit3A_2192 = arith.constant 8 : i32
      %div3A_2193 = arith.divsi %add3A_2148, %jit3A_2192 : i32
      %sign3A_2194 = arith.constant 0 : i32
      %sign3A_2195 = arith.cmpi sgt, %add3A_2148, %sign3A_2194 : i32
      %sign3A_2196 = arith.extui %sign3A_2195 : i1 to i32
      %sign3A_2197 = arith.constant 0 : i32
      %sign3A_2198 = arith.cmpi slt, %add3A_2148, %sign3A_2197 : i32
      %sign3A_2199 = arith.extui %sign3A_2198 : i1 to i32
      %sign3A_2200 = arith.subi %sign3A_2196, %sign3A_2199 : i32
      %sign3A_2201 = arith.constant 0 : i32
      %sign3A_2202 = arith.cmpi sgt, %jit3A_2192, %sign3A_2201 : i32
      %sign3A_2203 = arith.extui %sign3A_2202 : i1 to i32
      %sign3A_2204 = arith.constant 0 : i32
      %sign3A_2205 = arith.cmpi slt, %jit3A_2192, %sign3A_2204 : i32
      %sign3A_2206 = arith.extui %sign3A_2205 : i1 to i32
      %sign3A_2207 = arith.subi %sign3A_2203, %sign3A_2206 : i32
      %ne3A_2208 = arith.cmpi ne, %sign3A_2200, %sign3A_2207 : i32
      %rem3A_2209 = arith.remsi %add3A_2148, %jit3A_2192 : i32
      %ne3A_2210 = arith.constant 0 : i32
      %ne3A_2211 = arith.cmpi ne, %rem3A_2209, %ne3A_2210 : i32
      %and3A_2212 = arith.andi %ne3A_2208, %ne3A_2211 : i1
      %sub3A_2213 = arith.constant 1 : i32
      %sub3A_2214 = arith.subi %div3A_2193, %sub3A_2213 : i32
      %select_n3A_2215 = arith.select %and3A_2212, %sub3A_2214, %div3A_2193 : i32
      %jit3A_2216 = arith.constant 32 : i32
      %eq3A_2217 = arith.constant 0 : i32
      %eq3A_2218 = arith.cmpi eq, %jit3A_2216, %eq3A_2217 : i32
      %jit3A_2219 = arith.constant 1 : i32
      %select_n3A_2220 = arith.select %eq3A_2218, %jit3A_2219, %jit3A_2216 : i32
      %rem3A_2221 = arith.remsi %select_n3A_2215, %select_n3A_2220 : i32
      %ne3A_2222 = arith.constant 0 : i32
      %ne3A_2223 = arith.cmpi ne, %rem3A_2221, %ne3A_2222 : i32
      %lt3A_2224 = arith.constant 0 : i32
      %lt3A_2225 = arith.cmpi slt, %rem3A_2221, %lt3A_2224 : i32
      %lt3A_2226 = arith.constant 0 : i32
      %lt3A_2227 = arith.cmpi slt, %select_n3A_2220, %lt3A_2226 : i32
      %ne3A_2228 = arith.xori %lt3A_2225, %lt3A_2227 : i1
      %and3A_2229 = arith.andi %ne3A_2228, %ne3A_2223 : i1
      %add3A_2230 = arith.addi %rem3A_2221, %select_n3A_2220 : i32
      %select_n3A_2231 = arith.select %and3A_2229, %add3A_2230, %rem3A_2221 : i32
      %dma_start3A_2232 = arith.constant 5 : i32
      %dma_start3A_2233 = arith.constant 40 : i32
      %dma_start3A_2234 = arith.constant 0 : i32
      %dma_start3A_2235 = tpu.memref_slice %arg8[%dma_start3A_2233, %dma_start3A_2234] : memref<64x128xf32, #tpu.memory_space<vmem>> -> memref<8x128xf32, #tpu.memory_space<vmem>>
      %dma_start3A_2236 = arith.constant 0 : i32
      %dma_start3A_2237 = arith.constant 0 : i32
      %dma_start3A_2238 = tpu.memref_slice %arg4[%add3A_2191, %dma_start3A_2232, %select_n3A_2231, %dma_start3A_2236, %dma_start3A_2237] : memref<200x8x32x8x128xf32, #tpu.memory_space<hbm>> -> memref<1x1x1x8x128xf32, #tpu.memory_space<hbm>>
      %dma_start3A_2239 = tpu.memref_squeeze %dma_start3A_2238 : memref<1x1x1x8x128xf32, #tpu.memory_space<hbm>> -> memref<8x128xf32, #tpu.memory_space<hbm>>
      %dma_start3A_2240 = arith.constant 0 : i32
      %dma_start3A_2241 = arith.constant 0 : i32
      %dma_start3A_2242 = tpu.memref_slice %arg4[%add3A_2191, %dma_start3A_2232, %select_n3A_2231, %dma_start3A_2240, %dma_start3A_2241] : memref<200x8x32x8x128xf32, #tpu.memory_space<hbm>> -> memref<1x1x1x8x128xf32, #tpu.memory_space<hbm>>
      %dma_start3A_2243 = tpu.memref_squeeze %dma_start3A_2242 : memref<1x1x1x8x128xf32, #tpu.memory_space<hbm>> -> memref<8x128xf32, #tpu.memory_space<hbm>>
      %dma_start3A_2244 = arith.constant 40 : i32
      %dma_start3A_2245 = arith.constant 0 : i32
      %dma_start3A_2246 = tpu.memref_slice %arg8[%dma_start3A_2244, %dma_start3A_2245] : memref<64x128xf32, #tpu.memory_space<vmem>> -> memref<8x128xf32, #tpu.memory_space<vmem>>
      tpu.enqueue_dma source(%dma_start3A_2246 : memref<8x128xf32, #tpu.memory_space<vmem>>) target(%dma_start3A_2243 : memref<8x128xf32, #tpu.memory_space<hbm>>) target_semaphore(%arg12 : memref<!tpu.dma_semaphore, #tpu.memory_space<semaphore_mem>>)
      %add3A_2247 = arith.addi %mul3A_2, %add3A_1631 : i32
      %jit3A_2248 = arith.constant 256 : i32
      %div3A_2249 = arith.divsi %add3A_2247, %jit3A_2248 : i32
      %sign3A_2250 = arith.constant 0 : i32
      %sign3A_2251 = arith.cmpi sgt, %add3A_2247, %sign3A_2250 : i32
      %sign3A_2252 = arith.extui %sign3A_2251 : i1 to i32
      %sign3A_2253 = arith.constant 0 : i32
      %sign3A_2254 = arith.cmpi slt, %add3A_2247, %sign3A_2253 : i32
      %sign3A_2255 = arith.extui %sign3A_2254 : i1 to i32
      %sign3A_2256 = arith.subi %sign3A_2252, %sign3A_2255 : i32
      %sign3A_2257 = arith.constant 0 : i32
      %sign3A_2258 = arith.cmpi sgt, %jit3A_2248, %sign3A_2257 : i32
      %sign3A_2259 = arith.extui %sign3A_2258 : i1 to i32
      %sign3A_2260 = arith.constant 0 : i32
      %sign3A_2261 = arith.cmpi slt, %jit3A_2248, %sign3A_2260 : i32
      %sign3A_2262 = arith.extui %sign3A_2261 : i1 to i32
      %sign3A_2263 = arith.subi %sign3A_2259, %sign3A_2262 : i32
      %ne3A_2264 = arith.cmpi ne, %sign3A_2256, %sign3A_2263 : i32
      %rem3A_2265 = arith.remsi %add3A_2247, %jit3A_2248 : i32
      %ne3A_2266 = arith.constant 0 : i32
      %ne3A_2267 = arith.cmpi ne, %rem3A_2265, %ne3A_2266 : i32
      %and3A_2268 = arith.andi %ne3A_2264, %ne3A_2267 : i1
      %sub3A_2269 = arith.constant 1 : i32
      %sub3A_2270 = arith.subi %div3A_2249, %sub3A_2269 : i32
      %select_n3A_2271 = arith.select %and3A_2268, %sub3A_2270, %div3A_2249 : i32
      %mul3A_2272 = arith.constant 8 : i32
      %mul3A_2273 = arith.muli %select_n3A_2271, %mul3A_2272 : i32
      %jit3A_2274 = arith.constant 8 : i32
      %eq3A_2275 = arith.constant 0 : i32
      %eq3A_2276 = arith.cmpi eq, %jit3A_2274, %eq3A_2275 : i32
      %jit3A_2277 = arith.constant 1 : i32
      %select_n3A_2278 = arith.select %eq3A_2276, %jit3A_2277, %jit3A_2274 : i32
      %rem3A_2279 = arith.remsi %add3A_2247, %select_n3A_2278 : i32
      %ne3A_2280 = arith.constant 0 : i32
      %ne3A_2281 = arith.cmpi ne, %rem3A_2279, %ne3A_2280 : i32
      %lt3A_2282 = arith.constant 0 : i32
      %lt3A_2283 = arith.cmpi slt, %rem3A_2279, %lt3A_2282 : i32
      %lt3A_2284 = arith.constant 0 : i32
      %lt3A_2285 = arith.cmpi slt, %select_n3A_2278, %lt3A_2284 : i32
      %ne3A_2286 = arith.xori %lt3A_2283, %lt3A_2285 : i1
      %and3A_2287 = arith.andi %ne3A_2286, %ne3A_2281 : i1
      %add3A_2288 = arith.addi %rem3A_2279, %select_n3A_2278 : i32
      %select_n3A_2289 = arith.select %and3A_2287, %add3A_2288, %rem3A_2279 : i32
      %add3A_2290 = arith.addi %mul3A_2273, %select_n3A_2289 : i32
      %jit3A_2291 = arith.constant 8 : i32
      %div3A_2292 = arith.divsi %add3A_2247, %jit3A_2291 : i32
      %sign3A_2293 = arith.constant 0 : i32
      %sign3A_2294 = arith.cmpi sgt, %add3A_2247, %sign3A_2293 : i32
      %sign3A_2295 = arith.extui %sign3A_2294 : i1 to i32
      %sign3A_2296 = arith.constant 0 : i32
      %sign3A_2297 = arith.cmpi slt, %add3A_2247, %sign3A_2296 : i32
      %sign3A_2298 = arith.extui %sign3A_2297 : i1 to i32
      %sign3A_2299 = arith.subi %sign3A_2295, %sign3A_2298 : i32
      %sign3A_2300 = arith.constant 0 : i32
      %sign3A_2301 = arith.cmpi sgt, %jit3A_2291, %sign3A_2300 : i32
      %sign3A_2302 = arith.extui %sign3A_2301 : i1 to i32
      %sign3A_2303 = arith.constant 0 : i32
      %sign3A_2304 = arith.cmpi slt, %jit3A_2291, %sign3A_2303 : i32
      %sign3A_2305 = arith.extui %sign3A_2304 : i1 to i32
      %sign3A_2306 = arith.subi %sign3A_2302, %sign3A_2305 : i32
      %ne3A_2307 = arith.cmpi ne, %sign3A_2299, %sign3A_2306 : i32
      %rem3A_2308 = arith.remsi %add3A_2247, %jit3A_2291 : i32
      %ne3A_2309 = arith.constant 0 : i32
      %ne3A_2310 = arith.cmpi ne, %rem3A_2308, %ne3A_2309 : i32
      %and3A_2311 = arith.andi %ne3A_2307, %ne3A_2310 : i1
      %sub3A_2312 = arith.constant 1 : i32
      %sub3A_2313 = arith.subi %div3A_2292, %sub3A_2312 : i32
      %select_n3A_2314 = arith.select %and3A_2311, %sub3A_2313, %div3A_2292 : i32
      %jit3A_2315 = arith.constant 32 : i32
      %eq3A_2316 = arith.constant 0 : i32
      %eq3A_2317 = arith.cmpi eq, %jit3A_2315, %eq3A_2316 : i32
      %jit3A_2318 = arith.constant 1 : i32
      %select_n3A_2319 = arith.select %eq3A_2317, %jit3A_2318, %jit3A_2315 : i32
      %rem3A_2320 = arith.remsi %select_n3A_2314, %select_n3A_2319 : i32
      %ne3A_2321 = arith.constant 0 : i32
      %ne3A_2322 = arith.cmpi ne, %rem3A_2320, %ne3A_2321 : i32
      %lt3A_2323 = arith.constant 0 : i32
      %lt3A_2324 = arith.cmpi slt, %rem3A_2320, %lt3A_2323 : i32
      %lt3A_2325 = arith.constant 0 : i32
      %lt3A_2326 = arith.cmpi slt, %select_n3A_2319, %lt3A_2325 : i32
      %ne3A_2327 = arith.xori %lt3A_2324, %lt3A_2326 : i1
      %and3A_2328 = arith.andi %ne3A_2327, %ne3A_2322 : i1
      %add3A_2329 = arith.addi %rem3A_2320, %select_n3A_2319 : i32
      %select_n3A_2330 = arith.select %and3A_2328, %add3A_2329, %rem3A_2320 : i32
      %dma_start3A_2331 = arith.constant 6 : i32
      %dma_start3A_2332 = arith.constant 48 : i32
      %dma_start3A_2333 = arith.constant 0 : i32
      %dma_start3A_2334 = tpu.memref_slice %arg8[%dma_start3A_2332, %dma_start3A_2333] : memref<64x128xf32, #tpu.memory_space<vmem>> -> memref<8x128xf32, #tpu.memory_space<vmem>>
      %dma_start3A_2335 = arith.constant 0 : i32
      %dma_start3A_2336 = arith.constant 0 : i32
      %dma_start3A_2337 = tpu.memref_slice %arg4[%add3A_2290, %dma_start3A_2331, %select_n3A_2330, %dma_start3A_2335, %dma_start3A_2336] : memref<200x8x32x8x128xf32, #tpu.memory_space<hbm>> -> memref<1x1x1x8x128xf32, #tpu.memory_space<hbm>>
      %dma_start3A_2338 = tpu.memref_squeeze %dma_start3A_2337 : memref<1x1x1x8x128xf32, #tpu.memory_space<hbm>> -> memref<8x128xf32, #tpu.memory_space<hbm>>
      %dma_start3A_2339 = arith.constant 0 : i32
      %dma_start3A_2340 = arith.constant 0 : i32
      %dma_start3A_2341 = tpu.memref_slice %arg4[%add3A_2290, %dma_start3A_2331, %select_n3A_2330, %dma_start3A_2339, %dma_start3A_2340] : memref<200x8x32x8x128xf32, #tpu.memory_space<hbm>> -> memref<1x1x1x8x128xf32, #tpu.memory_space<hbm>>
      %dma_start3A_2342 = tpu.memref_squeeze %dma_start3A_2341 : memref<1x1x1x8x128xf32, #tpu.memory_space<hbm>> -> memref<8x128xf32, #tpu.memory_space<hbm>>
      %dma_start3A_2343 = arith.constant 48 : i32
      %dma_start3A_2344 = arith.constant 0 : i32
      %dma_start3A_2345 = tpu.memref_slice %arg8[%dma_start3A_2343, %dma_start3A_2344] : memref<64x128xf32, #tpu.memory_space<vmem>> -> memref<8x128xf32, #tpu.memory_space<vmem>>
      tpu.enqueue_dma source(%dma_start3A_2345 : memref<8x128xf32, #tpu.memory_space<vmem>>) target(%dma_start3A_2342 : memref<8x128xf32, #tpu.memory_space<hbm>>) target_semaphore(%arg12 : memref<!tpu.dma_semaphore, #tpu.memory_space<semaphore_mem>>)
      %add3A_2346 = arith.addi %mul3A_2, %add3A_1631 : i32
      %jit3A_2347 = arith.constant 256 : i32
      %div3A_2348 = arith.divsi %add3A_2346, %jit3A_2347 : i32
      %sign3A_2349 = arith.constant 0 : i32
      %sign3A_2350 = arith.cmpi sgt, %add3A_2346, %sign3A_2349 : i32
      %sign3A_2351 = arith.extui %sign3A_2350 : i1 to i32
      %sign3A_2352 = arith.constant 0 : i32
      %sign3A_2353 = arith.cmpi slt, %add3A_2346, %sign3A_2352 : i32
      %sign3A_2354 = arith.extui %sign3A_2353 : i1 to i32
      %sign3A_2355 = arith.subi %sign3A_2351, %sign3A_2354 : i32
      %sign3A_2356 = arith.constant 0 : i32
      %sign3A_2357 = arith.cmpi sgt, %jit3A_2347, %sign3A_2356 : i32
      %sign3A_2358 = arith.extui %sign3A_2357 : i1 to i32
      %sign3A_2359 = arith.constant 0 : i32
      %sign3A_2360 = arith.cmpi slt, %jit3A_2347, %sign3A_2359 : i32
      %sign3A_2361 = arith.extui %sign3A_2360 : i1 to i32
      %sign3A_2362 = arith.subi %sign3A_2358, %sign3A_2361 : i32
      %ne3A_2363 = arith.cmpi ne, %sign3A_2355, %sign3A_2362 : i32
      %rem3A_2364 = arith.remsi %add3A_2346, %jit3A_2347 : i32
      %ne3A_2365 = arith.constant 0 : i32
      %ne3A_2366 = arith.cmpi ne, %rem3A_2364, %ne3A_2365 : i32
      %and3A_2367 = arith.andi %ne3A_2363, %ne3A_2366 : i1
      %sub3A_2368 = arith.constant 1 : i32
      %sub3A_2369 = arith.subi %div3A_2348, %sub3A_2368 : i32
      %select_n3A_2370 = arith.select %and3A_2367, %sub3A_2369, %div3A_2348 : i32
      %mul3A_2371 = arith.constant 8 : i32
      %mul3A_2372 = arith.muli %select_n3A_2370, %mul3A_2371 : i32
      %jit3A_2373 = arith.constant 8 : i32
      %eq3A_2374 = arith.constant 0 : i32
      %eq3A_2375 = arith.cmpi eq, %jit3A_2373, %eq3A_2374 : i32
      %jit3A_2376 = arith.constant 1 : i32
      %select_n3A_2377 = arith.select %eq3A_2375, %jit3A_2376, %jit3A_2373 : i32
      %rem3A_2378 = arith.remsi %add3A_2346, %select_n3A_2377 : i32
      %ne3A_2379 = arith.constant 0 : i32
      %ne3A_2380 = arith.cmpi ne, %rem3A_2378, %ne3A_2379 : i32
      %lt3A_2381 = arith.constant 0 : i32
      %lt3A_2382 = arith.cmpi slt, %rem3A_2378, %lt3A_2381 : i32
      %lt3A_2383 = arith.constant 0 : i32
      %lt3A_2384 = arith.cmpi slt, %select_n3A_2377, %lt3A_2383 : i32
      %ne3A_2385 = arith.xori %lt3A_2382, %lt3A_2384 : i1
      %and3A_2386 = arith.andi %ne3A_2385, %ne3A_2380 : i1
      %add3A_2387 = arith.addi %rem3A_2378, %select_n3A_2377 : i32
      %select_n3A_2388 = arith.select %and3A_2386, %add3A_2387, %rem3A_2378 : i32
      %add3A_2389 = arith.addi %mul3A_2372, %select_n3A_2388 : i32
      %jit3A_2390 = arith.constant 8 : i32
      %div3A_2391 = arith.divsi %add3A_2346, %jit3A_2390 : i32
      %sign3A_2392 = arith.constant 0 : i32
      %sign3A_2393 = arith.cmpi sgt, %add3A_2346, %sign3A_2392 : i32
      %sign3A_2394 = arith.extui %sign3A_2393 : i1 to i32
      %sign3A_2395 = arith.constant 0 : i32
      %sign3A_2396 = arith.cmpi slt, %add3A_2346, %sign3A_2395 : i32
      %sign3A_2397 = arith.extui %sign3A_2396 : i1 to i32
      %sign3A_2398 = arith.subi %sign3A_2394, %sign3A_2397 : i32
      %sign3A_2399 = arith.constant 0 : i32
      %sign3A_2400 = arith.cmpi sgt, %jit3A_2390, %sign3A_2399 : i32
      %sign3A_2401 = arith.extui %sign3A_2400 : i1 to i32
      %sign3A_2402 = arith.constant 0 : i32
      %sign3A_2403 = arith.cmpi slt, %jit3A_2390, %sign3A_2402 : i32
      %sign3A_2404 = arith.extui %sign3A_2403 : i1 to i32
      %sign3A_2405 = arith.subi %sign3A_2401, %sign3A_2404 : i32
      %ne3A_2406 = arith.cmpi ne, %sign3A_2398, %sign3A_2405 : i32
      %rem3A_2407 = arith.remsi %add3A_2346, %jit3A_2390 : i32
      %ne3A_2408 = arith.constant 0 : i32
      %ne3A_2409 = arith.cmpi ne, %rem3A_2407, %ne3A_2408 : i32
      %and3A_2410 = arith.andi %ne3A_2406, %ne3A_2409 : i1
      %sub3A_2411 = arith.constant 1 : i32
      %sub3A_2412 = arith.subi %div3A_2391, %sub3A_2411 : i32
      %select_n3A_2413 = arith.select %and3A_2410, %sub3A_2412, %div3A_2391 : i32
      %jit3A_2414 = arith.constant 32 : i32
      %eq3A_2415 = arith.constant 0 : i32
      %eq3A_2416 = arith.cmpi eq, %jit3A_2414, %eq3A_2415 : i32
      %jit3A_2417 = arith.constant 1 : i32
      %select_n3A_2418 = arith.select %eq3A_2416, %jit3A_2417, %jit3A_2414 : i32
      %rem3A_2419 = arith.remsi %select_n3A_2413, %select_n3A_2418 : i32
      %ne3A_2420 = arith.constant 0 : i32
      %ne3A_2421 = arith.cmpi ne, %rem3A_2419, %ne3A_2420 : i32
      %lt3A_2422 = arith.constant 0 : i32
      %lt3A_2423 = arith.cmpi slt, %rem3A_2419, %lt3A_2422 : i32
      %lt3A_2424 = arith.constant 0 : i32
      %lt3A_2425 = arith.cmpi slt, %select_n3A_2418, %lt3A_2424 : i32
      %ne3A_2426 = arith.xori %lt3A_2423, %lt3A_2425 : i1
      %and3A_2427 = arith.andi %ne3A_2426, %ne3A_2421 : i1
      %add3A_2428 = arith.addi %rem3A_2419, %select_n3A_2418 : i32
      %select_n3A_2429 = arith.select %and3A_2427, %add3A_2428, %rem3A_2419 : i32
      %dma_start3A_2430 = arith.constant 7 : i32
      %dma_start3A_2431 = arith.constant 56 : i32
      %dma_start3A_2432 = arith.constant 0 : i32
      %dma_start3A_2433 = tpu.memref_slice %arg8[%dma_start3A_2431, %dma_start3A_2432] : memref<64x128xf32, #tpu.memory_space<vmem>> -> memref<8x128xf32, #tpu.memory_space<vmem>>
      %dma_start3A_2434 = arith.constant 0 : i32
      %dma_start3A_2435 = arith.constant 0 : i32
      %dma_start3A_2436 = tpu.memref_slice %arg4[%add3A_2389, %dma_start3A_2430, %select_n3A_2429, %dma_start3A_2434, %dma_start3A_2435] : memref<200x8x32x8x128xf32, #tpu.memory_space<hbm>> -> memref<1x1x1x8x128xf32, #tpu.memory_space<hbm>>
      %dma_start3A_2437 = tpu.memref_squeeze %dma_start3A_2436 : memref<1x1x1x8x128xf32, #tpu.memory_space<hbm>> -> memref<8x128xf32, #tpu.memory_space<hbm>>
      %dma_start3A_2438 = arith.constant 0 : i32
      %dma_start3A_2439 = arith.constant 0 : i32
      %dma_start3A_2440 = tpu.memref_slice %arg4[%add3A_2389, %dma_start3A_2430, %select_n3A_2429, %dma_start3A_2438, %dma_start3A_2439] : memref<200x8x32x8x128xf32, #tpu.memory_space<hbm>> -> memref<1x1x1x8x128xf32, #tpu.memory_space<hbm>>
      %dma_start3A_2441 = tpu.memref_squeeze %dma_start3A_2440 : memref<1x1x1x8x128xf32, #tpu.memory_space<hbm>> -> memref<8x128xf32, #tpu.memory_space<hbm>>
      %dma_start3A_2442 = arith.constant 56 : i32
      %dma_start3A_2443 = arith.constant 0 : i32
      %dma_start3A_2444 = tpu.memref_slice %arg8[%dma_start3A_2442, %dma_start3A_2443] : memref<64x128xf32, #tpu.memory_space<vmem>> -> memref<8x128xf32, #tpu.memory_space<vmem>>
      tpu.enqueue_dma source(%dma_start3A_2444 : memref<8x128xf32, #tpu.memory_space<vmem>>) target(%dma_start3A_2441 : memref<8x128xf32, #tpu.memory_space<hbm>>) target_semaphore(%arg12 : memref<!tpu.dma_semaphore, #tpu.memory_space<semaphore_mem>>)
      %mul3A_2445 = arith.constant 2 : i32
      %mul3A_2446 = arith.muli %scan3A_1627, %mul3A_2445 : i32
      %add3A_2447 = arith.constant 1 : i32
      %add3A_2448 = arith.addi %mul3A_2446, %add3A_2447 : i32
      %add3A_2449 = arith.constant 1 : i32
      %add3A_2450 = arith.addi %add3A_2448, %add3A_2449 : i32
      %lt3A_2451 = arith.constant 200 : i32
      %lt3A_2452 = arith.cmpi slt, %add3A_2450, %lt3A_2451 : i32
      %convert_element_type3A_2453 = arith.extui %lt3A_2452 : i1 to i32
      %cond3A_2454 = arith.constant 0 : i32
      %cond3A_2455 = arith.cmpi ne, %convert_element_type3A_2453, %cond3A_2454 : i32
      scf.if %cond3A_2455 {
        %add3A_3265 = arith.constant 1 : i32
        %add3A_3266 = arith.addi %add3A_2448, %add3A_3265 : i32
        %mul3A_3267 = arith.constant 128 : i32
        %mul3A_3268 = arith.muli %add3A_3266, %mul3A_3267 : i32
        %dma_start3A_3269 = tpu.memref_slice %arg5[%mul3A_3268] : memref<25600xi32, #tpu.memory_space<vmem>> -> memref<128xi32, #tpu.memory_space<vmem>>
        %dma_start3A_3270 = arith.constant 0 : i32
        %dma_start3A_3271 = arith.constant 0 : i32
        %dma_start3A_3272 = tpu.memref_slice %arg3[%dma_start3A_3270, %dma_start3A_3271] : memref<1000000x64xf32, #tpu.memory_space<hbm>> -> memref<1000000x64xf32, #tpu.memory_space<hbm>>
        tpu.enqueue_indirect_dma source(%dma_start3A_3272 : memref<1000000x64xf32, #tpu.memory_space<hbm>>) target(%arg6 : memref<128x64xf32, #tpu.memory_space<vmem>>) offsets(%dma_start3A_3269 : memref<128xi32, #tpu.memory_space<vmem>>) semaphore(%arg10 : memref<!tpu.dma_semaphore, #tpu.memory_space<semaphore_mem>>)
      } else {
      }
      %mul3A_2456 = arith.constant 128 : i32
      %mul3A_2457 = arith.muli %add3A_2448, %mul3A_2456 : i32
      %dma_wait3A_2458 = tpu.memref_slice %arg5[%mul3A_2457] : memref<25600xi32, #tpu.memory_space<vmem>> -> memref<128xi32, #tpu.memory_space<vmem>>
      %dma_wait3A_2459 = arith.constant 0 : i32
      %dma_wait3A_2460 = arith.constant 0 : i32
      %dma_wait3A_2461 = tpu.memref_slice %arg3[%dma_wait3A_2459, %dma_wait3A_2460] : memref<1000000x64xf32, #tpu.memory_space<hbm>> -> memref<1000000x64xf32, #tpu.memory_space<hbm>>
      tpu.wait_indirect_dma semaphore(%arg11 : memref<!tpu.dma_semaphore, #tpu.memory_space<semaphore_mem>>) src(%dma_wait3A_2461 : memref<1000000x64xf32, #tpu.memory_space<hbm>>) dst(%arg7 : memref<128x64xf32, #tpu.memory_space<vmem>>)
      %ge3A_2462 = arith.constant 2 : i32
      %ge3A_2463 = arith.cmpi sge, %add3A_2448, %ge3A_2462 : i32
      %convert_element_type3A_2464 = arith.extui %ge3A_2463 : i1 to i32
      %cond3A_2465 = arith.constant 0 : i32
      %cond3A_2466 = arith.cmpi ne, %convert_element_type3A_2464, %cond3A_2465 : i32
      scf.if %cond3A_2466 {
        %sub3A_3265 = arith.constant 2 : i32
        %sub3A_3266 = arith.subi %add3A_2448, %sub3A_3265 : i32
        %add3A_3267 = arith.addi %mul3A_2, %sub3A_3266 : i32
        %jit3A_3268 = arith.constant 256 : i32
        %div3A_3269 = arith.divsi %add3A_3267, %jit3A_3268 : i32
        %sign3A_3270 = arith.constant 0 : i32
        %sign3A_3271 = arith.cmpi sgt, %add3A_3267, %sign3A_3270 : i32
        %sign3A_3272 = arith.extui %sign3A_3271 : i1 to i32
        %sign3A_3273 = arith.constant 0 : i32
        %sign3A_3274 = arith.cmpi slt, %add3A_3267, %sign3A_3273 : i32
        %sign3A_3275 = arith.extui %sign3A_3274 : i1 to i32
        %sign3A_3276 = arith.subi %sign3A_3272, %sign3A_3275 : i32
        %sign3A_3277 = arith.constant 0 : i32
        %sign3A_3278 = arith.cmpi sgt, %jit3A_3268, %sign3A_3277 : i32
        %sign3A_3279 = arith.extui %sign3A_3278 : i1 to i32
        %sign3A_3280 = arith.constant 0 : i32
        %sign3A_3281 = arith.cmpi slt, %jit3A_3268, %sign3A_3280 : i32
        %sign3A_3282 = arith.extui %sign3A_3281 : i1 to i32
        %sign3A_3283 = arith.subi %sign3A_3279, %sign3A_3282 : i32
        %ne3A_3284 = arith.cmpi ne, %sign3A_3276, %sign3A_3283 : i32
        %rem3A_3285 = arith.remsi %add3A_3267, %jit3A_3268 : i32
        %ne3A_3286 = arith.constant 0 : i32
        %ne3A_3287 = arith.cmpi ne, %rem3A_3285, %ne3A_3286 : i32
        %and3A_3288 = arith.andi %ne3A_3284, %ne3A_3287 : i1
        %sub3A_3289 = arith.constant 1 : i32
        %sub3A_3290 = arith.subi %div3A_3269, %sub3A_3289 : i32
        %select_n3A_3291 = arith.select %and3A_3288, %sub3A_3290, %div3A_3269 : i32
        %mul3A_3292 = arith.constant 8 : i32
        %mul3A_3293 = arith.muli %select_n3A_3291, %mul3A_3292 : i32
        %jit3A_3294 = arith.constant 8 : i32
        %eq3A_3295 = arith.constant 0 : i32
        %eq3A_3296 = arith.cmpi eq, %jit3A_3294, %eq3A_3295 : i32
        %jit3A_3297 = arith.constant 1 : i32
        %select_n3A_3298 = arith.select %eq3A_3296, %jit3A_3297, %jit3A_3294 : i32
        %rem3A_3299 = arith.remsi %add3A_3267, %select_n3A_3298 : i32
        %ne3A_3300 = arith.constant 0 : i32
        %ne3A_3301 = arith.cmpi ne, %rem3A_3299, %ne3A_3300 : i32
        %lt3A_3302 = arith.constant 0 : i32
        %lt3A_3303 = arith.cmpi slt, %rem3A_3299, %lt3A_3302 : i32
        %lt3A_3304 = arith.constant 0 : i32
        %lt3A_3305 = arith.cmpi slt, %select_n3A_3298, %lt3A_3304 : i32
        %ne3A_3306 = arith.xori %lt3A_3303, %lt3A_3305 : i1
        %and3A_3307 = arith.andi %ne3A_3306, %ne3A_3301 : i1
        %add3A_3308 = arith.addi %rem3A_3299, %select_n3A_3298 : i32
        %select_n3A_3309 = arith.select %and3A_3307, %add3A_3308, %rem3A_3299 : i32
        %add3A_3310 = arith.addi %mul3A_3293, %select_n3A_3309 : i32
        %jit3A_3311 = arith.constant 8 : i32
        %div3A_3312 = arith.divsi %add3A_3267, %jit3A_3311 : i32
        %sign3A_3313 = arith.constant 0 : i32
        %sign3A_3314 = arith.cmpi sgt, %add3A_3267, %sign3A_3313 : i32
        %sign3A_3315 = arith.extui %sign3A_3314 : i1 to i32
        %sign3A_3316 = arith.constant 0 : i32
        %sign3A_3317 = arith.cmpi slt, %add3A_3267, %sign3A_3316 : i32
        %sign3A_3318 = arith.extui %sign3A_3317 : i1 to i32
        %sign3A_3319 = arith.subi %sign3A_3315, %sign3A_3318 : i32
        %sign3A_3320 = arith.constant 0 : i32
        %sign3A_3321 = arith.cmpi sgt, %jit3A_3311, %sign3A_3320 : i32
        %sign3A_3322 = arith.extui %sign3A_3321 : i1 to i32
        %sign3A_3323 = arith.constant 0 : i32
        %sign3A_3324 = arith.cmpi slt, %jit3A_3311, %sign3A_3323 : i32
        %sign3A_3325 = arith.extui %sign3A_3324 : i1 to i32
        %sign3A_3326 = arith.subi %sign3A_3322, %sign3A_3325 : i32
        %ne3A_3327 = arith.cmpi ne, %sign3A_3319, %sign3A_3326 : i32
        %rem3A_3328 = arith.remsi %add3A_3267, %jit3A_3311 : i32
        %ne3A_3329 = arith.constant 0 : i32
        %ne3A_3330 = arith.cmpi ne, %rem3A_3328, %ne3A_3329 : i32
        %and3A_3331 = arith.andi %ne3A_3327, %ne3A_3330 : i1
        %sub3A_3332 = arith.constant 1 : i32
        %sub3A_3333 = arith.subi %div3A_3312, %sub3A_3332 : i32
        %select_n3A_3334 = arith.select %and3A_3331, %sub3A_3333, %div3A_3312 : i32
        %jit3A_3335 = arith.constant 32 : i32
        %eq3A_3336 = arith.constant 0 : i32
        %eq3A_3337 = arith.cmpi eq, %jit3A_3335, %eq3A_3336 : i32
        %jit3A_3338 = arith.constant 1 : i32
        %select_n3A_3339 = arith.select %eq3A_3337, %jit3A_3338, %jit3A_3335 : i32
        %rem3A_3340 = arith.remsi %select_n3A_3334, %select_n3A_3339 : i32
        %ne3A_3341 = arith.constant 0 : i32
        %ne3A_3342 = arith.cmpi ne, %rem3A_3340, %ne3A_3341 : i32
        %lt3A_3343 = arith.constant 0 : i32
        %lt3A_3344 = arith.cmpi slt, %rem3A_3340, %lt3A_3343 : i32
        %lt3A_3345 = arith.constant 0 : i32
        %lt3A_3346 = arith.cmpi slt, %select_n3A_3339, %lt3A_3345 : i32
        %ne3A_3347 = arith.xori %lt3A_3344, %lt3A_3346 : i1
        %and3A_3348 = arith.andi %ne3A_3347, %ne3A_3342 : i1
        %add3A_3349 = arith.addi %rem3A_3340, %select_n3A_3339 : i32
        %select_n3A_3350 = arith.select %and3A_3348, %add3A_3349, %rem3A_3340 : i32
        %dma_wait3A_3351 = arith.constant 0 : i32
        %dma_wait3A_3352 = arith.constant 0 : i32
        %dma_wait3A_3353 = arith.constant 0 : i32
        %dma_wait3A_3354 = tpu.memref_slice %arg9[%dma_wait3A_3352, %dma_wait3A_3353] : memref<64x128xf32, #tpu.memory_space<vmem>> -> memref<8x128xf32, #tpu.memory_space<vmem>>
        %dma_wait3A_3355 = arith.constant 0 : i32
        %dma_wait3A_3356 = arith.constant 0 : i32
        %dma_wait3A_3357 = tpu.memref_slice %arg4[%add3A_3310, %dma_wait3A_3351, %select_n3A_3350, %dma_wait3A_3355, %dma_wait3A_3356] : memref<200x8x32x8x128xf32, #tpu.memory_space<hbm>> -> memref<1x1x1x8x128xf32, #tpu.memory_space<hbm>>
        %dma_wait3A_3358 = tpu.memref_squeeze %dma_wait3A_3357 : memref<1x1x1x8x128xf32, #tpu.memory_space<hbm>> -> memref<8x128xf32, #tpu.memory_space<hbm>>
        %dma_wait3A_3359 = arith.constant 0 : i32
        %dma_wait3A_3360 = arith.constant 0 : i32
        %dma_wait3A_3361 = tpu.memref_slice %arg4[%add3A_3310, %dma_wait3A_3351, %select_n3A_3350, %dma_wait3A_3359, %dma_wait3A_3360] : memref<200x8x32x8x128xf32, #tpu.memory_space<hbm>> -> memref<1x1x1x8x128xf32, #tpu.memory_space<hbm>>
        %dma_wait3A_3362 = tpu.memref_squeeze %dma_wait3A_3361 : memref<1x1x1x8x128xf32, #tpu.memory_space<hbm>> -> memref<8x128xf32, #tpu.memory_space<hbm>>
        %dma_wait3A_3363 = arith.constant 0 : i32
        %dma_wait3A_3364 = arith.constant 0 : i32
        %dma_wait3A_3365 = tpu.memref_slice %arg9[%dma_wait3A_3363, %dma_wait3A_3364] : memref<64x128xf32, #tpu.memory_space<vmem>> -> memref<8x128xf32, #tpu.memory_space<vmem>>
        tpu.wait_dma2 semaphore(%arg13 : memref<!tpu.dma_semaphore, #tpu.memory_space<semaphore_mem>>) src(%dma_wait3A_3365 : memref<8x128xf32, #tpu.memory_space<vmem>>) dst(%dma_wait3A_3362 : memref<8x128xf32, #tpu.memory_space<hbm>>)
        %sub3A_3366 = arith.constant 2 : i32
        %sub3A_3367 = arith.subi %add3A_2448, %sub3A_3366 : i32
        %add3A_3368 = arith.addi %mul3A_2, %sub3A_3367 : i32
        %jit3A_3369 = arith.constant 256 : i32
        %div3A_3370 = arith.divsi %add3A_3368, %jit3A_3369 : i32
        %sign3A_3371 = arith.constant 0 : i32
        %sign3A_3372 = arith.cmpi sgt, %add3A_3368, %sign3A_3371 : i32
        %sign3A_3373 = arith.extui %sign3A_3372 : i1 to i32
        %sign3A_3374 = arith.constant 0 : i32
        %sign3A_3375 = arith.cmpi slt, %add3A_3368, %sign3A_3374 : i32
        %sign3A_3376 = arith.extui %sign3A_3375 : i1 to i32
        %sign3A_3377 = arith.subi %sign3A_3373, %sign3A_3376 : i32
        %sign3A_3378 = arith.constant 0 : i32
        %sign3A_3379 = arith.cmpi sgt, %jit3A_3369, %sign3A_3378 : i32
        %sign3A_3380 = arith.extui %sign3A_3379 : i1 to i32
        %sign3A_3381 = arith.constant 0 : i32
        %sign3A_3382 = arith.cmpi slt, %jit3A_3369, %sign3A_3381 : i32
        %sign3A_3383 = arith.extui %sign3A_3382 : i1 to i32
        %sign3A_3384 = arith.subi %sign3A_3380, %sign3A_3383 : i32
        %ne3A_3385 = arith.cmpi ne, %sign3A_3377, %sign3A_3384 : i32
        %rem3A_3386 = arith.remsi %add3A_3368, %jit3A_3369 : i32
        %ne3A_3387 = arith.constant 0 : i32
        %ne3A_3388 = arith.cmpi ne, %rem3A_3386, %ne3A_3387 : i32
        %and3A_3389 = arith.andi %ne3A_3385, %ne3A_3388 : i1
        %sub3A_3390 = arith.constant 1 : i32
        %sub3A_3391 = arith.subi %div3A_3370, %sub3A_3390 : i32
        %select_n3A_3392 = arith.select %and3A_3389, %sub3A_3391, %div3A_3370 : i32
        %mul3A_3393 = arith.constant 8 : i32
        %mul3A_3394 = arith.muli %select_n3A_3392, %mul3A_3393 : i32
        %jit3A_3395 = arith.constant 8 : i32
        %eq3A_3396 = arith.constant 0 : i32
        %eq3A_3397 = arith.cmpi eq, %jit3A_3395, %eq3A_3396 : i32
        %jit3A_3398 = arith.constant 1 : i32
        %select_n3A_3399 = arith.select %eq3A_3397, %jit3A_3398, %jit3A_3395 : i32
        %rem3A_3400 = arith.remsi %add3A_3368, %select_n3A_3399 : i32
        %ne3A_3401 = arith.constant 0 : i32
        %ne3A_3402 = arith.cmpi ne, %rem3A_3400, %ne3A_3401 : i32
        %lt3A_3403 = arith.constant 0 : i32
        %lt3A_3404 = arith.cmpi slt, %rem3A_3400, %lt3A_3403 : i32
        %lt3A_3405 = arith.constant 0 : i32
        %lt3A_3406 = arith.cmpi slt, %select_n3A_3399, %lt3A_3405 : i32
        %ne3A_3407 = arith.xori %lt3A_3404, %lt3A_3406 : i1
        %and3A_3408 = arith.andi %ne3A_3407, %ne3A_3402 : i1
        %add3A_3409 = arith.addi %rem3A_3400, %select_n3A_3399 : i32
        %select_n3A_3410 = arith.select %and3A_3408, %add3A_3409, %rem3A_3400 : i32
        %add3A_3411 = arith.addi %mul3A_3394, %select_n3A_3410 : i32
        %jit3A_3412 = arith.constant 8 : i32
        %div3A_3413 = arith.divsi %add3A_3368, %jit3A_3412 : i32
        %sign3A_3414 = arith.constant 0 : i32
        %sign3A_3415 = arith.cmpi sgt, %add3A_3368, %sign3A_3414 : i32
        %sign3A_3416 = arith.extui %sign3A_3415 : i1 to i32
        %sign3A_3417 = arith.constant 0 : i32
        %sign3A_3418 = arith.cmpi slt, %add3A_3368, %sign3A_3417 : i32
        %sign3A_3419 = arith.extui %sign3A_3418 : i1 to i32
        %sign3A_3420 = arith.subi %sign3A_3416, %sign3A_3419 : i32
        %sign3A_3421 = arith.constant 0 : i32
        %sign3A_3422 = arith.cmpi sgt, %jit3A_3412, %sign3A_3421 : i32
        %sign3A_3423 = arith.extui %sign3A_3422 : i1 to i32
        %sign3A_3424 = arith.constant 0 : i32
        %sign3A_3425 = arith.cmpi slt, %jit3A_3412, %sign3A_3424 : i32
        %sign3A_3426 = arith.extui %sign3A_3425 : i1 to i32
        %sign3A_3427 = arith.subi %sign3A_3423, %sign3A_3426 : i32
        %ne3A_3428 = arith.cmpi ne, %sign3A_3420, %sign3A_3427 : i32
        %rem3A_3429 = arith.remsi %add3A_3368, %jit3A_3412 : i32
        %ne3A_3430 = arith.constant 0 : i32
        %ne3A_3431 = arith.cmpi ne, %rem3A_3429, %ne3A_3430 : i32
        %and3A_3432 = arith.andi %ne3A_3428, %ne3A_3431 : i1
        %sub3A_3433 = arith.constant 1 : i32
        %sub3A_3434 = arith.subi %div3A_3413, %sub3A_3433 : i32
        %select_n3A_3435 = arith.select %and3A_3432, %sub3A_3434, %div3A_3413 : i32
        %jit3A_3436 = arith.constant 32 : i32
        %eq3A_3437 = arith.constant 0 : i32
        %eq3A_3438 = arith.cmpi eq, %jit3A_3436, %eq3A_3437 : i32
        %jit3A_3439 = arith.constant 1 : i32
        %select_n3A_3440 = arith.select %eq3A_3438, %jit3A_3439, %jit3A_3436 : i32
        %rem3A_3441 = arith.remsi %select_n3A_3435, %select_n3A_3440 : i32
        %ne3A_3442 = arith.constant 0 : i32
        %ne3A_3443 = arith.cmpi ne, %rem3A_3441, %ne3A_3442 : i32
        %lt3A_3444 = arith.constant 0 : i32
        %lt3A_3445 = arith.cmpi slt, %rem3A_3441, %lt3A_3444 : i32
        %lt3A_3446 = arith.constant 0 : i32
        %lt3A_3447 = arith.cmpi slt, %select_n3A_3440, %lt3A_3446 : i32
        %ne3A_3448 = arith.xori %lt3A_3445, %lt3A_3447 : i1
        %and3A_3449 = arith.andi %ne3A_3448, %ne3A_3443 : i1
        %add3A_3450 = arith.addi %rem3A_3441, %select_n3A_3440 : i32
        %select_n3A_3451 = arith.select %and3A_3449, %add3A_3450, %rem3A_3441 : i32
        %dma_wait3A_3452 = arith.constant 1 : i32
        %dma_wait3A_3453 = arith.constant 8 : i32
        %dma_wait3A_3454 = arith.constant 0 : i32
        %dma_wait3A_3455 = tpu.memref_slice %arg9[%dma_wait3A_3453, %dma_wait3A_3454] : memref<64x128xf32, #tpu.memory_space<vmem>> -> memref<8x128xf32, #tpu.memory_space<vmem>>
        %dma_wait3A_3456 = arith.constant 0 : i32
        %dma_wait3A_3457 = arith.constant 0 : i32
        %dma_wait3A_3458 = tpu.memref_slice %arg4[%add3A_3411, %dma_wait3A_3452, %select_n3A_3451, %dma_wait3A_3456, %dma_wait3A_3457] : memref<200x8x32x8x128xf32, #tpu.memory_space<hbm>> -> memref<1x1x1x8x128xf32, #tpu.memory_space<hbm>>
        %dma_wait3A_3459 = tpu.memref_squeeze %dma_wait3A_3458 : memref<1x1x1x8x128xf32, #tpu.memory_space<hbm>> -> memref<8x128xf32, #tpu.memory_space<hbm>>
        %dma_wait3A_3460 = arith.constant 0 : i32
        %dma_wait3A_3461 = arith.constant 0 : i32
        %dma_wait3A_3462 = tpu.memref_slice %arg4[%add3A_3411, %dma_wait3A_3452, %select_n3A_3451, %dma_wait3A_3460, %dma_wait3A_3461] : memref<200x8x32x8x128xf32, #tpu.memory_space<hbm>> -> memref<1x1x1x8x128xf32, #tpu.memory_space<hbm>>
        %dma_wait3A_3463 = tpu.memref_squeeze %dma_wait3A_3462 : memref<1x1x1x8x128xf32, #tpu.memory_space<hbm>> -> memref<8x128xf32, #tpu.memory_space<hbm>>
        %dma_wait3A_3464 = arith.constant 8 : i32
        %dma_wait3A_3465 = arith.constant 0 : i32
        %dma_wait3A_3466 = tpu.memref_slice %arg9[%dma_wait3A_3464, %dma_wait3A_3465] : memref<64x128xf32, #tpu.memory_space<vmem>> -> memref<8x128xf32, #tpu.memory_space<vmem>>
        tpu.wait_dma2 semaphore(%arg13 : memref<!tpu.dma_semaphore, #tpu.memory_space<semaphore_mem>>) src(%dma_wait3A_3466 : memref<8x128xf32, #tpu.memory_space<vmem>>) dst(%dma_wait3A_3463 : memref<8x128xf32, #tpu.memory_space<hbm>>)
        %sub3A_3467 = arith.constant 2 : i32
        %sub3A_3468 = arith.subi %add3A_2448, %sub3A_3467 : i32
        %add3A_3469 = arith.addi %mul3A_2, %sub3A_3468 : i32
        %jit3A_3470 = arith.constant 256 : i32
        %div3A_3471 = arith.divsi %add3A_3469, %jit3A_3470 : i32
        %sign3A_3472 = arith.constant 0 : i32
        %sign3A_3473 = arith.cmpi sgt, %add3A_3469, %sign3A_3472 : i32
        %sign3A_3474 = arith.extui %sign3A_3473 : i1 to i32
        %sign3A_3475 = arith.constant 0 : i32
        %sign3A_3476 = arith.cmpi slt, %add3A_3469, %sign3A_3475 : i32
        %sign3A_3477 = arith.extui %sign3A_3476 : i1 to i32
        %sign3A_3478 = arith.subi %sign3A_3474, %sign3A_3477 : i32
        %sign3A_3479 = arith.constant 0 : i32
        %sign3A_3480 = arith.cmpi sgt, %jit3A_3470, %sign3A_3479 : i32
        %sign3A_3481 = arith.extui %sign3A_3480 : i1 to i32
        %sign3A_3482 = arith.constant 0 : i32
        %sign3A_3483 = arith.cmpi slt, %jit3A_3470, %sign3A_3482 : i32
        %sign3A_3484 = arith.extui %sign3A_3483 : i1 to i32
        %sign3A_3485 = arith.subi %sign3A_3481, %sign3A_3484 : i32
        %ne3A_3486 = arith.cmpi ne, %sign3A_3478, %sign3A_3485 : i32
        %rem3A_3487 = arith.remsi %add3A_3469, %jit3A_3470 : i32
        %ne3A_3488 = arith.constant 0 : i32
        %ne3A_3489 = arith.cmpi ne, %rem3A_3487, %ne3A_3488 : i32
        %and3A_3490 = arith.andi %ne3A_3486, %ne3A_3489 : i1
        %sub3A_3491 = arith.constant 1 : i32
        %sub3A_3492 = arith.subi %div3A_3471, %sub3A_3491 : i32
        %select_n3A_3493 = arith.select %and3A_3490, %sub3A_3492, %div3A_3471 : i32
        %mul3A_3494 = arith.constant 8 : i32
        %mul3A_3495 = arith.muli %select_n3A_3493, %mul3A_3494 : i32
        %jit3A_3496 = arith.constant 8 : i32
        %eq3A_3497 = arith.constant 0 : i32
        %eq3A_3498 = arith.cmpi eq, %jit3A_3496, %eq3A_3497 : i32
        %jit3A_3499 = arith.constant 1 : i32
        %select_n3A_3500 = arith.select %eq3A_3498, %jit3A_3499, %jit3A_3496 : i32
        %rem3A_3501 = arith.remsi %add3A_3469, %select_n3A_3500 : i32
        %ne3A_3502 = arith.constant 0 : i32
        %ne3A_3503 = arith.cmpi ne, %rem3A_3501, %ne3A_3502 : i32
        %lt3A_3504 = arith.constant 0 : i32
        %lt3A_3505 = arith.cmpi slt, %rem3A_3501, %lt3A_3504 : i32
        %lt3A_3506 = arith.constant 0 : i32
        %lt3A_3507 = arith.cmpi slt, %select_n3A_3500, %lt3A_3506 : i32
        %ne3A_3508 = arith.xori %lt3A_3505, %lt3A_3507 : i1
        %and3A_3509 = arith.andi %ne3A_3508, %ne3A_3503 : i1
        %add3A_3510 = arith.addi %rem3A_3501, %select_n3A_3500 : i32
        %select_n3A_3511 = arith.select %and3A_3509, %add3A_3510, %rem3A_3501 : i32
        %add3A_3512 = arith.addi %mul3A_3495, %select_n3A_3511 : i32
        %jit3A_3513 = arith.constant 8 : i32
        %div3A_3514 = arith.divsi %add3A_3469, %jit3A_3513 : i32
        %sign3A_3515 = arith.constant 0 : i32
        %sign3A_3516 = arith.cmpi sgt, %add3A_3469, %sign3A_3515 : i32
        %sign3A_3517 = arith.extui %sign3A_3516 : i1 to i32
        %sign3A_3518 = arith.constant 0 : i32
        %sign3A_3519 = arith.cmpi slt, %add3A_3469, %sign3A_3518 : i32
        %sign3A_3520 = arith.extui %sign3A_3519 : i1 to i32
        %sign3A_3521 = arith.subi %sign3A_3517, %sign3A_3520 : i32
        %sign3A_3522 = arith.constant 0 : i32
        %sign3A_3523 = arith.cmpi sgt, %jit3A_3513, %sign3A_3522 : i32
        %sign3A_3524 = arith.extui %sign3A_3523 : i1 to i32
        %sign3A_3525 = arith.constant 0 : i32
        %sign3A_3526 = arith.cmpi slt, %jit3A_3513, %sign3A_3525 : i32
        %sign3A_3527 = arith.extui %sign3A_3526 : i1 to i32
        %sign3A_3528 = arith.subi %sign3A_3524, %sign3A_3527 : i32
        %ne3A_3529 = arith.cmpi ne, %sign3A_3521, %sign3A_3528 : i32
        %rem3A_3530 = arith.remsi %add3A_3469, %jit3A_3513 : i32
        %ne3A_3531 = arith.constant 0 : i32
        %ne3A_3532 = arith.cmpi ne, %rem3A_3530, %ne3A_3531 : i32
        %and3A_3533 = arith.andi %ne3A_3529, %ne3A_3532 : i1
        %sub3A_3534 = arith.constant 1 : i32
        %sub3A_3535 = arith.subi %div3A_3514, %sub3A_3534 : i32
        %select_n3A_3536 = arith.select %and3A_3533, %sub3A_3535, %div3A_3514 : i32
        %jit3A_3537 = arith.constant 32 : i32
        %eq3A_3538 = arith.constant 0 : i32
        %eq3A_3539 = arith.cmpi eq, %jit3A_3537, %eq3A_3538 : i32
        %jit3A_3540 = arith.constant 1 : i32
        %select_n3A_3541 = arith.select %eq3A_3539, %jit3A_3540, %jit3A_3537 : i32
        %rem3A_3542 = arith.remsi %select_n3A_3536, %select_n3A_3541 : i32
        %ne3A_3543 = arith.constant 0 : i32
        %ne3A_3544 = arith.cmpi ne, %rem3A_3542, %ne3A_3543 : i32
        %lt3A_3545 = arith.constant 0 : i32
        %lt3A_3546 = arith.cmpi slt, %rem3A_3542, %lt3A_3545 : i32
        %lt3A_3547 = arith.constant 0 : i32
        %lt3A_3548 = arith.cmpi slt, %select_n3A_3541, %lt3A_3547 : i32
        %ne3A_3549 = arith.xori %lt3A_3546, %lt3A_3548 : i1
        %and3A_3550 = arith.andi %ne3A_3549, %ne3A_3544 : i1
        %add3A_3551 = arith.addi %rem3A_3542, %select_n3A_3541 : i32
        %select_n3A_3552 = arith.select %and3A_3550, %add3A_3551, %rem3A_3542 : i32
        %dma_wait3A_3553 = arith.constant 2 : i32
        %dma_wait3A_3554 = arith.constant 16 : i32
        %dma_wait3A_3555 = arith.constant 0 : i32
        %dma_wait3A_3556 = tpu.memref_slice %arg9[%dma_wait3A_3554, %dma_wait3A_3555] : memref<64x128xf32, #tpu.memory_space<vmem>> -> memref<8x128xf32, #tpu.memory_space<vmem>>
        %dma_wait3A_3557 = arith.constant 0 : i32
        %dma_wait3A_3558 = arith.constant 0 : i32
        %dma_wait3A_3559 = tpu.memref_slice %arg4[%add3A_3512, %dma_wait3A_3553, %select_n3A_3552, %dma_wait3A_3557, %dma_wait3A_3558] : memref<200x8x32x8x128xf32, #tpu.memory_space<hbm>> -> memref<1x1x1x8x128xf32, #tpu.memory_space<hbm>>
        %dma_wait3A_3560 = tpu.memref_squeeze %dma_wait3A_3559 : memref<1x1x1x8x128xf32, #tpu.memory_space<hbm>> -> memref<8x128xf32, #tpu.memory_space<hbm>>
        %dma_wait3A_3561 = arith.constant 0 : i32
        %dma_wait3A_3562 = arith.constant 0 : i32
        %dma_wait3A_3563 = tpu.memref_slice %arg4[%add3A_3512, %dma_wait3A_3553, %select_n3A_3552, %dma_wait3A_3561, %dma_wait3A_3562] : memref<200x8x32x8x128xf32, #tpu.memory_space<hbm>> -> memref<1x1x1x8x128xf32, #tpu.memory_space<hbm>>
        %dma_wait3A_3564 = tpu.memref_squeeze %dma_wait3A_3563 : memref<1x1x1x8x128xf32, #tpu.memory_space<hbm>> -> memref<8x128xf32, #tpu.memory_space<hbm>>
        %dma_wait3A_3565 = arith.constant 16 : i32
        %dma_wait3A_3566 = arith.constant 0 : i32
        %dma_wait3A_3567 = tpu.memref_slice %arg9[%dma_wait3A_3565, %dma_wait3A_3566] : memref<64x128xf32, #tpu.memory_space<vmem>> -> memref<8x128xf32, #tpu.memory_space<vmem>>
        tpu.wait_dma2 semaphore(%arg13 : memref<!tpu.dma_semaphore, #tpu.memory_space<semaphore_mem>>) src(%dma_wait3A_3567 : memref<8x128xf32, #tpu.memory_space<vmem>>) dst(%dma_wait3A_3564 : memref<8x128xf32, #tpu.memory_space<hbm>>)
        %sub3A_3568 = arith.constant 2 : i32
        %sub3A_3569 = arith.subi %add3A_2448, %sub3A_3568 : i32
        %add3A_3570 = arith.addi %mul3A_2, %sub3A_3569 : i32
        %jit3A_3571 = arith.constant 256 : i32
        %div3A_3572 = arith.divsi %add3A_3570, %jit3A_3571 : i32
        %sign3A_3573 = arith.constant 0 : i32
        %sign3A_3574 = arith.cmpi sgt, %add3A_3570, %sign3A_3573 : i32
        %sign3A_3575 = arith.extui %sign3A_3574 : i1 to i32
        %sign3A_3576 = arith.constant 0 : i32
        %sign3A_3577 = arith.cmpi slt, %add3A_3570, %sign3A_3576 : i32
        %sign3A_3578 = arith.extui %sign3A_3577 : i1 to i32
        %sign3A_3579 = arith.subi %sign3A_3575, %sign3A_3578 : i32
        %sign3A_3580 = arith.constant 0 : i32
        %sign3A_3581 = arith.cmpi sgt, %jit3A_3571, %sign3A_3580 : i32
        %sign3A_3582 = arith.extui %sign3A_3581 : i1 to i32
        %sign3A_3583 = arith.constant 0 : i32
        %sign3A_3584 = arith.cmpi slt, %jit3A_3571, %sign3A_3583 : i32
        %sign3A_3585 = arith.extui %sign3A_3584 : i1 to i32
        %sign3A_3586 = arith.subi %sign3A_3582, %sign3A_3585 : i32
        %ne3A_3587 = arith.cmpi ne, %sign3A_3579, %sign3A_3586 : i32
        %rem3A_3588 = arith.remsi %add3A_3570, %jit3A_3571 : i32
        %ne3A_3589 = arith.constant 0 : i32
        %ne3A_3590 = arith.cmpi ne, %rem3A_3588, %ne3A_3589 : i32
        %and3A_3591 = arith.andi %ne3A_3587, %ne3A_3590 : i1
        %sub3A_3592 = arith.constant 1 : i32
        %sub3A_3593 = arith.subi %div3A_3572, %sub3A_3592 : i32
        %select_n3A_3594 = arith.select %and3A_3591, %sub3A_3593, %div3A_3572 : i32
        %mul3A_3595 = arith.constant 8 : i32
        %mul3A_3596 = arith.muli %select_n3A_3594, %mul3A_3595 : i32
        %jit3A_3597 = arith.constant 8 : i32
        %eq3A_3598 = arith.constant 0 : i32
        %eq3A_3599 = arith.cmpi eq, %jit3A_3597, %eq3A_3598 : i32
        %jit3A_3600 = arith.constant 1 : i32
        %select_n3A_3601 = arith.select %eq3A_3599, %jit3A_3600, %jit3A_3597 : i32
        %rem3A_3602 = arith.remsi %add3A_3570, %select_n3A_3601 : i32
        %ne3A_3603 = arith.constant 0 : i32
        %ne3A_3604 = arith.cmpi ne, %rem3A_3602, %ne3A_3603 : i32
        %lt3A_3605 = arith.constant 0 : i32
        %lt3A_3606 = arith.cmpi slt, %rem3A_3602, %lt3A_3605 : i32
        %lt3A_3607 = arith.constant 0 : i32
        %lt3A_3608 = arith.cmpi slt, %select_n3A_3601, %lt3A_3607 : i32
        %ne3A_3609 = arith.xori %lt3A_3606, %lt3A_3608 : i1
        %and3A_3610 = arith.andi %ne3A_3609, %ne3A_3604 : i1
        %add3A_3611 = arith.addi %rem3A_3602, %select_n3A_3601 : i32
        %select_n3A_3612 = arith.select %and3A_3610, %add3A_3611, %rem3A_3602 : i32
        %add3A_3613 = arith.addi %mul3A_3596, %select_n3A_3612 : i32
        %jit3A_3614 = arith.constant 8 : i32
        %div3A_3615 = arith.divsi %add3A_3570, %jit3A_3614 : i32
        %sign3A_3616 = arith.constant 0 : i32
        %sign3A_3617 = arith.cmpi sgt, %add3A_3570, %sign3A_3616 : i32
        %sign3A_3618 = arith.extui %sign3A_3617 : i1 to i32
        %sign3A_3619 = arith.constant 0 : i32
        %sign3A_3620 = arith.cmpi slt, %add3A_3570, %sign3A_3619 : i32
        %sign3A_3621 = arith.extui %sign3A_3620 : i1 to i32
        %sign3A_3622 = arith.subi %sign3A_3618, %sign3A_3621 : i32
        %sign3A_3623 = arith.constant 0 : i32
        %sign3A_3624 = arith.cmpi sgt, %jit3A_3614, %sign3A_3623 : i32
        %sign3A_3625 = arith.extui %sign3A_3624 : i1 to i32
        %sign3A_3626 = arith.constant 0 : i32
        %sign3A_3627 = arith.cmpi slt, %jit3A_3614, %sign3A_3626 : i32
        %sign3A_3628 = arith.extui %sign3A_3627 : i1 to i32
        %sign3A_3629 = arith.subi %sign3A_3625, %sign3A_3628 : i32
        %ne3A_3630 = arith.cmpi ne, %sign3A_3622, %sign3A_3629 : i32
        %rem3A_3631 = arith.remsi %add3A_3570, %jit3A_3614 : i32
        %ne3A_3632 = arith.constant 0 : i32
        %ne3A_3633 = arith.cmpi ne, %rem3A_3631, %ne3A_3632 : i32
        %and3A_3634 = arith.andi %ne3A_3630, %ne3A_3633 : i1
        %sub3A_3635 = arith.constant 1 : i32
        %sub3A_3636 = arith.subi %div3A_3615, %sub3A_3635 : i32
        %select_n3A_3637 = arith.select %and3A_3634, %sub3A_3636, %div3A_3615 : i32
        %jit3A_3638 = arith.constant 32 : i32
        %eq3A_3639 = arith.constant 0 : i32
        %eq3A_3640 = arith.cmpi eq, %jit3A_3638, %eq3A_3639 : i32
        %jit3A_3641 = arith.constant 1 : i32
        %select_n3A_3642 = arith.select %eq3A_3640, %jit3A_3641, %jit3A_3638 : i32
        %rem3A_3643 = arith.remsi %select_n3A_3637, %select_n3A_3642 : i32
        %ne3A_3644 = arith.constant 0 : i32
        %ne3A_3645 = arith.cmpi ne, %rem3A_3643, %ne3A_3644 : i32
        %lt3A_3646 = arith.constant 0 : i32
        %lt3A_3647 = arith.cmpi slt, %rem3A_3643, %lt3A_3646 : i32
        %lt3A_3648 = arith.constant 0 : i32
        %lt3A_3649 = arith.cmpi slt, %select_n3A_3642, %lt3A_3648 : i32
        %ne3A_3650 = arith.xori %lt3A_3647, %lt3A_3649 : i1
        %and3A_3651 = arith.andi %ne3A_3650, %ne3A_3645 : i1
        %add3A_3652 = arith.addi %rem3A_3643, %select_n3A_3642 : i32
        %select_n3A_3653 = arith.select %and3A_3651, %add3A_3652, %rem3A_3643 : i32
        %dma_wait3A_3654 = arith.constant 3 : i32
        %dma_wait3A_3655 = arith.constant 24 : i32
        %dma_wait3A_3656 = arith.constant 0 : i32
        %dma_wait3A_3657 = tpu.memref_slice %arg9[%dma_wait3A_3655, %dma_wait3A_3656] : memref<64x128xf32, #tpu.memory_space<vmem>> -> memref<8x128xf32, #tpu.memory_space<vmem>>
        %dma_wait3A_3658 = arith.constant 0 : i32
        %dma_wait3A_3659 = arith.constant 0 : i32
        %dma_wait3A_3660 = tpu.memref_slice %arg4[%add3A_3613, %dma_wait3A_3654, %select_n3A_3653, %dma_wait3A_3658, %dma_wait3A_3659] : memref<200x8x32x8x128xf32, #tpu.memory_space<hbm>> -> memref<1x1x1x8x128xf32, #tpu.memory_space<hbm>>
        %dma_wait3A_3661 = tpu.memref_squeeze %dma_wait3A_3660 : memref<1x1x1x8x128xf32, #tpu.memory_space<hbm>> -> memref<8x128xf32, #tpu.memory_space<hbm>>
        %dma_wait3A_3662 = arith.constant 0 : i32
        %dma_wait3A_3663 = arith.constant 0 : i32
        %dma_wait3A_3664 = tpu.memref_slice %arg4[%add3A_3613, %dma_wait3A_3654, %select_n3A_3653, %dma_wait3A_3662, %dma_wait3A_3663] : memref<200x8x32x8x128xf32, #tpu.memory_space<hbm>> -> memref<1x1x1x8x128xf32, #tpu.memory_space<hbm>>
        %dma_wait3A_3665 = tpu.memref_squeeze %dma_wait3A_3664 : memref<1x1x1x8x128xf32, #tpu.memory_space<hbm>> -> memref<8x128xf32, #tpu.memory_space<hbm>>
        %dma_wait3A_3666 = arith.constant 24 : i32
        %dma_wait3A_3667 = arith.constant 0 : i32
        %dma_wait3A_3668 = tpu.memref_slice %arg9[%dma_wait3A_3666, %dma_wait3A_3667] : memref<64x128xf32, #tpu.memory_space<vmem>> -> memref<8x128xf32, #tpu.memory_space<vmem>>
        tpu.wait_dma2 semaphore(%arg13 : memref<!tpu.dma_semaphore, #tpu.memory_space<semaphore_mem>>) src(%dma_wait3A_3668 : memref<8x128xf32, #tpu.memory_space<vmem>>) dst(%dma_wait3A_3665 : memref<8x128xf32, #tpu.memory_space<hbm>>)
        %sub3A_3669 = arith.constant 2 : i32
        %sub3A_3670 = arith.subi %add3A_2448, %sub3A_3669 : i32
        %add3A_3671 = arith.addi %mul3A_2, %sub3A_3670 : i32
        %jit3A_3672 = arith.constant 256 : i32
        %div3A_3673 = arith.divsi %add3A_3671, %jit3A_3672 : i32
        %sign3A_3674 = arith.constant 0 : i32
        %sign3A_3675 = arith.cmpi sgt, %add3A_3671, %sign3A_3674 : i32
        %sign3A_3676 = arith.extui %sign3A_3675 : i1 to i32
        %sign3A_3677 = arith.constant 0 : i32
        %sign3A_3678 = arith.cmpi slt, %add3A_3671, %sign3A_3677 : i32
        %sign3A_3679 = arith.extui %sign3A_3678 : i1 to i32
        %sign3A_3680 = arith.subi %sign3A_3676, %sign3A_3679 : i32
        %sign3A_3681 = arith.constant 0 : i32
        %sign3A_3682 = arith.cmpi sgt, %jit3A_3672, %sign3A_3681 : i32
        %sign3A_3683 = arith.extui %sign3A_3682 : i1 to i32
        %sign3A_3684 = arith.constant 0 : i32
        %sign3A_3685 = arith.cmpi slt, %jit3A_3672, %sign3A_3684 : i32
        %sign3A_3686 = arith.extui %sign3A_3685 : i1 to i32
        %sign3A_3687 = arith.subi %sign3A_3683, %sign3A_3686 : i32
        %ne3A_3688 = arith.cmpi ne, %sign3A_3680, %sign3A_3687 : i32
        %rem3A_3689 = arith.remsi %add3A_3671, %jit3A_3672 : i32
        %ne3A_3690 = arith.constant 0 : i32
        %ne3A_3691 = arith.cmpi ne, %rem3A_3689, %ne3A_3690 : i32
        %and3A_3692 = arith.andi %ne3A_3688, %ne3A_3691 : i1
        %sub3A_3693 = arith.constant 1 : i32
        %sub3A_3694 = arith.subi %div3A_3673, %sub3A_3693 : i32
        %select_n3A_3695 = arith.select %and3A_3692, %sub3A_3694, %div3A_3673 : i32
        %mul3A_3696 = arith.constant 8 : i32
        %mul3A_3697 = arith.muli %select_n3A_3695, %mul3A_3696 : i32
        %jit3A_3698 = arith.constant 8 : i32
        %eq3A_3699 = arith.constant 0 : i32
        %eq3A_3700 = arith.cmpi eq, %jit3A_3698, %eq3A_3699 : i32
        %jit3A_3701 = arith.constant 1 : i32
        %select_n3A_3702 = arith.select %eq3A_3700, %jit3A_3701, %jit3A_3698 : i32
        %rem3A_3703 = arith.remsi %add3A_3671, %select_n3A_3702 : i32
        %ne3A_3704 = arith.constant 0 : i32
        %ne3A_3705 = arith.cmpi ne, %rem3A_3703, %ne3A_3704 : i32
        %lt3A_3706 = arith.constant 0 : i32
        %lt3A_3707 = arith.cmpi slt, %rem3A_3703, %lt3A_3706 : i32
        %lt3A_3708 = arith.constant 0 : i32
        %lt3A_3709 = arith.cmpi slt, %select_n3A_3702, %lt3A_3708 : i32
        %ne3A_3710 = arith.xori %lt3A_3707, %lt3A_3709 : i1
        %and3A_3711 = arith.andi %ne3A_3710, %ne3A_3705 : i1
        %add3A_3712 = arith.addi %rem3A_3703, %select_n3A_3702 : i32
        %select_n3A_3713 = arith.select %and3A_3711, %add3A_3712, %rem3A_3703 : i32
        %add3A_3714 = arith.addi %mul3A_3697, %select_n3A_3713 : i32
        %jit3A_3715 = arith.constant 8 : i32
        %div3A_3716 = arith.divsi %add3A_3671, %jit3A_3715 : i32
        %sign3A_3717 = arith.constant 0 : i32
        %sign3A_3718 = arith.cmpi sgt, %add3A_3671, %sign3A_3717 : i32
        %sign3A_3719 = arith.extui %sign3A_3718 : i1 to i32
        %sign3A_3720 = arith.constant 0 : i32
        %sign3A_3721 = arith.cmpi slt, %add3A_3671, %sign3A_3720 : i32
        %sign3A_3722 = arith.extui %sign3A_3721 : i1 to i32
        %sign3A_3723 = arith.subi %sign3A_3719, %sign3A_3722 : i32
        %sign3A_3724 = arith.constant 0 : i32
        %sign3A_3725 = arith.cmpi sgt, %jit3A_3715, %sign3A_3724 : i32
        %sign3A_3726 = arith.extui %sign3A_3725 : i1 to i32
        %sign3A_3727 = arith.constant 0 : i32
        %sign3A_3728 = arith.cmpi slt, %jit3A_3715, %sign3A_3727 : i32
        %sign3A_3729 = arith.extui %sign3A_3728 : i1 to i32
        %sign3A_3730 = arith.subi %sign3A_3726, %sign3A_3729 : i32
        %ne3A_3731 = arith.cmpi ne, %sign3A_3723, %sign3A_3730 : i32
        %rem3A_3732 = arith.remsi %add3A_3671, %jit3A_3715 : i32
        %ne3A_3733 = arith.constant 0 : i32
        %ne3A_3734 = arith.cmpi ne, %rem3A_3732, %ne3A_3733 : i32
        %and3A_3735 = arith.andi %ne3A_3731, %ne3A_3734 : i1
        %sub3A_3736 = arith.constant 1 : i32
        %sub3A_3737 = arith.subi %div3A_3716, %sub3A_3736 : i32
        %select_n3A_3738 = arith.select %and3A_3735, %sub3A_3737, %div3A_3716 : i32
        %jit3A_3739 = arith.constant 32 : i32
        %eq3A_3740 = arith.constant 0 : i32
        %eq3A_3741 = arith.cmpi eq, %jit3A_3739, %eq3A_3740 : i32
        %jit3A_3742 = arith.constant 1 : i32
        %select_n3A_3743 = arith.select %eq3A_3741, %jit3A_3742, %jit3A_3739 : i32
        %rem3A_3744 = arith.remsi %select_n3A_3738, %select_n3A_3743 : i32
        %ne3A_3745 = arith.constant 0 : i32
        %ne3A_3746 = arith.cmpi ne, %rem3A_3744, %ne3A_3745 : i32
        %lt3A_3747 = arith.constant 0 : i32
        %lt3A_3748 = arith.cmpi slt, %rem3A_3744, %lt3A_3747 : i32
        %lt3A_3749 = arith.constant 0 : i32
        %lt3A_3750 = arith.cmpi slt, %select_n3A_3743, %lt3A_3749 : i32
        %ne3A_3751 = arith.xori %lt3A_3748, %lt3A_3750 : i1
        %and3A_3752 = arith.andi %ne3A_3751, %ne3A_3746 : i1
        %add3A_3753 = arith.addi %rem3A_3744, %select_n3A_3743 : i32
        %select_n3A_3754 = arith.select %and3A_3752, %add3A_3753, %rem3A_3744 : i32
        %dma_wait3A_3755 = arith.constant 4 : i32
        %dma_wait3A_3756 = arith.constant 32 : i32
        %dma_wait3A_3757 = arith.constant 0 : i32
        %dma_wait3A_3758 = tpu.memref_slice %arg9[%dma_wait3A_3756, %dma_wait3A_3757] : memref<64x128xf32, #tpu.memory_space<vmem>> -> memref<8x128xf32, #tpu.memory_space<vmem>>
        %dma_wait3A_3759 = arith.constant 0 : i32
        %dma_wait3A_3760 = arith.constant 0 : i32
        %dma_wait3A_3761 = tpu.memref_slice %arg4[%add3A_3714, %dma_wait3A_3755, %select_n3A_3754, %dma_wait3A_3759, %dma_wait3A_3760] : memref<200x8x32x8x128xf32, #tpu.memory_space<hbm>> -> memref<1x1x1x8x128xf32, #tpu.memory_space<hbm>>
        %dma_wait3A_3762 = tpu.memref_squeeze %dma_wait3A_3761 : memref<1x1x1x8x128xf32, #tpu.memory_space<hbm>> -> memref<8x128xf32, #tpu.memory_space<hbm>>
        %dma_wait3A_3763 = arith.constant 0 : i32
        %dma_wait3A_3764 = arith.constant 0 : i32
        %dma_wait3A_3765 = tpu.memref_slice %arg4[%add3A_3714, %dma_wait3A_3755, %select_n3A_3754, %dma_wait3A_3763, %dma_wait3A_3764] : memref<200x8x32x8x128xf32, #tpu.memory_space<hbm>> -> memref<1x1x1x8x128xf32, #tpu.memory_space<hbm>>
        %dma_wait3A_3766 = tpu.memref_squeeze %dma_wait3A_3765 : memref<1x1x1x8x128xf32, #tpu.memory_space<hbm>> -> memref<8x128xf32, #tpu.memory_space<hbm>>
        %dma_wait3A_3767 = arith.constant 32 : i32
        %dma_wait3A_3768 = arith.constant 0 : i32
        %dma_wait3A_3769 = tpu.memref_slice %arg9[%dma_wait3A_3767, %dma_wait3A_3768] : memref<64x128xf32, #tpu.memory_space<vmem>> -> memref<8x128xf32, #tpu.memory_space<vmem>>
        tpu.wait_dma2 semaphore(%arg13 : memref<!tpu.dma_semaphore, #tpu.memory_space<semaphore_mem>>) src(%dma_wait3A_3769 : memref<8x128xf32, #tpu.memory_space<vmem>>) dst(%dma_wait3A_3766 : memref<8x128xf32, #tpu.memory_space<hbm>>)
        %sub3A_3770 = arith.constant 2 : i32
        %sub3A_3771 = arith.subi %add3A_2448, %sub3A_3770 : i32
        %add3A_3772 = arith.addi %mul3A_2, %sub3A_3771 : i32
        %jit3A_3773 = arith.constant 256 : i32
        %div3A_3774 = arith.divsi %add3A_3772, %jit3A_3773 : i32
        %sign3A_3775 = arith.constant 0 : i32
        %sign3A_3776 = arith.cmpi sgt, %add3A_3772, %sign3A_3775 : i32
        %sign3A_3777 = arith.extui %sign3A_3776 : i1 to i32
        %sign3A_3778 = arith.constant 0 : i32
        %sign3A_3779 = arith.cmpi slt, %add3A_3772, %sign3A_3778 : i32
        %sign3A_3780 = arith.extui %sign3A_3779 : i1 to i32
        %sign3A_3781 = arith.subi %sign3A_3777, %sign3A_3780 : i32
        %sign3A_3782 = arith.constant 0 : i32
        %sign3A_3783 = arith.cmpi sgt, %jit3A_3773, %sign3A_3782 : i32
        %sign3A_3784 = arith.extui %sign3A_3783 : i1 to i32
        %sign3A_3785 = arith.constant 0 : i32
        %sign3A_3786 = arith.cmpi slt, %jit3A_3773, %sign3A_3785 : i32
        %sign3A_3787 = arith.extui %sign3A_3786 : i1 to i32
        %sign3A_3788 = arith.subi %sign3A_3784, %sign3A_3787 : i32
        %ne3A_3789 = arith.cmpi ne, %sign3A_3781, %sign3A_3788 : i32
        %rem3A_3790 = arith.remsi %add3A_3772, %jit3A_3773 : i32
        %ne3A_3791 = arith.constant 0 : i32
        %ne3A_3792 = arith.cmpi ne, %rem3A_3790, %ne3A_3791 : i32
        %and3A_3793 = arith.andi %ne3A_3789, %ne3A_3792 : i1
        %sub3A_3794 = arith.constant 1 : i32
        %sub3A_3795 = arith.subi %div3A_3774, %sub3A_3794 : i32
        %select_n3A_3796 = arith.select %and3A_3793, %sub3A_3795, %div3A_3774 : i32
        %mul3A_3797 = arith.constant 8 : i32
        %mul3A_3798 = arith.muli %select_n3A_3796, %mul3A_3797 : i32
        %jit3A_3799 = arith.constant 8 : i32
        %eq3A_3800 = arith.constant 0 : i32
        %eq3A_3801 = arith.cmpi eq, %jit3A_3799, %eq3A_3800 : i32
        %jit3A_3802 = arith.constant 1 : i32
        %select_n3A_3803 = arith.select %eq3A_3801, %jit3A_3802, %jit3A_3799 : i32
        %rem3A_3804 = arith.remsi %add3A_3772, %select_n3A_3803 : i32
        %ne3A_3805 = arith.constant 0 : i32
        %ne3A_3806 = arith.cmpi ne, %rem3A_3804, %ne3A_3805 : i32
        %lt3A_3807 = arith.constant 0 : i32
        %lt3A_3808 = arith.cmpi slt, %rem3A_3804, %lt3A_3807 : i32
        %lt3A_3809 = arith.constant 0 : i32
        %lt3A_3810 = arith.cmpi slt, %select_n3A_3803, %lt3A_3809 : i32
        %ne3A_3811 = arith.xori %lt3A_3808, %lt3A_3810 : i1
        %and3A_3812 = arith.andi %ne3A_3811, %ne3A_3806 : i1
        %add3A_3813 = arith.addi %rem3A_3804, %select_n3A_3803 : i32
        %select_n3A_3814 = arith.select %and3A_3812, %add3A_3813, %rem3A_3804 : i32
        %add3A_3815 = arith.addi %mul3A_3798, %select_n3A_3814 : i32
        %jit3A_3816 = arith.constant 8 : i32
        %div3A_3817 = arith.divsi %add3A_3772, %jit3A_3816 : i32
        %sign3A_3818 = arith.constant 0 : i32
        %sign3A_3819 = arith.cmpi sgt, %add3A_3772, %sign3A_3818 : i32
        %sign3A_3820 = arith.extui %sign3A_3819 : i1 to i32
        %sign3A_3821 = arith.constant 0 : i32
        %sign3A_3822 = arith.cmpi slt, %add3A_3772, %sign3A_3821 : i32
        %sign3A_3823 = arith.extui %sign3A_3822 : i1 to i32
        %sign3A_3824 = arith.subi %sign3A_3820, %sign3A_3823 : i32
        %sign3A_3825 = arith.constant 0 : i32
        %sign3A_3826 = arith.cmpi sgt, %jit3A_3816, %sign3A_3825 : i32
        %sign3A_3827 = arith.extui %sign3A_3826 : i1 to i32
        %sign3A_3828 = arith.constant 0 : i32
        %sign3A_3829 = arith.cmpi slt, %jit3A_3816, %sign3A_3828 : i32
        %sign3A_3830 = arith.extui %sign3A_3829 : i1 to i32
        %sign3A_3831 = arith.subi %sign3A_3827, %sign3A_3830 : i32
        %ne3A_3832 = arith.cmpi ne, %sign3A_3824, %sign3A_3831 : i32
        %rem3A_3833 = arith.remsi %add3A_3772, %jit3A_3816 : i32
        %ne3A_3834 = arith.constant 0 : i32
        %ne3A_3835 = arith.cmpi ne, %rem3A_3833, %ne3A_3834 : i32
        %and3A_3836 = arith.andi %ne3A_3832, %ne3A_3835 : i1
        %sub3A_3837 = arith.constant 1 : i32
        %sub3A_3838 = arith.subi %div3A_3817, %sub3A_3837 : i32
        %select_n3A_3839 = arith.select %and3A_3836, %sub3A_3838, %div3A_3817 : i32
        %jit3A_3840 = arith.constant 32 : i32
        %eq3A_3841 = arith.constant 0 : i32
        %eq3A_3842 = arith.cmpi eq, %jit3A_3840, %eq3A_3841 : i32
        %jit3A_3843 = arith.constant 1 : i32
        %select_n3A_3844 = arith.select %eq3A_3842, %jit3A_3843, %jit3A_3840 : i32
        %rem3A_3845 = arith.remsi %select_n3A_3839, %select_n3A_3844 : i32
        %ne3A_3846 = arith.constant 0 : i32
        %ne3A_3847 = arith.cmpi ne, %rem3A_3845, %ne3A_3846 : i32
        %lt3A_3848 = arith.constant 0 : i32
        %lt3A_3849 = arith.cmpi slt, %rem3A_3845, %lt3A_3848 : i32
        %lt3A_3850 = arith.constant 0 : i32
        %lt3A_3851 = arith.cmpi slt, %select_n3A_3844, %lt3A_3850 : i32
        %ne3A_3852 = arith.xori %lt3A_3849, %lt3A_3851 : i1
        %and3A_3853 = arith.andi %ne3A_3852, %ne3A_3847 : i1
        %add3A_3854 = arith.addi %rem3A_3845, %select_n3A_3844 : i32
        %select_n3A_3855 = arith.select %and3A_3853, %add3A_3854, %rem3A_3845 : i32
        %dma_wait3A_3856 = arith.constant 5 : i32
        %dma_wait3A_3857 = arith.constant 40 : i32
        %dma_wait3A_3858 = arith.constant 0 : i32
        %dma_wait3A_3859 = tpu.memref_slice %arg9[%dma_wait3A_3857, %dma_wait3A_3858] : memref<64x128xf32, #tpu.memory_space<vmem>> -> memref<8x128xf32, #tpu.memory_space<vmem>>
        %dma_wait3A_3860 = arith.constant 0 : i32
        %dma_wait3A_3861 = arith.constant 0 : i32
        %dma_wait3A_3862 = tpu.memref_slice %arg4[%add3A_3815, %dma_wait3A_3856, %select_n3A_3855, %dma_wait3A_3860, %dma_wait3A_3861] : memref<200x8x32x8x128xf32, #tpu.memory_space<hbm>> -> memref<1x1x1x8x128xf32, #tpu.memory_space<hbm>>
        %dma_wait3A_3863 = tpu.memref_squeeze %dma_wait3A_3862 : memref<1x1x1x8x128xf32, #tpu.memory_space<hbm>> -> memref<8x128xf32, #tpu.memory_space<hbm>>
        %dma_wait3A_3864 = arith.constant 0 : i32
        %dma_wait3A_3865 = arith.constant 0 : i32
        %dma_wait3A_3866 = tpu.memref_slice %arg4[%add3A_3815, %dma_wait3A_3856, %select_n3A_3855, %dma_wait3A_3864, %dma_wait3A_3865] : memref<200x8x32x8x128xf32, #tpu.memory_space<hbm>> -> memref<1x1x1x8x128xf32, #tpu.memory_space<hbm>>
        %dma_wait3A_3867 = tpu.memref_squeeze %dma_wait3A_3866 : memref<1x1x1x8x128xf32, #tpu.memory_space<hbm>> -> memref<8x128xf32, #tpu.memory_space<hbm>>
        %dma_wait3A_3868 = arith.constant 40 : i32
        %dma_wait3A_3869 = arith.constant 0 : i32
        %dma_wait3A_3870 = tpu.memref_slice %arg9[%dma_wait3A_3868, %dma_wait3A_3869] : memref<64x128xf32, #tpu.memory_space<vmem>> -> memref<8x128xf32, #tpu.memory_space<vmem>>
        tpu.wait_dma2 semaphore(%arg13 : memref<!tpu.dma_semaphore, #tpu.memory_space<semaphore_mem>>) src(%dma_wait3A_3870 : memref<8x128xf32, #tpu.memory_space<vmem>>) dst(%dma_wait3A_3867 : memref<8x128xf32, #tpu.memory_space<hbm>>)
        %sub3A_3871 = arith.constant 2 : i32
        %sub3A_3872 = arith.subi %add3A_2448, %sub3A_3871 : i32
        %add3A_3873 = arith.addi %mul3A_2, %sub3A_3872 : i32
        %jit3A_3874 = arith.constant 256 : i32
        %div3A_3875 = arith.divsi %add3A_3873, %jit3A_3874 : i32
        %sign3A_3876 = arith.constant 0 : i32
        %sign3A_3877 = arith.cmpi sgt, %add3A_3873, %sign3A_3876 : i32
        %sign3A_3878 = arith.extui %sign3A_3877 : i1 to i32
        %sign3A_3879 = arith.constant 0 : i32
        %sign3A_3880 = arith.cmpi slt, %add3A_3873, %sign3A_3879 : i32
        %sign3A_3881 = arith.extui %sign3A_3880 : i1 to i32
        %sign3A_3882 = arith.subi %sign3A_3878, %sign3A_3881 : i32
        %sign3A_3883 = arith.constant 0 : i32
        %sign3A_3884 = arith.cmpi sgt, %jit3A_3874, %sign3A_3883 : i32
        %sign3A_3885 = arith.extui %sign3A_3884 : i1 to i32
        %sign3A_3886 = arith.constant 0 : i32
        %sign3A_3887 = arith.cmpi slt, %jit3A_3874, %sign3A_3886 : i32
        %sign3A_3888 = arith.extui %sign3A_3887 : i1 to i32
        %sign3A_3889 = arith.subi %sign3A_3885, %sign3A_3888 : i32
        %ne3A_3890 = arith.cmpi ne, %sign3A_3882, %sign3A_3889 : i32
        %rem3A_3891 = arith.remsi %add3A_3873, %jit3A_3874 : i32
        %ne3A_3892 = arith.constant 0 : i32
        %ne3A_3893 = arith.cmpi ne, %rem3A_3891, %ne3A_3892 : i32
        %and3A_3894 = arith.andi %ne3A_3890, %ne3A_3893 : i1
        %sub3A_3895 = arith.constant 1 : i32
        %sub3A_3896 = arith.subi %div3A_3875, %sub3A_3895 : i32
        %select_n3A_3897 = arith.select %and3A_3894, %sub3A_3896, %div3A_3875 : i32
        %mul3A_3898 = arith.constant 8 : i32
        %mul3A_3899 = arith.muli %select_n3A_3897, %mul3A_3898 : i32
        %jit3A_3900 = arith.constant 8 : i32
        %eq3A_3901 = arith.constant 0 : i32
        %eq3A_3902 = arith.cmpi eq, %jit3A_3900, %eq3A_3901 : i32
        %jit3A_3903 = arith.constant 1 : i32
        %select_n3A_3904 = arith.select %eq3A_3902, %jit3A_3903, %jit3A_3900 : i32
        %rem3A_3905 = arith.remsi %add3A_3873, %select_n3A_3904 : i32
        %ne3A_3906 = arith.constant 0 : i32
        %ne3A_3907 = arith.cmpi ne, %rem3A_3905, %ne3A_3906 : i32
        %lt3A_3908 = arith.constant 0 : i32
        %lt3A_3909 = arith.cmpi slt, %rem3A_3905, %lt3A_3908 : i32
        %lt3A_3910 = arith.constant 0 : i32
        %lt3A_3911 = arith.cmpi slt, %select_n3A_3904, %lt3A_3910 : i32
        %ne3A_3912 = arith.xori %lt3A_3909, %lt3A_3911 : i1
        %and3A_3913 = arith.andi %ne3A_3912, %ne3A_3907 : i1
        %add3A_3914 = arith.addi %rem3A_3905, %select_n3A_3904 : i32
        %select_n3A_3915 = arith.select %and3A_3913, %add3A_3914, %rem3A_3905 : i32
        %add3A_3916 = arith.addi %mul3A_3899, %select_n3A_3915 : i32
        %jit3A_3917 = arith.constant 8 : i32
        %div3A_3918 = arith.divsi %add3A_3873, %jit3A_3917 : i32
        %sign3A_3919 = arith.constant 0 : i32
        %sign3A_3920 = arith.cmpi sgt, %add3A_3873, %sign3A_3919 : i32
        %sign3A_3921 = arith.extui %sign3A_3920 : i1 to i32
        %sign3A_3922 = arith.constant 0 : i32
        %sign3A_3923 = arith.cmpi slt, %add3A_3873, %sign3A_3922 : i32
        %sign3A_3924 = arith.extui %sign3A_3923 : i1 to i32
        %sign3A_3925 = arith.subi %sign3A_3921, %sign3A_3924 : i32
        %sign3A_3926 = arith.constant 0 : i32
        %sign3A_3927 = arith.cmpi sgt, %jit3A_3917, %sign3A_3926 : i32
        %sign3A_3928 = arith.extui %sign3A_3927 : i1 to i32
        %sign3A_3929 = arith.constant 0 : i32
        %sign3A_3930 = arith.cmpi slt, %jit3A_3917, %sign3A_3929 : i32
        %sign3A_3931 = arith.extui %sign3A_3930 : i1 to i32
        %sign3A_3932 = arith.subi %sign3A_3928, %sign3A_3931 : i32
        %ne3A_3933 = arith.cmpi ne, %sign3A_3925, %sign3A_3932 : i32
        %rem3A_3934 = arith.remsi %add3A_3873, %jit3A_3917 : i32
        %ne3A_3935 = arith.constant 0 : i32
        %ne3A_3936 = arith.cmpi ne, %rem3A_3934, %ne3A_3935 : i32
        %and3A_3937 = arith.andi %ne3A_3933, %ne3A_3936 : i1
        %sub3A_3938 = arith.constant 1 : i32
        %sub3A_3939 = arith.subi %div3A_3918, %sub3A_3938 : i32
        %select_n3A_3940 = arith.select %and3A_3937, %sub3A_3939, %div3A_3918 : i32
        %jit3A_3941 = arith.constant 32 : i32
        %eq3A_3942 = arith.constant 0 : i32
        %eq3A_3943 = arith.cmpi eq, %jit3A_3941, %eq3A_3942 : i32
        %jit3A_3944 = arith.constant 1 : i32
        %select_n3A_3945 = arith.select %eq3A_3943, %jit3A_3944, %jit3A_3941 : i32
        %rem3A_3946 = arith.remsi %select_n3A_3940, %select_n3A_3945 : i32
        %ne3A_3947 = arith.constant 0 : i32
        %ne3A_3948 = arith.cmpi ne, %rem3A_3946, %ne3A_3947 : i32
        %lt3A_3949 = arith.constant 0 : i32
        %lt3A_3950 = arith.cmpi slt, %rem3A_3946, %lt3A_3949 : i32
        %lt3A_3951 = arith.constant 0 : i32
        %lt3A_3952 = arith.cmpi slt, %select_n3A_3945, %lt3A_3951 : i32
        %ne3A_3953 = arith.xori %lt3A_3950, %lt3A_3952 : i1
        %and3A_3954 = arith.andi %ne3A_3953, %ne3A_3948 : i1
        %add3A_3955 = arith.addi %rem3A_3946, %select_n3A_3945 : i32
        %select_n3A_3956 = arith.select %and3A_3954, %add3A_3955, %rem3A_3946 : i32
        %dma_wait3A_3957 = arith.constant 6 : i32
        %dma_wait3A_3958 = arith.constant 48 : i32
        %dma_wait3A_3959 = arith.constant 0 : i32
        %dma_wait3A_3960 = tpu.memref_slice %arg9[%dma_wait3A_3958, %dma_wait3A_3959] : memref<64x128xf32, #tpu.memory_space<vmem>> -> memref<8x128xf32, #tpu.memory_space<vmem>>
        %dma_wait3A_3961 = arith.constant 0 : i32
        %dma_wait3A_3962 = arith.constant 0 : i32
        %dma_wait3A_3963 = tpu.memref_slice %arg4[%add3A_3916, %dma_wait3A_3957, %select_n3A_3956, %dma_wait3A_3961, %dma_wait3A_3962] : memref<200x8x32x8x128xf32, #tpu.memory_space<hbm>> -> memref<1x1x1x8x128xf32, #tpu.memory_space<hbm>>
        %dma_wait3A_3964 = tpu.memref_squeeze %dma_wait3A_3963 : memref<1x1x1x8x128xf32, #tpu.memory_space<hbm>> -> memref<8x128xf32, #tpu.memory_space<hbm>>
        %dma_wait3A_3965 = arith.constant 0 : i32
        %dma_wait3A_3966 = arith.constant 0 : i32
        %dma_wait3A_3967 = tpu.memref_slice %arg4[%add3A_3916, %dma_wait3A_3957, %select_n3A_3956, %dma_wait3A_3965, %dma_wait3A_3966] : memref<200x8x32x8x128xf32, #tpu.memory_space<hbm>> -> memref<1x1x1x8x128xf32, #tpu.memory_space<hbm>>
        %dma_wait3A_3968 = tpu.memref_squeeze %dma_wait3A_3967 : memref<1x1x1x8x128xf32, #tpu.memory_space<hbm>> -> memref<8x128xf32, #tpu.memory_space<hbm>>
        %dma_wait3A_3969 = arith.constant 48 : i32
        %dma_wait3A_3970 = arith.constant 0 : i32
        %dma_wait3A_3971 = tpu.memref_slice %arg9[%dma_wait3A_3969, %dma_wait3A_3970] : memref<64x128xf32, #tpu.memory_space<vmem>> -> memref<8x128xf32, #tpu.memory_space<vmem>>
        tpu.wait_dma2 semaphore(%arg13 : memref<!tpu.dma_semaphore, #tpu.memory_space<semaphore_mem>>) src(%dma_wait3A_3971 : memref<8x128xf32, #tpu.memory_space<vmem>>) dst(%dma_wait3A_3968 : memref<8x128xf32, #tpu.memory_space<hbm>>)
        %sub3A_3972 = arith.constant 2 : i32
        %sub3A_3973 = arith.subi %add3A_2448, %sub3A_3972 : i32
        %add3A_3974 = arith.addi %mul3A_2, %sub3A_3973 : i32
        %jit3A_3975 = arith.constant 256 : i32
        %div3A_3976 = arith.divsi %add3A_3974, %jit3A_3975 : i32
        %sign3A_3977 = arith.constant 0 : i32
        %sign3A_3978 = arith.cmpi sgt, %add3A_3974, %sign3A_3977 : i32
        %sign3A_3979 = arith.extui %sign3A_3978 : i1 to i32
        %sign3A_3980 = arith.constant 0 : i32
        %sign3A_3981 = arith.cmpi slt, %add3A_3974, %sign3A_3980 : i32
        %sign3A_3982 = arith.extui %sign3A_3981 : i1 to i32
        %sign3A_3983 = arith.subi %sign3A_3979, %sign3A_3982 : i32
        %sign3A_3984 = arith.constant 0 : i32
        %sign3A_3985 = arith.cmpi sgt, %jit3A_3975, %sign3A_3984 : i32
        %sign3A_3986 = arith.extui %sign3A_3985 : i1 to i32
        %sign3A_3987 = arith.constant 0 : i32
        %sign3A_3988 = arith.cmpi slt, %jit3A_3975, %sign3A_3987 : i32
        %sign3A_3989 = arith.extui %sign3A_3988 : i1 to i32
        %sign3A_3990 = arith.subi %sign3A_3986, %sign3A_3989 : i32
        %ne3A_3991 = arith.cmpi ne, %sign3A_3983, %sign3A_3990 : i32
        %rem3A_3992 = arith.remsi %add3A_3974, %jit3A_3975 : i32
        %ne3A_3993 = arith.constant 0 : i32
        %ne3A_3994 = arith.cmpi ne, %rem3A_3992, %ne3A_3993 : i32
        %and3A_3995 = arith.andi %ne3A_3991, %ne3A_3994 : i1
        %sub3A_3996 = arith.constant 1 : i32
        %sub3A_3997 = arith.subi %div3A_3976, %sub3A_3996 : i32
        %select_n3A_3998 = arith.select %and3A_3995, %sub3A_3997, %div3A_3976 : i32
        %mul3A_3999 = arith.constant 8 : i32
        %mul3A_4000 = arith.muli %select_n3A_3998, %mul3A_3999 : i32
        %jit3A_4001 = arith.constant 8 : i32
        %eq3A_4002 = arith.constant 0 : i32
        %eq3A_4003 = arith.cmpi eq, %jit3A_4001, %eq3A_4002 : i32
        %jit3A_4004 = arith.constant 1 : i32
        %select_n3A_4005 = arith.select %eq3A_4003, %jit3A_4004, %jit3A_4001 : i32
        %rem3A_4006 = arith.remsi %add3A_3974, %select_n3A_4005 : i32
        %ne3A_4007 = arith.constant 0 : i32
        %ne3A_4008 = arith.cmpi ne, %rem3A_4006, %ne3A_4007 : i32
        %lt3A_4009 = arith.constant 0 : i32
        %lt3A_4010 = arith.cmpi slt, %rem3A_4006, %lt3A_4009 : i32
        %lt3A_4011 = arith.constant 0 : i32
        %lt3A_4012 = arith.cmpi slt, %select_n3A_4005, %lt3A_4011 : i32
        %ne3A_4013 = arith.xori %lt3A_4010, %lt3A_4012 : i1
        %and3A_4014 = arith.andi %ne3A_4013, %ne3A_4008 : i1
        %add3A_4015 = arith.addi %rem3A_4006, %select_n3A_4005 : i32
        %select_n3A_4016 = arith.select %and3A_4014, %add3A_4015, %rem3A_4006 : i32
        %add3A_4017 = arith.addi %mul3A_4000, %select_n3A_4016 : i32
        %jit3A_4018 = arith.constant 8 : i32
        %div3A_4019 = arith.divsi %add3A_3974, %jit3A_4018 : i32
        %sign3A_4020 = arith.constant 0 : i32
        %sign3A_4021 = arith.cmpi sgt, %add3A_3974, %sign3A_4020 : i32
        %sign3A_4022 = arith.extui %sign3A_4021 : i1 to i32
        %sign3A_4023 = arith.constant 0 : i32
        %sign3A_4024 = arith.cmpi slt, %add3A_3974, %sign3A_4023 : i32
        %sign3A_4025 = arith.extui %sign3A_4024 : i1 to i32
        %sign3A_4026 = arith.subi %sign3A_4022, %sign3A_4025 : i32
        %sign3A_4027 = arith.constant 0 : i32
        %sign3A_4028 = arith.cmpi sgt, %jit3A_4018, %sign3A_4027 : i32
        %sign3A_4029 = arith.extui %sign3A_4028 : i1 to i32
        %sign3A_4030 = arith.constant 0 : i32
        %sign3A_4031 = arith.cmpi slt, %jit3A_4018, %sign3A_4030 : i32
        %sign3A_4032 = arith.extui %sign3A_4031 : i1 to i32
        %sign3A_4033 = arith.subi %sign3A_4029, %sign3A_4032 : i32
        %ne3A_4034 = arith.cmpi ne, %sign3A_4026, %sign3A_4033 : i32
        %rem3A_4035 = arith.remsi %add3A_3974, %jit3A_4018 : i32
        %ne3A_4036 = arith.constant 0 : i32
        %ne3A_4037 = arith.cmpi ne, %rem3A_4035, %ne3A_4036 : i32
        %and3A_4038 = arith.andi %ne3A_4034, %ne3A_4037 : i1
        %sub3A_4039 = arith.constant 1 : i32
        %sub3A_4040 = arith.subi %div3A_4019, %sub3A_4039 : i32
        %select_n3A_4041 = arith.select %and3A_4038, %sub3A_4040, %div3A_4019 : i32
        %jit3A_4042 = arith.constant 32 : i32
        %eq3A_4043 = arith.constant 0 : i32
        %eq3A_4044 = arith.cmpi eq, %jit3A_4042, %eq3A_4043 : i32
        %jit3A_4045 = arith.constant 1 : i32
        %select_n3A_4046 = arith.select %eq3A_4044, %jit3A_4045, %jit3A_4042 : i32
        %rem3A_4047 = arith.remsi %select_n3A_4041, %select_n3A_4046 : i32
        %ne3A_4048 = arith.constant 0 : i32
        %ne3A_4049 = arith.cmpi ne, %rem3A_4047, %ne3A_4048 : i32
        %lt3A_4050 = arith.constant 0 : i32
        %lt3A_4051 = arith.cmpi slt, %rem3A_4047, %lt3A_4050 : i32
        %lt3A_4052 = arith.constant 0 : i32
        %lt3A_4053 = arith.cmpi slt, %select_n3A_4046, %lt3A_4052 : i32
        %ne3A_4054 = arith.xori %lt3A_4051, %lt3A_4053 : i1
        %and3A_4055 = arith.andi %ne3A_4054, %ne3A_4049 : i1
        %add3A_4056 = arith.addi %rem3A_4047, %select_n3A_4046 : i32
        %select_n3A_4057 = arith.select %and3A_4055, %add3A_4056, %rem3A_4047 : i32
        %dma_wait3A_4058 = arith.constant 7 : i32
        %dma_wait3A_4059 = arith.constant 56 : i32
        %dma_wait3A_4060 = arith.constant 0 : i32
        %dma_wait3A_4061 = tpu.memref_slice %arg9[%dma_wait3A_4059, %dma_wait3A_4060] : memref<64x128xf32, #tpu.memory_space<vmem>> -> memref<8x128xf32, #tpu.memory_space<vmem>>
        %dma_wait3A_4062 = arith.constant 0 : i32
        %dma_wait3A_4063 = arith.constant 0 : i32
        %dma_wait3A_4064 = tpu.memref_slice %arg4[%add3A_4017, %dma_wait3A_4058, %select_n3A_4057, %dma_wait3A_4062, %dma_wait3A_4063] : memref<200x8x32x8x128xf32, #tpu.memory_space<hbm>> -> memref<1x1x1x8x128xf32, #tpu.memory_space<hbm>>
        %dma_wait3A_4065 = tpu.memref_squeeze %dma_wait3A_4064 : memref<1x1x1x8x128xf32, #tpu.memory_space<hbm>> -> memref<8x128xf32, #tpu.memory_space<hbm>>
        %dma_wait3A_4066 = arith.constant 0 : i32
        %dma_wait3A_4067 = arith.constant 0 : i32
        %dma_wait3A_4068 = tpu.memref_slice %arg4[%add3A_4017, %dma_wait3A_4058, %select_n3A_4057, %dma_wait3A_4066, %dma_wait3A_4067] : memref<200x8x32x8x128xf32, #tpu.memory_space<hbm>> -> memref<1x1x1x8x128xf32, #tpu.memory_space<hbm>>
        %dma_wait3A_4069 = tpu.memref_squeeze %dma_wait3A_4068 : memref<1x1x1x8x128xf32, #tpu.memory_space<hbm>> -> memref<8x128xf32, #tpu.memory_space<hbm>>
        %dma_wait3A_4070 = arith.constant 56 : i32
        %dma_wait3A_4071 = arith.constant 0 : i32
        %dma_wait3A_4072 = tpu.memref_slice %arg9[%dma_wait3A_4070, %dma_wait3A_4071] : memref<64x128xf32, #tpu.memory_space<vmem>> -> memref<8x128xf32, #tpu.memory_space<vmem>>
        tpu.wait_dma2 semaphore(%arg13 : memref<!tpu.dma_semaphore, #tpu.memory_space<semaphore_mem>>) src(%dma_wait3A_4072 : memref<8x128xf32, #tpu.memory_space<vmem>>) dst(%dma_wait3A_4069 : memref<8x128xf32, #tpu.memory_space<hbm>>)
      } else {
      }
      %scan3A_2467 = arith.constant 0 : i32
      %scan3A_2468 = arith.constant 0 : i32
      %scan3A_2469 = arith.constant 16 : i32
      %scan3A_2470 = arith.addi %scan3A_2468, %scan3A_2469 : i32
      %scan3A_2471 = arith.constant 1 : i32
      scf.for %scan3A_3265 = %scan3A_2468 to %scan3A_2470 step %scan3A_2471  : i32 {
        %mul3A_3266 = arith.constant 4 : i32
        %mul3A_3267 = arith.muli %scan3A_3265, %mul3A_3266 : i32
        %add3A_3268 = arith.constant 0 : i32
        %add3A_3269 = arith.addi %mul3A_3267, %add3A_3268 : i32
        %add3A_3270 = vector.broadcast %add3A_3269 : i32 to vector<16xi32>
        %add3A_3271 = arith.addi %add3A_3270, %iota3A : vector<16xi32>
        %and3A_3272 = arith.constant 63 : i32
        %and3A_3273 = vector.broadcast %and3A_3272 : i32 to vector<16xi32>
        %and3A_3274 = arith.andi %add3A_3271, %and3A_3273 : vector<16xi32>
        %gather3A = tpu.vector_load_idx %arg7[%add3A_7, %and3A_3274] : memref<128x64xf32, #tpu.memory_space<vmem>>[vector<16xi32>, vector<16xi32>], vector<16xf32>,
        tpu.vector_store_idx %arg9[%and3A_3274, %add3A_7], %gather3A : memref<64x128xf32, #tpu.memory_space<vmem>>[vector<16xi32>, vector<16xi32>], vector<16xf32>,
        %gather3A_3275 = tpu.vector_load_idx %arg7[%add3A_10, %and3A_3274] : memref<128x64xf32, #tpu.memory_space<vmem>>[vector<16xi32>, vector<16xi32>], vector<16xf32>,
        tpu.vector_store_idx %arg9[%and3A_3274, %add3A_10], %gather3A_3275 : memref<64x128xf32, #tpu.memory_space<vmem>>[vector<16xi32>, vector<16xi32>], vector<16xf32>,
        %gather3A_3276 = tpu.vector_load_idx %arg7[%add3A_13, %and3A_3274] : memref<128x64xf32, #tpu.memory_space<vmem>>[vector<16xi32>, vector<16xi32>], vector<16xf32>,
        tpu.vector_store_idx %arg9[%and3A_3274, %add3A_13], %gather3A_3276 : memref<64x128xf32, #tpu.memory_space<vmem>>[vector<16xi32>, vector<16xi32>], vector<16xf32>,
        %gather3A_3277 = tpu.vector_load_idx %arg7[%add3A_16, %and3A_3274] : memref<128x64xf32, #tpu.memory_space<vmem>>[vector<16xi32>, vector<16xi32>], vector<16xf32>,
        tpu.vector_store_idx %arg9[%and3A_3274, %add3A_16], %gather3A_3277 : memref<64x128xf32, #tpu.memory_space<vmem>>[vector<16xi32>, vector<16xi32>], vector<16xf32>,
        %gather3A_3278 = tpu.vector_load_idx %arg7[%add3A_19, %and3A_3274] : memref<128x64xf32, #tpu.memory_space<vmem>>[vector<16xi32>, vector<16xi32>], vector<16xf32>,
        tpu.vector_store_idx %arg9[%and3A_3274, %add3A_19], %gather3A_3278 : memref<64x128xf32, #tpu.memory_space<vmem>>[vector<16xi32>, vector<16xi32>], vector<16xf32>,
        %gather3A_3279 = tpu.vector_load_idx %arg7[%add3A_22, %and3A_3274] : memref<128x64xf32, #tpu.memory_space<vmem>>[vector<16xi32>, vector<16xi32>], vector<16xf32>,
        tpu.vector_store_idx %arg9[%and3A_3274, %add3A_22], %gather3A_3279 : memref<64x128xf32, #tpu.memory_space<vmem>>[vector<16xi32>, vector<16xi32>], vector<16xf32>,
        %gather3A_3280 = tpu.vector_load_idx %arg7[%add3A_25, %and3A_3274] : memref<128x64xf32, #tpu.memory_space<vmem>>[vector<16xi32>, vector<16xi32>], vector<16xf32>,
        tpu.vector_store_idx %arg9[%and3A_3274, %add3A_25], %gather3A_3280 : memref<64x128xf32, #tpu.memory_space<vmem>>[vector<16xi32>, vector<16xi32>], vector<16xf32>,
        %gather3A_3281 = tpu.vector_load_idx %arg7[%add3A_28, %and3A_3274] : memref<128x64xf32, #tpu.memory_space<vmem>>[vector<16xi32>, vector<16xi32>], vector<16xf32>,
        tpu.vector_store_idx %arg9[%and3A_3274, %add3A_28], %gather3A_3281 : memref<64x128xf32, #tpu.memory_space<vmem>>[vector<16xi32>, vector<16xi32>], vector<16xf32>,
        %mul3A_3282 = arith.constant 4 : i32
        %mul3A_3283 = arith.muli %scan3A_3265, %mul3A_3282 : i32
        %add3A_3284 = arith.constant 1 : i32
        %add3A_3285 = arith.addi %mul3A_3283, %add3A_3284 : i32
        %add3A_3286 = vector.broadcast %add3A_3285 : i32 to vector<16xi32>
        %add3A_3287 = arith.addi %add3A_3286, %iota3A : vector<16xi32>
        %and3A_3288 = arith.constant 63 : i32
        %and3A_3289 = vector.broadcast %and3A_3288 : i32 to vector<16xi32>
        %and3A_3290 = arith.andi %add3A_3287, %and3A_3289 : vector<16xi32>
        %gather3A_3291 = tpu.vector_load_idx %arg7[%add3A_7, %and3A_3290] : memref<128x64xf32, #tpu.memory_space<vmem>>[vector<16xi32>, vector<16xi32>], vector<16xf32>,
        tpu.vector_store_idx %arg9[%and3A_3290, %add3A_7], %gather3A_3291 : memref<64x128xf32, #tpu.memory_space<vmem>>[vector<16xi32>, vector<16xi32>], vector<16xf32>,
        %gather3A_3292 = tpu.vector_load_idx %arg7[%add3A_10, %and3A_3290] : memref<128x64xf32, #tpu.memory_space<vmem>>[vector<16xi32>, vector<16xi32>], vector<16xf32>,
        tpu.vector_store_idx %arg9[%and3A_3290, %add3A_10], %gather3A_3292 : memref<64x128xf32, #tpu.memory_space<vmem>>[vector<16xi32>, vector<16xi32>], vector<16xf32>,
        %gather3A_3293 = tpu.vector_load_idx %arg7[%add3A_13, %and3A_3290] : memref<128x64xf32, #tpu.memory_space<vmem>>[vector<16xi32>, vector<16xi32>], vector<16xf32>,
        tpu.vector_store_idx %arg9[%and3A_3290, %add3A_13], %gather3A_3293 : memref<64x128xf32, #tpu.memory_space<vmem>>[vector<16xi32>, vector<16xi32>], vector<16xf32>,
        %gather3A_3294 = tpu.vector_load_idx %arg7[%add3A_16, %and3A_3290] : memref<128x64xf32, #tpu.memory_space<vmem>>[vector<16xi32>, vector<16xi32>], vector<16xf32>,
        tpu.vector_store_idx %arg9[%and3A_3290, %add3A_16], %gather3A_3294 : memref<64x128xf32, #tpu.memory_space<vmem>>[vector<16xi32>, vector<16xi32>], vector<16xf32>,
        %gather3A_3295 = tpu.vector_load_idx %arg7[%add3A_19, %and3A_3290] : memref<128x64xf32, #tpu.memory_space<vmem>>[vector<16xi32>, vector<16xi32>], vector<16xf32>,
        tpu.vector_store_idx %arg9[%and3A_3290, %add3A_19], %gather3A_3295 : memref<64x128xf32, #tpu.memory_space<vmem>>[vector<16xi32>, vector<16xi32>], vector<16xf32>,
        %gather3A_3296 = tpu.vector_load_idx %arg7[%add3A_22, %and3A_3290] : memref<128x64xf32, #tpu.memory_space<vmem>>[vector<16xi32>, vector<16xi32>], vector<16xf32>,
        tpu.vector_store_idx %arg9[%and3A_3290, %add3A_22], %gather3A_3296 : memref<64x128xf32, #tpu.memory_space<vmem>>[vector<16xi32>, vector<16xi32>], vector<16xf32>,
        %gather3A_3297 = tpu.vector_load_idx %arg7[%add3A_25, %and3A_3290] : memref<128x64xf32, #tpu.memory_space<vmem>>[vector<16xi32>, vector<16xi32>], vector<16xf32>,
        tpu.vector_store_idx %arg9[%and3A_3290, %add3A_25], %gather3A_3297 : memref<64x128xf32, #tpu.memory_space<vmem>>[vector<16xi32>, vector<16xi32>], vector<16xf32>,
        %gather3A_3298 = tpu.vector_load_idx %arg7[%add3A_28, %and3A_3290] : memref<128x64xf32, #tpu.memory_space<vmem>>[vector<16xi32>, vector<16xi32>], vector<16xf32>,
        tpu.vector_store_idx %arg9[%and3A_3290, %add3A_28], %gather3A_3298 : memref<64x128xf32, #tpu.memory_space<vmem>>[vector<16xi32>, vector<16xi32>], vector<16xf32>,
        %mul3A_3299 = arith.constant 4 : i32
        %mul3A_3300 = arith.muli %scan3A_3265, %mul3A_3299 : i32
        %add3A_3301 = arith.constant 2 : i32
        %add3A_3302 = arith.addi %mul3A_3300, %add3A_3301 : i32
        %add3A_3303 = vector.broadcast %add3A_3302 : i32 to vector<16xi32>
        %add3A_3304 = arith.addi %add3A_3303, %iota3A : vector<16xi32>
        %and3A_3305 = arith.constant 63 : i32
        %and3A_3306 = vector.broadcast %and3A_3305 : i32 to vector<16xi32>
        %and3A_3307 = arith.andi %add3A_3304, %and3A_3306 : vector<16xi32>
        %gather3A_3308 = tpu.vector_load_idx %arg7[%add3A_7, %and3A_3307] : memref<128x64xf32, #tpu.memory_space<vmem>>[vector<16xi32>, vector<16xi32>], vector<16xf32>,
        tpu.vector_store_idx %arg9[%and3A_3307, %add3A_7], %gather3A_3308 : memref<64x128xf32, #tpu.memory_space<vmem>>[vector<16xi32>, vector<16xi32>], vector<16xf32>,
        %gather3A_3309 = tpu.vector_load_idx %arg7[%add3A_10, %and3A_3307] : memref<128x64xf32, #tpu.memory_space<vmem>>[vector<16xi32>, vector<16xi32>], vector<16xf32>,
        tpu.vector_store_idx %arg9[%and3A_3307, %add3A_10], %gather3A_3309 : memref<64x128xf32, #tpu.memory_space<vmem>>[vector<16xi32>, vector<16xi32>], vector<16xf32>,
        %gather3A_3310 = tpu.vector_load_idx %arg7[%add3A_13, %and3A_3307] : memref<128x64xf32, #tpu.memory_space<vmem>>[vector<16xi32>, vector<16xi32>], vector<16xf32>,
        tpu.vector_store_idx %arg9[%and3A_3307, %add3A_13], %gather3A_3310 : memref<64x128xf32, #tpu.memory_space<vmem>>[vector<16xi32>, vector<16xi32>], vector<16xf32>,
        %gather3A_3311 = tpu.vector_load_idx %arg7[%add3A_16, %and3A_3307] : memref<128x64xf32, #tpu.memory_space<vmem>>[vector<16xi32>, vector<16xi32>], vector<16xf32>,
        tpu.vector_store_idx %arg9[%and3A_3307, %add3A_16], %gather3A_3311 : memref<64x128xf32, #tpu.memory_space<vmem>>[vector<16xi32>, vector<16xi32>], vector<16xf32>,
        %gather3A_3312 = tpu.vector_load_idx %arg7[%add3A_19, %and3A_3307] : memref<128x64xf32, #tpu.memory_space<vmem>>[vector<16xi32>, vector<16xi32>], vector<16xf32>,
        tpu.vector_store_idx %arg9[%and3A_3307, %add3A_19], %gather3A_3312 : memref<64x128xf32, #tpu.memory_space<vmem>>[vector<16xi32>, vector<16xi32>], vector<16xf32>,
        %gather3A_3313 = tpu.vector_load_idx %arg7[%add3A_22, %and3A_3307] : memref<128x64xf32, #tpu.memory_space<vmem>>[vector<16xi32>, vector<16xi32>], vector<16xf32>,
        tpu.vector_store_idx %arg9[%and3A_3307, %add3A_22], %gather3A_3313 : memref<64x128xf32, #tpu.memory_space<vmem>>[vector<16xi32>, vector<16xi32>], vector<16xf32>,
        %gather3A_3314 = tpu.vector_load_idx %arg7[%add3A_25, %and3A_3307] : memref<128x64xf32, #tpu.memory_space<vmem>>[vector<16xi32>, vector<16xi32>], vector<16xf32>,
        tpu.vector_store_idx %arg9[%and3A_3307, %add3A_25], %gather3A_3314 : memref<64x128xf32, #tpu.memory_space<vmem>>[vector<16xi32>, vector<16xi32>], vector<16xf32>,
        %gather3A_3315 = tpu.vector_load_idx %arg7[%add3A_28, %and3A_3307] : memref<128x64xf32, #tpu.memory_space<vmem>>[vector<16xi32>, vector<16xi32>], vector<16xf32>,
        tpu.vector_store_idx %arg9[%and3A_3307, %add3A_28], %gather3A_3315 : memref<64x128xf32, #tpu.memory_space<vmem>>[vector<16xi32>, vector<16xi32>], vector<16xf32>,
        %mul3A_3316 = arith.constant 4 : i32
        %mul3A_3317 = arith.muli %scan3A_3265, %mul3A_3316 : i32
        %add3A_3318 = arith.constant 3 : i32
        %add3A_3319 = arith.addi %mul3A_3317, %add3A_3318 : i32
        %add3A_3320 = vector.broadcast %add3A_3319 : i32 to vector<16xi32>
        %add3A_3321 = arith.addi %add3A_3320, %iota3A : vector<16xi32>
        %and3A_3322 = arith.constant 63 : i32
        %and3A_3323 = vector.broadcast %and3A_3322 : i32 to vector<16xi32>
        %and3A_3324 = arith.andi %add3A_3321, %and3A_3323 : vector<16xi32>
        %gather3A_3325 = tpu.vector_load_idx %arg7[%add3A_7, %and3A_3324] : memref<128x64xf32, #tpu.memory_space<vmem>>[vector<16xi32>, vector<16xi32>], vector<16xf32>,
        tpu.vector_store_idx %arg9[%and3A_3324, %add3A_7], %gather3A_3325 : memref<64x128xf32, #tpu.memory_space<vmem>>[vector<16xi32>, vector<16xi32>], vector<16xf32>,
        %gather3A_3326 = tpu.vector_load_idx %arg7[%add3A_10, %and3A_3324] : memref<128x64xf32, #tpu.memory_space<vmem>>[vector<16xi32>, vector<16xi32>], vector<16xf32>,
        tpu.vector_store_idx %arg9[%and3A_3324, %add3A_10], %gather3A_3326 : memref<64x128xf32, #tpu.memory_space<vmem>>[vector<16xi32>, vector<16xi32>], vector<16xf32>,
        %gather3A_3327 = tpu.vector_load_idx %arg7[%add3A_13, %and3A_3324] : memref<128x64xf32, #tpu.memory_space<vmem>>[vector<16xi32>, vector<16xi32>], vector<16xf32>,
        tpu.vector_store_idx %arg9[%and3A_3324, %add3A_13], %gather3A_3327 : memref<64x128xf32, #tpu.memory_space<vmem>>[vector<16xi32>, vector<16xi32>], vector<16xf32>,
        %gather3A_3328 = tpu.vector_load_idx %arg7[%add3A_16, %and3A_3324] : memref<128x64xf32, #tpu.memory_space<vmem>>[vector<16xi32>, vector<16xi32>], vector<16xf32>,
        tpu.vector_store_idx %arg9[%and3A_3324, %add3A_16], %gather3A_3328 : memref<64x128xf32, #tpu.memory_space<vmem>>[vector<16xi32>, vector<16xi32>], vector<16xf32>,
        %gather3A_3329 = tpu.vector_load_idx %arg7[%add3A_19, %and3A_3324] : memref<128x64xf32, #tpu.memory_space<vmem>>[vector<16xi32>, vector<16xi32>], vector<16xf32>,
        tpu.vector_store_idx %arg9[%and3A_3324, %add3A_19], %gather3A_3329 : memref<64x128xf32, #tpu.memory_space<vmem>>[vector<16xi32>, vector<16xi32>], vector<16xf32>,
        %gather3A_3330 = tpu.vector_load_idx %arg7[%add3A_22, %and3A_3324] : memref<128x64xf32, #tpu.memory_space<vmem>>[vector<16xi32>, vector<16xi32>], vector<16xf32>,
        tpu.vector_store_idx %arg9[%and3A_3324, %add3A_22], %gather3A_3330 : memref<64x128xf32, #tpu.memory_space<vmem>>[vector<16xi32>, vector<16xi32>], vector<16xf32>,
        %gather3A_3331 = tpu.vector_load_idx %arg7[%add3A_25, %and3A_3324] : memref<128x64xf32, #tpu.memory_space<vmem>>[vector<16xi32>, vector<16xi32>], vector<16xf32>,
        tpu.vector_store_idx %arg9[%and3A_3324, %add3A_25], %gather3A_3331 : memref<64x128xf32, #tpu.memory_space<vmem>>[vector<16xi32>, vector<16xi32>], vector<16xf32>,
        %gather3A_3332 = tpu.vector_load_idx %arg7[%add3A_28, %and3A_3324] : memref<128x64xf32, #tpu.memory_space<vmem>>[vector<16xi32>, vector<16xi32>], vector<16xf32>,
        tpu.vector_store_idx %arg9[%and3A_3324, %add3A_28], %gather3A_3332 : memref<64x128xf32, #tpu.memory_space<vmem>>[vector<16xi32>, vector<16xi32>], vector<16xf32>,
      }
      %scan3A_2472 = arith.constant 16 : i32
      %add3A_2473 = arith.addi %mul3A_2, %add3A_2448 : i32
      %jit3A_2474 = arith.constant 256 : i32
      %div3A_2475 = arith.divsi %add3A_2473, %jit3A_2474 : i32
      %sign3A_2476 = arith.constant 0 : i32
      %sign3A_2477 = arith.cmpi sgt, %add3A_2473, %sign3A_2476 : i32
      %sign3A_2478 = arith.extui %sign3A_2477 : i1 to i32
      %sign3A_2479 = arith.constant 0 : i32
      %sign3A_2480 = arith.cmpi slt, %add3A_2473, %sign3A_2479 : i32
      %sign3A_2481 = arith.extui %sign3A_2480 : i1 to i32
      %sign3A_2482 = arith.subi %sign3A_2478, %sign3A_2481 : i32
      %sign3A_2483 = arith.constant 0 : i32
      %sign3A_2484 = arith.cmpi sgt, %jit3A_2474, %sign3A_2483 : i32
      %sign3A_2485 = arith.extui %sign3A_2484 : i1 to i32
      %sign3A_2486 = arith.constant 0 : i32
      %sign3A_2487 = arith.cmpi slt, %jit3A_2474, %sign3A_2486 : i32
      %sign3A_2488 = arith.extui %sign3A_2487 : i1 to i32
      %sign3A_2489 = arith.subi %sign3A_2485, %sign3A_2488 : i32
      %ne3A_2490 = arith.cmpi ne, %sign3A_2482, %sign3A_2489 : i32
      %rem3A_2491 = arith.remsi %add3A_2473, %jit3A_2474 : i32
      %ne3A_2492 = arith.constant 0 : i32
      %ne3A_2493 = arith.cmpi ne, %rem3A_2491, %ne3A_2492 : i32
      %and3A_2494 = arith.andi %ne3A_2490, %ne3A_2493 : i1
      %sub3A_2495 = arith.constant 1 : i32
      %sub3A_2496 = arith.subi %div3A_2475, %sub3A_2495 : i32
      %select_n3A_2497 = arith.select %and3A_2494, %sub3A_2496, %div3A_2475 : i32
      %mul3A_2498 = arith.constant 8 : i32
      %mul3A_2499 = arith.muli %select_n3A_2497, %mul3A_2498 : i32
      %jit3A_2500 = arith.constant 8 : i32
      %eq3A_2501 = arith.constant 0 : i32
      %eq3A_2502 = arith.cmpi eq, %jit3A_2500, %eq3A_2501 : i32
      %jit3A_2503 = arith.constant 1 : i32
      %select_n3A_2504 = arith.select %eq3A_2502, %jit3A_2503, %jit3A_2500 : i32
      %rem3A_2505 = arith.remsi %add3A_2473, %select_n3A_2504 : i32
      %ne3A_2506 = arith.constant 0 : i32
      %ne3A_2507 = arith.cmpi ne, %rem3A_2505, %ne3A_2506 : i32
      %lt3A_2508 = arith.constant 0 : i32
      %lt3A_2509 = arith.cmpi slt, %rem3A_2505, %lt3A_2508 : i32
      %lt3A_2510 = arith.constant 0 : i32
      %lt3A_2511 = arith.cmpi slt, %select_n3A_2504, %lt3A_2510 : i32
      %ne3A_2512 = arith.xori %lt3A_2509, %lt3A_2511 : i1
      %and3A_2513 = arith.andi %ne3A_2512, %ne3A_2507 : i1
      %add3A_2514 = arith.addi %rem3A_2505, %select_n3A_2504 : i32
      %select_n3A_2515 = arith.select %and3A_2513, %add3A_2514, %rem3A_2505 : i32
      %add3A_2516 = arith.addi %mul3A_2499, %select_n3A_2515 : i32
      %jit3A_2517 = arith.constant 8 : i32
      %div3A_2518 = arith.divsi %add3A_2473, %jit3A_2517 : i32
      %sign3A_2519 = arith.constant 0 : i32
      %sign3A_2520 = arith.cmpi sgt, %add3A_2473, %sign3A_2519 : i32
      %sign3A_2521 = arith.extui %sign3A_2520 : i1 to i32
      %sign3A_2522 = arith.constant 0 : i32
      %sign3A_2523 = arith.cmpi slt, %add3A_2473, %sign3A_2522 : i32
      %sign3A_2524 = arith.extui %sign3A_2523 : i1 to i32
      %sign3A_2525 = arith.subi %sign3A_2521, %sign3A_2524 : i32
      %sign3A_2526 = arith.constant 0 : i32
      %sign3A_2527 = arith.cmpi sgt, %jit3A_2517, %sign3A_2526 : i32
      %sign3A_2528 = arith.extui %sign3A_2527 : i1 to i32
      %sign3A_2529 = arith.constant 0 : i32
      %sign3A_2530 = arith.cmpi slt, %jit3A_2517, %sign3A_2529 : i32
      %sign3A_2531 = arith.extui %sign3A_2530 : i1 to i32
      %sign3A_2532 = arith.subi %sign3A_2528, %sign3A_2531 : i32
      %ne3A_2533 = arith.cmpi ne, %sign3A_2525, %sign3A_2532 : i32
      %rem3A_2534 = arith.remsi %add3A_2473, %jit3A_2517 : i32
      %ne3A_2535 = arith.constant 0 : i32
      %ne3A_2536 = arith.cmpi ne, %rem3A_2534, %ne3A_2535 : i32
      %and3A_2537 = arith.andi %ne3A_2533, %ne3A_2536 : i1
      %sub3A_2538 = arith.constant 1 : i32
      %sub3A_2539 = arith.subi %div3A_2518, %sub3A_2538 : i32
      %select_n3A_2540 = arith.select %and3A_2537, %sub3A_2539, %div3A_2518 : i32
      %jit3A_2541 = arith.constant 32 : i32
      %eq3A_2542 = arith.constant 0 : i32
      %eq3A_2543 = arith.cmpi eq, %jit3A_2541, %eq3A_2542 : i32
      %jit3A_2544 = arith.constant 1 : i32
      %select_n3A_2545 = arith.select %eq3A_2543, %jit3A_2544, %jit3A_2541 : i32
      %rem3A_2546 = arith.remsi %select_n3A_2540, %select_n3A_2545 : i32
      %ne3A_2547 = arith.constant 0 : i32
      %ne3A_2548 = arith.cmpi ne, %rem3A_2546, %ne3A_2547 : i32
      %lt3A_2549 = arith.constant 0 : i32
      %lt3A_2550 = arith.cmpi slt, %rem3A_2546, %lt3A_2549 : i32
      %lt3A_2551 = arith.constant 0 : i32
      %lt3A_2552 = arith.cmpi slt, %select_n3A_2545, %lt3A_2551 : i32
      %ne3A_2553 = arith.xori %lt3A_2550, %lt3A_2552 : i1
      %and3A_2554 = arith.andi %ne3A_2553, %ne3A_2548 : i1
      %add3A_2555 = arith.addi %rem3A_2546, %select_n3A_2545 : i32
      %select_n3A_2556 = arith.select %and3A_2554, %add3A_2555, %rem3A_2546 : i32
      %dma_start3A_2557 = arith.constant 0 : i32
      %dma_start3A_2558 = arith.constant 0 : i32
      %dma_start3A_2559 = arith.constant 0 : i32
      %dma_start3A_2560 = tpu.memref_slice %arg9[%dma_start3A_2558, %dma_start3A_2559] : memref<64x128xf32, #tpu.memory_space<vmem>> -> memref<8x128xf32, #tpu.memory_space<vmem>>
      %dma_start3A_2561 = arith.constant 0 : i32
      %dma_start3A_2562 = arith.constant 0 : i32
      %dma_start3A_2563 = tpu.memref_slice %arg4[%add3A_2516, %dma_start3A_2557, %select_n3A_2556, %dma_start3A_2561, %dma_start3A_2562] : memref<200x8x32x8x128xf32, #tpu.memory_space<hbm>> -> memref<1x1x1x8x128xf32, #tpu.memory_space<hbm>>
      %dma_start3A_2564 = tpu.memref_squeeze %dma_start3A_2563 : memref<1x1x1x8x128xf32, #tpu.memory_space<hbm>> -> memref<8x128xf32, #tpu.memory_space<hbm>>
      %dma_start3A_2565 = arith.constant 0 : i32
      %dma_start3A_2566 = arith.constant 0 : i32
      %dma_start3A_2567 = tpu.memref_slice %arg4[%add3A_2516, %dma_start3A_2557, %select_n3A_2556, %dma_start3A_2565, %dma_start3A_2566] : memref<200x8x32x8x128xf32, #tpu.memory_space<hbm>> -> memref<1x1x1x8x128xf32, #tpu.memory_space<hbm>>
      %dma_start3A_2568 = tpu.memref_squeeze %dma_start3A_2567 : memref<1x1x1x8x128xf32, #tpu.memory_space<hbm>> -> memref<8x128xf32, #tpu.memory_space<hbm>>
      %dma_start3A_2569 = arith.constant 0 : i32
      %dma_start3A_2570 = arith.constant 0 : i32
      %dma_start3A_2571 = tpu.memref_slice %arg9[%dma_start3A_2569, %dma_start3A_2570] : memref<64x128xf32, #tpu.memory_space<vmem>> -> memref<8x128xf32, #tpu.memory_space<vmem>>
      tpu.enqueue_dma source(%dma_start3A_2571 : memref<8x128xf32, #tpu.memory_space<vmem>>) target(%dma_start3A_2568 : memref<8x128xf32, #tpu.memory_space<hbm>>) target_semaphore(%arg13 : memref<!tpu.dma_semaphore, #tpu.memory_space<semaphore_mem>>)
      %add3A_2572 = arith.addi %mul3A_2, %add3A_2448 : i32
      %jit3A_2573 = arith.constant 256 : i32
      %div3A_2574 = arith.divsi %add3A_2572, %jit3A_2573 : i32
      %sign3A_2575 = arith.constant 0 : i32
      %sign3A_2576 = arith.cmpi sgt, %add3A_2572, %sign3A_2575 : i32
      %sign3A_2577 = arith.extui %sign3A_2576 : i1 to i32
      %sign3A_2578 = arith.constant 0 : i32
      %sign3A_2579 = arith.cmpi slt, %add3A_2572, %sign3A_2578 : i32
      %sign3A_2580 = arith.extui %sign3A_2579 : i1 to i32
      %sign3A_2581 = arith.subi %sign3A_2577, %sign3A_2580 : i32
      %sign3A_2582 = arith.constant 0 : i32
      %sign3A_2583 = arith.cmpi sgt, %jit3A_2573, %sign3A_2582 : i32
      %sign3A_2584 = arith.extui %sign3A_2583 : i1 to i32
      %sign3A_2585 = arith.constant 0 : i32
      %sign3A_2586 = arith.cmpi slt, %jit3A_2573, %sign3A_2585 : i32
      %sign3A_2587 = arith.extui %sign3A_2586 : i1 to i32
      %sign3A_2588 = arith.subi %sign3A_2584, %sign3A_2587 : i32
      %ne3A_2589 = arith.cmpi ne, %sign3A_2581, %sign3A_2588 : i32
      %rem3A_2590 = arith.remsi %add3A_2572, %jit3A_2573 : i32
      %ne3A_2591 = arith.constant 0 : i32
      %ne3A_2592 = arith.cmpi ne, %rem3A_2590, %ne3A_2591 : i32
      %and3A_2593 = arith.andi %ne3A_2589, %ne3A_2592 : i1
      %sub3A_2594 = arith.constant 1 : i32
      %sub3A_2595 = arith.subi %div3A_2574, %sub3A_2594 : i32
      %select_n3A_2596 = arith.select %and3A_2593, %sub3A_2595, %div3A_2574 : i32
      %mul3A_2597 = arith.constant 8 : i32
      %mul3A_2598 = arith.muli %select_n3A_2596, %mul3A_2597 : i32
      %jit3A_2599 = arith.constant 8 : i32
      %eq3A_2600 = arith.constant 0 : i32
      %eq3A_2601 = arith.cmpi eq, %jit3A_2599, %eq3A_2600 : i32
      %jit3A_2602 = arith.constant 1 : i32
      %select_n3A_2603 = arith.select %eq3A_2601, %jit3A_2602, %jit3A_2599 : i32
      %rem3A_2604 = arith.remsi %add3A_2572, %select_n3A_2603 : i32
      %ne3A_2605 = arith.constant 0 : i32
      %ne3A_2606 = arith.cmpi ne, %rem3A_2604, %ne3A_2605 : i32
      %lt3A_2607 = arith.constant 0 : i32
      %lt3A_2608 = arith.cmpi slt, %rem3A_2604, %lt3A_2607 : i32
      %lt3A_2609 = arith.constant 0 : i32
      %lt3A_2610 = arith.cmpi slt, %select_n3A_2603, %lt3A_2609 : i32
      %ne3A_2611 = arith.xori %lt3A_2608, %lt3A_2610 : i1
      %and3A_2612 = arith.andi %ne3A_2611, %ne3A_2606 : i1
      %add3A_2613 = arith.addi %rem3A_2604, %select_n3A_2603 : i32
      %select_n3A_2614 = arith.select %and3A_2612, %add3A_2613, %rem3A_2604 : i32
      %add3A_2615 = arith.addi %mul3A_2598, %select_n3A_2614 : i32
      %jit3A_2616 = arith.constant 8 : i32
      %div3A_2617 = arith.divsi %add3A_2572, %jit3A_2616 : i32
      %sign3A_2618 = arith.constant 0 : i32
      %sign3A_2619 = arith.cmpi sgt, %add3A_2572, %sign3A_2618 : i32
      %sign3A_2620 = arith.extui %sign3A_2619 : i1 to i32
      %sign3A_2621 = arith.constant 0 : i32
      %sign3A_2622 = arith.cmpi slt, %add3A_2572, %sign3A_2621 : i32
      %sign3A_2623 = arith.extui %sign3A_2622 : i1 to i32
      %sign3A_2624 = arith.subi %sign3A_2620, %sign3A_2623 : i32
      %sign3A_2625 = arith.constant 0 : i32
      %sign3A_2626 = arith.cmpi sgt, %jit3A_2616, %sign3A_2625 : i32
      %sign3A_2627 = arith.extui %sign3A_2626 : i1 to i32
      %sign3A_2628 = arith.constant 0 : i32
      %sign3A_2629 = arith.cmpi slt, %jit3A_2616, %sign3A_2628 : i32
      %sign3A_2630 = arith.extui %sign3A_2629 : i1 to i32
      %sign3A_2631 = arith.subi %sign3A_2627, %sign3A_2630 : i32
      %ne3A_2632 = arith.cmpi ne, %sign3A_2624, %sign3A_2631 : i32
      %rem3A_2633 = arith.remsi %add3A_2572, %jit3A_2616 : i32
      %ne3A_2634 = arith.constant 0 : i32
      %ne3A_2635 = arith.cmpi ne, %rem3A_2633, %ne3A_2634 : i32
      %and3A_2636 = arith.andi %ne3A_2632, %ne3A_2635 : i1
      %sub3A_2637 = arith.constant 1 : i32
      %sub3A_2638 = arith.subi %div3A_2617, %sub3A_2637 : i32
      %select_n3A_2639 = arith.select %and3A_2636, %sub3A_2638, %div3A_2617 : i32
      %jit3A_2640 = arith.constant 32 : i32
      %eq3A_2641 = arith.constant 0 : i32
      %eq3A_2642 = arith.cmpi eq, %jit3A_2640, %eq3A_2641 : i32
      %jit3A_2643 = arith.constant 1 : i32
      %select_n3A_2644 = arith.select %eq3A_2642, %jit3A_2643, %jit3A_2640 : i32
      %rem3A_2645 = arith.remsi %select_n3A_2639, %select_n3A_2644 : i32
      %ne3A_2646 = arith.constant 0 : i32
      %ne3A_2647 = arith.cmpi ne, %rem3A_2645, %ne3A_2646 : i32
      %lt3A_2648 = arith.constant 0 : i32
      %lt3A_2649 = arith.cmpi slt, %rem3A_2645, %lt3A_2648 : i32
      %lt3A_2650 = arith.constant 0 : i32
      %lt3A_2651 = arith.cmpi slt, %select_n3A_2644, %lt3A_2650 : i32
      %ne3A_2652 = arith.xori %lt3A_2649, %lt3A_2651 : i1
      %and3A_2653 = arith.andi %ne3A_2652, %ne3A_2647 : i1
      %add3A_2654 = arith.addi %rem3A_2645, %select_n3A_2644 : i32
      %select_n3A_2655 = arith.select %and3A_2653, %add3A_2654, %rem3A_2645 : i32
      %dma_start3A_2656 = arith.constant 1 : i32
      %dma_start3A_2657 = arith.constant 8 : i32
      %dma_start3A_2658 = arith.constant 0 : i32
      %dma_start3A_2659 = tpu.memref_slice %arg9[%dma_start3A_2657, %dma_start3A_2658] : memref<64x128xf32, #tpu.memory_space<vmem>> -> memref<8x128xf32, #tpu.memory_space<vmem>>
      %dma_start3A_2660 = arith.constant 0 : i32
      %dma_start3A_2661 = arith.constant 0 : i32
      %dma_start3A_2662 = tpu.memref_slice %arg4[%add3A_2615, %dma_start3A_2656, %select_n3A_2655, %dma_start3A_2660, %dma_start3A_2661] : memref<200x8x32x8x128xf32, #tpu.memory_space<hbm>> -> memref<1x1x1x8x128xf32, #tpu.memory_space<hbm>>
      %dma_start3A_2663 = tpu.memref_squeeze %dma_start3A_2662 : memref<1x1x1x8x128xf32, #tpu.memory_space<hbm>> -> memref<8x128xf32, #tpu.memory_space<hbm>>
      %dma_start3A_2664 = arith.constant 0 : i32
      %dma_start3A_2665 = arith.constant 0 : i32
      %dma_start3A_2666 = tpu.memref_slice %arg4[%add3A_2615, %dma_start3A_2656, %select_n3A_2655, %dma_start3A_2664, %dma_start3A_2665] : memref<200x8x32x8x128xf32, #tpu.memory_space<hbm>> -> memref<1x1x1x8x128xf32, #tpu.memory_space<hbm>>
      %dma_start3A_2667 = tpu.memref_squeeze %dma_start3A_2666 : memref<1x1x1x8x128xf32, #tpu.memory_space<hbm>> -> memref<8x128xf32, #tpu.memory_space<hbm>>
      %dma_start3A_2668 = arith.constant 8 : i32
      %dma_start3A_2669 = arith.constant 0 : i32
      %dma_start3A_2670 = tpu.memref_slice %arg9[%dma_start3A_2668, %dma_start3A_2669] : memref<64x128xf32, #tpu.memory_space<vmem>> -> memref<8x128xf32, #tpu.memory_space<vmem>>
      tpu.enqueue_dma source(%dma_start3A_2670 : memref<8x128xf32, #tpu.memory_space<vmem>>) target(%dma_start3A_2667 : memref<8x128xf32, #tpu.memory_space<hbm>>) target_semaphore(%arg13 : memref<!tpu.dma_semaphore, #tpu.memory_space<semaphore_mem>>)
      %add3A_2671 = arith.addi %mul3A_2, %add3A_2448 : i32
      %jit3A_2672 = arith.constant 256 : i32
      %div3A_2673 = arith.divsi %add3A_2671, %jit3A_2672 : i32
      %sign3A_2674 = arith.constant 0 : i32
      %sign3A_2675 = arith.cmpi sgt, %add3A_2671, %sign3A_2674 : i32
      %sign3A_2676 = arith.extui %sign3A_2675 : i1 to i32
      %sign3A_2677 = arith.constant 0 : i32
      %sign3A_2678 = arith.cmpi slt, %add3A_2671, %sign3A_2677 : i32
      %sign3A_2679 = arith.extui %sign3A_2678 : i1 to i32
      %sign3A_2680 = arith.subi %sign3A_2676, %sign3A_2679 : i32
      %sign3A_2681 = arith.constant 0 : i32
      %sign3A_2682 = arith.cmpi sgt, %jit3A_2672, %sign3A_2681 : i32
      %sign3A_2683 = arith.extui %sign3A_2682 : i1 to i32
      %sign3A_2684 = arith.constant 0 : i32
      %sign3A_2685 = arith.cmpi slt, %jit3A_2672, %sign3A_2684 : i32
      %sign3A_2686 = arith.extui %sign3A_2685 : i1 to i32
      %sign3A_2687 = arith.subi %sign3A_2683, %sign3A_2686 : i32
      %ne3A_2688 = arith.cmpi ne, %sign3A_2680, %sign3A_2687 : i32
      %rem3A_2689 = arith.remsi %add3A_2671, %jit3A_2672 : i32
      %ne3A_2690 = arith.constant 0 : i32
      %ne3A_2691 = arith.cmpi ne, %rem3A_2689, %ne3A_2690 : i32
      %and3A_2692 = arith.andi %ne3A_2688, %ne3A_2691 : i1
      %sub3A_2693 = arith.constant 1 : i32
      %sub3A_2694 = arith.subi %div3A_2673, %sub3A_2693 : i32
      %select_n3A_2695 = arith.select %and3A_2692, %sub3A_2694, %div3A_2673 : i32
      %mul3A_2696 = arith.constant 8 : i32
      %mul3A_2697 = arith.muli %select_n3A_2695, %mul3A_2696 : i32
      %jit3A_2698 = arith.constant 8 : i32
      %eq3A_2699 = arith.constant 0 : i32
      %eq3A_2700 = arith.cmpi eq, %jit3A_2698, %eq3A_2699 : i32
      %jit3A_2701 = arith.constant 1 : i32
      %select_n3A_2702 = arith.select %eq3A_2700, %jit3A_2701, %jit3A_2698 : i32
      %rem3A_2703 = arith.remsi %add3A_2671, %select_n3A_2702 : i32
      %ne3A_2704 = arith.constant 0 : i32
      %ne3A_2705 = arith.cmpi ne, %rem3A_2703, %ne3A_2704 : i32
      %lt3A_2706 = arith.constant 0 : i32
      %lt3A_2707 = arith.cmpi slt, %rem3A_2703, %lt3A_2706 : i32
      %lt3A_2708 = arith.constant 0 : i32
      %lt3A_2709 = arith.cmpi slt, %select_n3A_2702, %lt3A_2708 : i32
      %ne3A_2710 = arith.xori %lt3A_2707, %lt3A_2709 : i1
      %and3A_2711 = arith.andi %ne3A_2710, %ne3A_2705 : i1
      %add3A_2712 = arith.addi %rem3A_2703, %select_n3A_2702 : i32
      %select_n3A_2713 = arith.select %and3A_2711, %add3A_2712, %rem3A_2703 : i32
      %add3A_2714 = arith.addi %mul3A_2697, %select_n3A_2713 : i32
      %jit3A_2715 = arith.constant 8 : i32
      %div3A_2716 = arith.divsi %add3A_2671, %jit3A_2715 : i32
      %sign3A_2717 = arith.constant 0 : i32
      %sign3A_2718 = arith.cmpi sgt, %add3A_2671, %sign3A_2717 : i32
      %sign3A_2719 = arith.extui %sign3A_2718 : i1 to i32
      %sign3A_2720 = arith.constant 0 : i32
      %sign3A_2721 = arith.cmpi slt, %add3A_2671, %sign3A_2720 : i32
      %sign3A_2722 = arith.extui %sign3A_2721 : i1 to i32
      %sign3A_2723 = arith.subi %sign3A_2719, %sign3A_2722 : i32
      %sign3A_2724 = arith.constant 0 : i32
      %sign3A_2725 = arith.cmpi sgt, %jit3A_2715, %sign3A_2724 : i32
      %sign3A_2726 = arith.extui %sign3A_2725 : i1 to i32
      %sign3A_2727 = arith.constant 0 : i32
      %sign3A_2728 = arith.cmpi slt, %jit3A_2715, %sign3A_2727 : i32
      %sign3A_2729 = arith.extui %sign3A_2728 : i1 to i32
      %sign3A_2730 = arith.subi %sign3A_2726, %sign3A_2729 : i32
      %ne3A_2731 = arith.cmpi ne, %sign3A_2723, %sign3A_2730 : i32
      %rem3A_2732 = arith.remsi %add3A_2671, %jit3A_2715 : i32
      %ne3A_2733 = arith.constant 0 : i32
      %ne3A_2734 = arith.cmpi ne, %rem3A_2732, %ne3A_2733 : i32
      %and3A_2735 = arith.andi %ne3A_2731, %ne3A_2734 : i1
      %sub3A_2736 = arith.constant 1 : i32
      %sub3A_2737 = arith.subi %div3A_2716, %sub3A_2736 : i32
      %select_n3A_2738 = arith.select %and3A_2735, %sub3A_2737, %div3A_2716 : i32
      %jit3A_2739 = arith.constant 32 : i32
      %eq3A_2740 = arith.constant 0 : i32
      %eq3A_2741 = arith.cmpi eq, %jit3A_2739, %eq3A_2740 : i32
      %jit3A_2742 = arith.constant 1 : i32
      %select_n3A_2743 = arith.select %eq3A_2741, %jit3A_2742, %jit3A_2739 : i32
      %rem3A_2744 = arith.remsi %select_n3A_2738, %select_n3A_2743 : i32
      %ne3A_2745 = arith.constant 0 : i32
      %ne3A_2746 = arith.cmpi ne, %rem3A_2744, %ne3A_2745 : i32
      %lt3A_2747 = arith.constant 0 : i32
      %lt3A_2748 = arith.cmpi slt, %rem3A_2744, %lt3A_2747 : i32
      %lt3A_2749 = arith.constant 0 : i32
      %lt3A_2750 = arith.cmpi slt, %select_n3A_2743, %lt3A_2749 : i32
      %ne3A_2751 = arith.xori %lt3A_2748, %lt3A_2750 : i1
      %and3A_2752 = arith.andi %ne3A_2751, %ne3A_2746 : i1
      %add3A_2753 = arith.addi %rem3A_2744, %select_n3A_2743 : i32
      %select_n3A_2754 = arith.select %and3A_2752, %add3A_2753, %rem3A_2744 : i32
      %dma_start3A_2755 = arith.constant 2 : i32
      %dma_start3A_2756 = arith.constant 16 : i32
      %dma_start3A_2757 = arith.constant 0 : i32
      %dma_start3A_2758 = tpu.memref_slice %arg9[%dma_start3A_2756, %dma_start3A_2757] : memref<64x128xf32, #tpu.memory_space<vmem>> -> memref<8x128xf32, #tpu.memory_space<vmem>>
      %dma_start3A_2759 = arith.constant 0 : i32
      %dma_start3A_2760 = arith.constant 0 : i32
      %dma_start3A_2761 = tpu.memref_slice %arg4[%add3A_2714, %dma_start3A_2755, %select_n3A_2754, %dma_start3A_2759, %dma_start3A_2760] : memref<200x8x32x8x128xf32, #tpu.memory_space<hbm>> -> memref<1x1x1x8x128xf32, #tpu.memory_space<hbm>>
      %dma_start3A_2762 = tpu.memref_squeeze %dma_start3A_2761 : memref<1x1x1x8x128xf32, #tpu.memory_space<hbm>> -> memref<8x128xf32, #tpu.memory_space<hbm>>
      %dma_start3A_2763 = arith.constant 0 : i32
      %dma_start3A_2764 = arith.constant 0 : i32
      %dma_start3A_2765 = tpu.memref_slice %arg4[%add3A_2714, %dma_start3A_2755, %select_n3A_2754, %dma_start3A_2763, %dma_start3A_2764] : memref<200x8x32x8x128xf32, #tpu.memory_space<hbm>> -> memref<1x1x1x8x128xf32, #tpu.memory_space<hbm>>
      %dma_start3A_2766 = tpu.memref_squeeze %dma_start3A_2765 : memref<1x1x1x8x128xf32, #tpu.memory_space<hbm>> -> memref<8x128xf32, #tpu.memory_space<hbm>>
      %dma_start3A_2767 = arith.constant 16 : i32
      %dma_start3A_2768 = arith.constant 0 : i32
      %dma_start3A_2769 = tpu.memref_slice %arg9[%dma_start3A_2767, %dma_start3A_2768] : memref<64x128xf32, #tpu.memory_space<vmem>> -> memref<8x128xf32, #tpu.memory_space<vmem>>
      tpu.enqueue_dma source(%dma_start3A_2769 : memref<8x128xf32, #tpu.memory_space<vmem>>) target(%dma_start3A_2766 : memref<8x128xf32, #tpu.memory_space<hbm>>) target_semaphore(%arg13 : memref<!tpu.dma_semaphore, #tpu.memory_space<semaphore_mem>>)
      %add3A_2770 = arith.addi %mul3A_2, %add3A_2448 : i32
      %jit3A_2771 = arith.constant 256 : i32
      %div3A_2772 = arith.divsi %add3A_2770, %jit3A_2771 : i32
      %sign3A_2773 = arith.constant 0 : i32
      %sign3A_2774 = arith.cmpi sgt, %add3A_2770, %sign3A_2773 : i32
      %sign3A_2775 = arith.extui %sign3A_2774 : i1 to i32
      %sign3A_2776 = arith.constant 0 : i32
      %sign3A_2777 = arith.cmpi slt, %add3A_2770, %sign3A_2776 : i32
      %sign3A_2778 = arith.extui %sign3A_2777 : i1 to i32
      %sign3A_2779 = arith.subi %sign3A_2775, %sign3A_2778 : i32
      %sign3A_2780 = arith.constant 0 : i32
      %sign3A_2781 = arith.cmpi sgt, %jit3A_2771, %sign3A_2780 : i32
      %sign3A_2782 = arith.extui %sign3A_2781 : i1 to i32
      %sign3A_2783 = arith.constant 0 : i32
      %sign3A_2784 = arith.cmpi slt, %jit3A_2771, %sign3A_2783 : i32
      %sign3A_2785 = arith.extui %sign3A_2784 : i1 to i32
      %sign3A_2786 = arith.subi %sign3A_2782, %sign3A_2785 : i32
      %ne3A_2787 = arith.cmpi ne, %sign3A_2779, %sign3A_2786 : i32
      %rem3A_2788 = arith.remsi %add3A_2770, %jit3A_2771 : i32
      %ne3A_2789 = arith.constant 0 : i32
      %ne3A_2790 = arith.cmpi ne, %rem3A_2788, %ne3A_2789 : i32
      %and3A_2791 = arith.andi %ne3A_2787, %ne3A_2790 : i1
      %sub3A_2792 = arith.constant 1 : i32
      %sub3A_2793 = arith.subi %div3A_2772, %sub3A_2792 : i32
      %select_n3A_2794 = arith.select %and3A_2791, %sub3A_2793, %div3A_2772 : i32
      %mul3A_2795 = arith.constant 8 : i32
      %mul3A_2796 = arith.muli %select_n3A_2794, %mul3A_2795 : i32
      %jit3A_2797 = arith.constant 8 : i32
      %eq3A_2798 = arith.constant 0 : i32
      %eq3A_2799 = arith.cmpi eq, %jit3A_2797, %eq3A_2798 : i32
      %jit3A_2800 = arith.constant 1 : i32
      %select_n3A_2801 = arith.select %eq3A_2799, %jit3A_2800, %jit3A_2797 : i32
      %rem3A_2802 = arith.remsi %add3A_2770, %select_n3A_2801 : i32
      %ne3A_2803 = arith.constant 0 : i32
      %ne3A_2804 = arith.cmpi ne, %rem3A_2802, %ne3A_2803 : i32
      %lt3A_2805 = arith.constant 0 : i32
      %lt3A_2806 = arith.cmpi slt, %rem3A_2802, %lt3A_2805 : i32
      %lt3A_2807 = arith.constant 0 : i32
      %lt3A_2808 = arith.cmpi slt, %select_n3A_2801, %lt3A_2807 : i32
      %ne3A_2809 = arith.xori %lt3A_2806, %lt3A_2808 : i1
      %and3A_2810 = arith.andi %ne3A_2809, %ne3A_2804 : i1
      %add3A_2811 = arith.addi %rem3A_2802, %select_n3A_2801 : i32
      %select_n3A_2812 = arith.select %and3A_2810, %add3A_2811, %rem3A_2802 : i32
      %add3A_2813 = arith.addi %mul3A_2796, %select_n3A_2812 : i32
      %jit3A_2814 = arith.constant 8 : i32
      %div3A_2815 = arith.divsi %add3A_2770, %jit3A_2814 : i32
      %sign3A_2816 = arith.constant 0 : i32
      %sign3A_2817 = arith.cmpi sgt, %add3A_2770, %sign3A_2816 : i32
      %sign3A_2818 = arith.extui %sign3A_2817 : i1 to i32
      %sign3A_2819 = arith.constant 0 : i32
      %sign3A_2820 = arith.cmpi slt, %add3A_2770, %sign3A_2819 : i32
      %sign3A_2821 = arith.extui %sign3A_2820 : i1 to i32
      %sign3A_2822 = arith.subi %sign3A_2818, %sign3A_2821 : i32
      %sign3A_2823 = arith.constant 0 : i32
      %sign3A_2824 = arith.cmpi sgt, %jit3A_2814, %sign3A_2823 : i32
      %sign3A_2825 = arith.extui %sign3A_2824 : i1 to i32
      %sign3A_2826 = arith.constant 0 : i32
      %sign3A_2827 = arith.cmpi slt, %jit3A_2814, %sign3A_2826 : i32
      %sign3A_2828 = arith.extui %sign3A_2827 : i1 to i32
      %sign3A_2829 = arith.subi %sign3A_2825, %sign3A_2828 : i32
      %ne3A_2830 = arith.cmpi ne, %sign3A_2822, %sign3A_2829 : i32
      %rem3A_2831 = arith.remsi %add3A_2770, %jit3A_2814 : i32
      %ne3A_2832 = arith.constant 0 : i32
      %ne3A_2833 = arith.cmpi ne, %rem3A_2831, %ne3A_2832 : i32
      %and3A_2834 = arith.andi %ne3A_2830, %ne3A_2833 : i1
      %sub3A_2835 = arith.constant 1 : i32
      %sub3A_2836 = arith.subi %div3A_2815, %sub3A_2835 : i32
      %select_n3A_2837 = arith.select %and3A_2834, %sub3A_2836, %div3A_2815 : i32
      %jit3A_2838 = arith.constant 32 : i32
      %eq3A_2839 = arith.constant 0 : i32
      %eq3A_2840 = arith.cmpi eq, %jit3A_2838, %eq3A_2839 : i32
      %jit3A_2841 = arith.constant 1 : i32
      %select_n3A_2842 = arith.select %eq3A_2840, %jit3A_2841, %jit3A_2838 : i32
      %rem3A_2843 = arith.remsi %select_n3A_2837, %select_n3A_2842 : i32
      %ne3A_2844 = arith.constant 0 : i32
      %ne3A_2845 = arith.cmpi ne, %rem3A_2843, %ne3A_2844 : i32
      %lt3A_2846 = arith.constant 0 : i32
      %lt3A_2847 = arith.cmpi slt, %rem3A_2843, %lt3A_2846 : i32
      %lt3A_2848 = arith.constant 0 : i32
      %lt3A_2849 = arith.cmpi slt, %select_n3A_2842, %lt3A_2848 : i32
      %ne3A_2850 = arith.xori %lt3A_2847, %lt3A_2849 : i1
      %and3A_2851 = arith.andi %ne3A_2850, %ne3A_2845 : i1
      %add3A_2852 = arith.addi %rem3A_2843, %select_n3A_2842 : i32
      %select_n3A_2853 = arith.select %and3A_2851, %add3A_2852, %rem3A_2843 : i32
      %dma_start3A_2854 = arith.constant 3 : i32
      %dma_start3A_2855 = arith.constant 24 : i32
      %dma_start3A_2856 = arith.constant 0 : i32
      %dma_start3A_2857 = tpu.memref_slice %arg9[%dma_start3A_2855, %dma_start3A_2856] : memref<64x128xf32, #tpu.memory_space<vmem>> -> memref<8x128xf32, #tpu.memory_space<vmem>>
      %dma_start3A_2858 = arith.constant 0 : i32
      %dma_start3A_2859 = arith.constant 0 : i32
      %dma_start3A_2860 = tpu.memref_slice %arg4[%add3A_2813, %dma_start3A_2854, %select_n3A_2853, %dma_start3A_2858, %dma_start3A_2859] : memref<200x8x32x8x128xf32, #tpu.memory_space<hbm>> -> memref<1x1x1x8x128xf32, #tpu.memory_space<hbm>>
      %dma_start3A_2861 = tpu.memref_squeeze %dma_start3A_2860 : memref<1x1x1x8x128xf32, #tpu.memory_space<hbm>> -> memref<8x128xf32, #tpu.memory_space<hbm>>
      %dma_start3A_2862 = arith.constant 0 : i32
      %dma_start3A_2863 = arith.constant 0 : i32
      %dma_start3A_2864 = tpu.memref_slice %arg4[%add3A_2813, %dma_start3A_2854, %select_n3A_2853, %dma_start3A_2862, %dma_start3A_2863] : memref<200x8x32x8x128xf32, #tpu.memory_space<hbm>> -> memref<1x1x1x8x128xf32, #tpu.memory_space<hbm>>
      %dma_start3A_2865 = tpu.memref_squeeze %dma_start3A_2864 : memref<1x1x1x8x128xf32, #tpu.memory_space<hbm>> -> memref<8x128xf32, #tpu.memory_space<hbm>>
      %dma_start3A_2866 = arith.constant 24 : i32
      %dma_start3A_2867 = arith.constant 0 : i32
      %dma_start3A_2868 = tpu.memref_slice %arg9[%dma_start3A_2866, %dma_start3A_2867] : memref<64x128xf32, #tpu.memory_space<vmem>> -> memref<8x128xf32, #tpu.memory_space<vmem>>
      tpu.enqueue_dma source(%dma_start3A_2868 : memref<8x128xf32, #tpu.memory_space<vmem>>) target(%dma_start3A_2865 : memref<8x128xf32, #tpu.memory_space<hbm>>) target_semaphore(%arg13 : memref<!tpu.dma_semaphore, #tpu.memory_space<semaphore_mem>>)
      %add3A_2869 = arith.addi %mul3A_2, %add3A_2448 : i32
      %jit3A_2870 = arith.constant 256 : i32
      %div3A_2871 = arith.divsi %add3A_2869, %jit3A_2870 : i32
      %sign3A_2872 = arith.constant 0 : i32
      %sign3A_2873 = arith.cmpi sgt, %add3A_2869, %sign3A_2872 : i32
      %sign3A_2874 = arith.extui %sign3A_2873 : i1 to i32
      %sign3A_2875 = arith.constant 0 : i32
      %sign3A_2876 = arith.cmpi slt, %add3A_2869, %sign3A_2875 : i32
      %sign3A_2877 = arith.extui %sign3A_2876 : i1 to i32
      %sign3A_2878 = arith.subi %sign3A_2874, %sign3A_2877 : i32
      %sign3A_2879 = arith.constant 0 : i32
      %sign3A_2880 = arith.cmpi sgt, %jit3A_2870, %sign3A_2879 : i32
      %sign3A_2881 = arith.extui %sign3A_2880 : i1 to i32
      %sign3A_2882 = arith.constant 0 : i32
      %sign3A_2883 = arith.cmpi slt, %jit3A_2870, %sign3A_2882 : i32
      %sign3A_2884 = arith.extui %sign3A_2883 : i1 to i32
      %sign3A_2885 = arith.subi %sign3A_2881, %sign3A_2884 : i32
      %ne3A_2886 = arith.cmpi ne, %sign3A_2878, %sign3A_2885 : i32
      %rem3A_2887 = arith.remsi %add3A_2869, %jit3A_2870 : i32
      %ne3A_2888 = arith.constant 0 : i32
      %ne3A_2889 = arith.cmpi ne, %rem3A_2887, %ne3A_2888 : i32
      %and3A_2890 = arith.andi %ne3A_2886, %ne3A_2889 : i1
      %sub3A_2891 = arith.constant 1 : i32
      %sub3A_2892 = arith.subi %div3A_2871, %sub3A_2891 : i32
      %select_n3A_2893 = arith.select %and3A_2890, %sub3A_2892, %div3A_2871 : i32
      %mul3A_2894 = arith.constant 8 : i32
      %mul3A_2895 = arith.muli %select_n3A_2893, %mul3A_2894 : i32
      %jit3A_2896 = arith.constant 8 : i32
      %eq3A_2897 = arith.constant 0 : i32
      %eq3A_2898 = arith.cmpi eq, %jit3A_2896, %eq3A_2897 : i32
      %jit3A_2899 = arith.constant 1 : i32
      %select_n3A_2900 = arith.select %eq3A_2898, %jit3A_2899, %jit3A_2896 : i32
      %rem3A_2901 = arith.remsi %add3A_2869, %select_n3A_2900 : i32
      %ne3A_2902 = arith.constant 0 : i32
      %ne3A_2903 = arith.cmpi ne, %rem3A_2901, %ne3A_2902 : i32
      %lt3A_2904 = arith.constant 0 : i32
      %lt3A_2905 = arith.cmpi slt, %rem3A_2901, %lt3A_2904 : i32
      %lt3A_2906 = arith.constant 0 : i32
      %lt3A_2907 = arith.cmpi slt, %select_n3A_2900, %lt3A_2906 : i32
      %ne3A_2908 = arith.xori %lt3A_2905, %lt3A_2907 : i1
      %and3A_2909 = arith.andi %ne3A_2908, %ne3A_2903 : i1
      %add3A_2910 = arith.addi %rem3A_2901, %select_n3A_2900 : i32
      %select_n3A_2911 = arith.select %and3A_2909, %add3A_2910, %rem3A_2901 : i32
      %add3A_2912 = arith.addi %mul3A_2895, %select_n3A_2911 : i32
      %jit3A_2913 = arith.constant 8 : i32
      %div3A_2914 = arith.divsi %add3A_2869, %jit3A_2913 : i32
      %sign3A_2915 = arith.constant 0 : i32
      %sign3A_2916 = arith.cmpi sgt, %add3A_2869, %sign3A_2915 : i32
      %sign3A_2917 = arith.extui %sign3A_2916 : i1 to i32
      %sign3A_2918 = arith.constant 0 : i32
      %sign3A_2919 = arith.cmpi slt, %add3A_2869, %sign3A_2918 : i32
      %sign3A_2920 = arith.extui %sign3A_2919 : i1 to i32
      %sign3A_2921 = arith.subi %sign3A_2917, %sign3A_2920 : i32
      %sign3A_2922 = arith.constant 0 : i32
      %sign3A_2923 = arith.cmpi sgt, %jit3A_2913, %sign3A_2922 : i32
      %sign3A_2924 = arith.extui %sign3A_2923 : i1 to i32
      %sign3A_2925 = arith.constant 0 : i32
      %sign3A_2926 = arith.cmpi slt, %jit3A_2913, %sign3A_2925 : i32
      %sign3A_2927 = arith.extui %sign3A_2926 : i1 to i32
      %sign3A_2928 = arith.subi %sign3A_2924, %sign3A_2927 : i32
      %ne3A_2929 = arith.cmpi ne, %sign3A_2921, %sign3A_2928 : i32
      %rem3A_2930 = arith.remsi %add3A_2869, %jit3A_2913 : i32
      %ne3A_2931 = arith.constant 0 : i32
      %ne3A_2932 = arith.cmpi ne, %rem3A_2930, %ne3A_2931 : i32
      %and3A_2933 = arith.andi %ne3A_2929, %ne3A_2932 : i1
      %sub3A_2934 = arith.constant 1 : i32
      %sub3A_2935 = arith.subi %div3A_2914, %sub3A_2934 : i32
      %select_n3A_2936 = arith.select %and3A_2933, %sub3A_2935, %div3A_2914 : i32
      %jit3A_2937 = arith.constant 32 : i32
      %eq3A_2938 = arith.constant 0 : i32
      %eq3A_2939 = arith.cmpi eq, %jit3A_2937, %eq3A_2938 : i32
      %jit3A_2940 = arith.constant 1 : i32
      %select_n3A_2941 = arith.select %eq3A_2939, %jit3A_2940, %jit3A_2937 : i32
      %rem3A_2942 = arith.remsi %select_n3A_2936, %select_n3A_2941 : i32
      %ne3A_2943 = arith.constant 0 : i32
      %ne3A_2944 = arith.cmpi ne, %rem3A_2942, %ne3A_2943 : i32
      %lt3A_2945 = arith.constant 0 : i32
      %lt3A_2946 = arith.cmpi slt, %rem3A_2942, %lt3A_2945 : i32
      %lt3A_2947 = arith.constant 0 : i32
      %lt3A_2948 = arith.cmpi slt, %select_n3A_2941, %lt3A_2947 : i32
      %ne3A_2949 = arith.xori %lt3A_2946, %lt3A_2948 : i1
      %and3A_2950 = arith.andi %ne3A_2949, %ne3A_2944 : i1
      %add3A_2951 = arith.addi %rem3A_2942, %select_n3A_2941 : i32
      %select_n3A_2952 = arith.select %and3A_2950, %add3A_2951, %rem3A_2942 : i32
      %dma_start3A_2953 = arith.constant 4 : i32
      %dma_start3A_2954 = arith.constant 32 : i32
      %dma_start3A_2955 = arith.constant 0 : i32
      %dma_start3A_2956 = tpu.memref_slice %arg9[%dma_start3A_2954, %dma_start3A_2955] : memref<64x128xf32, #tpu.memory_space<vmem>> -> memref<8x128xf32, #tpu.memory_space<vmem>>
      %dma_start3A_2957 = arith.constant 0 : i32
      %dma_start3A_2958 = arith.constant 0 : i32
      %dma_start3A_2959 = tpu.memref_slice %arg4[%add3A_2912, %dma_start3A_2953, %select_n3A_2952, %dma_start3A_2957, %dma_start3A_2958] : memref<200x8x32x8x128xf32, #tpu.memory_space<hbm>> -> memref<1x1x1x8x128xf32, #tpu.memory_space<hbm>>
      %dma_start3A_2960 = tpu.memref_squeeze %dma_start3A_2959 : memref<1x1x1x8x128xf32, #tpu.memory_space<hbm>> -> memref<8x128xf32, #tpu.memory_space<hbm>>
      %dma_start3A_2961 = arith.constant 0 : i32
      %dma_start3A_2962 = arith.constant 0 : i32
      %dma_start3A_2963 = tpu.memref_slice %arg4[%add3A_2912, %dma_start3A_2953, %select_n3A_2952, %dma_start3A_2961, %dma_start3A_2962] : memref<200x8x32x8x128xf32, #tpu.memory_space<hbm>> -> memref<1x1x1x8x128xf32, #tpu.memory_space<hbm>>
      %dma_start3A_2964 = tpu.memref_squeeze %dma_start3A_2963 : memref<1x1x1x8x128xf32, #tpu.memory_space<hbm>> -> memref<8x128xf32, #tpu.memory_space<hbm>>
      %dma_start3A_2965 = arith.constant 32 : i32
      %dma_start3A_2966 = arith.constant 0 : i32
      %dma_start3A_2967 = tpu.memref_slice %arg9[%dma_start3A_2965, %dma_start3A_2966] : memref<64x128xf32, #tpu.memory_space<vmem>> -> memref<8x128xf32, #tpu.memory_space<vmem>>
      tpu.enqueue_dma source(%dma_start3A_2967 : memref<8x128xf32, #tpu.memory_space<vmem>>) target(%dma_start3A_2964 : memref<8x128xf32, #tpu.memory_space<hbm>>) target_semaphore(%arg13 : memref<!tpu.dma_semaphore, #tpu.memory_space<semaphore_mem>>)
      %add3A_2968 = arith.addi %mul3A_2, %add3A_2448 : i32
      %jit3A_2969 = arith.constant 256 : i32
      %div3A_2970 = arith.divsi %add3A_2968, %jit3A_2969 : i32
      %sign3A_2971 = arith.constant 0 : i32
      %sign3A_2972 = arith.cmpi sgt, %add3A_2968, %sign3A_2971 : i32
      %sign3A_2973 = arith.extui %sign3A_2972 : i1 to i32
      %sign3A_2974 = arith.constant 0 : i32
      %sign3A_2975 = arith.cmpi slt, %add3A_2968, %sign3A_2974 : i32
      %sign3A_2976 = arith.extui %sign3A_2975 : i1 to i32
      %sign3A_2977 = arith.subi %sign3A_2973, %sign3A_2976 : i32
      %sign3A_2978 = arith.constant 0 : i32
      %sign3A_2979 = arith.cmpi sgt, %jit3A_2969, %sign3A_2978 : i32
      %sign3A_2980 = arith.extui %sign3A_2979 : i1 to i32
      %sign3A_2981 = arith.constant 0 : i32
      %sign3A_2982 = arith.cmpi slt, %jit3A_2969, %sign3A_2981 : i32
      %sign3A_2983 = arith.extui %sign3A_2982 : i1 to i32
      %sign3A_2984 = arith.subi %sign3A_2980, %sign3A_2983 : i32
      %ne3A_2985 = arith.cmpi ne, %sign3A_2977, %sign3A_2984 : i32
      %rem3A_2986 = arith.remsi %add3A_2968, %jit3A_2969 : i32
      %ne3A_2987 = arith.constant 0 : i32
      %ne3A_2988 = arith.cmpi ne, %rem3A_2986, %ne3A_2987 : i32
      %and3A_2989 = arith.andi %ne3A_2985, %ne3A_2988 : i1
      %sub3A_2990 = arith.constant 1 : i32
      %sub3A_2991 = arith.subi %div3A_2970, %sub3A_2990 : i32
      %select_n3A_2992 = arith.select %and3A_2989, %sub3A_2991, %div3A_2970 : i32
      %mul3A_2993 = arith.constant 8 : i32
      %mul3A_2994 = arith.muli %select_n3A_2992, %mul3A_2993 : i32
      %jit3A_2995 = arith.constant 8 : i32
      %eq3A_2996 = arith.constant 0 : i32
      %eq3A_2997 = arith.cmpi eq, %jit3A_2995, %eq3A_2996 : i32
      %jit3A_2998 = arith.constant 1 : i32
      %select_n3A_2999 = arith.select %eq3A_2997, %jit3A_2998, %jit3A_2995 : i32
      %rem3A_3000 = arith.remsi %add3A_2968, %select_n3A_2999 : i32
      %ne3A_3001 = arith.constant 0 : i32
      %ne3A_3002 = arith.cmpi ne, %rem3A_3000, %ne3A_3001 : i32
      %lt3A_3003 = arith.constant 0 : i32
      %lt3A_3004 = arith.cmpi slt, %rem3A_3000, %lt3A_3003 : i32
      %lt3A_3005 = arith.constant 0 : i32
      %lt3A_3006 = arith.cmpi slt, %select_n3A_2999, %lt3A_3005 : i32
      %ne3A_3007 = arith.xori %lt3A_3004, %lt3A_3006 : i1
      %and3A_3008 = arith.andi %ne3A_3007, %ne3A_3002 : i1
      %add3A_3009 = arith.addi %rem3A_3000, %select_n3A_2999 : i32
      %select_n3A_3010 = arith.select %and3A_3008, %add3A_3009, %rem3A_3000 : i32
      %add3A_3011 = arith.addi %mul3A_2994, %select_n3A_3010 : i32
      %jit3A_3012 = arith.constant 8 : i32
      %div3A_3013 = arith.divsi %add3A_2968, %jit3A_3012 : i32
      %sign3A_3014 = arith.constant 0 : i32
      %sign3A_3015 = arith.cmpi sgt, %add3A_2968, %sign3A_3014 : i32
      %sign3A_3016 = arith.extui %sign3A_3015 : i1 to i32
      %sign3A_3017 = arith.constant 0 : i32
      %sign3A_3018 = arith.cmpi slt, %add3A_2968, %sign3A_3017 : i32
      %sign3A_3019 = arith.extui %sign3A_3018 : i1 to i32
      %sign3A_3020 = arith.subi %sign3A_3016, %sign3A_3019 : i32
      %sign3A_3021 = arith.constant 0 : i32
      %sign3A_3022 = arith.cmpi sgt, %jit3A_3012, %sign3A_3021 : i32
      %sign3A_3023 = arith.extui %sign3A_3022 : i1 to i32
      %sign3A_3024 = arith.constant 0 : i32
      %sign3A_3025 = arith.cmpi slt, %jit3A_3012, %sign3A_3024 : i32
      %sign3A_3026 = arith.extui %sign3A_3025 : i1 to i32
      %sign3A_3027 = arith.subi %sign3A_3023, %sign3A_3026 : i32
      %ne3A_3028 = arith.cmpi ne, %sign3A_3020, %sign3A_3027 : i32
      %rem3A_3029 = arith.remsi %add3A_2968, %jit3A_3012 : i32
      %ne3A_3030 = arith.constant 0 : i32
      %ne3A_3031 = arith.cmpi ne, %rem3A_3029, %ne3A_3030 : i32
      %and3A_3032 = arith.andi %ne3A_3028, %ne3A_3031 : i1
      %sub3A_3033 = arith.constant 1 : i32
      %sub3A_3034 = arith.subi %div3A_3013, %sub3A_3033 : i32
      %select_n3A_3035 = arith.select %and3A_3032, %sub3A_3034, %div3A_3013 : i32
      %jit3A_3036 = arith.constant 32 : i32
      %eq3A_3037 = arith.constant 0 : i32
      %eq3A_3038 = arith.cmpi eq, %jit3A_3036, %eq3A_3037 : i32
      %jit3A_3039 = arith.constant 1 : i32
      %select_n3A_3040 = arith.select %eq3A_3038, %jit3A_3039, %jit3A_3036 : i32
      %rem3A_3041 = arith.remsi %select_n3A_3035, %select_n3A_3040 : i32
      %ne3A_3042 = arith.constant 0 : i32
      %ne3A_3043 = arith.cmpi ne, %rem3A_3041, %ne3A_3042 : i32
      %lt3A_3044 = arith.constant 0 : i32
      %lt3A_3045 = arith.cmpi slt, %rem3A_3041, %lt3A_3044 : i32
      %lt3A_3046 = arith.constant 0 : i32
      %lt3A_3047 = arith.cmpi slt, %select_n3A_3040, %lt3A_3046 : i32
      %ne3A_3048 = arith.xori %lt3A_3045, %lt3A_3047 : i1
      %and3A_3049 = arith.andi %ne3A_3048, %ne3A_3043 : i1
      %add3A_3050 = arith.addi %rem3A_3041, %select_n3A_3040 : i32
      %select_n3A_3051 = arith.select %and3A_3049, %add3A_3050, %rem3A_3041 : i32
      %dma_start3A_3052 = arith.constant 5 : i32
      %dma_start3A_3053 = arith.constant 40 : i32
      %dma_start3A_3054 = arith.constant 0 : i32
      %dma_start3A_3055 = tpu.memref_slice %arg9[%dma_start3A_3053, %dma_start3A_3054] : memref<64x128xf32, #tpu.memory_space<vmem>> -> memref<8x128xf32, #tpu.memory_space<vmem>>
      %dma_start3A_3056 = arith.constant 0 : i32
      %dma_start3A_3057 = arith.constant 0 : i32
      %dma_start3A_3058 = tpu.memref_slice %arg4[%add3A_3011, %dma_start3A_3052, %select_n3A_3051, %dma_start3A_3056, %dma_start3A_3057] : memref<200x8x32x8x128xf32, #tpu.memory_space<hbm>> -> memref<1x1x1x8x128xf32, #tpu.memory_space<hbm>>
      %dma_start3A_3059 = tpu.memref_squeeze %dma_start3A_3058 : memref<1x1x1x8x128xf32, #tpu.memory_space<hbm>> -> memref<8x128xf32, #tpu.memory_space<hbm>>
      %dma_start3A_3060 = arith.constant 0 : i32
      %dma_start3A_3061 = arith.constant 0 : i32
      %dma_start3A_3062 = tpu.memref_slice %arg4[%add3A_3011, %dma_start3A_3052, %select_n3A_3051, %dma_start3A_3060, %dma_start3A_3061] : memref<200x8x32x8x128xf32, #tpu.memory_space<hbm>> -> memref<1x1x1x8x128xf32, #tpu.memory_space<hbm>>
      %dma_start3A_3063 = tpu.memref_squeeze %dma_start3A_3062 : memref<1x1x1x8x128xf32, #tpu.memory_space<hbm>> -> memref<8x128xf32, #tpu.memory_space<hbm>>
      %dma_start3A_3064 = arith.constant 40 : i32
      %dma_start3A_3065 = arith.constant 0 : i32
      %dma_start3A_3066 = tpu.memref_slice %arg9[%dma_start3A_3064, %dma_start3A_3065] : memref<64x128xf32, #tpu.memory_space<vmem>> -> memref<8x128xf32, #tpu.memory_space<vmem>>
      tpu.enqueue_dma source(%dma_start3A_3066 : memref<8x128xf32, #tpu.memory_space<vmem>>) target(%dma_start3A_3063 : memref<8x128xf32, #tpu.memory_space<hbm>>) target_semaphore(%arg13 : memref<!tpu.dma_semaphore, #tpu.memory_space<semaphore_mem>>)
      %add3A_3067 = arith.addi %mul3A_2, %add3A_2448 : i32
      %jit3A_3068 = arith.constant 256 : i32
      %div3A_3069 = arith.divsi %add3A_3067, %jit3A_3068 : i32
      %sign3A_3070 = arith.constant 0 : i32
      %sign3A_3071 = arith.cmpi sgt, %add3A_3067, %sign3A_3070 : i32
      %sign3A_3072 = arith.extui %sign3A_3071 : i1 to i32
      %sign3A_3073 = arith.constant 0 : i32
      %sign3A_3074 = arith.cmpi slt, %add3A_3067, %sign3A_3073 : i32
      %sign3A_3075 = arith.extui %sign3A_3074 : i1 to i32
      %sign3A_3076 = arith.subi %sign3A_3072, %sign3A_3075 : i32
      %sign3A_3077 = arith.constant 0 : i32
      %sign3A_3078 = arith.cmpi sgt, %jit3A_3068, %sign3A_3077 : i32
      %sign3A_3079 = arith.extui %sign3A_3078 : i1 to i32
      %sign3A_3080 = arith.constant 0 : i32
      %sign3A_3081 = arith.cmpi slt, %jit3A_3068, %sign3A_3080 : i32
      %sign3A_3082 = arith.extui %sign3A_3081 : i1 to i32
      %sign3A_3083 = arith.subi %sign3A_3079, %sign3A_3082 : i32
      %ne3A_3084 = arith.cmpi ne, %sign3A_3076, %sign3A_3083 : i32
      %rem3A_3085 = arith.remsi %add3A_3067, %jit3A_3068 : i32
      %ne3A_3086 = arith.constant 0 : i32
      %ne3A_3087 = arith.cmpi ne, %rem3A_3085, %ne3A_3086 : i32
      %and3A_3088 = arith.andi %ne3A_3084, %ne3A_3087 : i1
      %sub3A_3089 = arith.constant 1 : i32
      %sub3A_3090 = arith.subi %div3A_3069, %sub3A_3089 : i32
      %select_n3A_3091 = arith.select %and3A_3088, %sub3A_3090, %div3A_3069 : i32
      %mul3A_3092 = arith.constant 8 : i32
      %mul3A_3093 = arith.muli %select_n3A_3091, %mul3A_3092 : i32
      %jit3A_3094 = arith.constant 8 : i32
      %eq3A_3095 = arith.constant 0 : i32
      %eq3A_3096 = arith.cmpi eq, %jit3A_3094, %eq3A_3095 : i32
      %jit3A_3097 = arith.constant 1 : i32
      %select_n3A_3098 = arith.select %eq3A_3096, %jit3A_3097, %jit3A_3094 : i32
      %rem3A_3099 = arith.remsi %add3A_3067, %select_n3A_3098 : i32
      %ne3A_3100 = arith.constant 0 : i32
      %ne3A_3101 = arith.cmpi ne, %rem3A_3099, %ne3A_3100 : i32
      %lt3A_3102 = arith.constant 0 : i32
      %lt3A_3103 = arith.cmpi slt, %rem3A_3099, %lt3A_3102 : i32
      %lt3A_3104 = arith.constant 0 : i32
      %lt3A_3105 = arith.cmpi slt, %select_n3A_3098, %lt3A_3104 : i32
      %ne3A_3106 = arith.xori %lt3A_3103, %lt3A_3105 : i1
      %and3A_3107 = arith.andi %ne3A_3106, %ne3A_3101 : i1
      %add3A_3108 = arith.addi %rem3A_3099, %select_n3A_3098 : i32
      %select_n3A_3109 = arith.select %and3A_3107, %add3A_3108, %rem3A_3099 : i32
      %add3A_3110 = arith.addi %mul3A_3093, %select_n3A_3109 : i32
      %jit3A_3111 = arith.constant 8 : i32
      %div3A_3112 = arith.divsi %add3A_3067, %jit3A_3111 : i32
      %sign3A_3113 = arith.constant 0 : i32
      %sign3A_3114 = arith.cmpi sgt, %add3A_3067, %sign3A_3113 : i32
      %sign3A_3115 = arith.extui %sign3A_3114 : i1 to i32
      %sign3A_3116 = arith.constant 0 : i32
      %sign3A_3117 = arith.cmpi slt, %add3A_3067, %sign3A_3116 : i32
      %sign3A_3118 = arith.extui %sign3A_3117 : i1 to i32
      %sign3A_3119 = arith.subi %sign3A_3115, %sign3A_3118 : i32
      %sign3A_3120 = arith.constant 0 : i32
      %sign3A_3121 = arith.cmpi sgt, %jit3A_3111, %sign3A_3120 : i32
      %sign3A_3122 = arith.extui %sign3A_3121 : i1 to i32
      %sign3A_3123 = arith.constant 0 : i32
      %sign3A_3124 = arith.cmpi slt, %jit3A_3111, %sign3A_3123 : i32
      %sign3A_3125 = arith.extui %sign3A_3124 : i1 to i32
      %sign3A_3126 = arith.subi %sign3A_3122, %sign3A_3125 : i32
      %ne3A_3127 = arith.cmpi ne, %sign3A_3119, %sign3A_3126 : i32
      %rem3A_3128 = arith.remsi %add3A_3067, %jit3A_3111 : i32
      %ne3A_3129 = arith.constant 0 : i32
      %ne3A_3130 = arith.cmpi ne, %rem3A_3128, %ne3A_3129 : i32
      %and3A_3131 = arith.andi %ne3A_3127, %ne3A_3130 : i1
      %sub3A_3132 = arith.constant 1 : i32
      %sub3A_3133 = arith.subi %div3A_3112, %sub3A_3132 : i32
      %select_n3A_3134 = arith.select %and3A_3131, %sub3A_3133, %div3A_3112 : i32
      %jit3A_3135 = arith.constant 32 : i32
      %eq3A_3136 = arith.constant 0 : i32
      %eq3A_3137 = arith.cmpi eq, %jit3A_3135, %eq3A_3136 : i32
      %jit3A_3138 = arith.constant 1 : i32
      %select_n3A_3139 = arith.select %eq3A_3137, %jit3A_3138, %jit3A_3135 : i32
      %rem3A_3140 = arith.remsi %select_n3A_3134, %select_n3A_3139 : i32
      %ne3A_3141 = arith.constant 0 : i32
      %ne3A_3142 = arith.cmpi ne, %rem3A_3140, %ne3A_3141 : i32
      %lt3A_3143 = arith.constant 0 : i32
      %lt3A_3144 = arith.cmpi slt, %rem3A_3140, %lt3A_3143 : i32
      %lt3A_3145 = arith.constant 0 : i32
      %lt3A_3146 = arith.cmpi slt, %select_n3A_3139, %lt3A_3145 : i32
      %ne3A_3147 = arith.xori %lt3A_3144, %lt3A_3146 : i1
      %and3A_3148 = arith.andi %ne3A_3147, %ne3A_3142 : i1
      %add3A_3149 = arith.addi %rem3A_3140, %select_n3A_3139 : i32
      %select_n3A_3150 = arith.select %and3A_3148, %add3A_3149, %rem3A_3140 : i32
      %dma_start3A_3151 = arith.constant 6 : i32
      %dma_start3A_3152 = arith.constant 48 : i32
      %dma_start3A_3153 = arith.constant 0 : i32
      %dma_start3A_3154 = tpu.memref_slice %arg9[%dma_start3A_3152, %dma_start3A_3153] : memref<64x128xf32, #tpu.memory_space<vmem>> -> memref<8x128xf32, #tpu.memory_space<vmem>>
      %dma_start3A_3155 = arith.constant 0 : i32
      %dma_start3A_3156 = arith.constant 0 : i32
      %dma_start3A_3157 = tpu.memref_slice %arg4[%add3A_3110, %dma_start3A_3151, %select_n3A_3150, %dma_start3A_3155, %dma_start3A_3156] : memref<200x8x32x8x128xf32, #tpu.memory_space<hbm>> -> memref<1x1x1x8x128xf32, #tpu.memory_space<hbm>>
      %dma_start3A_3158 = tpu.memref_squeeze %dma_start3A_3157 : memref<1x1x1x8x128xf32, #tpu.memory_space<hbm>> -> memref<8x128xf32, #tpu.memory_space<hbm>>
      %dma_start3A_3159 = arith.constant 0 : i32
      %dma_start3A_3160 = arith.constant 0 : i32
      %dma_start3A_3161 = tpu.memref_slice %arg4[%add3A_3110, %dma_start3A_3151, %select_n3A_3150, %dma_start3A_3159, %dma_start3A_3160] : memref<200x8x32x8x128xf32, #tpu.memory_space<hbm>> -> memref<1x1x1x8x128xf32, #tpu.memory_space<hbm>>
      %dma_start3A_3162 = tpu.memref_squeeze %dma_start3A_3161 : memref<1x1x1x8x128xf32, #tpu.memory_space<hbm>> -> memref<8x128xf32, #tpu.memory_space<hbm>>
      %dma_start3A_3163 = arith.constant 48 : i32
      %dma_start3A_3164 = arith.constant 0 : i32
      %dma_start3A_3165 = tpu.memref_slice %arg9[%dma_start3A_3163, %dma_start3A_3164] : memref<64x128xf32, #tpu.memory_space<vmem>> -> memref<8x128xf32, #tpu.memory_space<vmem>>
      tpu.enqueue_dma source(%dma_start3A_3165 : memref<8x128xf32, #tpu.memory_space<vmem>>) target(%dma_start3A_3162 : memref<8x128xf32, #tpu.memory_space<hbm>>) target_semaphore(%arg13 : memref<!tpu.dma_semaphore, #tpu.memory_space<semaphore_mem>>)
      %add3A_3166 = arith.addi %mul3A_2, %add3A_2448 : i32
      %jit3A_3167 = arith.constant 256 : i32
      %div3A_3168 = arith.divsi %add3A_3166, %jit3A_3167 : i32
      %sign3A_3169 = arith.constant 0 : i32
      %sign3A_3170 = arith.cmpi sgt, %add3A_3166, %sign3A_3169 : i32
      %sign3A_3171 = arith.extui %sign3A_3170 : i1 to i32
      %sign3A_3172 = arith.constant 0 : i32
      %sign3A_3173 = arith.cmpi slt, %add3A_3166, %sign3A_3172 : i32
      %sign3A_3174 = arith.extui %sign3A_3173 : i1 to i32
      %sign3A_3175 = arith.subi %sign3A_3171, %sign3A_3174 : i32
      %sign3A_3176 = arith.constant 0 : i32
      %sign3A_3177 = arith.cmpi sgt, %jit3A_3167, %sign3A_3176 : i32
      %sign3A_3178 = arith.extui %sign3A_3177 : i1 to i32
      %sign3A_3179 = arith.constant 0 : i32
      %sign3A_3180 = arith.cmpi slt, %jit3A_3167, %sign3A_3179 : i32
      %sign3A_3181 = arith.extui %sign3A_3180 : i1 to i32
      %sign3A_3182 = arith.subi %sign3A_3178, %sign3A_3181 : i32
      %ne3A_3183 = arith.cmpi ne, %sign3A_3175, %sign3A_3182 : i32
      %rem3A_3184 = arith.remsi %add3A_3166, %jit3A_3167 : i32
      %ne3A_3185 = arith.constant 0 : i32
      %ne3A_3186 = arith.cmpi ne, %rem3A_3184, %ne3A_3185 : i32
      %and3A_3187 = arith.andi %ne3A_3183, %ne3A_3186 : i1
      %sub3A_3188 = arith.constant 1 : i32
      %sub3A_3189 = arith.subi %div3A_3168, %sub3A_3188 : i32
      %select_n3A_3190 = arith.select %and3A_3187, %sub3A_3189, %div3A_3168 : i32
      %mul3A_3191 = arith.constant 8 : i32
      %mul3A_3192 = arith.muli %select_n3A_3190, %mul3A_3191 : i32
      %jit3A_3193 = arith.constant 8 : i32
      %eq3A_3194 = arith.constant 0 : i32
      %eq3A_3195 = arith.cmpi eq, %jit3A_3193, %eq3A_3194 : i32
      %jit3A_3196 = arith.constant 1 : i32
      %select_n3A_3197 = arith.select %eq3A_3195, %jit3A_3196, %jit3A_3193 : i32
      %rem3A_3198 = arith.remsi %add3A_3166, %select_n3A_3197 : i32
      %ne3A_3199 = arith.constant 0 : i32
      %ne3A_3200 = arith.cmpi ne, %rem3A_3198, %ne3A_3199 : i32
      %lt3A_3201 = arith.constant 0 : i32
      %lt3A_3202 = arith.cmpi slt, %rem3A_3198, %lt3A_3201 : i32
      %lt3A_3203 = arith.constant 0 : i32
      %lt3A_3204 = arith.cmpi slt, %select_n3A_3197, %lt3A_3203 : i32
      %ne3A_3205 = arith.xori %lt3A_3202, %lt3A_3204 : i1
      %and3A_3206 = arith.andi %ne3A_3205, %ne3A_3200 : i1
      %add3A_3207 = arith.addi %rem3A_3198, %select_n3A_3197 : i32
      %select_n3A_3208 = arith.select %and3A_3206, %add3A_3207, %rem3A_3198 : i32
      %add3A_3209 = arith.addi %mul3A_3192, %select_n3A_3208 : i32
      %jit3A_3210 = arith.constant 8 : i32
      %div3A_3211 = arith.divsi %add3A_3166, %jit3A_3210 : i32
      %sign3A_3212 = arith.constant 0 : i32
      %sign3A_3213 = arith.cmpi sgt, %add3A_3166, %sign3A_3212 : i32
      %sign3A_3214 = arith.extui %sign3A_3213 : i1 to i32
      %sign3A_3215 = arith.constant 0 : i32
      %sign3A_3216 = arith.cmpi slt, %add3A_3166, %sign3A_3215 : i32
      %sign3A_3217 = arith.extui %sign3A_3216 : i1 to i32
      %sign3A_3218 = arith.subi %sign3A_3214, %sign3A_3217 : i32
      %sign3A_3219 = arith.constant 0 : i32
      %sign3A_3220 = arith.cmpi sgt, %jit3A_3210, %sign3A_3219 : i32
      %sign3A_3221 = arith.extui %sign3A_3220 : i1 to i32
      %sign3A_3222 = arith.constant 0 : i32
      %sign3A_3223 = arith.cmpi slt, %jit3A_3210, %sign3A_3222 : i32
      %sign3A_3224 = arith.extui %sign3A_3223 : i1 to i32
      %sign3A_3225 = arith.subi %sign3A_3221, %sign3A_3224 : i32
      %ne3A_3226 = arith.cmpi ne, %sign3A_3218, %sign3A_3225 : i32
      %rem3A_3227 = arith.remsi %add3A_3166, %jit3A_3210 : i32
      %ne3A_3228 = arith.constant 0 : i32
      %ne3A_3229 = arith.cmpi ne, %rem3A_3227, %ne3A_3228 : i32
      %and3A_3230 = arith.andi %ne3A_3226, %ne3A_3229 : i1
      %sub3A_3231 = arith.constant 1 : i32
      %sub3A_3232 = arith.subi %div3A_3211, %sub3A_3231 : i32
      %select_n3A_3233 = arith.select %and3A_3230, %sub3A_3232, %div3A_3211 : i32
      %jit3A_3234 = arith.constant 32 : i32
      %eq3A_3235 = arith.constant 0 : i32
      %eq3A_3236 = arith.cmpi eq, %jit3A_3234, %eq3A_3235 : i32
      %jit3A_3237 = arith.constant 1 : i32
      %select_n3A_3238 = arith.select %eq3A_3236, %jit3A_3237, %jit3A_3234 : i32
      %rem3A_3239 = arith.remsi %select_n3A_3233, %select_n3A_3238 : i32
      %ne3A_3240 = arith.constant 0 : i32
      %ne3A_3241 = arith.cmpi ne, %rem3A_3239, %ne3A_3240 : i32
      %lt3A_3242 = arith.constant 0 : i32
      %lt3A_3243 = arith.cmpi slt, %rem3A_3239, %lt3A_3242 : i32
      %lt3A_3244 = arith.constant 0 : i32
      %lt3A_3245 = arith.cmpi slt, %select_n3A_3238, %lt3A_3244 : i32
      %ne3A_3246 = arith.xori %lt3A_3243, %lt3A_3245 : i1
      %and3A_3247 = arith.andi %ne3A_3246, %ne3A_3241 : i1
      %add3A_3248 = arith.addi %rem3A_3239, %select_n3A_3238 : i32
      %select_n3A_3249 = arith.select %and3A_3247, %add3A_3248, %rem3A_3239 : i32
      %dma_start3A_3250 = arith.constant 7 : i32
      %dma_start3A_3251 = arith.constant 56 : i32
      %dma_start3A_3252 = arith.constant 0 : i32
      %dma_start3A_3253 = tpu.memref_slice %arg9[%dma_start3A_3251, %dma_start3A_3252] : memref<64x128xf32, #tpu.memory_space<vmem>> -> memref<8x128xf32, #tpu.memory_space<vmem>>
      %dma_start3A_3254 = arith.constant 0 : i32
      %dma_start3A_3255 = arith.constant 0 : i32
      %dma_start3A_3256 = tpu.memref_slice %arg4[%add3A_3209, %dma_start3A_3250, %select_n3A_3249, %dma_start3A_3254, %dma_start3A_3255] : memref<200x8x32x8x128xf32, #tpu.memory_space<hbm>> -> memref<1x1x1x8x128xf32, #tpu.memory_space<hbm>>
      %dma_start3A_3257 = tpu.memref_squeeze %dma_start3A_3256 : memref<1x1x1x8x128xf32, #tpu.memory_space<hbm>> -> memref<8x128xf32, #tpu.memory_space<hbm>>
      %dma_start3A_3258 = arith.constant 0 : i32
      %dma_start3A_3259 = arith.constant 0 : i32
      %dma_start3A_3260 = tpu.memref_slice %arg4[%add3A_3209, %dma_start3A_3250, %select_n3A_3249, %dma_start3A_3258, %dma_start3A_3259] : memref<200x8x32x8x128xf32, #tpu.memory_space<hbm>> -> memref<1x1x1x8x128xf32, #tpu.memory_space<hbm>>
      %dma_start3A_3261 = tpu.memref_squeeze %dma_start3A_3260 : memref<1x1x1x8x128xf32, #tpu.memory_space<hbm>> -> memref<8x128xf32, #tpu.memory_space<hbm>>
      %dma_start3A_3262 = arith.constant 56 : i32
      %dma_start3A_3263 = arith.constant 0 : i32
      %dma_start3A_3264 = tpu.memref_slice %arg9[%dma_start3A_3262, %dma_start3A_3263] : memref<64x128xf32, #tpu.memory_space<vmem>> -> memref<8x128xf32, #tpu.memory_space<vmem>>
      tpu.enqueue_dma source(%dma_start3A_3264 : memref<8x128xf32, #tpu.memory_space<vmem>>) target(%dma_start3A_3261 : memref<8x128xf32, #tpu.memory_space<hbm>>) target_semaphore(%arg13 : memref<!tpu.dma_semaphore, #tpu.memory_space<semaphore_mem>>)
    }
    %scan3A_37 = arith.constant 100 : i32
    %add3A_38 = arith.constant 198 : i32
    %add3A_39 = arith.addi %mul3A_2, %add3A_38 : i32
    %jit3A = arith.constant 256 : i32
    %div3A = arith.divsi %add3A_39, %jit3A : i32
    %sign3A = arith.constant 0 : i32
    %sign3A_40 = arith.cmpi sgt, %add3A_39, %sign3A : i32
    %sign3A_41 = arith.extui %sign3A_40 : i1 to i32
    %sign3A_42 = arith.constant 0 : i32
    %sign3A_43 = arith.cmpi slt, %add3A_39, %sign3A_42 : i32
    %sign3A_44 = arith.extui %sign3A_43 : i1 to i32
    %sign3A_45 = arith.subi %sign3A_41, %sign3A_44 : i32
    %sign3A_46 = arith.constant 0 : i32
    %sign3A_47 = arith.cmpi sgt, %jit3A, %sign3A_46 : i32
    %sign3A_48 = arith.extui %sign3A_47 : i1 to i32
    %sign3A_49 = arith.constant 0 : i32
    %sign3A_50 = arith.cmpi slt, %jit3A, %sign3A_49 : i32
    %sign3A_51 = arith.extui %sign3A_50 : i1 to i32
    %sign3A_52 = arith.subi %sign3A_48, %sign3A_51 : i32
    %ne3A = arith.cmpi ne, %sign3A_45, %sign3A_52 : i32
    %rem3A = arith.remsi %add3A_39, %jit3A : i32
    %ne3A_53 = arith.constant 0 : i32
    %ne3A_54 = arith.cmpi ne, %rem3A, %ne3A_53 : i32
    %and3A = arith.andi %ne3A, %ne3A_54 : i1
    %sub3A = arith.constant 1 : i32
    %sub3A_55 = arith.subi %div3A, %sub3A : i32
    %select_n3A = arith.select %and3A, %sub3A_55, %div3A : i32
    %mul3A_56 = arith.constant 8 : i32
    %mul3A_57 = arith.muli %select_n3A, %mul3A_56 : i32
    %jit3A_58 = arith.constant 8 : i32
    %eq3A = arith.constant 0 : i32
    %eq3A_59 = arith.cmpi eq, %jit3A_58, %eq3A : i32
    %jit3A_60 = arith.constant 1 : i32
    %select_n3A_61 = arith.select %eq3A_59, %jit3A_60, %jit3A_58 : i32
    %rem3A_62 = arith.remsi %add3A_39, %select_n3A_61 : i32
    %ne3A_63 = arith.constant 0 : i32
    %ne3A_64 = arith.cmpi ne, %rem3A_62, %ne3A_63 : i32
    %lt3A = arith.constant 0 : i32
    %lt3A_65 = arith.cmpi slt, %rem3A_62, %lt3A : i32
    %lt3A_66 = arith.constant 0 : i32
    %lt3A_67 = arith.cmpi slt, %select_n3A_61, %lt3A_66 : i32
    %ne3A_68 = arith.xori %lt3A_65, %lt3A_67 : i1
    %and3A_69 = arith.andi %ne3A_68, %ne3A_64 : i1
    %add3A_70 = arith.addi %rem3A_62, %select_n3A_61 : i32
    %select_n3A_71 = arith.select %and3A_69, %add3A_70, %rem3A_62 : i32
    %add3A_72 = arith.addi %mul3A_57, %select_n3A_71 : i32
    %jit3A_73 = arith.constant 8 : i32
    %div3A_74 = arith.divsi %add3A_39, %jit3A_73 : i32
    %sign3A_75 = arith.constant 0 : i32
    %sign3A_76 = arith.cmpi sgt, %add3A_39, %sign3A_75 : i32
    %sign3A_77 = arith.extui %sign3A_76 : i1 to i32
    %sign3A_78 = arith.constant 0 : i32
    %sign3A_79 = arith.cmpi slt, %add3A_39, %sign3A_78 : i32
    %sign3A_80 = arith.extui %sign3A_79 : i1 to i32
    %sign3A_81 = arith.subi %sign3A_77, %sign3A_80 : i32
    %sign3A_82 = arith.constant 0 : i32
    %sign3A_83 = arith.cmpi sgt, %jit3A_73, %sign3A_82 : i32
    %sign3A_84 = arith.extui %sign3A_83 : i1 to i32
    %sign3A_85 = arith.constant 0 : i32
    %sign3A_86 = arith.cmpi slt, %jit3A_73, %sign3A_85 : i32
    %sign3A_87 = arith.extui %sign3A_86 : i1 to i32
    %sign3A_88 = arith.subi %sign3A_84, %sign3A_87 : i32
    %ne3A_89 = arith.cmpi ne, %sign3A_81, %sign3A_88 : i32
    %rem3A_90 = arith.remsi %add3A_39, %jit3A_73 : i32
    %ne3A_91 = arith.constant 0 : i32
    %ne3A_92 = arith.cmpi ne, %rem3A_90, %ne3A_91 : i32
    %and3A_93 = arith.andi %ne3A_89, %ne3A_92 : i1
    %sub3A_94 = arith.constant 1 : i32
    %sub3A_95 = arith.subi %div3A_74, %sub3A_94 : i32
    %select_n3A_96 = arith.select %and3A_93, %sub3A_95, %div3A_74 : i32
    %jit3A_97 = arith.constant 32 : i32
    %eq3A_98 = arith.constant 0 : i32
    %eq3A_99 = arith.cmpi eq, %jit3A_97, %eq3A_98 : i32
    %jit3A_100 = arith.constant 1 : i32
    %select_n3A_101 = arith.select %eq3A_99, %jit3A_100, %jit3A_97 : i32
    %rem3A_102 = arith.remsi %select_n3A_96, %select_n3A_101 : i32
    %ne3A_103 = arith.constant 0 : i32
    %ne3A_104 = arith.cmpi ne, %rem3A_102, %ne3A_103 : i32
    %lt3A_105 = arith.constant 0 : i32
    %lt3A_106 = arith.cmpi slt, %rem3A_102, %lt3A_105 : i32
    %lt3A_107 = arith.constant 0 : i32
    %lt3A_108 = arith.cmpi slt, %select_n3A_101, %lt3A_107 : i32
    %ne3A_109 = arith.xori %lt3A_106, %lt3A_108 : i1
    %and3A_110 = arith.andi %ne3A_109, %ne3A_104 : i1
    %add3A_111 = arith.addi %rem3A_102, %select_n3A_101 : i32
    %select_n3A_112 = arith.select %and3A_110, %add3A_111, %rem3A_102 : i32
    %dma_wait3A = arith.constant 0 : i32
    %dma_wait3A_113 = arith.constant 0 : i32
    %dma_wait3A_114 = arith.constant 0 : i32
    %dma_wait3A_115 = tpu.memref_slice %arg8[%dma_wait3A_113, %dma_wait3A_114] : memref<64x128xf32, #tpu.memory_space<vmem>> -> memref<8x128xf32, #tpu.memory_space<vmem>>
    %dma_wait3A_116 = arith.constant 0 : i32
    %dma_wait3A_117 = arith.constant 0 : i32
    %dma_wait3A_118 = tpu.memref_slice %arg4[%add3A_72, %dma_wait3A, %select_n3A_112, %dma_wait3A_116, %dma_wait3A_117] : memref<200x8x32x8x128xf32, #tpu.memory_space<hbm>> -> memref<1x1x1x8x128xf32, #tpu.memory_space<hbm>>
    %dma_wait3A_119 = tpu.memref_squeeze %dma_wait3A_118 : memref<1x1x1x8x128xf32, #tpu.memory_space<hbm>> -> memref<8x128xf32, #tpu.memory_space<hbm>>
    %dma_wait3A_120 = arith.constant 0 : i32
    %dma_wait3A_121 = arith.constant 0 : i32
    %dma_wait3A_122 = tpu.memref_slice %arg4[%add3A_72, %dma_wait3A, %select_n3A_112, %dma_wait3A_120, %dma_wait3A_121] : memref<200x8x32x8x128xf32, #tpu.memory_space<hbm>> -> memref<1x1x1x8x128xf32, #tpu.memory_space<hbm>>
    %dma_wait3A_123 = tpu.memref_squeeze %dma_wait3A_122 : memref<1x1x1x8x128xf32, #tpu.memory_space<hbm>> -> memref<8x128xf32, #tpu.memory_space<hbm>>
    %dma_wait3A_124 = arith.constant 0 : i32
    %dma_wait3A_125 = arith.constant 0 : i32
    %dma_wait3A_126 = tpu.memref_slice %arg8[%dma_wait3A_124, %dma_wait3A_125] : memref<64x128xf32, #tpu.memory_space<vmem>> -> memref<8x128xf32, #tpu.memory_space<vmem>>
    tpu.wait_dma2 semaphore(%arg12 : memref<!tpu.dma_semaphore, #tpu.memory_space<semaphore_mem>>) src(%dma_wait3A_126 : memref<8x128xf32, #tpu.memory_space<vmem>>) dst(%dma_wait3A_123 : memref<8x128xf32, #tpu.memory_space<hbm>>)
    %add3A_127 = arith.constant 198 : i32
    %add3A_128 = arith.addi %mul3A_2, %add3A_127 : i32
    %jit3A_129 = arith.constant 256 : i32
    %div3A_130 = arith.divsi %add3A_128, %jit3A_129 : i32
    %sign3A_131 = arith.constant 0 : i32
    %sign3A_132 = arith.cmpi sgt, %add3A_128, %sign3A_131 : i32
    %sign3A_133 = arith.extui %sign3A_132 : i1 to i32
    %sign3A_134 = arith.constant 0 : i32
    %sign3A_135 = arith.cmpi slt, %add3A_128, %sign3A_134 : i32
    %sign3A_136 = arith.extui %sign3A_135 : i1 to i32
    %sign3A_137 = arith.subi %sign3A_133, %sign3A_136 : i32
    %sign3A_138 = arith.constant 0 : i32
    %sign3A_139 = arith.cmpi sgt, %jit3A_129, %sign3A_138 : i32
    %sign3A_140 = arith.extui %sign3A_139 : i1 to i32
    %sign3A_141 = arith.constant 0 : i32
    %sign3A_142 = arith.cmpi slt, %jit3A_129, %sign3A_141 : i32
    %sign3A_143 = arith.extui %sign3A_142 : i1 to i32
    %sign3A_144 = arith.subi %sign3A_140, %sign3A_143 : i32
    %ne3A_145 = arith.cmpi ne, %sign3A_137, %sign3A_144 : i32
    %rem3A_146 = arith.remsi %add3A_128, %jit3A_129 : i32
    %ne3A_147 = arith.constant 0 : i32
    %ne3A_148 = arith.cmpi ne, %rem3A_146, %ne3A_147 : i32
    %and3A_149 = arith.andi %ne3A_145, %ne3A_148 : i1
    %sub3A_150 = arith.constant 1 : i32
    %sub3A_151 = arith.subi %div3A_130, %sub3A_150 : i32
    %select_n3A_152 = arith.select %and3A_149, %sub3A_151, %div3A_130 : i32
    %mul3A_153 = arith.constant 8 : i32
    %mul3A_154 = arith.muli %select_n3A_152, %mul3A_153 : i32
    %jit3A_155 = arith.constant 8 : i32
    %eq3A_156 = arith.constant 0 : i32
    %eq3A_157 = arith.cmpi eq, %jit3A_155, %eq3A_156 : i32
    %jit3A_158 = arith.constant 1 : i32
    %select_n3A_159 = arith.select %eq3A_157, %jit3A_158, %jit3A_155 : i32
    %rem3A_160 = arith.remsi %add3A_128, %select_n3A_159 : i32
    %ne3A_161 = arith.constant 0 : i32
    %ne3A_162 = arith.cmpi ne, %rem3A_160, %ne3A_161 : i32
    %lt3A_163 = arith.constant 0 : i32
    %lt3A_164 = arith.cmpi slt, %rem3A_160, %lt3A_163 : i32
    %lt3A_165 = arith.constant 0 : i32
    %lt3A_166 = arith.cmpi slt, %select_n3A_159, %lt3A_165 : i32
    %ne3A_167 = arith.xori %lt3A_164, %lt3A_166 : i1
    %and3A_168 = arith.andi %ne3A_167, %ne3A_162 : i1
    %add3A_169 = arith.addi %rem3A_160, %select_n3A_159 : i32
    %select_n3A_170 = arith.select %and3A_168, %add3A_169, %rem3A_160 : i32
    %add3A_171 = arith.addi %mul3A_154, %select_n3A_170 : i32
    %jit3A_172 = arith.constant 8 : i32
    %div3A_173 = arith.divsi %add3A_128, %jit3A_172 : i32
    %sign3A_174 = arith.constant 0 : i32
    %sign3A_175 = arith.cmpi sgt, %add3A_128, %sign3A_174 : i32
    %sign3A_176 = arith.extui %sign3A_175 : i1 to i32
    %sign3A_177 = arith.constant 0 : i32
    %sign3A_178 = arith.cmpi slt, %add3A_128, %sign3A_177 : i32
    %sign3A_179 = arith.extui %sign3A_178 : i1 to i32
    %sign3A_180 = arith.subi %sign3A_176, %sign3A_179 : i32
    %sign3A_181 = arith.constant 0 : i32
    %sign3A_182 = arith.cmpi sgt, %jit3A_172, %sign3A_181 : i32
    %sign3A_183 = arith.extui %sign3A_182 : i1 to i32
    %sign3A_184 = arith.constant 0 : i32
    %sign3A_185 = arith.cmpi slt, %jit3A_172, %sign3A_184 : i32
    %sign3A_186 = arith.extui %sign3A_185 : i1 to i32
    %sign3A_187 = arith.subi %sign3A_183, %sign3A_186 : i32
    %ne3A_188 = arith.cmpi ne, %sign3A_180, %sign3A_187 : i32
    %rem3A_189 = arith.remsi %add3A_128, %jit3A_172 : i32
    %ne3A_190 = arith.constant 0 : i32
    %ne3A_191 = arith.cmpi ne, %rem3A_189, %ne3A_190 : i32
    %and3A_192 = arith.andi %ne3A_188, %ne3A_191 : i1
    %sub3A_193 = arith.constant 1 : i32
    %sub3A_194 = arith.subi %div3A_173, %sub3A_193 : i32
    %select_n3A_195 = arith.select %and3A_192, %sub3A_194, %div3A_173 : i32
    %jit3A_196 = arith.constant 32 : i32
    %eq3A_197 = arith.constant 0 : i32
    %eq3A_198 = arith.cmpi eq, %jit3A_196, %eq3A_197 : i32
    %jit3A_199 = arith.constant 1 : i32
    %select_n3A_200 = arith.select %eq3A_198, %jit3A_199, %jit3A_196 : i32
    %rem3A_201 = arith.remsi %select_n3A_195, %select_n3A_200 : i32
    %ne3A_202 = arith.constant 0 : i32
    %ne3A_203 = arith.cmpi ne, %rem3A_201, %ne3A_202 : i32
    %lt3A_204 = arith.constant 0 : i32
    %lt3A_205 = arith.cmpi slt, %rem3A_201, %lt3A_204 : i32
    %lt3A_206 = arith.constant 0 : i32
    %lt3A_207 = arith.cmpi slt, %select_n3A_200, %lt3A_206 : i32
    %ne3A_208 = arith.xori %lt3A_205, %lt3A_207 : i1
    %and3A_209 = arith.andi %ne3A_208, %ne3A_203 : i1
    %add3A_210 = arith.addi %rem3A_201, %select_n3A_200 : i32
    %select_n3A_211 = arith.select %and3A_209, %add3A_210, %rem3A_201 : i32
    %dma_wait3A_212 = arith.constant 1 : i32
    %dma_wait3A_213 = arith.constant 8 : i32
    %dma_wait3A_214 = arith.constant 0 : i32
    %dma_wait3A_215 = tpu.memref_slice %arg8[%dma_wait3A_213, %dma_wait3A_214] : memref<64x128xf32, #tpu.memory_space<vmem>> -> memref<8x128xf32, #tpu.memory_space<vmem>>
    %dma_wait3A_216 = arith.constant 0 : i32
    %dma_wait3A_217 = arith.constant 0 : i32
    %dma_wait3A_218 = tpu.memref_slice %arg4[%add3A_171, %dma_wait3A_212, %select_n3A_211, %dma_wait3A_216, %dma_wait3A_217] : memref<200x8x32x8x128xf32, #tpu.memory_space<hbm>> -> memref<1x1x1x8x128xf32, #tpu.memory_space<hbm>>
    %dma_wait3A_219 = tpu.memref_squeeze %dma_wait3A_218 : memref<1x1x1x8x128xf32, #tpu.memory_space<hbm>> -> memref<8x128xf32, #tpu.memory_space<hbm>>
    %dma_wait3A_220 = arith.constant 0 : i32
    %dma_wait3A_221 = arith.constant 0 : i32
    %dma_wait3A_222 = tpu.memref_slice %arg4[%add3A_171, %dma_wait3A_212, %select_n3A_211, %dma_wait3A_220, %dma_wait3A_221] : memref<200x8x32x8x128xf32, #tpu.memory_space<hbm>> -> memref<1x1x1x8x128xf32, #tpu.memory_space<hbm>>
    %dma_wait3A_223 = tpu.memref_squeeze %dma_wait3A_222 : memref<1x1x1x8x128xf32, #tpu.memory_space<hbm>> -> memref<8x128xf32, #tpu.memory_space<hbm>>
    %dma_wait3A_224 = arith.constant 8 : i32
    %dma_wait3A_225 = arith.constant 0 : i32
    %dma_wait3A_226 = tpu.memref_slice %arg8[%dma_wait3A_224, %dma_wait3A_225] : memref<64x128xf32, #tpu.memory_space<vmem>> -> memref<8x128xf32, #tpu.memory_space<vmem>>
    tpu.wait_dma2 semaphore(%arg12 : memref<!tpu.dma_semaphore, #tpu.memory_space<semaphore_mem>>) src(%dma_wait3A_226 : memref<8x128xf32, #tpu.memory_space<vmem>>) dst(%dma_wait3A_223 : memref<8x128xf32, #tpu.memory_space<hbm>>)
    %add3A_227 = arith.constant 198 : i32
    %add3A_228 = arith.addi %mul3A_2, %add3A_227 : i32
    %jit3A_229 = arith.constant 256 : i32
    %div3A_230 = arith.divsi %add3A_228, %jit3A_229 : i32
    %sign3A_231 = arith.constant 0 : i32
    %sign3A_232 = arith.cmpi sgt, %add3A_228, %sign3A_231 : i32
    %sign3A_233 = arith.extui %sign3A_232 : i1 to i32
    %sign3A_234 = arith.constant 0 : i32
    %sign3A_235 = arith.cmpi slt, %add3A_228, %sign3A_234 : i32
    %sign3A_236 = arith.extui %sign3A_235 : i1 to i32
    %sign3A_237 = arith.subi %sign3A_233, %sign3A_236 : i32
    %sign3A_238 = arith.constant 0 : i32
    %sign3A_239 = arith.cmpi sgt, %jit3A_229, %sign3A_238 : i32
    %sign3A_240 = arith.extui %sign3A_239 : i1 to i32
    %sign3A_241 = arith.constant 0 : i32
    %sign3A_242 = arith.cmpi slt, %jit3A_229, %sign3A_241 : i32
    %sign3A_243 = arith.extui %sign3A_242 : i1 to i32
    %sign3A_244 = arith.subi %sign3A_240, %sign3A_243 : i32
    %ne3A_245 = arith.cmpi ne, %sign3A_237, %sign3A_244 : i32
    %rem3A_246 = arith.remsi %add3A_228, %jit3A_229 : i32
    %ne3A_247 = arith.constant 0 : i32
    %ne3A_248 = arith.cmpi ne, %rem3A_246, %ne3A_247 : i32
    %and3A_249 = arith.andi %ne3A_245, %ne3A_248 : i1
    %sub3A_250 = arith.constant 1 : i32
    %sub3A_251 = arith.subi %div3A_230, %sub3A_250 : i32
    %select_n3A_252 = arith.select %and3A_249, %sub3A_251, %div3A_230 : i32
    %mul3A_253 = arith.constant 8 : i32
    %mul3A_254 = arith.muli %select_n3A_252, %mul3A_253 : i32
    %jit3A_255 = arith.constant 8 : i32
    %eq3A_256 = arith.constant 0 : i32
    %eq3A_257 = arith.cmpi eq, %jit3A_255, %eq3A_256 : i32
    %jit3A_258 = arith.constant 1 : i32
    %select_n3A_259 = arith.select %eq3A_257, %jit3A_258, %jit3A_255 : i32
    %rem3A_260 = arith.remsi %add3A_228, %select_n3A_259 : i32
    %ne3A_261 = arith.constant 0 : i32
    %ne3A_262 = arith.cmpi ne, %rem3A_260, %ne3A_261 : i32
    %lt3A_263 = arith.constant 0 : i32
    %lt3A_264 = arith.cmpi slt, %rem3A_260, %lt3A_263 : i32
    %lt3A_265 = arith.constant 0 : i32
    %lt3A_266 = arith.cmpi slt, %select_n3A_259, %lt3A_265 : i32
    %ne3A_267 = arith.xori %lt3A_264, %lt3A_266 : i1
    %and3A_268 = arith.andi %ne3A_267, %ne3A_262 : i1
    %add3A_269 = arith.addi %rem3A_260, %select_n3A_259 : i32
    %select_n3A_270 = arith.select %and3A_268, %add3A_269, %rem3A_260 : i32
    %add3A_271 = arith.addi %mul3A_254, %select_n3A_270 : i32
    %jit3A_272 = arith.constant 8 : i32
    %div3A_273 = arith.divsi %add3A_228, %jit3A_272 : i32
    %sign3A_274 = arith.constant 0 : i32
    %sign3A_275 = arith.cmpi sgt, %add3A_228, %sign3A_274 : i32
    %sign3A_276 = arith.extui %sign3A_275 : i1 to i32
    %sign3A_277 = arith.constant 0 : i32
    %sign3A_278 = arith.cmpi slt, %add3A_228, %sign3A_277 : i32
    %sign3A_279 = arith.extui %sign3A_278 : i1 to i32
    %sign3A_280 = arith.subi %sign3A_276, %sign3A_279 : i32
    %sign3A_281 = arith.constant 0 : i32
    %sign3A_282 = arith.cmpi sgt, %jit3A_272, %sign3A_281 : i32
    %sign3A_283 = arith.extui %sign3A_282 : i1 to i32
    %sign3A_284 = arith.constant 0 : i32
    %sign3A_285 = arith.cmpi slt, %jit3A_272, %sign3A_284 : i32
    %sign3A_286 = arith.extui %sign3A_285 : i1 to i32
    %sign3A_287 = arith.subi %sign3A_283, %sign3A_286 : i32
    %ne3A_288 = arith.cmpi ne, %sign3A_280, %sign3A_287 : i32
    %rem3A_289 = arith.remsi %add3A_228, %jit3A_272 : i32
    %ne3A_290 = arith.constant 0 : i32
    %ne3A_291 = arith.cmpi ne, %rem3A_289, %ne3A_290 : i32
    %and3A_292 = arith.andi %ne3A_288, %ne3A_291 : i1
    %sub3A_293 = arith.constant 1 : i32
    %sub3A_294 = arith.subi %div3A_273, %sub3A_293 : i32
    %select_n3A_295 = arith.select %and3A_292, %sub3A_294, %div3A_273 : i32
    %jit3A_296 = arith.constant 32 : i32
    %eq3A_297 = arith.constant 0 : i32
    %eq3A_298 = arith.cmpi eq, %jit3A_296, %eq3A_297 : i32
    %jit3A_299 = arith.constant 1 : i32
    %select_n3A_300 = arith.select %eq3A_298, %jit3A_299, %jit3A_296 : i32
    %rem3A_301 = arith.remsi %select_n3A_295, %select_n3A_300 : i32
    %ne3A_302 = arith.constant 0 : i32
    %ne3A_303 = arith.cmpi ne, %rem3A_301, %ne3A_302 : i32
    %lt3A_304 = arith.constant 0 : i32
    %lt3A_305 = arith.cmpi slt, %rem3A_301, %lt3A_304 : i32
    %lt3A_306 = arith.constant 0 : i32
    %lt3A_307 = arith.cmpi slt, %select_n3A_300, %lt3A_306 : i32
    %ne3A_308 = arith.xori %lt3A_305, %lt3A_307 : i1
    %and3A_309 = arith.andi %ne3A_308, %ne3A_303 : i1
    %add3A_310 = arith.addi %rem3A_301, %select_n3A_300 : i32
    %select_n3A_311 = arith.select %and3A_309, %add3A_310, %rem3A_301 : i32
    %dma_wait3A_312 = arith.constant 2 : i32
    %dma_wait3A_313 = arith.constant 16 : i32
    %dma_wait3A_314 = arith.constant 0 : i32
    %dma_wait3A_315 = tpu.memref_slice %arg8[%dma_wait3A_313, %dma_wait3A_314] : memref<64x128xf32, #tpu.memory_space<vmem>> -> memref<8x128xf32, #tpu.memory_space<vmem>>
    %dma_wait3A_316 = arith.constant 0 : i32
    %dma_wait3A_317 = arith.constant 0 : i32
    %dma_wait3A_318 = tpu.memref_slice %arg4[%add3A_271, %dma_wait3A_312, %select_n3A_311, %dma_wait3A_316, %dma_wait3A_317] : memref<200x8x32x8x128xf32, #tpu.memory_space<hbm>> -> memref<1x1x1x8x128xf32, #tpu.memory_space<hbm>>
    %dma_wait3A_319 = tpu.memref_squeeze %dma_wait3A_318 : memref<1x1x1x8x128xf32, #tpu.memory_space<hbm>> -> memref<8x128xf32, #tpu.memory_space<hbm>>
    %dma_wait3A_320 = arith.constant 0 : i32
    %dma_wait3A_321 = arith.constant 0 : i32
    %dma_wait3A_322 = tpu.memref_slice %arg4[%add3A_271, %dma_wait3A_312, %select_n3A_311, %dma_wait3A_320, %dma_wait3A_321] : memref<200x8x32x8x128xf32, #tpu.memory_space<hbm>> -> memref<1x1x1x8x128xf32, #tpu.memory_space<hbm>>
    %dma_wait3A_323 = tpu.memref_squeeze %dma_wait3A_322 : memref<1x1x1x8x128xf32, #tpu.memory_space<hbm>> -> memref<8x128xf32, #tpu.memory_space<hbm>>
    %dma_wait3A_324 = arith.constant 16 : i32
    %dma_wait3A_325 = arith.constant 0 : i32
    %dma_wait3A_326 = tpu.memref_slice %arg8[%dma_wait3A_324, %dma_wait3A_325] : memref<64x128xf32, #tpu.memory_space<vmem>> -> memref<8x128xf32, #tpu.memory_space<vmem>>
    tpu.wait_dma2 semaphore(%arg12 : memref<!tpu.dma_semaphore, #tpu.memory_space<semaphore_mem>>) src(%dma_wait3A_326 : memref<8x128xf32, #tpu.memory_space<vmem>>) dst(%dma_wait3A_323 : memref<8x128xf32, #tpu.memory_space<hbm>>)
    %add3A_327 = arith.constant 198 : i32
    %add3A_328 = arith.addi %mul3A_2, %add3A_327 : i32
    %jit3A_329 = arith.constant 256 : i32
    %div3A_330 = arith.divsi %add3A_328, %jit3A_329 : i32
    %sign3A_331 = arith.constant 0 : i32
    %sign3A_332 = arith.cmpi sgt, %add3A_328, %sign3A_331 : i32
    %sign3A_333 = arith.extui %sign3A_332 : i1 to i32
    %sign3A_334 = arith.constant 0 : i32
    %sign3A_335 = arith.cmpi slt, %add3A_328, %sign3A_334 : i32
    %sign3A_336 = arith.extui %sign3A_335 : i1 to i32
    %sign3A_337 = arith.subi %sign3A_333, %sign3A_336 : i32
    %sign3A_338 = arith.constant 0 : i32
    %sign3A_339 = arith.cmpi sgt, %jit3A_329, %sign3A_338 : i32
    %sign3A_340 = arith.extui %sign3A_339 : i1 to i32
    %sign3A_341 = arith.constant 0 : i32
    %sign3A_342 = arith.cmpi slt, %jit3A_329, %sign3A_341 : i32
    %sign3A_343 = arith.extui %sign3A_342 : i1 to i32
    %sign3A_344 = arith.subi %sign3A_340, %sign3A_343 : i32
    %ne3A_345 = arith.cmpi ne, %sign3A_337, %sign3A_344 : i32
    %rem3A_346 = arith.remsi %add3A_328, %jit3A_329 : i32
    %ne3A_347 = arith.constant 0 : i32
    %ne3A_348 = arith.cmpi ne, %rem3A_346, %ne3A_347 : i32
    %and3A_349 = arith.andi %ne3A_345, %ne3A_348 : i1
    %sub3A_350 = arith.constant 1 : i32
    %sub3A_351 = arith.subi %div3A_330, %sub3A_350 : i32
    %select_n3A_352 = arith.select %and3A_349, %sub3A_351, %div3A_330 : i32
    %mul3A_353 = arith.constant 8 : i32
    %mul3A_354 = arith.muli %select_n3A_352, %mul3A_353 : i32
    %jit3A_355 = arith.constant 8 : i32
    %eq3A_356 = arith.constant 0 : i32
    %eq3A_357 = arith.cmpi eq, %jit3A_355, %eq3A_356 : i32
    %jit3A_358 = arith.constant 1 : i32
    %select_n3A_359 = arith.select %eq3A_357, %jit3A_358, %jit3A_355 : i32
    %rem3A_360 = arith.remsi %add3A_328, %select_n3A_359 : i32
    %ne3A_361 = arith.constant 0 : i32
    %ne3A_362 = arith.cmpi ne, %rem3A_360, %ne3A_361 : i32
    %lt3A_363 = arith.constant 0 : i32
    %lt3A_364 = arith.cmpi slt, %rem3A_360, %lt3A_363 : i32
    %lt3A_365 = arith.constant 0 : i32
    %lt3A_366 = arith.cmpi slt, %select_n3A_359, %lt3A_365 : i32
    %ne3A_367 = arith.xori %lt3A_364, %lt3A_366 : i1
    %and3A_368 = arith.andi %ne3A_367, %ne3A_362 : i1
    %add3A_369 = arith.addi %rem3A_360, %select_n3A_359 : i32
    %select_n3A_370 = arith.select %and3A_368, %add3A_369, %rem3A_360 : i32
    %add3A_371 = arith.addi %mul3A_354, %select_n3A_370 : i32
    %jit3A_372 = arith.constant 8 : i32
    %div3A_373 = arith.divsi %add3A_328, %jit3A_372 : i32
    %sign3A_374 = arith.constant 0 : i32
    %sign3A_375 = arith.cmpi sgt, %add3A_328, %sign3A_374 : i32
    %sign3A_376 = arith.extui %sign3A_375 : i1 to i32
    %sign3A_377 = arith.constant 0 : i32
    %sign3A_378 = arith.cmpi slt, %add3A_328, %sign3A_377 : i32
    %sign3A_379 = arith.extui %sign3A_378 : i1 to i32
    %sign3A_380 = arith.subi %sign3A_376, %sign3A_379 : i32
    %sign3A_381 = arith.constant 0 : i32
    %sign3A_382 = arith.cmpi sgt, %jit3A_372, %sign3A_381 : i32
    %sign3A_383 = arith.extui %sign3A_382 : i1 to i32
    %sign3A_384 = arith.constant 0 : i32
    %sign3A_385 = arith.cmpi slt, %jit3A_372, %sign3A_384 : i32
    %sign3A_386 = arith.extui %sign3A_385 : i1 to i32
    %sign3A_387 = arith.subi %sign3A_383, %sign3A_386 : i32
    %ne3A_388 = arith.cmpi ne, %sign3A_380, %sign3A_387 : i32
    %rem3A_389 = arith.remsi %add3A_328, %jit3A_372 : i32
    %ne3A_390 = arith.constant 0 : i32
    %ne3A_391 = arith.cmpi ne, %rem3A_389, %ne3A_390 : i32
    %and3A_392 = arith.andi %ne3A_388, %ne3A_391 : i1
    %sub3A_393 = arith.constant 1 : i32
    %sub3A_394 = arith.subi %div3A_373, %sub3A_393 : i32
    %select_n3A_395 = arith.select %and3A_392, %sub3A_394, %div3A_373 : i32
    %jit3A_396 = arith.constant 32 : i32
    %eq3A_397 = arith.constant 0 : i32
    %eq3A_398 = arith.cmpi eq, %jit3A_396, %eq3A_397 : i32
    %jit3A_399 = arith.constant 1 : i32
    %select_n3A_400 = arith.select %eq3A_398, %jit3A_399, %jit3A_396 : i32
    %rem3A_401 = arith.remsi %select_n3A_395, %select_n3A_400 : i32
    %ne3A_402 = arith.constant 0 : i32
    %ne3A_403 = arith.cmpi ne, %rem3A_401, %ne3A_402 : i32
    %lt3A_404 = arith.constant 0 : i32
    %lt3A_405 = arith.cmpi slt, %rem3A_401, %lt3A_404 : i32
    %lt3A_406 = arith.constant 0 : i32
    %lt3A_407 = arith.cmpi slt, %select_n3A_400, %lt3A_406 : i32
    %ne3A_408 = arith.xori %lt3A_405, %lt3A_407 : i1
    %and3A_409 = arith.andi %ne3A_408, %ne3A_403 : i1
    %add3A_410 = arith.addi %rem3A_401, %select_n3A_400 : i32
    %select_n3A_411 = arith.select %and3A_409, %add3A_410, %rem3A_401 : i32
    %dma_wait3A_412 = arith.constant 3 : i32
    %dma_wait3A_413 = arith.constant 24 : i32
    %dma_wait3A_414 = arith.constant 0 : i32
    %dma_wait3A_415 = tpu.memref_slice %arg8[%dma_wait3A_413, %dma_wait3A_414] : memref<64x128xf32, #tpu.memory_space<vmem>> -> memref<8x128xf32, #tpu.memory_space<vmem>>
    %dma_wait3A_416 = arith.constant 0 : i32
    %dma_wait3A_417 = arith.constant 0 : i32
    %dma_wait3A_418 = tpu.memref_slice %arg4[%add3A_371, %dma_wait3A_412, %select_n3A_411, %dma_wait3A_416, %dma_wait3A_417] : memref<200x8x32x8x128xf32, #tpu.memory_space<hbm>> -> memref<1x1x1x8x128xf32, #tpu.memory_space<hbm>>
    %dma_wait3A_419 = tpu.memref_squeeze %dma_wait3A_418 : memref<1x1x1x8x128xf32, #tpu.memory_space<hbm>> -> memref<8x128xf32, #tpu.memory_space<hbm>>
    %dma_wait3A_420 = arith.constant 0 : i32
    %dma_wait3A_421 = arith.constant 0 : i32
    %dma_wait3A_422 = tpu.memref_slice %arg4[%add3A_371, %dma_wait3A_412, %select_n3A_411, %dma_wait3A_420, %dma_wait3A_421] : memref<200x8x32x8x128xf32, #tpu.memory_space<hbm>> -> memref<1x1x1x8x128xf32, #tpu.memory_space<hbm>>
    %dma_wait3A_423 = tpu.memref_squeeze %dma_wait3A_422 : memref<1x1x1x8x128xf32, #tpu.memory_space<hbm>> -> memref<8x128xf32, #tpu.memory_space<hbm>>
    %dma_wait3A_424 = arith.constant 24 : i32
    %dma_wait3A_425 = arith.constant 0 : i32
    %dma_wait3A_426 = tpu.memref_slice %arg8[%dma_wait3A_424, %dma_wait3A_425] : memref<64x128xf32, #tpu.memory_space<vmem>> -> memref<8x128xf32, #tpu.memory_space<vmem>>
    tpu.wait_dma2 semaphore(%arg12 : memref<!tpu.dma_semaphore, #tpu.memory_space<semaphore_mem>>) src(%dma_wait3A_426 : memref<8x128xf32, #tpu.memory_space<vmem>>) dst(%dma_wait3A_423 : memref<8x128xf32, #tpu.memory_space<hbm>>)
    %add3A_427 = arith.constant 198 : i32
    %add3A_428 = arith.addi %mul3A_2, %add3A_427 : i32
    %jit3A_429 = arith.constant 256 : i32
    %div3A_430 = arith.divsi %add3A_428, %jit3A_429 : i32
    %sign3A_431 = arith.constant 0 : i32
    %sign3A_432 = arith.cmpi sgt, %add3A_428, %sign3A_431 : i32
    %sign3A_433 = arith.extui %sign3A_432 : i1 to i32
    %sign3A_434 = arith.constant 0 : i32
    %sign3A_435 = arith.cmpi slt, %add3A_428, %sign3A_434 : i32
    %sign3A_436 = arith.extui %sign3A_435 : i1 to i32
    %sign3A_437 = arith.subi %sign3A_433, %sign3A_436 : i32
    %sign3A_438 = arith.constant 0 : i32
    %sign3A_439 = arith.cmpi sgt, %jit3A_429, %sign3A_438 : i32
    %sign3A_440 = arith.extui %sign3A_439 : i1 to i32
    %sign3A_441 = arith.constant 0 : i32
    %sign3A_442 = arith.cmpi slt, %jit3A_429, %sign3A_441 : i32
    %sign3A_443 = arith.extui %sign3A_442 : i1 to i32
    %sign3A_444 = arith.subi %sign3A_440, %sign3A_443 : i32
    %ne3A_445 = arith.cmpi ne, %sign3A_437, %sign3A_444 : i32
    %rem3A_446 = arith.remsi %add3A_428, %jit3A_429 : i32
    %ne3A_447 = arith.constant 0 : i32
    %ne3A_448 = arith.cmpi ne, %rem3A_446, %ne3A_447 : i32
    %and3A_449 = arith.andi %ne3A_445, %ne3A_448 : i1
    %sub3A_450 = arith.constant 1 : i32
    %sub3A_451 = arith.subi %div3A_430, %sub3A_450 : i32
    %select_n3A_452 = arith.select %and3A_449, %sub3A_451, %div3A_430 : i32
    %mul3A_453 = arith.constant 8 : i32
    %mul3A_454 = arith.muli %select_n3A_452, %mul3A_453 : i32
    %jit3A_455 = arith.constant 8 : i32
    %eq3A_456 = arith.constant 0 : i32
    %eq3A_457 = arith.cmpi eq, %jit3A_455, %eq3A_456 : i32
    %jit3A_458 = arith.constant 1 : i32
    %select_n3A_459 = arith.select %eq3A_457, %jit3A_458, %jit3A_455 : i32
    %rem3A_460 = arith.remsi %add3A_428, %select_n3A_459 : i32
    %ne3A_461 = arith.constant 0 : i32
    %ne3A_462 = arith.cmpi ne, %rem3A_460, %ne3A_461 : i32
    %lt3A_463 = arith.constant 0 : i32
    %lt3A_464 = arith.cmpi slt, %rem3A_460, %lt3A_463 : i32
    %lt3A_465 = arith.constant 0 : i32
    %lt3A_466 = arith.cmpi slt, %select_n3A_459, %lt3A_465 : i32
    %ne3A_467 = arith.xori %lt3A_464, %lt3A_466 : i1
    %and3A_468 = arith.andi %ne3A_467, %ne3A_462 : i1
    %add3A_469 = arith.addi %rem3A_460, %select_n3A_459 : i32
    %select_n3A_470 = arith.select %and3A_468, %add3A_469, %rem3A_460 : i32
    %add3A_471 = arith.addi %mul3A_454, %select_n3A_470 : i32
    %jit3A_472 = arith.constant 8 : i32
    %div3A_473 = arith.divsi %add3A_428, %jit3A_472 : i32
    %sign3A_474 = arith.constant 0 : i32
    %sign3A_475 = arith.cmpi sgt, %add3A_428, %sign3A_474 : i32
    %sign3A_476 = arith.extui %sign3A_475 : i1 to i32
    %sign3A_477 = arith.constant 0 : i32
    %sign3A_478 = arith.cmpi slt, %add3A_428, %sign3A_477 : i32
    %sign3A_479 = arith.extui %sign3A_478 : i1 to i32
    %sign3A_480 = arith.subi %sign3A_476, %sign3A_479 : i32
    %sign3A_481 = arith.constant 0 : i32
    %sign3A_482 = arith.cmpi sgt, %jit3A_472, %sign3A_481 : i32
    %sign3A_483 = arith.extui %sign3A_482 : i1 to i32
    %sign3A_484 = arith.constant 0 : i32
    %sign3A_485 = arith.cmpi slt, %jit3A_472, %sign3A_484 : i32
    %sign3A_486 = arith.extui %sign3A_485 : i1 to i32
    %sign3A_487 = arith.subi %sign3A_483, %sign3A_486 : i32
    %ne3A_488 = arith.cmpi ne, %sign3A_480, %sign3A_487 : i32
    %rem3A_489 = arith.remsi %add3A_428, %jit3A_472 : i32
    %ne3A_490 = arith.constant 0 : i32
    %ne3A_491 = arith.cmpi ne, %rem3A_489, %ne3A_490 : i32
    %and3A_492 = arith.andi %ne3A_488, %ne3A_491 : i1
    %sub3A_493 = arith.constant 1 : i32
    %sub3A_494 = arith.subi %div3A_473, %sub3A_493 : i32
    %select_n3A_495 = arith.select %and3A_492, %sub3A_494, %div3A_473 : i32
    %jit3A_496 = arith.constant 32 : i32
    %eq3A_497 = arith.constant 0 : i32
    %eq3A_498 = arith.cmpi eq, %jit3A_496, %eq3A_497 : i32
    %jit3A_499 = arith.constant 1 : i32
    %select_n3A_500 = arith.select %eq3A_498, %jit3A_499, %jit3A_496 : i32
    %rem3A_501 = arith.remsi %select_n3A_495, %select_n3A_500 : i32
    %ne3A_502 = arith.constant 0 : i32
    %ne3A_503 = arith.cmpi ne, %rem3A_501, %ne3A_502 : i32
    %lt3A_504 = arith.constant 0 : i32
    %lt3A_505 = arith.cmpi slt, %rem3A_501, %lt3A_504 : i32
    %lt3A_506 = arith.constant 0 : i32
    %lt3A_507 = arith.cmpi slt, %select_n3A_500, %lt3A_506 : i32
    %ne3A_508 = arith.xori %lt3A_505, %lt3A_507 : i1
    %and3A_509 = arith.andi %ne3A_508, %ne3A_503 : i1
    %add3A_510 = arith.addi %rem3A_501, %select_n3A_500 : i32
    %select_n3A_511 = arith.select %and3A_509, %add3A_510, %rem3A_501 : i32
    %dma_wait3A_512 = arith.constant 4 : i32
    %dma_wait3A_513 = arith.constant 32 : i32
    %dma_wait3A_514 = arith.constant 0 : i32
    %dma_wait3A_515 = tpu.memref_slice %arg8[%dma_wait3A_513, %dma_wait3A_514] : memref<64x128xf32, #tpu.memory_space<vmem>> -> memref<8x128xf32, #tpu.memory_space<vmem>>
    %dma_wait3A_516 = arith.constant 0 : i32
    %dma_wait3A_517 = arith.constant 0 : i32
    %dma_wait3A_518 = tpu.memref_slice %arg4[%add3A_471, %dma_wait3A_512, %select_n3A_511, %dma_wait3A_516, %dma_wait3A_517] : memref<200x8x32x8x128xf32, #tpu.memory_space<hbm>> -> memref<1x1x1x8x128xf32, #tpu.memory_space<hbm>>
    %dma_wait3A_519 = tpu.memref_squeeze %dma_wait3A_518 : memref<1x1x1x8x128xf32, #tpu.memory_space<hbm>> -> memref<8x128xf32, #tpu.memory_space<hbm>>
    %dma_wait3A_520 = arith.constant 0 : i32
    %dma_wait3A_521 = arith.constant 0 : i32
    %dma_wait3A_522 = tpu.memref_slice %arg4[%add3A_471, %dma_wait3A_512, %select_n3A_511, %dma_wait3A_520, %dma_wait3A_521] : memref<200x8x32x8x128xf32, #tpu.memory_space<hbm>> -> memref<1x1x1x8x128xf32, #tpu.memory_space<hbm>>
    %dma_wait3A_523 = tpu.memref_squeeze %dma_wait3A_522 : memref<1x1x1x8x128xf32, #tpu.memory_space<hbm>> -> memref<8x128xf32, #tpu.memory_space<hbm>>
    %dma_wait3A_524 = arith.constant 32 : i32
    %dma_wait3A_525 = arith.constant 0 : i32
    %dma_wait3A_526 = tpu.memref_slice %arg8[%dma_wait3A_524, %dma_wait3A_525] : memref<64x128xf32, #tpu.memory_space<vmem>> -> memref<8x128xf32, #tpu.memory_space<vmem>>
    tpu.wait_dma2 semaphore(%arg12 : memref<!tpu.dma_semaphore, #tpu.memory_space<semaphore_mem>>) src(%dma_wait3A_526 : memref<8x128xf32, #tpu.memory_space<vmem>>) dst(%dma_wait3A_523 : memref<8x128xf32, #tpu.memory_space<hbm>>)
    %add3A_527 = arith.constant 198 : i32
    %add3A_528 = arith.addi %mul3A_2, %add3A_527 : i32
    %jit3A_529 = arith.constant 256 : i32
    %div3A_530 = arith.divsi %add3A_528, %jit3A_529 : i32
    %sign3A_531 = arith.constant 0 : i32
    %sign3A_532 = arith.cmpi sgt, %add3A_528, %sign3A_531 : i32
    %sign3A_533 = arith.extui %sign3A_532 : i1 to i32
    %sign3A_534 = arith.constant 0 : i32
    %sign3A_535 = arith.cmpi slt, %add3A_528, %sign3A_534 : i32
    %sign3A_536 = arith.extui %sign3A_535 : i1 to i32
    %sign3A_537 = arith.subi %sign3A_533, %sign3A_536 : i32
    %sign3A_538 = arith.constant 0 : i32
    %sign3A_539 = arith.cmpi sgt, %jit3A_529, %sign3A_538 : i32
    %sign3A_540 = arith.extui %sign3A_539 : i1 to i32
    %sign3A_541 = arith.constant 0 : i32
    %sign3A_542 = arith.cmpi slt, %jit3A_529, %sign3A_541 : i32
    %sign3A_543 = arith.extui %sign3A_542 : i1 to i32
    %sign3A_544 = arith.subi %sign3A_540, %sign3A_543 : i32
    %ne3A_545 = arith.cmpi ne, %sign3A_537, %sign3A_544 : i32
    %rem3A_546 = arith.remsi %add3A_528, %jit3A_529 : i32
    %ne3A_547 = arith.constant 0 : i32
    %ne3A_548 = arith.cmpi ne, %rem3A_546, %ne3A_547 : i32
    %and3A_549 = arith.andi %ne3A_545, %ne3A_548 : i1
    %sub3A_550 = arith.constant 1 : i32
    %sub3A_551 = arith.subi %div3A_530, %sub3A_550 : i32
    %select_n3A_552 = arith.select %and3A_549, %sub3A_551, %div3A_530 : i32
    %mul3A_553 = arith.constant 8 : i32
    %mul3A_554 = arith.muli %select_n3A_552, %mul3A_553 : i32
    %jit3A_555 = arith.constant 8 : i32
    %eq3A_556 = arith.constant 0 : i32
    %eq3A_557 = arith.cmpi eq, %jit3A_555, %eq3A_556 : i32
    %jit3A_558 = arith.constant 1 : i32
    %select_n3A_559 = arith.select %eq3A_557, %jit3A_558, %jit3A_555 : i32
    %rem3A_560 = arith.remsi %add3A_528, %select_n3A_559 : i32
    %ne3A_561 = arith.constant 0 : i32
    %ne3A_562 = arith.cmpi ne, %rem3A_560, %ne3A_561 : i32
    %lt3A_563 = arith.constant 0 : i32
    %lt3A_564 = arith.cmpi slt, %rem3A_560, %lt3A_563 : i32
    %lt3A_565 = arith.constant 0 : i32
    %lt3A_566 = arith.cmpi slt, %select_n3A_559, %lt3A_565 : i32
    %ne3A_567 = arith.xori %lt3A_564, %lt3A_566 : i1
    %and3A_568 = arith.andi %ne3A_567, %ne3A_562 : i1
    %add3A_569 = arith.addi %rem3A_560, %select_n3A_559 : i32
    %select_n3A_570 = arith.select %and3A_568, %add3A_569, %rem3A_560 : i32
    %add3A_571 = arith.addi %mul3A_554, %select_n3A_570 : i32
    %jit3A_572 = arith.constant 8 : i32
    %div3A_573 = arith.divsi %add3A_528, %jit3A_572 : i32
    %sign3A_574 = arith.constant 0 : i32
    %sign3A_575 = arith.cmpi sgt, %add3A_528, %sign3A_574 : i32
    %sign3A_576 = arith.extui %sign3A_575 : i1 to i32
    %sign3A_577 = arith.constant 0 : i32
    %sign3A_578 = arith.cmpi slt, %add3A_528, %sign3A_577 : i32
    %sign3A_579 = arith.extui %sign3A_578 : i1 to i32
    %sign3A_580 = arith.subi %sign3A_576, %sign3A_579 : i32
    %sign3A_581 = arith.constant 0 : i32
    %sign3A_582 = arith.cmpi sgt, %jit3A_572, %sign3A_581 : i32
    %sign3A_583 = arith.extui %sign3A_582 : i1 to i32
    %sign3A_584 = arith.constant 0 : i32
    %sign3A_585 = arith.cmpi slt, %jit3A_572, %sign3A_584 : i32
    %sign3A_586 = arith.extui %sign3A_585 : i1 to i32
    %sign3A_587 = arith.subi %sign3A_583, %sign3A_586 : i32
    %ne3A_588 = arith.cmpi ne, %sign3A_580, %sign3A_587 : i32
    %rem3A_589 = arith.remsi %add3A_528, %jit3A_572 : i32
    %ne3A_590 = arith.constant 0 : i32
    %ne3A_591 = arith.cmpi ne, %rem3A_589, %ne3A_590 : i32
    %and3A_592 = arith.andi %ne3A_588, %ne3A_591 : i1
    %sub3A_593 = arith.constant 1 : i32
    %sub3A_594 = arith.subi %div3A_573, %sub3A_593 : i32
    %select_n3A_595 = arith.select %and3A_592, %sub3A_594, %div3A_573 : i32
    %jit3A_596 = arith.constant 32 : i32
    %eq3A_597 = arith.constant 0 : i32
    %eq3A_598 = arith.cmpi eq, %jit3A_596, %eq3A_597 : i32
    %jit3A_599 = arith.constant 1 : i32
    %select_n3A_600 = arith.select %eq3A_598, %jit3A_599, %jit3A_596 : i32
    %rem3A_601 = arith.remsi %select_n3A_595, %select_n3A_600 : i32
    %ne3A_602 = arith.constant 0 : i32
    %ne3A_603 = arith.cmpi ne, %rem3A_601, %ne3A_602 : i32
    %lt3A_604 = arith.constant 0 : i32
    %lt3A_605 = arith.cmpi slt, %rem3A_601, %lt3A_604 : i32
    %lt3A_606 = arith.constant 0 : i32
    %lt3A_607 = arith.cmpi slt, %select_n3A_600, %lt3A_606 : i32
    %ne3A_608 = arith.xori %lt3A_605, %lt3A_607 : i1
    %and3A_609 = arith.andi %ne3A_608, %ne3A_603 : i1
    %add3A_610 = arith.addi %rem3A_601, %select_n3A_600 : i32
    %select_n3A_611 = arith.select %and3A_609, %add3A_610, %rem3A_601 : i32
    %dma_wait3A_612 = arith.constant 5 : i32
    %dma_wait3A_613 = arith.constant 40 : i32
    %dma_wait3A_614 = arith.constant 0 : i32
    %dma_wait3A_615 = tpu.memref_slice %arg8[%dma_wait3A_613, %dma_wait3A_614] : memref<64x128xf32, #tpu.memory_space<vmem>> -> memref<8x128xf32, #tpu.memory_space<vmem>>
    %dma_wait3A_616 = arith.constant 0 : i32
    %dma_wait3A_617 = arith.constant 0 : i32
    %dma_wait3A_618 = tpu.memref_slice %arg4[%add3A_571, %dma_wait3A_612, %select_n3A_611, %dma_wait3A_616, %dma_wait3A_617] : memref<200x8x32x8x128xf32, #tpu.memory_space<hbm>> -> memref<1x1x1x8x128xf32, #tpu.memory_space<hbm>>
    %dma_wait3A_619 = tpu.memref_squeeze %dma_wait3A_618 : memref<1x1x1x8x128xf32, #tpu.memory_space<hbm>> -> memref<8x128xf32, #tpu.memory_space<hbm>>
    %dma_wait3A_620 = arith.constant 0 : i32
    %dma_wait3A_621 = arith.constant 0 : i32
    %dma_wait3A_622 = tpu.memref_slice %arg4[%add3A_571, %dma_wait3A_612, %select_n3A_611, %dma_wait3A_620, %dma_wait3A_621] : memref<200x8x32x8x128xf32, #tpu.memory_space<hbm>> -> memref<1x1x1x8x128xf32, #tpu.memory_space<hbm>>
    %dma_wait3A_623 = tpu.memref_squeeze %dma_wait3A_622 : memref<1x1x1x8x128xf32, #tpu.memory_space<hbm>> -> memref<8x128xf32, #tpu.memory_space<hbm>>
    %dma_wait3A_624 = arith.constant 40 : i32
    %dma_wait3A_625 = arith.constant 0 : i32
    %dma_wait3A_626 = tpu.memref_slice %arg8[%dma_wait3A_624, %dma_wait3A_625] : memref<64x128xf32, #tpu.memory_space<vmem>> -> memref<8x128xf32, #tpu.memory_space<vmem>>
    tpu.wait_dma2 semaphore(%arg12 : memref<!tpu.dma_semaphore, #tpu.memory_space<semaphore_mem>>) src(%dma_wait3A_626 : memref<8x128xf32, #tpu.memory_space<vmem>>) dst(%dma_wait3A_623 : memref<8x128xf32, #tpu.memory_space<hbm>>)
    %add3A_627 = arith.constant 198 : i32
    %add3A_628 = arith.addi %mul3A_2, %add3A_627 : i32
    %jit3A_629 = arith.constant 256 : i32
    %div3A_630 = arith.divsi %add3A_628, %jit3A_629 : i32
    %sign3A_631 = arith.constant 0 : i32
    %sign3A_632 = arith.cmpi sgt, %add3A_628, %sign3A_631 : i32
    %sign3A_633 = arith.extui %sign3A_632 : i1 to i32
    %sign3A_634 = arith.constant 0 : i32
    %sign3A_635 = arith.cmpi slt, %add3A_628, %sign3A_634 : i32
    %sign3A_636 = arith.extui %sign3A_635 : i1 to i32
    %sign3A_637 = arith.subi %sign3A_633, %sign3A_636 : i32
    %sign3A_638 = arith.constant 0 : i32
    %sign3A_639 = arith.cmpi sgt, %jit3A_629, %sign3A_638 : i32
    %sign3A_640 = arith.extui %sign3A_639 : i1 to i32
    %sign3A_641 = arith.constant 0 : i32
    %sign3A_642 = arith.cmpi slt, %jit3A_629, %sign3A_641 : i32
    %sign3A_643 = arith.extui %sign3A_642 : i1 to i32
    %sign3A_644 = arith.subi %sign3A_640, %sign3A_643 : i32
    %ne3A_645 = arith.cmpi ne, %sign3A_637, %sign3A_644 : i32
    %rem3A_646 = arith.remsi %add3A_628, %jit3A_629 : i32
    %ne3A_647 = arith.constant 0 : i32
    %ne3A_648 = arith.cmpi ne, %rem3A_646, %ne3A_647 : i32
    %and3A_649 = arith.andi %ne3A_645, %ne3A_648 : i1
    %sub3A_650 = arith.constant 1 : i32
    %sub3A_651 = arith.subi %div3A_630, %sub3A_650 : i32
    %select_n3A_652 = arith.select %and3A_649, %sub3A_651, %div3A_630 : i32
    %mul3A_653 = arith.constant 8 : i32
    %mul3A_654 = arith.muli %select_n3A_652, %mul3A_653 : i32
    %jit3A_655 = arith.constant 8 : i32
    %eq3A_656 = arith.constant 0 : i32
    %eq3A_657 = arith.cmpi eq, %jit3A_655, %eq3A_656 : i32
    %jit3A_658 = arith.constant 1 : i32
    %select_n3A_659 = arith.select %eq3A_657, %jit3A_658, %jit3A_655 : i32
    %rem3A_660 = arith.remsi %add3A_628, %select_n3A_659 : i32
    %ne3A_661 = arith.constant 0 : i32
    %ne3A_662 = arith.cmpi ne, %rem3A_660, %ne3A_661 : i32
    %lt3A_663 = arith.constant 0 : i32
    %lt3A_664 = arith.cmpi slt, %rem3A_660, %lt3A_663 : i32
    %lt3A_665 = arith.constant 0 : i32
    %lt3A_666 = arith.cmpi slt, %select_n3A_659, %lt3A_665 : i32
    %ne3A_667 = arith.xori %lt3A_664, %lt3A_666 : i1
    %and3A_668 = arith.andi %ne3A_667, %ne3A_662 : i1
    %add3A_669 = arith.addi %rem3A_660, %select_n3A_659 : i32
    %select_n3A_670 = arith.select %and3A_668, %add3A_669, %rem3A_660 : i32
    %add3A_671 = arith.addi %mul3A_654, %select_n3A_670 : i32
    %jit3A_672 = arith.constant 8 : i32
    %div3A_673 = arith.divsi %add3A_628, %jit3A_672 : i32
    %sign3A_674 = arith.constant 0 : i32
    %sign3A_675 = arith.cmpi sgt, %add3A_628, %sign3A_674 : i32
    %sign3A_676 = arith.extui %sign3A_675 : i1 to i32
    %sign3A_677 = arith.constant 0 : i32
    %sign3A_678 = arith.cmpi slt, %add3A_628, %sign3A_677 : i32
    %sign3A_679 = arith.extui %sign3A_678 : i1 to i32
    %sign3A_680 = arith.subi %sign3A_676, %sign3A_679 : i32
    %sign3A_681 = arith.constant 0 : i32
    %sign3A_682 = arith.cmpi sgt, %jit3A_672, %sign3A_681 : i32
    %sign3A_683 = arith.extui %sign3A_682 : i1 to i32
    %sign3A_684 = arith.constant 0 : i32
    %sign3A_685 = arith.cmpi slt, %jit3A_672, %sign3A_684 : i32
    %sign3A_686 = arith.extui %sign3A_685 : i1 to i32
    %sign3A_687 = arith.subi %sign3A_683, %sign3A_686 : i32
    %ne3A_688 = arith.cmpi ne, %sign3A_680, %sign3A_687 : i32
    %rem3A_689 = arith.remsi %add3A_628, %jit3A_672 : i32
    %ne3A_690 = arith.constant 0 : i32
    %ne3A_691 = arith.cmpi ne, %rem3A_689, %ne3A_690 : i32
    %and3A_692 = arith.andi %ne3A_688, %ne3A_691 : i1
    %sub3A_693 = arith.constant 1 : i32
    %sub3A_694 = arith.subi %div3A_673, %sub3A_693 : i32
    %select_n3A_695 = arith.select %and3A_692, %sub3A_694, %div3A_673 : i32
    %jit3A_696 = arith.constant 32 : i32
    %eq3A_697 = arith.constant 0 : i32
    %eq3A_698 = arith.cmpi eq, %jit3A_696, %eq3A_697 : i32
    %jit3A_699 = arith.constant 1 : i32
    %select_n3A_700 = arith.select %eq3A_698, %jit3A_699, %jit3A_696 : i32
    %rem3A_701 = arith.remsi %select_n3A_695, %select_n3A_700 : i32
    %ne3A_702 = arith.constant 0 : i32
    %ne3A_703 = arith.cmpi ne, %rem3A_701, %ne3A_702 : i32
    %lt3A_704 = arith.constant 0 : i32
    %lt3A_705 = arith.cmpi slt, %rem3A_701, %lt3A_704 : i32
    %lt3A_706 = arith.constant 0 : i32
    %lt3A_707 = arith.cmpi slt, %select_n3A_700, %lt3A_706 : i32
    %ne3A_708 = arith.xori %lt3A_705, %lt3A_707 : i1
    %and3A_709 = arith.andi %ne3A_708, %ne3A_703 : i1
    %add3A_710 = arith.addi %rem3A_701, %select_n3A_700 : i32
    %select_n3A_711 = arith.select %and3A_709, %add3A_710, %rem3A_701 : i32
    %dma_wait3A_712 = arith.constant 6 : i32
    %dma_wait3A_713 = arith.constant 48 : i32
    %dma_wait3A_714 = arith.constant 0 : i32
    %dma_wait3A_715 = tpu.memref_slice %arg8[%dma_wait3A_713, %dma_wait3A_714] : memref<64x128xf32, #tpu.memory_space<vmem>> -> memref<8x128xf32, #tpu.memory_space<vmem>>
    %dma_wait3A_716 = arith.constant 0 : i32
    %dma_wait3A_717 = arith.constant 0 : i32
    %dma_wait3A_718 = tpu.memref_slice %arg4[%add3A_671, %dma_wait3A_712, %select_n3A_711, %dma_wait3A_716, %dma_wait3A_717] : memref<200x8x32x8x128xf32, #tpu.memory_space<hbm>> -> memref<1x1x1x8x128xf32, #tpu.memory_space<hbm>>
    %dma_wait3A_719 = tpu.memref_squeeze %dma_wait3A_718 : memref<1x1x1x8x128xf32, #tpu.memory_space<hbm>> -> memref<8x128xf32, #tpu.memory_space<hbm>>
    %dma_wait3A_720 = arith.constant 0 : i32
    %dma_wait3A_721 = arith.constant 0 : i32
    %dma_wait3A_722 = tpu.memref_slice %arg4[%add3A_671, %dma_wait3A_712, %select_n3A_711, %dma_wait3A_720, %dma_wait3A_721] : memref<200x8x32x8x128xf32, #tpu.memory_space<hbm>> -> memref<1x1x1x8x128xf32, #tpu.memory_space<hbm>>
    %dma_wait3A_723 = tpu.memref_squeeze %dma_wait3A_722 : memref<1x1x1x8x128xf32, #tpu.memory_space<hbm>> -> memref<8x128xf32, #tpu.memory_space<hbm>>
    %dma_wait3A_724 = arith.constant 48 : i32
    %dma_wait3A_725 = arith.constant 0 : i32
    %dma_wait3A_726 = tpu.memref_slice %arg8[%dma_wait3A_724, %dma_wait3A_725] : memref<64x128xf32, #tpu.memory_space<vmem>> -> memref<8x128xf32, #tpu.memory_space<vmem>>
    tpu.wait_dma2 semaphore(%arg12 : memref<!tpu.dma_semaphore, #tpu.memory_space<semaphore_mem>>) src(%dma_wait3A_726 : memref<8x128xf32, #tpu.memory_space<vmem>>) dst(%dma_wait3A_723 : memref<8x128xf32, #tpu.memory_space<hbm>>)
    %add3A_727 = arith.constant 198 : i32
    %add3A_728 = arith.addi %mul3A_2, %add3A_727 : i32
    %jit3A_729 = arith.constant 256 : i32
    %div3A_730 = arith.divsi %add3A_728, %jit3A_729 : i32
    %sign3A_731 = arith.constant 0 : i32
    %sign3A_732 = arith.cmpi sgt, %add3A_728, %sign3A_731 : i32
    %sign3A_733 = arith.extui %sign3A_732 : i1 to i32
    %sign3A_734 = arith.constant 0 : i32
    %sign3A_735 = arith.cmpi slt, %add3A_728, %sign3A_734 : i32
    %sign3A_736 = arith.extui %sign3A_735 : i1 to i32
    %sign3A_737 = arith.subi %sign3A_733, %sign3A_736 : i32
    %sign3A_738 = arith.constant 0 : i32
    %sign3A_739 = arith.cmpi sgt, %jit3A_729, %sign3A_738 : i32
    %sign3A_740 = arith.extui %sign3A_739 : i1 to i32
    %sign3A_741 = arith.constant 0 : i32
    %sign3A_742 = arith.cmpi slt, %jit3A_729, %sign3A_741 : i32
    %sign3A_743 = arith.extui %sign3A_742 : i1 to i32
    %sign3A_744 = arith.subi %sign3A_740, %sign3A_743 : i32
    %ne3A_745 = arith.cmpi ne, %sign3A_737, %sign3A_744 : i32
    %rem3A_746 = arith.remsi %add3A_728, %jit3A_729 : i32
    %ne3A_747 = arith.constant 0 : i32
    %ne3A_748 = arith.cmpi ne, %rem3A_746, %ne3A_747 : i32
    %and3A_749 = arith.andi %ne3A_745, %ne3A_748 : i1
    %sub3A_750 = arith.constant 1 : i32
    %sub3A_751 = arith.subi %div3A_730, %sub3A_750 : i32
    %select_n3A_752 = arith.select %and3A_749, %sub3A_751, %div3A_730 : i32
    %mul3A_753 = arith.constant 8 : i32
    %mul3A_754 = arith.muli %select_n3A_752, %mul3A_753 : i32
    %jit3A_755 = arith.constant 8 : i32
    %eq3A_756 = arith.constant 0 : i32
    %eq3A_757 = arith.cmpi eq, %jit3A_755, %eq3A_756 : i32
    %jit3A_758 = arith.constant 1 : i32
    %select_n3A_759 = arith.select %eq3A_757, %jit3A_758, %jit3A_755 : i32
    %rem3A_760 = arith.remsi %add3A_728, %select_n3A_759 : i32
    %ne3A_761 = arith.constant 0 : i32
    %ne3A_762 = arith.cmpi ne, %rem3A_760, %ne3A_761 : i32
    %lt3A_763 = arith.constant 0 : i32
    %lt3A_764 = arith.cmpi slt, %rem3A_760, %lt3A_763 : i32
    %lt3A_765 = arith.constant 0 : i32
    %lt3A_766 = arith.cmpi slt, %select_n3A_759, %lt3A_765 : i32
    %ne3A_767 = arith.xori %lt3A_764, %lt3A_766 : i1
    %and3A_768 = arith.andi %ne3A_767, %ne3A_762 : i1
    %add3A_769 = arith.addi %rem3A_760, %select_n3A_759 : i32
    %select_n3A_770 = arith.select %and3A_768, %add3A_769, %rem3A_760 : i32
    %add3A_771 = arith.addi %mul3A_754, %select_n3A_770 : i32
    %jit3A_772 = arith.constant 8 : i32
    %div3A_773 = arith.divsi %add3A_728, %jit3A_772 : i32
    %sign3A_774 = arith.constant 0 : i32
    %sign3A_775 = arith.cmpi sgt, %add3A_728, %sign3A_774 : i32
    %sign3A_776 = arith.extui %sign3A_775 : i1 to i32
    %sign3A_777 = arith.constant 0 : i32
    %sign3A_778 = arith.cmpi slt, %add3A_728, %sign3A_777 : i32
    %sign3A_779 = arith.extui %sign3A_778 : i1 to i32
    %sign3A_780 = arith.subi %sign3A_776, %sign3A_779 : i32
    %sign3A_781 = arith.constant 0 : i32
    %sign3A_782 = arith.cmpi sgt, %jit3A_772, %sign3A_781 : i32
    %sign3A_783 = arith.extui %sign3A_782 : i1 to i32
    %sign3A_784 = arith.constant 0 : i32
    %sign3A_785 = arith.cmpi slt, %jit3A_772, %sign3A_784 : i32
    %sign3A_786 = arith.extui %sign3A_785 : i1 to i32
    %sign3A_787 = arith.subi %sign3A_783, %sign3A_786 : i32
    %ne3A_788 = arith.cmpi ne, %sign3A_780, %sign3A_787 : i32
    %rem3A_789 = arith.remsi %add3A_728, %jit3A_772 : i32
    %ne3A_790 = arith.constant 0 : i32
    %ne3A_791 = arith.cmpi ne, %rem3A_789, %ne3A_790 : i32
    %and3A_792 = arith.andi %ne3A_788, %ne3A_791 : i1
    %sub3A_793 = arith.constant 1 : i32
    %sub3A_794 = arith.subi %div3A_773, %sub3A_793 : i32
    %select_n3A_795 = arith.select %and3A_792, %sub3A_794, %div3A_773 : i32
    %jit3A_796 = arith.constant 32 : i32
    %eq3A_797 = arith.constant 0 : i32
    %eq3A_798 = arith.cmpi eq, %jit3A_796, %eq3A_797 : i32
    %jit3A_799 = arith.constant 1 : i32
    %select_n3A_800 = arith.select %eq3A_798, %jit3A_799, %jit3A_796 : i32
    %rem3A_801 = arith.remsi %select_n3A_795, %select_n3A_800 : i32
    %ne3A_802 = arith.constant 0 : i32
    %ne3A_803 = arith.cmpi ne, %rem3A_801, %ne3A_802 : i32
    %lt3A_804 = arith.constant 0 : i32
    %lt3A_805 = arith.cmpi slt, %rem3A_801, %lt3A_804 : i32
    %lt3A_806 = arith.constant 0 : i32
    %lt3A_807 = arith.cmpi slt, %select_n3A_800, %lt3A_806 : i32
    %ne3A_808 = arith.xori %lt3A_805, %lt3A_807 : i1
    %and3A_809 = arith.andi %ne3A_808, %ne3A_803 : i1
    %add3A_810 = arith.addi %rem3A_801, %select_n3A_800 : i32
    %select_n3A_811 = arith.select %and3A_809, %add3A_810, %rem3A_801 : i32
    %dma_wait3A_812 = arith.constant 7 : i32
    %dma_wait3A_813 = arith.constant 56 : i32
    %dma_wait3A_814 = arith.constant 0 : i32
    %dma_wait3A_815 = tpu.memref_slice %arg8[%dma_wait3A_813, %dma_wait3A_814] : memref<64x128xf32, #tpu.memory_space<vmem>> -> memref<8x128xf32, #tpu.memory_space<vmem>>
    %dma_wait3A_816 = arith.constant 0 : i32
    %dma_wait3A_817 = arith.constant 0 : i32
    %dma_wait3A_818 = tpu.memref_slice %arg4[%add3A_771, %dma_wait3A_812, %select_n3A_811, %dma_wait3A_816, %dma_wait3A_817] : memref<200x8x32x8x128xf32, #tpu.memory_space<hbm>> -> memref<1x1x1x8x128xf32, #tpu.memory_space<hbm>>
    %dma_wait3A_819 = tpu.memref_squeeze %dma_wait3A_818 : memref<1x1x1x8x128xf32, #tpu.memory_space<hbm>> -> memref<8x128xf32, #tpu.memory_space<hbm>>
    %dma_wait3A_820 = arith.constant 0 : i32
    %dma_wait3A_821 = arith.constant 0 : i32
    %dma_wait3A_822 = tpu.memref_slice %arg4[%add3A_771, %dma_wait3A_812, %select_n3A_811, %dma_wait3A_820, %dma_wait3A_821] : memref<200x8x32x8x128xf32, #tpu.memory_space<hbm>> -> memref<1x1x1x8x128xf32, #tpu.memory_space<hbm>>
    %dma_wait3A_823 = tpu.memref_squeeze %dma_wait3A_822 : memref<1x1x1x8x128xf32, #tpu.memory_space<hbm>> -> memref<8x128xf32, #tpu.memory_space<hbm>>
    %dma_wait3A_824 = arith.constant 56 : i32
    %dma_wait3A_825 = arith.constant 0 : i32
    %dma_wait3A_826 = tpu.memref_slice %arg8[%dma_wait3A_824, %dma_wait3A_825] : memref<64x128xf32, #tpu.memory_space<vmem>> -> memref<8x128xf32, #tpu.memory_space<vmem>>
    tpu.wait_dma2 semaphore(%arg12 : memref<!tpu.dma_semaphore, #tpu.memory_space<semaphore_mem>>) src(%dma_wait3A_826 : memref<8x128xf32, #tpu.memory_space<vmem>>) dst(%dma_wait3A_823 : memref<8x128xf32, #tpu.memory_space<hbm>>)
    %add3A_827 = arith.constant 199 : i32
    %add3A_828 = arith.addi %mul3A_2, %add3A_827 : i32
    %jit3A_829 = arith.constant 256 : i32
    %div3A_830 = arith.divsi %add3A_828, %jit3A_829 : i32
    %sign3A_831 = arith.constant 0 : i32
    %sign3A_832 = arith.cmpi sgt, %add3A_828, %sign3A_831 : i32
    %sign3A_833 = arith.extui %sign3A_832 : i1 to i32
    %sign3A_834 = arith.constant 0 : i32
    %sign3A_835 = arith.cmpi slt, %add3A_828, %sign3A_834 : i32
    %sign3A_836 = arith.extui %sign3A_835 : i1 to i32
    %sign3A_837 = arith.subi %sign3A_833, %sign3A_836 : i32
    %sign3A_838 = arith.constant 0 : i32
    %sign3A_839 = arith.cmpi sgt, %jit3A_829, %sign3A_838 : i32
    %sign3A_840 = arith.extui %sign3A_839 : i1 to i32
    %sign3A_841 = arith.constant 0 : i32
    %sign3A_842 = arith.cmpi slt, %jit3A_829, %sign3A_841 : i32
    %sign3A_843 = arith.extui %sign3A_842 : i1 to i32
    %sign3A_844 = arith.subi %sign3A_840, %sign3A_843 : i32
    %ne3A_845 = arith.cmpi ne, %sign3A_837, %sign3A_844 : i32
    %rem3A_846 = arith.remsi %add3A_828, %jit3A_829 : i32
    %ne3A_847 = arith.constant 0 : i32
    %ne3A_848 = arith.cmpi ne, %rem3A_846, %ne3A_847 : i32
    %and3A_849 = arith.andi %ne3A_845, %ne3A_848 : i1
    %sub3A_850 = arith.constant 1 : i32
    %sub3A_851 = arith.subi %div3A_830, %sub3A_850 : i32
    %select_n3A_852 = arith.select %and3A_849, %sub3A_851, %div3A_830 : i32
    %mul3A_853 = arith.constant 8 : i32
    %mul3A_854 = arith.muli %select_n3A_852, %mul3A_853 : i32
    %jit3A_855 = arith.constant 8 : i32
    %eq3A_856 = arith.constant 0 : i32
    %eq3A_857 = arith.cmpi eq, %jit3A_855, %eq3A_856 : i32
    %jit3A_858 = arith.constant 1 : i32
    %select_n3A_859 = arith.select %eq3A_857, %jit3A_858, %jit3A_855 : i32
    %rem3A_860 = arith.remsi %add3A_828, %select_n3A_859 : i32
    %ne3A_861 = arith.constant 0 : i32
    %ne3A_862 = arith.cmpi ne, %rem3A_860, %ne3A_861 : i32
    %lt3A_863 = arith.constant 0 : i32
    %lt3A_864 = arith.cmpi slt, %rem3A_860, %lt3A_863 : i32
    %lt3A_865 = arith.constant 0 : i32
    %lt3A_866 = arith.cmpi slt, %select_n3A_859, %lt3A_865 : i32
    %ne3A_867 = arith.xori %lt3A_864, %lt3A_866 : i1
    %and3A_868 = arith.andi %ne3A_867, %ne3A_862 : i1
    %add3A_869 = arith.addi %rem3A_860, %select_n3A_859 : i32
    %select_n3A_870 = arith.select %and3A_868, %add3A_869, %rem3A_860 : i32
    %add3A_871 = arith.addi %mul3A_854, %select_n3A_870 : i32
    %jit3A_872 = arith.constant 8 : i32
    %div3A_873 = arith.divsi %add3A_828, %jit3A_872 : i32
    %sign3A_874 = arith.constant 0 : i32
    %sign3A_875 = arith.cmpi sgt, %add3A_828, %sign3A_874 : i32
    %sign3A_876 = arith.extui %sign3A_875 : i1 to i32
    %sign3A_877 = arith.constant 0 : i32
    %sign3A_878 = arith.cmpi slt, %add3A_828, %sign3A_877 : i32
    %sign3A_879 = arith.extui %sign3A_878 : i1 to i32
    %sign3A_880 = arith.subi %sign3A_876, %sign3A_879 : i32
    %sign3A_881 = arith.constant 0 : i32
    %sign3A_882 = arith.cmpi sgt, %jit3A_872, %sign3A_881 : i32
    %sign3A_883 = arith.extui %sign3A_882 : i1 to i32
    %sign3A_884 = arith.constant 0 : i32
    %sign3A_885 = arith.cmpi slt, %jit3A_872, %sign3A_884 : i32
    %sign3A_886 = arith.extui %sign3A_885 : i1 to i32
    %sign3A_887 = arith.subi %sign3A_883, %sign3A_886 : i32
    %ne3A_888 = arith.cmpi ne, %sign3A_880, %sign3A_887 : i32
    %rem3A_889 = arith.remsi %add3A_828, %jit3A_872 : i32
    %ne3A_890 = arith.constant 0 : i32
    %ne3A_891 = arith.cmpi ne, %rem3A_889, %ne3A_890 : i32
    %and3A_892 = arith.andi %ne3A_888, %ne3A_891 : i1
    %sub3A_893 = arith.constant 1 : i32
    %sub3A_894 = arith.subi %div3A_873, %sub3A_893 : i32
    %select_n3A_895 = arith.select %and3A_892, %sub3A_894, %div3A_873 : i32
    %jit3A_896 = arith.constant 32 : i32
    %eq3A_897 = arith.constant 0 : i32
    %eq3A_898 = arith.cmpi eq, %jit3A_896, %eq3A_897 : i32
    %jit3A_899 = arith.constant 1 : i32
    %select_n3A_900 = arith.select %eq3A_898, %jit3A_899, %jit3A_896 : i32
    %rem3A_901 = arith.remsi %select_n3A_895, %select_n3A_900 : i32
    %ne3A_902 = arith.constant 0 : i32
    %ne3A_903 = arith.cmpi ne, %rem3A_901, %ne3A_902 : i32
    %lt3A_904 = arith.constant 0 : i32
    %lt3A_905 = arith.cmpi slt, %rem3A_901, %lt3A_904 : i32
    %lt3A_906 = arith.constant 0 : i32
    %lt3A_907 = arith.cmpi slt, %select_n3A_900, %lt3A_906 : i32
    %ne3A_908 = arith.xori %lt3A_905, %lt3A_907 : i1
    %and3A_909 = arith.andi %ne3A_908, %ne3A_903 : i1
    %add3A_910 = arith.addi %rem3A_901, %select_n3A_900 : i32
    %select_n3A_911 = arith.select %and3A_909, %add3A_910, %rem3A_901 : i32
    %dma_wait3A_912 = arith.constant 0 : i32
    %dma_wait3A_913 = arith.constant 0 : i32
    %dma_wait3A_914 = arith.constant 0 : i32
    %dma_wait3A_915 = tpu.memref_slice %arg9[%dma_wait3A_913, %dma_wait3A_914] : memref<64x128xf32, #tpu.memory_space<vmem>> -> memref<8x128xf32, #tpu.memory_space<vmem>>
    %dma_wait3A_916 = arith.constant 0 : i32
    %dma_wait3A_917 = arith.constant 0 : i32
    %dma_wait3A_918 = tpu.memref_slice %arg4[%add3A_871, %dma_wait3A_912, %select_n3A_911, %dma_wait3A_916, %dma_wait3A_917] : memref<200x8x32x8x128xf32, #tpu.memory_space<hbm>> -> memref<1x1x1x8x128xf32, #tpu.memory_space<hbm>>
    %dma_wait3A_919 = tpu.memref_squeeze %dma_wait3A_918 : memref<1x1x1x8x128xf32, #tpu.memory_space<hbm>> -> memref<8x128xf32, #tpu.memory_space<hbm>>
    %dma_wait3A_920 = arith.constant 0 : i32
    %dma_wait3A_921 = arith.constant 0 : i32
    %dma_wait3A_922 = tpu.memref_slice %arg4[%add3A_871, %dma_wait3A_912, %select_n3A_911, %dma_wait3A_920, %dma_wait3A_921] : memref<200x8x32x8x128xf32, #tpu.memory_space<hbm>> -> memref<1x1x1x8x128xf32, #tpu.memory_space<hbm>>
    %dma_wait3A_923 = tpu.memref_squeeze %dma_wait3A_922 : memref<1x1x1x8x128xf32, #tpu.memory_space<hbm>> -> memref<8x128xf32, #tpu.memory_space<hbm>>
    %dma_wait3A_924 = arith.constant 0 : i32
    %dma_wait3A_925 = arith.constant 0 : i32
    %dma_wait3A_926 = tpu.memref_slice %arg9[%dma_wait3A_924, %dma_wait3A_925] : memref<64x128xf32, #tpu.memory_space<vmem>> -> memref<8x128xf32, #tpu.memory_space<vmem>>
    tpu.wait_dma2 semaphore(%arg13 : memref<!tpu.dma_semaphore, #tpu.memory_space<semaphore_mem>>) src(%dma_wait3A_926 : memref<8x128xf32, #tpu.memory_space<vmem>>) dst(%dma_wait3A_923 : memref<8x128xf32, #tpu.memory_space<hbm>>)
    %add3A_927 = arith.constant 199 : i32
    %add3A_928 = arith.addi %mul3A_2, %add3A_927 : i32
    %jit3A_929 = arith.constant 256 : i32
    %div3A_930 = arith.divsi %add3A_928, %jit3A_929 : i32
    %sign3A_931 = arith.constant 0 : i32
    %sign3A_932 = arith.cmpi sgt, %add3A_928, %sign3A_931 : i32
    %sign3A_933 = arith.extui %sign3A_932 : i1 to i32
    %sign3A_934 = arith.constant 0 : i32
    %sign3A_935 = arith.cmpi slt, %add3A_928, %sign3A_934 : i32
    %sign3A_936 = arith.extui %sign3A_935 : i1 to i32
    %sign3A_937 = arith.subi %sign3A_933, %sign3A_936 : i32
    %sign3A_938 = arith.constant 0 : i32
    %sign3A_939 = arith.cmpi sgt, %jit3A_929, %sign3A_938 : i32
    %sign3A_940 = arith.extui %sign3A_939 : i1 to i32
    %sign3A_941 = arith.constant 0 : i32
    %sign3A_942 = arith.cmpi slt, %jit3A_929, %sign3A_941 : i32
    %sign3A_943 = arith.extui %sign3A_942 : i1 to i32
    %sign3A_944 = arith.subi %sign3A_940, %sign3A_943 : i32
    %ne3A_945 = arith.cmpi ne, %sign3A_937, %sign3A_944 : i32
    %rem3A_946 = arith.remsi %add3A_928, %jit3A_929 : i32
    %ne3A_947 = arith.constant 0 : i32
    %ne3A_948 = arith.cmpi ne, %rem3A_946, %ne3A_947 : i32
    %and3A_949 = arith.andi %ne3A_945, %ne3A_948 : i1
    %sub3A_950 = arith.constant 1 : i32
    %sub3A_951 = arith.subi %div3A_930, %sub3A_950 : i32
    %select_n3A_952 = arith.select %and3A_949, %sub3A_951, %div3A_930 : i32
    %mul3A_953 = arith.constant 8 : i32
    %mul3A_954 = arith.muli %select_n3A_952, %mul3A_953 : i32
    %jit3A_955 = arith.constant 8 : i32
    %eq3A_956 = arith.constant 0 : i32
    %eq3A_957 = arith.cmpi eq, %jit3A_955, %eq3A_956 : i32
    %jit3A_958 = arith.constant 1 : i32
    %select_n3A_959 = arith.select %eq3A_957, %jit3A_958, %jit3A_955 : i32
    %rem3A_960 = arith.remsi %add3A_928, %select_n3A_959 : i32
    %ne3A_961 = arith.constant 0 : i32
    %ne3A_962 = arith.cmpi ne, %rem3A_960, %ne3A_961 : i32
    %lt3A_963 = arith.constant 0 : i32
    %lt3A_964 = arith.cmpi slt, %rem3A_960, %lt3A_963 : i32
    %lt3A_965 = arith.constant 0 : i32
    %lt3A_966 = arith.cmpi slt, %select_n3A_959, %lt3A_965 : i32
    %ne3A_967 = arith.xori %lt3A_964, %lt3A_966 : i1
    %and3A_968 = arith.andi %ne3A_967, %ne3A_962 : i1
    %add3A_969 = arith.addi %rem3A_960, %select_n3A_959 : i32
    %select_n3A_970 = arith.select %and3A_968, %add3A_969, %rem3A_960 : i32
    %add3A_971 = arith.addi %mul3A_954, %select_n3A_970 : i32
    %jit3A_972 = arith.constant 8 : i32
    %div3A_973 = arith.divsi %add3A_928, %jit3A_972 : i32
    %sign3A_974 = arith.constant 0 : i32
    %sign3A_975 = arith.cmpi sgt, %add3A_928, %sign3A_974 : i32
    %sign3A_976 = arith.extui %sign3A_975 : i1 to i32
    %sign3A_977 = arith.constant 0 : i32
    %sign3A_978 = arith.cmpi slt, %add3A_928, %sign3A_977 : i32
    %sign3A_979 = arith.extui %sign3A_978 : i1 to i32
    %sign3A_980 = arith.subi %sign3A_976, %sign3A_979 : i32
    %sign3A_981 = arith.constant 0 : i32
    %sign3A_982 = arith.cmpi sgt, %jit3A_972, %sign3A_981 : i32
    %sign3A_983 = arith.extui %sign3A_982 : i1 to i32
    %sign3A_984 = arith.constant 0 : i32
    %sign3A_985 = arith.cmpi slt, %jit3A_972, %sign3A_984 : i32
    %sign3A_986 = arith.extui %sign3A_985 : i1 to i32
    %sign3A_987 = arith.subi %sign3A_983, %sign3A_986 : i32
    %ne3A_988 = arith.cmpi ne, %sign3A_980, %sign3A_987 : i32
    %rem3A_989 = arith.remsi %add3A_928, %jit3A_972 : i32
    %ne3A_990 = arith.constant 0 : i32
    %ne3A_991 = arith.cmpi ne, %rem3A_989, %ne3A_990 : i32
    %and3A_992 = arith.andi %ne3A_988, %ne3A_991 : i1
    %sub3A_993 = arith.constant 1 : i32
    %sub3A_994 = arith.subi %div3A_973, %sub3A_993 : i32
    %select_n3A_995 = arith.select %and3A_992, %sub3A_994, %div3A_973 : i32
    %jit3A_996 = arith.constant 32 : i32
    %eq3A_997 = arith.constant 0 : i32
    %eq3A_998 = arith.cmpi eq, %jit3A_996, %eq3A_997 : i32
    %jit3A_999 = arith.constant 1 : i32
    %select_n3A_1000 = arith.select %eq3A_998, %jit3A_999, %jit3A_996 : i32
    %rem3A_1001 = arith.remsi %select_n3A_995, %select_n3A_1000 : i32
    %ne3A_1002 = arith.constant 0 : i32
    %ne3A_1003 = arith.cmpi ne, %rem3A_1001, %ne3A_1002 : i32
    %lt3A_1004 = arith.constant 0 : i32
    %lt3A_1005 = arith.cmpi slt, %rem3A_1001, %lt3A_1004 : i32
    %lt3A_1006 = arith.constant 0 : i32
    %lt3A_1007 = arith.cmpi slt, %select_n3A_1000, %lt3A_1006 : i32
    %ne3A_1008 = arith.xori %lt3A_1005, %lt3A_1007 : i1
    %and3A_1009 = arith.andi %ne3A_1008, %ne3A_1003 : i1
    %add3A_1010 = arith.addi %rem3A_1001, %select_n3A_1000 : i32
    %select_n3A_1011 = arith.select %and3A_1009, %add3A_1010, %rem3A_1001 : i32
    %dma_wait3A_1012 = arith.constant 1 : i32
    %dma_wait3A_1013 = arith.constant 8 : i32
    %dma_wait3A_1014 = arith.constant 0 : i32
    %dma_wait3A_1015 = tpu.memref_slice %arg9[%dma_wait3A_1013, %dma_wait3A_1014] : memref<64x128xf32, #tpu.memory_space<vmem>> -> memref<8x128xf32, #tpu.memory_space<vmem>>
    %dma_wait3A_1016 = arith.constant 0 : i32
    %dma_wait3A_1017 = arith.constant 0 : i32
    %dma_wait3A_1018 = tpu.memref_slice %arg4[%add3A_971, %dma_wait3A_1012, %select_n3A_1011, %dma_wait3A_1016, %dma_wait3A_1017] : memref<200x8x32x8x128xf32, #tpu.memory_space<hbm>> -> memref<1x1x1x8x128xf32, #tpu.memory_space<hbm>>
    %dma_wait3A_1019 = tpu.memref_squeeze %dma_wait3A_1018 : memref<1x1x1x8x128xf32, #tpu.memory_space<hbm>> -> memref<8x128xf32, #tpu.memory_space<hbm>>
    %dma_wait3A_1020 = arith.constant 0 : i32
    %dma_wait3A_1021 = arith.constant 0 : i32
    %dma_wait3A_1022 = tpu.memref_slice %arg4[%add3A_971, %dma_wait3A_1012, %select_n3A_1011, %dma_wait3A_1020, %dma_wait3A_1021] : memref<200x8x32x8x128xf32, #tpu.memory_space<hbm>> -> memref<1x1x1x8x128xf32, #tpu.memory_space<hbm>>
    %dma_wait3A_1023 = tpu.memref_squeeze %dma_wait3A_1022 : memref<1x1x1x8x128xf32, #tpu.memory_space<hbm>> -> memref<8x128xf32, #tpu.memory_space<hbm>>
    %dma_wait3A_1024 = arith.constant 8 : i32
    %dma_wait3A_1025 = arith.constant 0 : i32
    %dma_wait3A_1026 = tpu.memref_slice %arg9[%dma_wait3A_1024, %dma_wait3A_1025] : memref<64x128xf32, #tpu.memory_space<vmem>> -> memref<8x128xf32, #tpu.memory_space<vmem>>
    tpu.wait_dma2 semaphore(%arg13 : memref<!tpu.dma_semaphore, #tpu.memory_space<semaphore_mem>>) src(%dma_wait3A_1026 : memref<8x128xf32, #tpu.memory_space<vmem>>) dst(%dma_wait3A_1023 : memref<8x128xf32, #tpu.memory_space<hbm>>)
    %add3A_1027 = arith.constant 199 : i32
    %add3A_1028 = arith.addi %mul3A_2, %add3A_1027 : i32
    %jit3A_1029 = arith.constant 256 : i32
    %div3A_1030 = arith.divsi %add3A_1028, %jit3A_1029 : i32
    %sign3A_1031 = arith.constant 0 : i32
    %sign3A_1032 = arith.cmpi sgt, %add3A_1028, %sign3A_1031 : i32
    %sign3A_1033 = arith.extui %sign3A_1032 : i1 to i32
    %sign3A_1034 = arith.constant 0 : i32
    %sign3A_1035 = arith.cmpi slt, %add3A_1028, %sign3A_1034 : i32
    %sign3A_1036 = arith.extui %sign3A_1035 : i1 to i32
    %sign3A_1037 = arith.subi %sign3A_1033, %sign3A_1036 : i32
    %sign3A_1038 = arith.constant 0 : i32
    %sign3A_1039 = arith.cmpi sgt, %jit3A_1029, %sign3A_1038 : i32
    %sign3A_1040 = arith.extui %sign3A_1039 : i1 to i32
    %sign3A_1041 = arith.constant 0 : i32
    %sign3A_1042 = arith.cmpi slt, %jit3A_1029, %sign3A_1041 : i32
    %sign3A_1043 = arith.extui %sign3A_1042 : i1 to i32
    %sign3A_1044 = arith.subi %sign3A_1040, %sign3A_1043 : i32
    %ne3A_1045 = arith.cmpi ne, %sign3A_1037, %sign3A_1044 : i32
    %rem3A_1046 = arith.remsi %add3A_1028, %jit3A_1029 : i32
    %ne3A_1047 = arith.constant 0 : i32
    %ne3A_1048 = arith.cmpi ne, %rem3A_1046, %ne3A_1047 : i32
    %and3A_1049 = arith.andi %ne3A_1045, %ne3A_1048 : i1
    %sub3A_1050 = arith.constant 1 : i32
    %sub3A_1051 = arith.subi %div3A_1030, %sub3A_1050 : i32
    %select_n3A_1052 = arith.select %and3A_1049, %sub3A_1051, %div3A_1030 : i32
    %mul3A_1053 = arith.constant 8 : i32
    %mul3A_1054 = arith.muli %select_n3A_1052, %mul3A_1053 : i32
    %jit3A_1055 = arith.constant 8 : i32
    %eq3A_1056 = arith.constant 0 : i32
    %eq3A_1057 = arith.cmpi eq, %jit3A_1055, %eq3A_1056 : i32
    %jit3A_1058 = arith.constant 1 : i32
    %select_n3A_1059 = arith.select %eq3A_1057, %jit3A_1058, %jit3A_1055 : i32
    %rem3A_1060 = arith.remsi %add3A_1028, %select_n3A_1059 : i32
    %ne3A_1061 = arith.constant 0 : i32
    %ne3A_1062 = arith.cmpi ne, %rem3A_1060, %ne3A_1061 : i32
    %lt3A_1063 = arith.constant 0 : i32
    %lt3A_1064 = arith.cmpi slt, %rem3A_1060, %lt3A_1063 : i32
    %lt3A_1065 = arith.constant 0 : i32
    %lt3A_1066 = arith.cmpi slt, %select_n3A_1059, %lt3A_1065 : i32
    %ne3A_1067 = arith.xori %lt3A_1064, %lt3A_1066 : i1
    %and3A_1068 = arith.andi %ne3A_1067, %ne3A_1062 : i1
    %add3A_1069 = arith.addi %rem3A_1060, %select_n3A_1059 : i32
    %select_n3A_1070 = arith.select %and3A_1068, %add3A_1069, %rem3A_1060 : i32
    %add3A_1071 = arith.addi %mul3A_1054, %select_n3A_1070 : i32
    %jit3A_1072 = arith.constant 8 : i32
    %div3A_1073 = arith.divsi %add3A_1028, %jit3A_1072 : i32
    %sign3A_1074 = arith.constant 0 : i32
    %sign3A_1075 = arith.cmpi sgt, %add3A_1028, %sign3A_1074 : i32
    %sign3A_1076 = arith.extui %sign3A_1075 : i1 to i32
    %sign3A_1077 = arith.constant 0 : i32
    %sign3A_1078 = arith.cmpi slt, %add3A_1028, %sign3A_1077 : i32
    %sign3A_1079 = arith.extui %sign3A_1078 : i1 to i32
    %sign3A_1080 = arith.subi %sign3A_1076, %sign3A_1079 : i32
    %sign3A_1081 = arith.constant 0 : i32
    %sign3A_1082 = arith.cmpi sgt, %jit3A_1072, %sign3A_1081 : i32
    %sign3A_1083 = arith.extui %sign3A_1082 : i1 to i32
    %sign3A_1084 = arith.constant 0 : i32
    %sign3A_1085 = arith.cmpi slt, %jit3A_1072, %sign3A_1084 : i32
    %sign3A_1086 = arith.extui %sign3A_1085 : i1 to i32
    %sign3A_1087 = arith.subi %sign3A_1083, %sign3A_1086 : i32
    %ne3A_1088 = arith.cmpi ne, %sign3A_1080, %sign3A_1087 : i32
    %rem3A_1089 = arith.remsi %add3A_1028, %jit3A_1072 : i32
    %ne3A_1090 = arith.constant 0 : i32
    %ne3A_1091 = arith.cmpi ne, %rem3A_1089, %ne3A_1090 : i32
    %and3A_1092 = arith.andi %ne3A_1088, %ne3A_1091 : i1
    %sub3A_1093 = arith.constant 1 : i32
    %sub3A_1094 = arith.subi %div3A_1073, %sub3A_1093 : i32
    %select_n3A_1095 = arith.select %and3A_1092, %sub3A_1094, %div3A_1073 : i32
    %jit3A_1096 = arith.constant 32 : i32
    %eq3A_1097 = arith.constant 0 : i32
    %eq3A_1098 = arith.cmpi eq, %jit3A_1096, %eq3A_1097 : i32
    %jit3A_1099 = arith.constant 1 : i32
    %select_n3A_1100 = arith.select %eq3A_1098, %jit3A_1099, %jit3A_1096 : i32
    %rem3A_1101 = arith.remsi %select_n3A_1095, %select_n3A_1100 : i32
    %ne3A_1102 = arith.constant 0 : i32
    %ne3A_1103 = arith.cmpi ne, %rem3A_1101, %ne3A_1102 : i32
    %lt3A_1104 = arith.constant 0 : i32
    %lt3A_1105 = arith.cmpi slt, %rem3A_1101, %lt3A_1104 : i32
    %lt3A_1106 = arith.constant 0 : i32
    %lt3A_1107 = arith.cmpi slt, %select_n3A_1100, %lt3A_1106 : i32
    %ne3A_1108 = arith.xori %lt3A_1105, %lt3A_1107 : i1
    %and3A_1109 = arith.andi %ne3A_1108, %ne3A_1103 : i1
    %add3A_1110 = arith.addi %rem3A_1101, %select_n3A_1100 : i32
    %select_n3A_1111 = arith.select %and3A_1109, %add3A_1110, %rem3A_1101 : i32
    %dma_wait3A_1112 = arith.constant 2 : i32
    %dma_wait3A_1113 = arith.constant 16 : i32
    %dma_wait3A_1114 = arith.constant 0 : i32
    %dma_wait3A_1115 = tpu.memref_slice %arg9[%dma_wait3A_1113, %dma_wait3A_1114] : memref<64x128xf32, #tpu.memory_space<vmem>> -> memref<8x128xf32, #tpu.memory_space<vmem>>
    %dma_wait3A_1116 = arith.constant 0 : i32
    %dma_wait3A_1117 = arith.constant 0 : i32
    %dma_wait3A_1118 = tpu.memref_slice %arg4[%add3A_1071, %dma_wait3A_1112, %select_n3A_1111, %dma_wait3A_1116, %dma_wait3A_1117] : memref<200x8x32x8x128xf32, #tpu.memory_space<hbm>> -> memref<1x1x1x8x128xf32, #tpu.memory_space<hbm>>
    %dma_wait3A_1119 = tpu.memref_squeeze %dma_wait3A_1118 : memref<1x1x1x8x128xf32, #tpu.memory_space<hbm>> -> memref<8x128xf32, #tpu.memory_space<hbm>>
    %dma_wait3A_1120 = arith.constant 0 : i32
    %dma_wait3A_1121 = arith.constant 0 : i32
    %dma_wait3A_1122 = tpu.memref_slice %arg4[%add3A_1071, %dma_wait3A_1112, %select_n3A_1111, %dma_wait3A_1120, %dma_wait3A_1121] : memref<200x8x32x8x128xf32, #tpu.memory_space<hbm>> -> memref<1x1x1x8x128xf32, #tpu.memory_space<hbm>>
    %dma_wait3A_1123 = tpu.memref_squeeze %dma_wait3A_1122 : memref<1x1x1x8x128xf32, #tpu.memory_space<hbm>> -> memref<8x128xf32, #tpu.memory_space<hbm>>
    %dma_wait3A_1124 = arith.constant 16 : i32
    %dma_wait3A_1125 = arith.constant 0 : i32
    %dma_wait3A_1126 = tpu.memref_slice %arg9[%dma_wait3A_1124, %dma_wait3A_1125] : memref<64x128xf32, #tpu.memory_space<vmem>> -> memref<8x128xf32, #tpu.memory_space<vmem>>
    tpu.wait_dma2 semaphore(%arg13 : memref<!tpu.dma_semaphore, #tpu.memory_space<semaphore_mem>>) src(%dma_wait3A_1126 : memref<8x128xf32, #tpu.memory_space<vmem>>) dst(%dma_wait3A_1123 : memref<8x128xf32, #tpu.memory_space<hbm>>)
    %add3A_1127 = arith.constant 199 : i32
    %add3A_1128 = arith.addi %mul3A_2, %add3A_1127 : i32
    %jit3A_1129 = arith.constant 256 : i32
    %div3A_1130 = arith.divsi %add3A_1128, %jit3A_1129 : i32
    %sign3A_1131 = arith.constant 0 : i32
    %sign3A_1132 = arith.cmpi sgt, %add3A_1128, %sign3A_1131 : i32
    %sign3A_1133 = arith.extui %sign3A_1132 : i1 to i32
    %sign3A_1134 = arith.constant 0 : i32
    %sign3A_1135 = arith.cmpi slt, %add3A_1128, %sign3A_1134 : i32
    %sign3A_1136 = arith.extui %sign3A_1135 : i1 to i32
    %sign3A_1137 = arith.subi %sign3A_1133, %sign3A_1136 : i32
    %sign3A_1138 = arith.constant 0 : i32
    %sign3A_1139 = arith.cmpi sgt, %jit3A_1129, %sign3A_1138 : i32
    %sign3A_1140 = arith.extui %sign3A_1139 : i1 to i32
    %sign3A_1141 = arith.constant 0 : i32
    %sign3A_1142 = arith.cmpi slt, %jit3A_1129, %sign3A_1141 : i32
    %sign3A_1143 = arith.extui %sign3A_1142 : i1 to i32
    %sign3A_1144 = arith.subi %sign3A_1140, %sign3A_1143 : i32
    %ne3A_1145 = arith.cmpi ne, %sign3A_1137, %sign3A_1144 : i32
    %rem3A_1146 = arith.remsi %add3A_1128, %jit3A_1129 : i32
    %ne3A_1147 = arith.constant 0 : i32
    %ne3A_1148 = arith.cmpi ne, %rem3A_1146, %ne3A_1147 : i32
    %and3A_1149 = arith.andi %ne3A_1145, %ne3A_1148 : i1
    %sub3A_1150 = arith.constant 1 : i32
    %sub3A_1151 = arith.subi %div3A_1130, %sub3A_1150 : i32
    %select_n3A_1152 = arith.select %and3A_1149, %sub3A_1151, %div3A_1130 : i32
    %mul3A_1153 = arith.constant 8 : i32
    %mul3A_1154 = arith.muli %select_n3A_1152, %mul3A_1153 : i32
    %jit3A_1155 = arith.constant 8 : i32
    %eq3A_1156 = arith.constant 0 : i32
    %eq3A_1157 = arith.cmpi eq, %jit3A_1155, %eq3A_1156 : i32
    %jit3A_1158 = arith.constant 1 : i32
    %select_n3A_1159 = arith.select %eq3A_1157, %jit3A_1158, %jit3A_1155 : i32
    %rem3A_1160 = arith.remsi %add3A_1128, %select_n3A_1159 : i32
    %ne3A_1161 = arith.constant 0 : i32
    %ne3A_1162 = arith.cmpi ne, %rem3A_1160, %ne3A_1161 : i32
    %lt3A_1163 = arith.constant 0 : i32
    %lt3A_1164 = arith.cmpi slt, %rem3A_1160, %lt3A_1163 : i32
    %lt3A_1165 = arith.constant 0 : i32
    %lt3A_1166 = arith.cmpi slt, %select_n3A_1159, %lt3A_1165 : i32
    %ne3A_1167 = arith.xori %lt3A_1164, %lt3A_1166 : i1
    %and3A_1168 = arith.andi %ne3A_1167, %ne3A_1162 : i1
    %add3A_1169 = arith.addi %rem3A_1160, %select_n3A_1159 : i32
    %select_n3A_1170 = arith.select %and3A_1168, %add3A_1169, %rem3A_1160 : i32
    %add3A_1171 = arith.addi %mul3A_1154, %select_n3A_1170 : i32
    %jit3A_1172 = arith.constant 8 : i32
    %div3A_1173 = arith.divsi %add3A_1128, %jit3A_1172 : i32
    %sign3A_1174 = arith.constant 0 : i32
    %sign3A_1175 = arith.cmpi sgt, %add3A_1128, %sign3A_1174 : i32
    %sign3A_1176 = arith.extui %sign3A_1175 : i1 to i32
    %sign3A_1177 = arith.constant 0 : i32
    %sign3A_1178 = arith.cmpi slt, %add3A_1128, %sign3A_1177 : i32
    %sign3A_1179 = arith.extui %sign3A_1178 : i1 to i32
    %sign3A_1180 = arith.subi %sign3A_1176, %sign3A_1179 : i32
    %sign3A_1181 = arith.constant 0 : i32
    %sign3A_1182 = arith.cmpi sgt, %jit3A_1172, %sign3A_1181 : i32
    %sign3A_1183 = arith.extui %sign3A_1182 : i1 to i32
    %sign3A_1184 = arith.constant 0 : i32
    %sign3A_1185 = arith.cmpi slt, %jit3A_1172, %sign3A_1184 : i32
    %sign3A_1186 = arith.extui %sign3A_1185 : i1 to i32
    %sign3A_1187 = arith.subi %sign3A_1183, %sign3A_1186 : i32
    %ne3A_1188 = arith.cmpi ne, %sign3A_1180, %sign3A_1187 : i32
    %rem3A_1189 = arith.remsi %add3A_1128, %jit3A_1172 : i32
    %ne3A_1190 = arith.constant 0 : i32
    %ne3A_1191 = arith.cmpi ne, %rem3A_1189, %ne3A_1190 : i32
    %and3A_1192 = arith.andi %ne3A_1188, %ne3A_1191 : i1
    %sub3A_1193 = arith.constant 1 : i32
    %sub3A_1194 = arith.subi %div3A_1173, %sub3A_1193 : i32
    %select_n3A_1195 = arith.select %and3A_1192, %sub3A_1194, %div3A_1173 : i32
    %jit3A_1196 = arith.constant 32 : i32
    %eq3A_1197 = arith.constant 0 : i32
    %eq3A_1198 = arith.cmpi eq, %jit3A_1196, %eq3A_1197 : i32
    %jit3A_1199 = arith.constant 1 : i32
    %select_n3A_1200 = arith.select %eq3A_1198, %jit3A_1199, %jit3A_1196 : i32
    %rem3A_1201 = arith.remsi %select_n3A_1195, %select_n3A_1200 : i32
    %ne3A_1202 = arith.constant 0 : i32
    %ne3A_1203 = arith.cmpi ne, %rem3A_1201, %ne3A_1202 : i32
    %lt3A_1204 = arith.constant 0 : i32
    %lt3A_1205 = arith.cmpi slt, %rem3A_1201, %lt3A_1204 : i32
    %lt3A_1206 = arith.constant 0 : i32
    %lt3A_1207 = arith.cmpi slt, %select_n3A_1200, %lt3A_1206 : i32
    %ne3A_1208 = arith.xori %lt3A_1205, %lt3A_1207 : i1
    %and3A_1209 = arith.andi %ne3A_1208, %ne3A_1203 : i1
    %add3A_1210 = arith.addi %rem3A_1201, %select_n3A_1200 : i32
    %select_n3A_1211 = arith.select %and3A_1209, %add3A_1210, %rem3A_1201 : i32
    %dma_wait3A_1212 = arith.constant 3 : i32
    %dma_wait3A_1213 = arith.constant 24 : i32
    %dma_wait3A_1214 = arith.constant 0 : i32
    %dma_wait3A_1215 = tpu.memref_slice %arg9[%dma_wait3A_1213, %dma_wait3A_1214] : memref<64x128xf32, #tpu.memory_space<vmem>> -> memref<8x128xf32, #tpu.memory_space<vmem>>
    %dma_wait3A_1216 = arith.constant 0 : i32
    %dma_wait3A_1217 = arith.constant 0 : i32
    %dma_wait3A_1218 = tpu.memref_slice %arg4[%add3A_1171, %dma_wait3A_1212, %select_n3A_1211, %dma_wait3A_1216, %dma_wait3A_1217] : memref<200x8x32x8x128xf32, #tpu.memory_space<hbm>> -> memref<1x1x1x8x128xf32, #tpu.memory_space<hbm>>
    %dma_wait3A_1219 = tpu.memref_squeeze %dma_wait3A_1218 : memref<1x1x1x8x128xf32, #tpu.memory_space<hbm>> -> memref<8x128xf32, #tpu.memory_space<hbm>>
    %dma_wait3A_1220 = arith.constant 0 : i32
    %dma_wait3A_1221 = arith.constant 0 : i32
    %dma_wait3A_1222 = tpu.memref_slice %arg4[%add3A_1171, %dma_wait3A_1212, %select_n3A_1211, %dma_wait3A_1220, %dma_wait3A_1221] : memref<200x8x32x8x128xf32, #tpu.memory_space<hbm>> -> memref<1x1x1x8x128xf32, #tpu.memory_space<hbm>>
    %dma_wait3A_1223 = tpu.memref_squeeze %dma_wait3A_1222 : memref<1x1x1x8x128xf32, #tpu.memory_space<hbm>> -> memref<8x128xf32, #tpu.memory_space<hbm>>
    %dma_wait3A_1224 = arith.constant 24 : i32
    %dma_wait3A_1225 = arith.constant 0 : i32
    %dma_wait3A_1226 = tpu.memref_slice %arg9[%dma_wait3A_1224, %dma_wait3A_1225] : memref<64x128xf32, #tpu.memory_space<vmem>> -> memref<8x128xf32, #tpu.memory_space<vmem>>
    tpu.wait_dma2 semaphore(%arg13 : memref<!tpu.dma_semaphore, #tpu.memory_space<semaphore_mem>>) src(%dma_wait3A_1226 : memref<8x128xf32, #tpu.memory_space<vmem>>) dst(%dma_wait3A_1223 : memref<8x128xf32, #tpu.memory_space<hbm>>)
    %add3A_1227 = arith.constant 199 : i32
    %add3A_1228 = arith.addi %mul3A_2, %add3A_1227 : i32
    %jit3A_1229 = arith.constant 256 : i32
    %div3A_1230 = arith.divsi %add3A_1228, %jit3A_1229 : i32
    %sign3A_1231 = arith.constant 0 : i32
    %sign3A_1232 = arith.cmpi sgt, %add3A_1228, %sign3A_1231 : i32
    %sign3A_1233 = arith.extui %sign3A_1232 : i1 to i32
    %sign3A_1234 = arith.constant 0 : i32
    %sign3A_1235 = arith.cmpi slt, %add3A_1228, %sign3A_1234 : i32
    %sign3A_1236 = arith.extui %sign3A_1235 : i1 to i32
    %sign3A_1237 = arith.subi %sign3A_1233, %sign3A_1236 : i32
    %sign3A_1238 = arith.constant 0 : i32
    %sign3A_1239 = arith.cmpi sgt, %jit3A_1229, %sign3A_1238 : i32
    %sign3A_1240 = arith.extui %sign3A_1239 : i1 to i32
    %sign3A_1241 = arith.constant 0 : i32
    %sign3A_1242 = arith.cmpi slt, %jit3A_1229, %sign3A_1241 : i32
    %sign3A_1243 = arith.extui %sign3A_1242 : i1 to i32
    %sign3A_1244 = arith.subi %sign3A_1240, %sign3A_1243 : i32
    %ne3A_1245 = arith.cmpi ne, %sign3A_1237, %sign3A_1244 : i32
    %rem3A_1246 = arith.remsi %add3A_1228, %jit3A_1229 : i32
    %ne3A_1247 = arith.constant 0 : i32
    %ne3A_1248 = arith.cmpi ne, %rem3A_1246, %ne3A_1247 : i32
    %and3A_1249 = arith.andi %ne3A_1245, %ne3A_1248 : i1
    %sub3A_1250 = arith.constant 1 : i32
    %sub3A_1251 = arith.subi %div3A_1230, %sub3A_1250 : i32
    %select_n3A_1252 = arith.select %and3A_1249, %sub3A_1251, %div3A_1230 : i32
    %mul3A_1253 = arith.constant 8 : i32
    %mul3A_1254 = arith.muli %select_n3A_1252, %mul3A_1253 : i32
    %jit3A_1255 = arith.constant 8 : i32
    %eq3A_1256 = arith.constant 0 : i32
    %eq3A_1257 = arith.cmpi eq, %jit3A_1255, %eq3A_1256 : i32
    %jit3A_1258 = arith.constant 1 : i32
    %select_n3A_1259 = arith.select %eq3A_1257, %jit3A_1258, %jit3A_1255 : i32
    %rem3A_1260 = arith.remsi %add3A_1228, %select_n3A_1259 : i32
    %ne3A_1261 = arith.constant 0 : i32
    %ne3A_1262 = arith.cmpi ne, %rem3A_1260, %ne3A_1261 : i32
    %lt3A_1263 = arith.constant 0 : i32
    %lt3A_1264 = arith.cmpi slt, %rem3A_1260, %lt3A_1263 : i32
    %lt3A_1265 = arith.constant 0 : i32
    %lt3A_1266 = arith.cmpi slt, %select_n3A_1259, %lt3A_1265 : i32
    %ne3A_1267 = arith.xori %lt3A_1264, %lt3A_1266 : i1
    %and3A_1268 = arith.andi %ne3A_1267, %ne3A_1262 : i1
    %add3A_1269 = arith.addi %rem3A_1260, %select_n3A_1259 : i32
    %select_n3A_1270 = arith.select %and3A_1268, %add3A_1269, %rem3A_1260 : i32
    %add3A_1271 = arith.addi %mul3A_1254, %select_n3A_1270 : i32
    %jit3A_1272 = arith.constant 8 : i32
    %div3A_1273 = arith.divsi %add3A_1228, %jit3A_1272 : i32
    %sign3A_1274 = arith.constant 0 : i32
    %sign3A_1275 = arith.cmpi sgt, %add3A_1228, %sign3A_1274 : i32
    %sign3A_1276 = arith.extui %sign3A_1275 : i1 to i32
    %sign3A_1277 = arith.constant 0 : i32
    %sign3A_1278 = arith.cmpi slt, %add3A_1228, %sign3A_1277 : i32
    %sign3A_1279 = arith.extui %sign3A_1278 : i1 to i32
    %sign3A_1280 = arith.subi %sign3A_1276, %sign3A_1279 : i32
    %sign3A_1281 = arith.constant 0 : i32
    %sign3A_1282 = arith.cmpi sgt, %jit3A_1272, %sign3A_1281 : i32
    %sign3A_1283 = arith.extui %sign3A_1282 : i1 to i32
    %sign3A_1284 = arith.constant 0 : i32
    %sign3A_1285 = arith.cmpi slt, %jit3A_1272, %sign3A_1284 : i32
    %sign3A_1286 = arith.extui %sign3A_1285 : i1 to i32
    %sign3A_1287 = arith.subi %sign3A_1283, %sign3A_1286 : i32
    %ne3A_1288 = arith.cmpi ne, %sign3A_1280, %sign3A_1287 : i32
    %rem3A_1289 = arith.remsi %add3A_1228, %jit3A_1272 : i32
    %ne3A_1290 = arith.constant 0 : i32
    %ne3A_1291 = arith.cmpi ne, %rem3A_1289, %ne3A_1290 : i32
    %and3A_1292 = arith.andi %ne3A_1288, %ne3A_1291 : i1
    %sub3A_1293 = arith.constant 1 : i32
    %sub3A_1294 = arith.subi %div3A_1273, %sub3A_1293 : i32
    %select_n3A_1295 = arith.select %and3A_1292, %sub3A_1294, %div3A_1273 : i32
    %jit3A_1296 = arith.constant 32 : i32
    %eq3A_1297 = arith.constant 0 : i32
    %eq3A_1298 = arith.cmpi eq, %jit3A_1296, %eq3A_1297 : i32
    %jit3A_1299 = arith.constant 1 : i32
    %select_n3A_1300 = arith.select %eq3A_1298, %jit3A_1299, %jit3A_1296 : i32
    %rem3A_1301 = arith.remsi %select_n3A_1295, %select_n3A_1300 : i32
    %ne3A_1302 = arith.constant 0 : i32
    %ne3A_1303 = arith.cmpi ne, %rem3A_1301, %ne3A_1302 : i32
    %lt3A_1304 = arith.constant 0 : i32
    %lt3A_1305 = arith.cmpi slt, %rem3A_1301, %lt3A_1304 : i32
    %lt3A_1306 = arith.constant 0 : i32
    %lt3A_1307 = arith.cmpi slt, %select_n3A_1300, %lt3A_1306 : i32
    %ne3A_1308 = arith.xori %lt3A_1305, %lt3A_1307 : i1
    %and3A_1309 = arith.andi %ne3A_1308, %ne3A_1303 : i1
    %add3A_1310 = arith.addi %rem3A_1301, %select_n3A_1300 : i32
    %select_n3A_1311 = arith.select %and3A_1309, %add3A_1310, %rem3A_1301 : i32
    %dma_wait3A_1312 = arith.constant 4 : i32
    %dma_wait3A_1313 = arith.constant 32 : i32
    %dma_wait3A_1314 = arith.constant 0 : i32
    %dma_wait3A_1315 = tpu.memref_slice %arg9[%dma_wait3A_1313, %dma_wait3A_1314] : memref<64x128xf32, #tpu.memory_space<vmem>> -> memref<8x128xf32, #tpu.memory_space<vmem>>
    %dma_wait3A_1316 = arith.constant 0 : i32
    %dma_wait3A_1317 = arith.constant 0 : i32
    %dma_wait3A_1318 = tpu.memref_slice %arg4[%add3A_1271, %dma_wait3A_1312, %select_n3A_1311, %dma_wait3A_1316, %dma_wait3A_1317] : memref<200x8x32x8x128xf32, #tpu.memory_space<hbm>> -> memref<1x1x1x8x128xf32, #tpu.memory_space<hbm>>
    %dma_wait3A_1319 = tpu.memref_squeeze %dma_wait3A_1318 : memref<1x1x1x8x128xf32, #tpu.memory_space<hbm>> -> memref<8x128xf32, #tpu.memory_space<hbm>>
    %dma_wait3A_1320 = arith.constant 0 : i32
    %dma_wait3A_1321 = arith.constant 0 : i32
    %dma_wait3A_1322 = tpu.memref_slice %arg4[%add3A_1271, %dma_wait3A_1312, %select_n3A_1311, %dma_wait3A_1320, %dma_wait3A_1321] : memref<200x8x32x8x128xf32, #tpu.memory_space<hbm>> -> memref<1x1x1x8x128xf32, #tpu.memory_space<hbm>>
    %dma_wait3A_1323 = tpu.memref_squeeze %dma_wait3A_1322 : memref<1x1x1x8x128xf32, #tpu.memory_space<hbm>> -> memref<8x128xf32, #tpu.memory_space<hbm>>
    %dma_wait3A_1324 = arith.constant 32 : i32
    %dma_wait3A_1325 = arith.constant 0 : i32
    %dma_wait3A_1326 = tpu.memref_slice %arg9[%dma_wait3A_1324, %dma_wait3A_1325] : memref<64x128xf32, #tpu.memory_space<vmem>> -> memref<8x128xf32, #tpu.memory_space<vmem>>
    tpu.wait_dma2 semaphore(%arg13 : memref<!tpu.dma_semaphore, #tpu.memory_space<semaphore_mem>>) src(%dma_wait3A_1326 : memref<8x128xf32, #tpu.memory_space<vmem>>) dst(%dma_wait3A_1323 : memref<8x128xf32, #tpu.memory_space<hbm>>)
    %add3A_1327 = arith.constant 199 : i32
    %add3A_1328 = arith.addi %mul3A_2, %add3A_1327 : i32
    %jit3A_1329 = arith.constant 256 : i32
    %div3A_1330 = arith.divsi %add3A_1328, %jit3A_1329 : i32
    %sign3A_1331 = arith.constant 0 : i32
    %sign3A_1332 = arith.cmpi sgt, %add3A_1328, %sign3A_1331 : i32
    %sign3A_1333 = arith.extui %sign3A_1332 : i1 to i32
    %sign3A_1334 = arith.constant 0 : i32
    %sign3A_1335 = arith.cmpi slt, %add3A_1328, %sign3A_1334 : i32
    %sign3A_1336 = arith.extui %sign3A_1335 : i1 to i32
    %sign3A_1337 = arith.subi %sign3A_1333, %sign3A_1336 : i32
    %sign3A_1338 = arith.constant 0 : i32
    %sign3A_1339 = arith.cmpi sgt, %jit3A_1329, %sign3A_1338 : i32
    %sign3A_1340 = arith.extui %sign3A_1339 : i1 to i32
    %sign3A_1341 = arith.constant 0 : i32
    %sign3A_1342 = arith.cmpi slt, %jit3A_1329, %sign3A_1341 : i32
    %sign3A_1343 = arith.extui %sign3A_1342 : i1 to i32
    %sign3A_1344 = arith.subi %sign3A_1340, %sign3A_1343 : i32
    %ne3A_1345 = arith.cmpi ne, %sign3A_1337, %sign3A_1344 : i32
    %rem3A_1346 = arith.remsi %add3A_1328, %jit3A_1329 : i32
    %ne3A_1347 = arith.constant 0 : i32
    %ne3A_1348 = arith.cmpi ne, %rem3A_1346, %ne3A_1347 : i32
    %and3A_1349 = arith.andi %ne3A_1345, %ne3A_1348 : i1
    %sub3A_1350 = arith.constant 1 : i32
    %sub3A_1351 = arith.subi %div3A_1330, %sub3A_1350 : i32
    %select_n3A_1352 = arith.select %and3A_1349, %sub3A_1351, %div3A_1330 : i32
    %mul3A_1353 = arith.constant 8 : i32
    %mul3A_1354 = arith.muli %select_n3A_1352, %mul3A_1353 : i32
    %jit3A_1355 = arith.constant 8 : i32
    %eq3A_1356 = arith.constant 0 : i32
    %eq3A_1357 = arith.cmpi eq, %jit3A_1355, %eq3A_1356 : i32
    %jit3A_1358 = arith.constant 1 : i32
    %select_n3A_1359 = arith.select %eq3A_1357, %jit3A_1358, %jit3A_1355 : i32
    %rem3A_1360 = arith.remsi %add3A_1328, %select_n3A_1359 : i32
    %ne3A_1361 = arith.constant 0 : i32
    %ne3A_1362 = arith.cmpi ne, %rem3A_1360, %ne3A_1361 : i32
    %lt3A_1363 = arith.constant 0 : i32
    %lt3A_1364 = arith.cmpi slt, %rem3A_1360, %lt3A_1363 : i32
    %lt3A_1365 = arith.constant 0 : i32
    %lt3A_1366 = arith.cmpi slt, %select_n3A_1359, %lt3A_1365 : i32
    %ne3A_1367 = arith.xori %lt3A_1364, %lt3A_1366 : i1
    %and3A_1368 = arith.andi %ne3A_1367, %ne3A_1362 : i1
    %add3A_1369 = arith.addi %rem3A_1360, %select_n3A_1359 : i32
    %select_n3A_1370 = arith.select %and3A_1368, %add3A_1369, %rem3A_1360 : i32
    %add3A_1371 = arith.addi %mul3A_1354, %select_n3A_1370 : i32
    %jit3A_1372 = arith.constant 8 : i32
    %div3A_1373 = arith.divsi %add3A_1328, %jit3A_1372 : i32
    %sign3A_1374 = arith.constant 0 : i32
    %sign3A_1375 = arith.cmpi sgt, %add3A_1328, %sign3A_1374 : i32
    %sign3A_1376 = arith.extui %sign3A_1375 : i1 to i32
    %sign3A_1377 = arith.constant 0 : i32
    %sign3A_1378 = arith.cmpi slt, %add3A_1328, %sign3A_1377 : i32
    %sign3A_1379 = arith.extui %sign3A_1378 : i1 to i32
    %sign3A_1380 = arith.subi %sign3A_1376, %sign3A_1379 : i32
    %sign3A_1381 = arith.constant 0 : i32
    %sign3A_1382 = arith.cmpi sgt, %jit3A_1372, %sign3A_1381 : i32
    %sign3A_1383 = arith.extui %sign3A_1382 : i1 to i32
    %sign3A_1384 = arith.constant 0 : i32
    %sign3A_1385 = arith.cmpi slt, %jit3A_1372, %sign3A_1384 : i32
    %sign3A_1386 = arith.extui %sign3A_1385 : i1 to i32
    %sign3A_1387 = arith.subi %sign3A_1383, %sign3A_1386 : i32
    %ne3A_1388 = arith.cmpi ne, %sign3A_1380, %sign3A_1387 : i32
    %rem3A_1389 = arith.remsi %add3A_1328, %jit3A_1372 : i32
    %ne3A_1390 = arith.constant 0 : i32
    %ne3A_1391 = arith.cmpi ne, %rem3A_1389, %ne3A_1390 : i32
    %and3A_1392 = arith.andi %ne3A_1388, %ne3A_1391 : i1
    %sub3A_1393 = arith.constant 1 : i32
    %sub3A_1394 = arith.subi %div3A_1373, %sub3A_1393 : i32
    %select_n3A_1395 = arith.select %and3A_1392, %sub3A_1394, %div3A_1373 : i32
    %jit3A_1396 = arith.constant 32 : i32
    %eq3A_1397 = arith.constant 0 : i32
    %eq3A_1398 = arith.cmpi eq, %jit3A_1396, %eq3A_1397 : i32
    %jit3A_1399 = arith.constant 1 : i32
    %select_n3A_1400 = arith.select %eq3A_1398, %jit3A_1399, %jit3A_1396 : i32
    %rem3A_1401 = arith.remsi %select_n3A_1395, %select_n3A_1400 : i32
    %ne3A_1402 = arith.constant 0 : i32
    %ne3A_1403 = arith.cmpi ne, %rem3A_1401, %ne3A_1402 : i32
    %lt3A_1404 = arith.constant 0 : i32
    %lt3A_1405 = arith.cmpi slt, %rem3A_1401, %lt3A_1404 : i32
    %lt3A_1406 = arith.constant 0 : i32
    %lt3A_1407 = arith.cmpi slt, %select_n3A_1400, %lt3A_1406 : i32
    %ne3A_1408 = arith.xori %lt3A_1405, %lt3A_1407 : i1
    %and3A_1409 = arith.andi %ne3A_1408, %ne3A_1403 : i1
    %add3A_1410 = arith.addi %rem3A_1401, %select_n3A_1400 : i32
    %select_n3A_1411 = arith.select %and3A_1409, %add3A_1410, %rem3A_1401 : i32
    %dma_wait3A_1412 = arith.constant 5 : i32
    %dma_wait3A_1413 = arith.constant 40 : i32
    %dma_wait3A_1414 = arith.constant 0 : i32
    %dma_wait3A_1415 = tpu.memref_slice %arg9[%dma_wait3A_1413, %dma_wait3A_1414] : memref<64x128xf32, #tpu.memory_space<vmem>> -> memref<8x128xf32, #tpu.memory_space<vmem>>
    %dma_wait3A_1416 = arith.constant 0 : i32
    %dma_wait3A_1417 = arith.constant 0 : i32
    %dma_wait3A_1418 = tpu.memref_slice %arg4[%add3A_1371, %dma_wait3A_1412, %select_n3A_1411, %dma_wait3A_1416, %dma_wait3A_1417] : memref<200x8x32x8x128xf32, #tpu.memory_space<hbm>> -> memref<1x1x1x8x128xf32, #tpu.memory_space<hbm>>
    %dma_wait3A_1419 = tpu.memref_squeeze %dma_wait3A_1418 : memref<1x1x1x8x128xf32, #tpu.memory_space<hbm>> -> memref<8x128xf32, #tpu.memory_space<hbm>>
    %dma_wait3A_1420 = arith.constant 0 : i32
    %dma_wait3A_1421 = arith.constant 0 : i32
    %dma_wait3A_1422 = tpu.memref_slice %arg4[%add3A_1371, %dma_wait3A_1412, %select_n3A_1411, %dma_wait3A_1420, %dma_wait3A_1421] : memref<200x8x32x8x128xf32, #tpu.memory_space<hbm>> -> memref<1x1x1x8x128xf32, #tpu.memory_space<hbm>>
    %dma_wait3A_1423 = tpu.memref_squeeze %dma_wait3A_1422 : memref<1x1x1x8x128xf32, #tpu.memory_space<hbm>> -> memref<8x128xf32, #tpu.memory_space<hbm>>
    %dma_wait3A_1424 = arith.constant 40 : i32
    %dma_wait3A_1425 = arith.constant 0 : i32
    %dma_wait3A_1426 = tpu.memref_slice %arg9[%dma_wait3A_1424, %dma_wait3A_1425] : memref<64x128xf32, #tpu.memory_space<vmem>> -> memref<8x128xf32, #tpu.memory_space<vmem>>
    tpu.wait_dma2 semaphore(%arg13 : memref<!tpu.dma_semaphore, #tpu.memory_space<semaphore_mem>>) src(%dma_wait3A_1426 : memref<8x128xf32, #tpu.memory_space<vmem>>) dst(%dma_wait3A_1423 : memref<8x128xf32, #tpu.memory_space<hbm>>)
    %add3A_1427 = arith.constant 199 : i32
    %add3A_1428 = arith.addi %mul3A_2, %add3A_1427 : i32
    %jit3A_1429 = arith.constant 256 : i32
    %div3A_1430 = arith.divsi %add3A_1428, %jit3A_1429 : i32
    %sign3A_1431 = arith.constant 0 : i32
    %sign3A_1432 = arith.cmpi sgt, %add3A_1428, %sign3A_1431 : i32
    %sign3A_1433 = arith.extui %sign3A_1432 : i1 to i32
    %sign3A_1434 = arith.constant 0 : i32
    %sign3A_1435 = arith.cmpi slt, %add3A_1428, %sign3A_1434 : i32
    %sign3A_1436 = arith.extui %sign3A_1435 : i1 to i32
    %sign3A_1437 = arith.subi %sign3A_1433, %sign3A_1436 : i32
    %sign3A_1438 = arith.constant 0 : i32
    %sign3A_1439 = arith.cmpi sgt, %jit3A_1429, %sign3A_1438 : i32
    %sign3A_1440 = arith.extui %sign3A_1439 : i1 to i32
    %sign3A_1441 = arith.constant 0 : i32
    %sign3A_1442 = arith.cmpi slt, %jit3A_1429, %sign3A_1441 : i32
    %sign3A_1443 = arith.extui %sign3A_1442 : i1 to i32
    %sign3A_1444 = arith.subi %sign3A_1440, %sign3A_1443 : i32
    %ne3A_1445 = arith.cmpi ne, %sign3A_1437, %sign3A_1444 : i32
    %rem3A_1446 = arith.remsi %add3A_1428, %jit3A_1429 : i32
    %ne3A_1447 = arith.constant 0 : i32
    %ne3A_1448 = arith.cmpi ne, %rem3A_1446, %ne3A_1447 : i32
    %and3A_1449 = arith.andi %ne3A_1445, %ne3A_1448 : i1
    %sub3A_1450 = arith.constant 1 : i32
    %sub3A_1451 = arith.subi %div3A_1430, %sub3A_1450 : i32
    %select_n3A_1452 = arith.select %and3A_1449, %sub3A_1451, %div3A_1430 : i32
    %mul3A_1453 = arith.constant 8 : i32
    %mul3A_1454 = arith.muli %select_n3A_1452, %mul3A_1453 : i32
    %jit3A_1455 = arith.constant 8 : i32
    %eq3A_1456 = arith.constant 0 : i32
    %eq3A_1457 = arith.cmpi eq, %jit3A_1455, %eq3A_1456 : i32
    %jit3A_1458 = arith.constant 1 : i32
    %select_n3A_1459 = arith.select %eq3A_1457, %jit3A_1458, %jit3A_1455 : i32
    %rem3A_1460 = arith.remsi %add3A_1428, %select_n3A_1459 : i32
    %ne3A_1461 = arith.constant 0 : i32
    %ne3A_1462 = arith.cmpi ne, %rem3A_1460, %ne3A_1461 : i32
    %lt3A_1463 = arith.constant 0 : i32
    %lt3A_1464 = arith.cmpi slt, %rem3A_1460, %lt3A_1463 : i32
    %lt3A_1465 = arith.constant 0 : i32
    %lt3A_1466 = arith.cmpi slt, %select_n3A_1459, %lt3A_1465 : i32
    %ne3A_1467 = arith.xori %lt3A_1464, %lt3A_1466 : i1
    %and3A_1468 = arith.andi %ne3A_1467, %ne3A_1462 : i1
    %add3A_1469 = arith.addi %rem3A_1460, %select_n3A_1459 : i32
    %select_n3A_1470 = arith.select %and3A_1468, %add3A_1469, %rem3A_1460 : i32
    %add3A_1471 = arith.addi %mul3A_1454, %select_n3A_1470 : i32
    %jit3A_1472 = arith.constant 8 : i32
    %div3A_1473 = arith.divsi %add3A_1428, %jit3A_1472 : i32
    %sign3A_1474 = arith.constant 0 : i32
    %sign3A_1475 = arith.cmpi sgt, %add3A_1428, %sign3A_1474 : i32
    %sign3A_1476 = arith.extui %sign3A_1475 : i1 to i32
    %sign3A_1477 = arith.constant 0 : i32
    %sign3A_1478 = arith.cmpi slt, %add3A_1428, %sign3A_1477 : i32
    %sign3A_1479 = arith.extui %sign3A_1478 : i1 to i32
    %sign3A_1480 = arith.subi %sign3A_1476, %sign3A_1479 : i32
    %sign3A_1481 = arith.constant 0 : i32
    %sign3A_1482 = arith.cmpi sgt, %jit3A_1472, %sign3A_1481 : i32
    %sign3A_1483 = arith.extui %sign3A_1482 : i1 to i32
    %sign3A_1484 = arith.constant 0 : i32
    %sign3A_1485 = arith.cmpi slt, %jit3A_1472, %sign3A_1484 : i32
    %sign3A_1486 = arith.extui %sign3A_1485 : i1 to i32
    %sign3A_1487 = arith.subi %sign3A_1483, %sign3A_1486 : i32
    %ne3A_1488 = arith.cmpi ne, %sign3A_1480, %sign3A_1487 : i32
    %rem3A_1489 = arith.remsi %add3A_1428, %jit3A_1472 : i32
    %ne3A_1490 = arith.constant 0 : i32
    %ne3A_1491 = arith.cmpi ne, %rem3A_1489, %ne3A_1490 : i32
    %and3A_1492 = arith.andi %ne3A_1488, %ne3A_1491 : i1
    %sub3A_1493 = arith.constant 1 : i32
    %sub3A_1494 = arith.subi %div3A_1473, %sub3A_1493 : i32
    %select_n3A_1495 = arith.select %and3A_1492, %sub3A_1494, %div3A_1473 : i32
    %jit3A_1496 = arith.constant 32 : i32
    %eq3A_1497 = arith.constant 0 : i32
    %eq3A_1498 = arith.cmpi eq, %jit3A_1496, %eq3A_1497 : i32
    %jit3A_1499 = arith.constant 1 : i32
    %select_n3A_1500 = arith.select %eq3A_1498, %jit3A_1499, %jit3A_1496 : i32
    %rem3A_1501 = arith.remsi %select_n3A_1495, %select_n3A_1500 : i32
    %ne3A_1502 = arith.constant 0 : i32
    %ne3A_1503 = arith.cmpi ne, %rem3A_1501, %ne3A_1502 : i32
    %lt3A_1504 = arith.constant 0 : i32
    %lt3A_1505 = arith.cmpi slt, %rem3A_1501, %lt3A_1504 : i32
    %lt3A_1506 = arith.constant 0 : i32
    %lt3A_1507 = arith.cmpi slt, %select_n3A_1500, %lt3A_1506 : i32
    %ne3A_1508 = arith.xori %lt3A_1505, %lt3A_1507 : i1
    %and3A_1509 = arith.andi %ne3A_1508, %ne3A_1503 : i1
    %add3A_1510 = arith.addi %rem3A_1501, %select_n3A_1500 : i32
    %select_n3A_1511 = arith.select %and3A_1509, %add3A_1510, %rem3A_1501 : i32
    %dma_wait3A_1512 = arith.constant 6 : i32
    %dma_wait3A_1513 = arith.constant 48 : i32
    %dma_wait3A_1514 = arith.constant 0 : i32
    %dma_wait3A_1515 = tpu.memref_slice %arg9[%dma_wait3A_1513, %dma_wait3A_1514] : memref<64x128xf32, #tpu.memory_space<vmem>> -> memref<8x128xf32, #tpu.memory_space<vmem>>
    %dma_wait3A_1516 = arith.constant 0 : i32
    %dma_wait3A_1517 = arith.constant 0 : i32
    %dma_wait3A_1518 = tpu.memref_slice %arg4[%add3A_1471, %dma_wait3A_1512, %select_n3A_1511, %dma_wait3A_1516, %dma_wait3A_1517] : memref<200x8x32x8x128xf32, #tpu.memory_space<hbm>> -> memref<1x1x1x8x128xf32, #tpu.memory_space<hbm>>
    %dma_wait3A_1519 = tpu.memref_squeeze %dma_wait3A_1518 : memref<1x1x1x8x128xf32, #tpu.memory_space<hbm>> -> memref<8x128xf32, #tpu.memory_space<hbm>>
    %dma_wait3A_1520 = arith.constant 0 : i32
    %dma_wait3A_1521 = arith.constant 0 : i32
    %dma_wait3A_1522 = tpu.memref_slice %arg4[%add3A_1471, %dma_wait3A_1512, %select_n3A_1511, %dma_wait3A_1520, %dma_wait3A_1521] : memref<200x8x32x8x128xf32, #tpu.memory_space<hbm>> -> memref<1x1x1x8x128xf32, #tpu.memory_space<hbm>>
    %dma_wait3A_1523 = tpu.memref_squeeze %dma_wait3A_1522 : memref<1x1x1x8x128xf32, #tpu.memory_space<hbm>> -> memref<8x128xf32, #tpu.memory_space<hbm>>
    %dma_wait3A_1524 = arith.constant 48 : i32
    %dma_wait3A_1525 = arith.constant 0 : i32
    %dma_wait3A_1526 = tpu.memref_slice %arg9[%dma_wait3A_1524, %dma_wait3A_1525] : memref<64x128xf32, #tpu.memory_space<vmem>> -> memref<8x128xf32, #tpu.memory_space<vmem>>
    tpu.wait_dma2 semaphore(%arg13 : memref<!tpu.dma_semaphore, #tpu.memory_space<semaphore_mem>>) src(%dma_wait3A_1526 : memref<8x128xf32, #tpu.memory_space<vmem>>) dst(%dma_wait3A_1523 : memref<8x128xf32, #tpu.memory_space<hbm>>)
    %add3A_1527 = arith.constant 199 : i32
    %add3A_1528 = arith.addi %mul3A_2, %add3A_1527 : i32
    %jit3A_1529 = arith.constant 256 : i32
    %div3A_1530 = arith.divsi %add3A_1528, %jit3A_1529 : i32
    %sign3A_1531 = arith.constant 0 : i32
    %sign3A_1532 = arith.cmpi sgt, %add3A_1528, %sign3A_1531 : i32
    %sign3A_1533 = arith.extui %sign3A_1532 : i1 to i32
    %sign3A_1534 = arith.constant 0 : i32
    %sign3A_1535 = arith.cmpi slt, %add3A_1528, %sign3A_1534 : i32
    %sign3A_1536 = arith.extui %sign3A_1535 : i1 to i32
    %sign3A_1537 = arith.subi %sign3A_1533, %sign3A_1536 : i32
    %sign3A_1538 = arith.constant 0 : i32
    %sign3A_1539 = arith.cmpi sgt, %jit3A_1529, %sign3A_1538 : i32
    %sign3A_1540 = arith.extui %sign3A_1539 : i1 to i32
    %sign3A_1541 = arith.constant 0 : i32
    %sign3A_1542 = arith.cmpi slt, %jit3A_1529, %sign3A_1541 : i32
    %sign3A_1543 = arith.extui %sign3A_1542 : i1 to i32
    %sign3A_1544 = arith.subi %sign3A_1540, %sign3A_1543 : i32
    %ne3A_1545 = arith.cmpi ne, %sign3A_1537, %sign3A_1544 : i32
    %rem3A_1546 = arith.remsi %add3A_1528, %jit3A_1529 : i32
    %ne3A_1547 = arith.constant 0 : i32
    %ne3A_1548 = arith.cmpi ne, %rem3A_1546, %ne3A_1547 : i32
    %and3A_1549 = arith.andi %ne3A_1545, %ne3A_1548 : i1
    %sub3A_1550 = arith.constant 1 : i32
    %sub3A_1551 = arith.subi %div3A_1530, %sub3A_1550 : i32
    %select_n3A_1552 = arith.select %and3A_1549, %sub3A_1551, %div3A_1530 : i32
    %mul3A_1553 = arith.constant 8 : i32
    %mul3A_1554 = arith.muli %select_n3A_1552, %mul3A_1553 : i32
    %jit3A_1555 = arith.constant 8 : i32
    %eq3A_1556 = arith.constant 0 : i32
    %eq3A_1557 = arith.cmpi eq, %jit3A_1555, %eq3A_1556 : i32
    %jit3A_1558 = arith.constant 1 : i32
    %select_n3A_1559 = arith.select %eq3A_1557, %jit3A_1558, %jit3A_1555 : i32
    %rem3A_1560 = arith.remsi %add3A_1528, %select_n3A_1559 : i32
    %ne3A_1561 = arith.constant 0 : i32
    %ne3A_1562 = arith.cmpi ne, %rem3A_1560, %ne3A_1561 : i32
    %lt3A_1563 = arith.constant 0 : i32
    %lt3A_1564 = arith.cmpi slt, %rem3A_1560, %lt3A_1563 : i32
    %lt3A_1565 = arith.constant 0 : i32
    %lt3A_1566 = arith.cmpi slt, %select_n3A_1559, %lt3A_1565 : i32
    %ne3A_1567 = arith.xori %lt3A_1564, %lt3A_1566 : i1
    %and3A_1568 = arith.andi %ne3A_1567, %ne3A_1562 : i1
    %add3A_1569 = arith.addi %rem3A_1560, %select_n3A_1559 : i32
    %select_n3A_1570 = arith.select %and3A_1568, %add3A_1569, %rem3A_1560 : i32
    %add3A_1571 = arith.addi %mul3A_1554, %select_n3A_1570 : i32
    %jit3A_1572 = arith.constant 8 : i32
    %div3A_1573 = arith.divsi %add3A_1528, %jit3A_1572 : i32
    %sign3A_1574 = arith.constant 0 : i32
    %sign3A_1575 = arith.cmpi sgt, %add3A_1528, %sign3A_1574 : i32
    %sign3A_1576 = arith.extui %sign3A_1575 : i1 to i32
    %sign3A_1577 = arith.constant 0 : i32
    %sign3A_1578 = arith.cmpi slt, %add3A_1528, %sign3A_1577 : i32
    %sign3A_1579 = arith.extui %sign3A_1578 : i1 to i32
    %sign3A_1580 = arith.subi %sign3A_1576, %sign3A_1579 : i32
    %sign3A_1581 = arith.constant 0 : i32
    %sign3A_1582 = arith.cmpi sgt, %jit3A_1572, %sign3A_1581 : i32
    %sign3A_1583 = arith.extui %sign3A_1582 : i1 to i32
    %sign3A_1584 = arith.constant 0 : i32
    %sign3A_1585 = arith.cmpi slt, %jit3A_1572, %sign3A_1584 : i32
    %sign3A_1586 = arith.extui %sign3A_1585 : i1 to i32
    %sign3A_1587 = arith.subi %sign3A_1583, %sign3A_1586 : i32
    %ne3A_1588 = arith.cmpi ne, %sign3A_1580, %sign3A_1587 : i32
    %rem3A_1589 = arith.remsi %add3A_1528, %jit3A_1572 : i32
    %ne3A_1590 = arith.constant 0 : i32
    %ne3A_1591 = arith.cmpi ne, %rem3A_1589, %ne3A_1590 : i32
    %and3A_1592 = arith.andi %ne3A_1588, %ne3A_1591 : i1
    %sub3A_1593 = arith.constant 1 : i32
    %sub3A_1594 = arith.subi %div3A_1573, %sub3A_1593 : i32
    %select_n3A_1595 = arith.select %and3A_1592, %sub3A_1594, %div3A_1573 : i32
    %jit3A_1596 = arith.constant 32 : i32
    %eq3A_1597 = arith.constant 0 : i32
    %eq3A_1598 = arith.cmpi eq, %jit3A_1596, %eq3A_1597 : i32
    %jit3A_1599 = arith.constant 1 : i32
    %select_n3A_1600 = arith.select %eq3A_1598, %jit3A_1599, %jit3A_1596 : i32
    %rem3A_1601 = arith.remsi %select_n3A_1595, %select_n3A_1600 : i32
    %ne3A_1602 = arith.constant 0 : i32
    %ne3A_1603 = arith.cmpi ne, %rem3A_1601, %ne3A_1602 : i32
    %lt3A_1604 = arith.constant 0 : i32
    %lt3A_1605 = arith.cmpi slt, %rem3A_1601, %lt3A_1604 : i32
    %lt3A_1606 = arith.constant 0 : i32
    %lt3A_1607 = arith.cmpi slt, %select_n3A_1600, %lt3A_1606 : i32
    %ne3A_1608 = arith.xori %lt3A_1605, %lt3A_1607 : i1
    %and3A_1609 = arith.andi %ne3A_1608, %ne3A_1603 : i1
    %add3A_1610 = arith.addi %rem3A_1601, %select_n3A_1600 : i32
    %select_n3A_1611 = arith.select %and3A_1609, %add3A_1610, %rem3A_1601 : i32
    %dma_wait3A_1612 = arith.constant 7 : i32
    %dma_wait3A_1613 = arith.constant 56 : i32
    %dma_wait3A_1614 = arith.constant 0 : i32
    %dma_wait3A_1615 = tpu.memref_slice %arg9[%dma_wait3A_1613, %dma_wait3A_1614] : memref<64x128xf32, #tpu.memory_space<vmem>> -> memref<8x128xf32, #tpu.memory_space<vmem>>
    %dma_wait3A_1616 = arith.constant 0 : i32
    %dma_wait3A_1617 = arith.constant 0 : i32
    %dma_wait3A_1618 = tpu.memref_slice %arg4[%add3A_1571, %dma_wait3A_1612, %select_n3A_1611, %dma_wait3A_1616, %dma_wait3A_1617] : memref<200x8x32x8x128xf32, #tpu.memory_space<hbm>> -> memref<1x1x1x8x128xf32, #tpu.memory_space<hbm>>
    %dma_wait3A_1619 = tpu.memref_squeeze %dma_wait3A_1618 : memref<1x1x1x8x128xf32, #tpu.memory_space<hbm>> -> memref<8x128xf32, #tpu.memory_space<hbm>>
    %dma_wait3A_1620 = arith.constant 0 : i32
    %dma_wait3A_1621 = arith.constant 0 : i32
    %dma_wait3A_1622 = tpu.memref_slice %arg4[%add3A_1571, %dma_wait3A_1612, %select_n3A_1611, %dma_wait3A_1620, %dma_wait3A_1621] : memref<200x8x32x8x128xf32, #tpu.memory_space<hbm>> -> memref<1x1x1x8x128xf32, #tpu.memory_space<hbm>>
    %dma_wait3A_1623 = tpu.memref_squeeze %dma_wait3A_1622 : memref<1x1x1x8x128xf32, #tpu.memory_space<hbm>> -> memref<8x128xf32, #tpu.memory_space<hbm>>
    %dma_wait3A_1624 = arith.constant 56 : i32
    %dma_wait3A_1625 = arith.constant 0 : i32
    %dma_wait3A_1626 = tpu.memref_slice %arg9[%dma_wait3A_1624, %dma_wait3A_1625] : memref<64x128xf32, #tpu.memory_space<vmem>> -> memref<8x128xf32, #tpu.memory_space<vmem>>
    tpu.wait_dma2 semaphore(%arg13 : memref<!tpu.dma_semaphore, #tpu.memory_space<semaphore_mem>>) src(%dma_wait3A_1626 : memref<8x128xf32, #tpu.memory_space<vmem>>) dst(%dma_wait3A_1623 : memref<8x128xf32, #tpu.memory_space<hbm>>)
    return
  }
}

</mosaic_0001>

<sc_bundles>
// kernel: kernel.3.cloned.1.call-start
scs
__scs_entry_jumppad:
0x0: {  	(pc) =	sbr.rel $0x88, $3  }
0x1: {  	(tag) =	ssettag $0x0;
	lr =	simm.s32 $0x1  }
0x2: {  	[smem:$0x3F9F] =	sst lr;
	_ =	strace $0xD0000000  }
0x3: {  	_ = 	snop  }
0x4: {  	_ = 	snop  }
0x5: {  	_ = 	snop  }
0x6: {  	_ = 	snop  }
0x7: {  	_ = 	snop  }
__scs_overlays_trampoline_lowered:
0x8: {  	[smem:$0x3FAE] =	sst s0  }
0x9: {  	[smem:$0x3FAF] =	sst s1  }
0xa: {  	[smem:$0x3FB0] =	sst s2  }
0xb: {  	[smem:$0x3FB1] =	sst s3  }
0xc: {  	[smem:$0x3FB2] =	sst s4  }
0xd: {  	[smem:$0x3FB3] =	sst s5  }
0xe: {  	[smem:$0x3FB4] =	sst s6  }
0xf: {  	[smem:$0x3FB5] =	sst s7  }
0x10: {  	[smem:$0x3FB6] =	sst s8  }
0x11: {  	[smem:$0x3FB7] =	sst s9;
	s0 =	simm.s32 @!p0 $0x0  }
0x12: {  	s1 =	sld [smem:$0x3F9D];
	s0 =	simm.s32 @p0 $0x1  }
0x13: {  	[smem:$0x3FB8] =	sst s0;
	s0 =	simm.s32 @!p1 $0x0  }
0x14: {  	s2 =	sld [smem:$0x3F9C];
	s0 =	simm.s32 @p1 $0x1  }
0x15: {  	[smem:$0x3FB9] =	sst s0;
	s0 =	simm.s32 @!p2 $0x0  }
0x16: {  	s3 =	sld [smem:$0x3FDB];
	s0 =	simm.s32 @p2 $0x1  }
0x17: {  	s4 =	simm.s32 $0x1BF5;
	[smem:$0x3FBB] =	sst s0  }
0x18: {  	s0 =	sld [smem:$0x3F9E];
	_ =	swait.ge [sflag:s4], $0x0  }
0x19: {  	s7 =	sld [smem:$0x3F9F]  }
0x1a: {  	s8 =	sadd.s32 $0xFFFFE003, lr  }
0x1b: {  	s9 =	sadd.s32 $0xFFFFFEF7, lr;
	s5 =	simm.s32 $0xFFFFFFFF;
	p2 =	slt.u32 s8, $0xFFFFF086  }
0x1c: {  	p1 =	slt.u32 s9, $0xF7A;
	s5 =	simm.s32 @!p2 $0x0  }
0x1d: {  	s5 =	simm.s32 @p1 $0x1;
	p0 =	seq.s32 s7, s2  }
0x1e: {  	s7 =	smul.u32 @!p0 $0xF7A, s2;
	p2 =	seq.s32 @!p0 s5, $0x0  }
0x1f: {  	s9 =	smul.u32 $0xF7A, s1;
	s8 =	simm.s32 @!p0 $0x1BF5;
	p2 =	por !p2, p0  }
0x20: {  	[sflag:s8] =	ssyncset.s32 @!p0 $0xFFFFF086;
	s6 =	sadd.s32 @!p0 s3, s7;
	s7 =	simm.s32 @!p0 $0x108  }
0x21: {  	s3 =	sadd.s32 s3, s9;
	s6 =	sadd.s32 @!p0 $0x88, s6;
	s7 =	simm.s32 @p2 $0x1082  }
0x22: {  	[simem:s7], [sflag:s8] =	dma.local @!p0 [hbm:s6], $0xF7A  }
0x23: {  	s9 =	sor.u32 $0xD0000000, s2;
	s6 =	simm.s32 $0x108;
	_ =	swait.ge @!p0 [sflag:s8], $0x0  }
0x24: {  	s3 =	sadd.s32 $0x88, s3;
	s6 =	simm.s32 @!p1 $0x1082;
	[sflag:s4] =	ssyncset.s32 $0xFFFFF086  }
0x25: {  	[simem:s6], [sflag:s4] =	dma.local [hbm:s3], $0xF7A  }
0x26: {  	[smem:$0x3F9F] =	sst s1;
	(tag) =	ssettag s2;
	_ =	strace s9  }
0x27: {  	s1 =	sld [smem:$0x3FAF]  }
0x28: {  	s2 =	sld [smem:$0x3FB0]  }
0x29: {  	s4 =	sld [smem:$0x3FB2]  }
0x2a: {  	p0 =	seq.s32 s5, $0x0;
	s5 =	sld [smem:$0x3FB3]  }
0x2b: {  	s6 =	sld [smem:$0x3FB4]  }
0x2c: {  	s7 =	sld [smem:$0x3FB5]  }
0x2d: {  	s3 =	simm.s32 $0x108;
	s8 =	sld [smem:$0x3FB6]  }
0x2e: {  	s3 =	simm.s32 @!p0 $0x1082;
	s9 =	sld [smem:$0x3FB7]  }
0x2f: {  	lr =	sadd.s32 s0, s3;
	s0 =	sld [smem:$0x3FAE]  }
0x30: {  	s3 =	sld [smem:$0x3FB1]  }
0x31: {  	[smem:$0x3FBA] =	sst s10  }
0x32: {  	s10 =	sld [smem:$0x3FB8];
	_ =	sdelay $0x3  }
0x33: {  	p0 =	seq.s32 s10, $0x1;
	s10 =	sld [smem:$0x3FBA];
	_ =	sdelay $0x3  }
0x34: {  	[smem:$0x3FBA] =	sst s10  }
0x35: {  	s10 =	sld [smem:$0x3FB9];
	_ =	sdelay $0x3  }
0x36: {  	p1 =	seq.s32 s10, $0x1;
	s10 =	sld [smem:$0x3FBA];
	_ =	sdelay $0x3  }
0x37: {  	[smem:$0x3FBA] =	sst s10  }
0x38: {  	s10 =	sld [smem:$0x3FBB]  }
0x39: {  	_ = 	snop;
	(pc) =	sbr.ind lr, $3  }
0x3a: {  	_ = 	snop  }
0x3b: {  	_ = 	snop  }
0x3c: {  	p2 =	seq.s32 s10, $0x1;
	s10 =	sld [smem:$0x3FBA]  }
0x3d: {  	_ =	shalt  }
0x3e: {  	_ =	shalt  }
0x3f: {  	_ =	shalt  }
0x40: {  	_ =	shalt  }
0x41: {  	_ =	shalt  }
0x42: {  	_ =	shalt  }
0x43: {  	_ =	shalt  }
0x44: {  	_ =	shalt  }
0x45: {  	_ =	shalt  }
0x46: {  	_ =	shalt  }
0x47: {  	_ =	shalt  }
0x48: {  	_ =	shalt  }
0x49: {  	_ =	shalt  }
0x4a: {  	_ =	shalt  }
0x4b: {  	_ =	shalt  }
0x4c: {  	_ =	shalt  }
0x4d: {  	_ =	shalt  }
0x4e: {  	_ =	shalt  }
0x4f: {  	_ =	shalt  }
0x50: {  	_ =	shalt  }
0x51: {  	_ =	shalt  }
0x52: {  	_ =	shalt  }
0x53: {  	_ =	shalt  }
0x54: {  	_ =	shalt  }
0x55: {  	_ =	shalt  }
0x56: {  	_ =	shalt  }
0x57: {  	_ =	shalt  }
0x58: {  	_ =	shalt  }
0x59: {  	_ =	shalt  }
0x5a: {  	_ =	shalt  }
0x5b: {  	_ =	shalt  }
0x5c: {  	_ =	shalt  }
0x5d: {  	_ =	shalt  }
0x5e: {  	_ =	shalt  }
0x5f: {  	_ =	shalt  }
0x60: {  	_ =	shalt  }
0x61: {  	_ =	shalt  }
0x62: {  	_ =	shalt  }
0x63: {  	_ =	shalt  }
0x64: {  	_ =	shalt  }
0x65: {  	_ =	shalt  }
0x66: {  	_ =	shalt  }
0x67: {  	_ =	shalt  }
0x68: {  	_ =	shalt  }
0x69: {  	_ =	shalt  }
0x6a: {  	_ =	shalt  }
0x6b: {  	_ =	shalt  }
0x6c: {  	_ =	shalt  }
0x6d: {  	_ =	shalt  }
0x6e: {  	_ =	shalt  }
0x6f: {  	_ =	shalt  }
0x70: {  	_ =	shalt  }
0x71: {  	_ =	shalt  }
0x72: {  	_ =	shalt  }
0x73: {  	_ =	shalt  }
0x74: {  	_ =	shalt  }
0x75: {  	_ =	shalt  }
0x76: {  	_ =	shalt  }
0x77: {  	_ =	shalt  }
0x78: {  	_ =	shalt  }
0x79: {  	_ =	shalt  }
0x7a: {  	_ =	shalt  }
0x7b: {  	_ =	shalt  }
0x7c: {  	_ =	shalt  }
0x7d: {  	_ =	shalt  }
0x7e: {  	_ =	shalt  }
0x7f: {  	_ =	shalt  }
0x80: {  	_ =	shalt  }
0x81: {  	_ =	shalt  }
0x82: {  	_ =	shalt  }
0x83: {  	_ =	shalt  }
0x84: {  	_ =	shalt  }
0x85: {  	_ =	shalt  }
0x86: {  	_ =	shalt  }
0x87: {  	_ =	shalt  }
.Lfunc_end0:
.L_simem_size_0:
called_computation_lowered:
.L_overlay_start_0:
0x88: {  	s2 =	sld [smem:$0x3FD9]  }
0x89: {  	s3 =	sld [smem:$0x3FFE];
	_ =	sdelay $0x1  }
0x8a: {  	s1 =	srdreg.scid  }
0x8b: {  	s0 =	sand.u32 $0x1, s1  }
0x8c: {  	s17 =	sshll.u32 s0, $0xA;
	s2 =	sadd.s32 s3, s2  }
0x8d: {  	s2 =	sadd.s32 s2, s17  }
0x8e: {  	[smem:$0x3FC6] =	sst s2  }
0x8f: {  	_ = 	snop  }
0x90: {  	s2 =	sld [smem:$0x3FC9]  }
0x91: {  	s18 =	sld [smem:$0x3FD0];
	(tm) =	ssettm $0x1  }
0x92: {  	s4 =	sld [smem:$0x3FFB];
	_ =	sdelay $0x3  }
0x93: {  	_ =	strace s4  }
0x94: {  	s4 =	sld [smem:$0x3FFC];
	_ =	sdelay $0x3  }
0x95: {  	_ =	strace s4  }
0x96: {  	s4 =	sld [smem:$0x3FFD];
	_ =	sdelay $0x3  }
0x97: {  	_ =	strace s4  }
0x98: {  	_ =	strace $0x8FFFFFFF  }
0x99: {  	s19 =	sld [smem:$0x3FDB];
	_ =	sdelay $0x1  }
0x9a: {  	s5 =	simm.s32 $_scs_section_size  }
0x9b: {  	s6 =	simm.s32 $_size__tile_overlayer_lowered;
	s7 =	simm.s32 $_tile_overlayer_lowered  }
0x9c: {  	s22 =	simm.s32 $0x1BFF;
	s21 =	sshll.u32 s7, $0x1;
	s4 =	sadd.s32 s5, s19  }
0x9d: {  	s8 =	simm.s32 $0x0;
	s20 =	sshll.u32 s6, $0x1;
	s6 =	sadd.s32 s21, s4  }
0x9e: {  	[timem:s8], [sflag:s22] =	dma.local [hbm:s6], s20  }
0x9f: {  	_ =	swait.ge [sflag:s22], s20  }
0xa0: {  	s5 =	ssub.s32 $0x0, s20;
	[sflag:s22] =	ssyncset.done $0x0  }
0xa1: {  	[sflag:s22] =	ssyncadd.s32 s5;
	_ =	sdelay $0x1  }
0xa2: {  	s23 =	simm.s32 $0x1B8B  }
0xa3: {  	_ =	swait.ge [sflag:s23], $0x1  }
0xa4: {  	[sflag:s23] =	ssyncset.done $0x0  }
0xa5: {  	s25 =	simm.s32 $0x1B8E;
	s24 =	sld [smem:$0x3FFE];
	[sflag:s23] =	ssyncadd.s32 $0xFFFFFFFF  }
0xa6: {  	s26 =	simm.s32 $execute0_lowered;
	[smem:$0x3FD2] =	sst s25  }
0xa7: {  	s6 =	sshll.u32 s26, $0x1;
	_ =	strace $0x80000046;
	[dreg:$0x1] =	wrdreg $0xFFFFFFFF  }
0xa8: {  	s28 =	simm.s32 $_size_execute0_lowered;
	s4 =	sadd.s32 s4, s6;
	[dreg:$0x0] =	wrdreg $0x0  }
0xa9: {  	s6 =	sshll.u32 s28, $0x1;
	[dreg:$0x2] =	wrdreg s4  }
0xaa: {  	[dreg:$0x3] =	wrdreg s6  }
0xab: {  	[dreg:$0x4] =	wrdreg $0xC0  }
0xac: {  	_ =	task [dreg:s8], $0x5FFFF  }
0xad: {  	[dreg:$0x1] =	wrdreg $0xFFFFFFFF  }
0xae: {  	[dreg:$0x0] =	wrdreg $0x60  }
0xaf: {  	[dreg:$0x2] =	wrdreg s2  }
0xb0: {  	[dreg:$0x3] =	wrdreg s24  }
0xb1: {  	[dreg:$0x4] =	wrdreg s18  }
0xb2: {  	[dreg:$0x5] =	wrdreg $0x9  }
0xb3: {  	_ =	task.clear_ibuf [dreg:s8], $0x6FFFF;
	_ =	strace $0x90000046  }
0xb4: {  	s29 =	simm.s32 $0x9;
	_ =	strace $0x80000048  }
0xb5: {  	_ =	swait.ge [sflag:s29], $0x1  }
0xb6: {  	[sflag:s29] =	ssyncadd.s32 $0xFFFFFFFF  }
0xb7: {  	_ =	strace $0x90000048  }
0xb8: {  	_ =	sfence  }
0xb9: {  	s30 =	sld [smem:$0x0];
	_ =	sdelay $0x2  }
0xba: {  	s31 =	sshll.u32 s1, $0xD;
	s1 =	sshrl.u32 s1, $0x2  }
0xbb: {  	s3 =	sand.u32 $0x4000, s31;
	s1 =	sadd.s32 s1, s30  }
0xbc: {  	s0 =	sor.u32 s3, s0;
	s1 =	sshll.u32 s1, $0x11  }
0xbd: {  	s0 =	sor.u32 s1, s0  }
0xbe: {  	s0 =	sadd.s32 $0x8F2B, s0  }
0xbf: {  	[sflag:s0] =	ssyncadd.remote.s32 $0x1  }
0xc0: {  	_ =	sfence.sel $0xFFFF  }
0xc1: {  	[dreg:$0x0] =	wrdreg $0xFFFFFFFF;
	(pc) =	sbr.abs _section_cstart, $3  }
0xc2: {  	[dreg:$0x1] =	wrdreg $0xFFFFFFFF  }
0xc3: {  	_ =	task.clear_ibuf [dreg:s8], $0x2FFFF;
	_ =	strace $0x9FFFFFFF  }
0xc4: {  	(tm) =	ssettm $0x7FFFFFFF  }
0xc5: {  	_ =	shalt  }
tec
execute0_lowered:
.L_overlay_start_1:
0x0: {  	(tag) =	ssettag $0x1  }
0x1: {  	s0 =	rddreg [dreg:$0x0]  }
0x2: {  	s1 =	rddreg [dreg:$0x1]  }
0x3: {  	s3 =	srdreg.scid;
	s5 =	stileid.u32  }
0x4: {  	s2 =	rddreg [dreg:$0x2];
	s16 =	simm.s32 $0x80;
	s17 =	simm.s32 $0x6400  }
0x5: {  	s18 =	simm.s32 $0x8400;
	s19 =	simm.s32 $0x1;
	s20 =	simm.s32 $0xA400  }
0x6: {  	s29 =	simm.s32 $0x2;
	s30 =	simm.s32 $0x4;
	s31 =	simm.s32 $0xC400  }
0x7: {  	s14 =	simm.s32 $0xD400;
	s15 =	simm.s32 $0xD800;
	s21 =	simm.s32 $0xDC00  }
0x8: {  	s22 =	simm.s32 $0xE000;
	s23 =	simm.s32 $0x0;
	s4 =	sand.u32 $0x1, s3  }
0x9: {  	s5 =	sshll.u32 s5, $0x1;
	s3 =	simm.s32 $0x0;
	s8 =	sadd.s32 $0x2000, s2  }
0xa: {  	v0 =	vlaneseq.u32;
	s9 =	sadd.s32 $0x3000, s2;
	s10 =	sadd.s32 $0x4000, s2;
	s11 =	sadd.s32 $0x5000, s2  }
0xb: {  	s12 =	sadd.s32 $0x6000, s2;
	s13 =	sadd.s32 $0x7000, s2;
	v1 =	vmul.u32 $0x40, v0;
	s5 =	sor.u32 s4, s5  }
0xc: {  	v3 =	vor.u32 $0x10, v0;
	v5 =	vor.u32 $0x20, v0;
	v7 =	vor.u32 $0x30, v0;
	[smem:$0x7FF] =	sst s3;
	s6 =	ssub.s32 $0x2, s4;
	s7 =	smul.u32 $0xC80, s5  }
0xd: {  	v9 =	vor.u32 $0x40, v0;
	v11 =	vor.u32 $0x50, v0;
	s4 =	sadd.s32 $0xF42800, s1;
	_ =	strace $0x80000047;
	s26 =	sshrl.u32 s6, $0x1  }
0xe: {  	v13 =	vor.u32 $0x60, v0;
	v15 =	vor.u32 $0x70, v0;
	s5 =	smul.u32 $0xC8, s5;
	v2 =	vor.u32 $0x400, v1;
	s1 =	ssub.s32 s6, s26;
	s0 =	sadd.s32 s0, s7  }
0xf: {  	v4 =	vor.u32 $0x800, v1;
	v6 =	vor.u32 $0xC00, v1;
	v8 =	vor.u32 $0x1000, v1;
	s6 =	simm.s32 $0xD000;
	s28 =	smax.u32 s1, $0x1;
	[dreg:$0x4] =	wrdreg s0  }
0x10: {  	v10 =	vor.u32 $0x1400, v1;
	v12 =	vor.u32 $0x1800, v1;
	v14 =	vor.u32 $0x1C00, v1;
	s7 =	sadd.s32 $0x1000, s2;
	[dreg:$0x5] =	wrdreg s28;
	s0 =	simm.s32 $0xCC00  }
.LBB2_1:
0x11: {  	[dreg:$0x6] =	wrdreg s23  }
0x12: {  	s1 =	rddreg [dreg:$0x4];
	s28 =	simm.s32 $0x5  }
0x13: {  	[tilespmem:s3], [sflag:$0x5] =	stream.linear.gather [hbm4b:s1+s3], $0x6400, $0x38;
	[tilespmem:$0xE400] =	vst v63  }
0x14: {  	_ =	swait.ge [sflag:s28], $0x6400  }
0x15: {  	[sflag:s28] =	ssyncset.done $0x0  }
0x16: {  	s23 =	simm.s32 $0x0;
	[sflag:s28] =	ssyncadd.s32 $0xFFFF9C00  }
0x17: {  	[tilespmem:s17], [sflag:$0x1] =	stream.indirect.gather [hbm4b:s4+s16], $0x40, s3, s16, $0xb8;
	[tilespmem:$0xE400] =	vst v63  }
.LBB2_2:
0x18: {  	s24 =	sshllo.u32 s23, $0x1  }
0x19: {  	s25 =	sshll.u32 s24, $0x7  }
0x1a: {  	s25 =	sand.u32 $0x3FFFFF80, s25  }
0x1b: {  	[tilespmem:s18], [sflag:$0x2] =	stream.indirect.gather [hbm4b:s4+s16], $0x40, s25, s16, $0xb8;
	[tilespmem:$0xE400] =	vst v63  }
0x1c: {  	_ =	swait.ge [sflag:s19], $0x2000  }
0x1d: {  	p0 =	seq.s32 s23, $0x0;
	[sflag:s19] =	ssyncset.done $0x0  }
0x1e: {  	s25 =	simm.s32 @!p0 $0x3;
	[sflag:s19] =	ssyncadd.s32 $0xFFFFE000  }
0x1f: {  	_ =	swait.ge @!p0 [sflag:s25], $0x400  }
0x20: {  	[sflag:s25] =	ssyncset.done @!p0 $0x0  }
0x21: {  	[sflag:s25] =	ssyncadd.s32 @!p0 $0xFFFFFC00  }
0x22: {  	_ =	swait.ge @!p0 [sflag:s25], $0x400  }
0x23: {  	[sflag:s25] =	ssyncset.done @!p0 $0x0  }
0x24: {  	[sflag:s25] =	ssyncadd.s32 @!p0 $0xFFFFFC00  }
0x25: {  	_ =	swait.ge @!p0 [sflag:s25], $0x400  }
0x26: {  	[sflag:s25] =	ssyncset.done @!p0 $0x0  }
0x27: {  	[sflag:s25] =	ssyncadd.s32 @!p0 $0xFFFFFC00  }
0x28: {  	_ =	swait.ge @!p0 [sflag:s25], $0x400  }
0x29: {  	[sflag:s25] =	ssyncset.done @!p0 $0x0  }
0x2a: {  	[sflag:s25] =	ssyncadd.s32 @!p0 $0xFFFFFC00  }
0x2b: {  	_ =	swait.ge @!p0 [sflag:s25], $0x400  }
0x2c: {  	[sflag:s25] =	ssyncset.done @!p0 $0x0  }
0x2d: {  	[sflag:s25] =	ssyncadd.s32 @!p0 $0xFFFFFC00  }
0x2e: {  	_ =	swait.ge @!p0 [sflag:s25], $0x400  }
0x2f: {  	s26 =	simm.s32 $0x0;
	[sflag:s25] =	ssyncset.done @!p0 $0x0  }
0x30: {  	v16 =	vadd.s32 s26, v0;
	[sflag:s25] =	ssyncadd.s32 @!p0 $0xFFFFFC00  }
0x31: {  	v17 =	vand.u32 $0x3F, v16;
	_ =	swait.ge @!p0 [sflag:s25], $0x400  }
0x32: {  	v18 =	vor.u32 v1, v17;
	[sflag:s25] =	ssyncset.done @!p0 $0x0  }
0x33: {  	[sflag:s25] =	ssyncadd.s32 @!p0 $0xFFFFFC00  }
0x34: {  	_ =	swait.ge @!p0 [sflag:s25], $0x400  }
0x35: {  	v16 =	vshll.u32 v16, $0x7;
	[sflag:s25] =	ssyncset.done @!p0 $0x0  }
0x36: {  	v16 =	vand.u32 $0x1F80, v16;
	[sflag:s25] =	ssyncadd.s32 @!p0 $0xFFFFFC00  }
0x37: {  	v19 =	vor.u32 v0, v16;
	v18 =	vld.idx.msk [tilespmem:v18+s17+$0x0], $0xffff  }
0x38: {  	v20 =	vor.u32 v2, v17;
	_ =	sdelay $0x3  }
0x39: {  	[tilespmem:v19+s20+$0x0] =	vst.idx.msk $0xffff, v18  }
0x3a: {  	v19 =	vor.u32 v3, v16;
	v18 =	vld.idx.msk [tilespmem:v20+s17+$0x0], $0xffff  }
0x3b: {  	v20 =	vor.u32 v4, v17;
	_ =	sdelay $0x3  }
0x3c: {  	[tilespmem:v19+s20+$0x0] =	vst.idx.msk $0xffff, v18  }
0x3d: {  	v19 =	vor.u32 v5, v16;
	v18 =	vld.idx.msk [tilespmem:v20+s17+$0x0], $0xffff  }
0x3e: {  	v20 =	vor.u32 v6, v17;
	_ =	sdelay $0x3  }
0x3f: {  	[tilespmem:v19+s20+$0x0] =	vst.idx.msk $0xffff, v18  }
0x40: {  	v19 =	vor.u32 v7, v16;
	v18 =	vld.idx.msk [tilespmem:v20+s17+$0x0], $0xffff  }
0x41: {  	v20 =	vor.u32 v8, v17;
	_ =	sdelay $0x3  }
0x42: {  	[tilespmem:v19+s20+$0x0] =	vst.idx.msk $0xffff, v18  }
0x43: {  	v19 =	vor.u32 v9, v16;
	v18 =	vld.idx.msk [tilespmem:v20+s17+$0x0], $0xffff  }
0x44: {  	v20 =	vor.u32 v10, v17;
	_ =	sdelay $0x3  }
0x45: {  	[tilespmem:v19+s20+$0x0] =	vst.idx.msk $0xffff, v18  }
0x46: {  	v19 =	vor.u32 v11, v16;
	v18 =	vld.idx.msk [tilespmem:v20+s17+$0x0], $0xffff  }
0x47: {  	v20 =	vor.u32 v12, v17;
	_ =	sdelay $0x3  }
0x48: {  	[tilespmem:v19+s20+$0x0] =	vst.idx.msk $0xffff, v18  }
0x49: {  	v19 =	vor.u32 v13, v16;
	v18 =	vld.idx.msk [tilespmem:v20+s17+$0x0], $0xffff  }
0x4a: {  	v17 =	vor.u32 v14, v17;
	_ =	sdelay $0x2  }
0x4b: {  	s26 =	simm.s32 $0x1  }
0x4c: {  	[tilespmem:v19+s20+$0x0] =	vst.idx.msk $0xffff, v18;
	v18 =	vadd.s32 s26, v0  }
0x4d: {  	v16 =	vor.u32 v15, v16;
	v17 =	vld.idx.msk [tilespmem:v17+s17+$0x0], $0xffff;
	v19 =	vand.u32 $0x3F, v18  }
0x4e: {  	v20 =	vor.u32 v1, v19;
	_ =	sdelay $0x2  }
0x4f: {  	v18 =	vshll.u32 v18, $0x7  }
0x50: {  	[tilespmem:v16+s20+$0x0] =	vst.idx.msk $0xffff, v17;
	v16 =	vand.u32 $0x1F80, v18  }
0x51: {  	v17 =	vld.idx.msk [tilespmem:v20+s17+$0x0], $0xffff;
	v18 =	vor.u32 v0, v16  }
0x52: {  	v20 =	vor.u32 v2, v19;
	_ =	sdelay $0x3  }
0x53: {  	[tilespmem:v18+s20+$0x0] =	vst.idx.msk $0xffff, v17  }
0x54: {  	v18 =	vor.u32 v3, v16;
	v17 =	vld.idx.msk [tilespmem:v20+s17+$0x0], $0xffff  }
0x55: {  	v20 =	vor.u32 v4, v19;
	_ =	sdelay $0x3  }
0x56: {  	[tilespmem:v18+s20+$0x0] =	vst.idx.msk $0xffff, v17  }
0x57: {  	v18 =	vor.u32 v5, v16;
	v17 =	vld.idx.msk [tilespmem:v20+s17+$0x0], $0xffff  }
0x58: {  	v20 =	vor.u32 v6, v19;
	_ =	sdelay $0x3  }
0x59: {  	[tilespmem:v18+s20+$0x0] =	vst.idx.msk $0xffff, v17  }
0x5a: {  	v18 =	vor.u32 v7, v16;
	v17 =	vld.idx.msk [tilespmem:v20+s17+$0x0], $0xffff  }
0x5b: {  	v20 =	vor.u32 v8, v19;
	_ =	sdelay $0x3  }
0x5c: {  	[tilespmem:v18+s20+$0x0] =	vst.idx.msk $0xffff, v17  }
0x5d: {  	v18 =	vor.u32 v9, v16;
	v17 =	vld.idx.msk [tilespmem:v20+s17+$0x0], $0xffff  }
0x5e: {  	v20 =	vor.u32 v10, v19;
	_ =	sdelay $0x3  }
0x5f: {  	[tilespmem:v18+s20+$0x0] =	vst.idx.msk $0xffff, v17  }
0x60: {  	v18 =	vor.u32 v11, v16;
	v17 =	vld.idx.msk [tilespmem:v20+s17+$0x0], $0xffff  }
0x61: {  	v20 =	vor.u32 v12, v19;
	_ =	sdelay $0x3  }
0x62: {  	[tilespmem:v18+s20+$0x0] =	vst.idx.msk $0xffff, v17  }
0x63: {  	v18 =	vor.u32 v13, v16;
	v17 =	vld.idx.msk [tilespmem:v20+s17+$0x0], $0xffff  }
0x64: {  	v19 =	vor.u32 v14, v19;
	_ =	sdelay $0x2  }
0x65: {  	s1 =	simm.s32 $0x2  }
0x66: {  	[tilespmem:v18+s20+$0x0] =	vst.idx.msk $0xffff, v17;
	v17 =	vadd.s32 s1, v0  }
0x67: {  	v16 =	vor.u32 v15, v16;
	v18 =	vld.idx.msk [tilespmem:v19+s17+$0x0], $0xffff;
	v19 =	vand.u32 $0x3F, v17  }
0x68: {  	v20 =	vor.u32 v1, v19;
	_ =	sdelay $0x2  }
0x69: {  	v17 =	vshll.u32 v17, $0x7  }
0x6a: {  	[tilespmem:v16+s20+$0x0] =	vst.idx.msk $0xffff, v18;
	v16 =	vand.u32 $0x1F80, v17  }
0x6b: {  	v17 =	vld.idx.msk [tilespmem:v20+s17+$0x0], $0xffff;
	v18 =	vor.u32 v0, v16  }
0x6c: {  	v20 =	vor.u32 v2, v19;
	_ =	sdelay $0x3  }
0x6d: {  	[tilespmem:v18+s20+$0x0] =	vst.idx.msk $0xffff, v17  }
0x6e: {  	v18 =	vor.u32 v3, v16;
	v17 =	vld.idx.msk [tilespmem:v20+s17+$0x0], $0xffff  }
0x6f: {  	v20 =	vor.u32 v4, v19;
	_ =	sdelay $0x3  }
0x70: {  	[tilespmem:v18+s20+$0x0] =	vst.idx.msk $0xffff, v17  }
0x71: {  	v18 =	vor.u32 v5, v16;
	v17 =	vld.idx.msk [tilespmem:v20+s17+$0x0], $0xffff  }
0x72: {  	v20 =	vor.u32 v6, v19;
	_ =	sdelay $0x3  }
0x73: {  	[tilespmem:v18+s20+$0x0] =	vst.idx.msk $0xffff, v17  }
0x74: {  	v18 =	vor.u32 v7, v16;
	v17 =	vld.idx.msk [tilespmem:v20+s17+$0x0], $0xffff  }
0x75: {  	v20 =	vor.u32 v8, v19;
	_ =	sdelay $0x3  }
0x76: {  	[tilespmem:v18+s20+$0x0] =	vst.idx.msk $0xffff, v17  }
0x77: {  	v18 =	vor.u32 v9, v16;
	v17 =	vld.idx.msk [tilespmem:v20+s17+$0x0], $0xffff  }
0x78: {  	v20 =	vor.u32 v10, v19;
	_ =	sdelay $0x3  }
0x79: {  	[tilespmem:v18+s20+$0x0] =	vst.idx.msk $0xffff, v17  }
0x7a: {  	v18 =	vor.u32 v11, v16;
	v17 =	vld.idx.msk [tilespmem:v20+s17+$0x0], $0xffff  }
0x7b: {  	v20 =	vor.u32 v12, v19;
	_ =	sdelay $0x3  }
0x7c: {  	[tilespmem:v18+s20+$0x0] =	vst.idx.msk $0xffff, v17  }
0x7d: {  	v18 =	vor.u32 v13, v16;
	v17 =	vld.idx.msk [tilespmem:v20+s17+$0x0], $0xffff  }
0x7e: {  	v19 =	vor.u32 v14, v19;
	_ =	sdelay $0x2  }
0x7f: {  	s26 =	simm.s32 $0x3  }
0x80: {  	[tilespmem:v18+s20+$0x0] =	vst.idx.msk $0xffff, v17;
	v17 =	vadd.s32 s26, v0  }
0x81: {  	v16 =	vor.u32 v15, v16;
	v18 =	vld.idx.msk [tilespmem:v19+s17+$0x0], $0xffff;
	v19 =	vand.u32 $0x3F, v17  }
0x82: {  	v20 =	vor.u32 v1, v19;
	_ =	sdelay $0x2  }
0x83: {  	v17 =	vshll.u32 v17, $0x7  }
0x84: {  	[tilespmem:v16+s20+$0x0] =	vst.idx.msk $0xffff, v18;
	v16 =	vand.u32 $0x1F80, v17  }
0x85: {  	v17 =	vld.idx.msk [tilespmem:v20+s17+$0x0], $0xffff;
	v18 =	vor.u32 v0, v16  }
0x86: {  	v20 =	vor.u32 v2, v19;
	_ =	sdelay $0x3  }
0x87: {  	[tilespmem:v18+s20+$0x0] =	vst.idx.msk $0xffff, v17  }
0x88: {  	v18 =	vor.u32 v3, v16;
	v17 =	vld.idx.msk [tilespmem:v20+s17+$0x0], $0xffff  }
0x89: {  	v20 =	vor.u32 v4, v19;
	_ =	sdelay $0x3  }
0x8a: {  	[tilespmem:v18+s20+$0x0] =	vst.idx.msk $0xffff, v17  }
0x8b: {  	v18 =	vor.u32 v5, v16;
	v17 =	vld.idx.msk [tilespmem:v20+s17+$0x0], $0xffff  }
0x8c: {  	v20 =	vor.u32 v6, v19;
	_ =	sdelay $0x3  }
0x8d: {  	[tilespmem:v18+s20+$0x0] =	vst.idx.msk $0xffff, v17  }
0x8e: {  	v18 =	vor.u32 v7, v16;
	v17 =	vld.idx.msk [tilespmem:v20+s17+$0x0], $0xffff  }
0x8f: {  	v20 =	vor.u32 v8, v19;
	_ =	sdelay $0x3  }
0x90: {  	[tilespmem:v18+s20+$0x0] =	vst.idx.msk $0xffff, v17  }
0x91: {  	v18 =	vor.u32 v9, v16;
	v17 =	vld.idx.msk [tilespmem:v20+s17+$0x0], $0xffff  }
0x92: {  	v20 =	vor.u32 v10, v19;
	_ =	sdelay $0x3  }
0x93: {  	[tilespmem:v18+s20+$0x0] =	vst.idx.msk $0xffff, v17  }
0x94: {  	v18 =	vor.u32 v11, v16;
	v17 =	vld.idx.msk [tilespmem:v20+s17+$0x0], $0xffff  }
0x95: {  	v20 =	vor.u32 v12, v19;
	_ =	sdelay $0x3  }
0x96: {  	[tilespmem:v18+s20+$0x0] =	vst.idx.msk $0xffff, v17  }
0x97: {  	v18 =	vor.u32 v13, v16;
	v17 =	vld.idx.msk [tilespmem:v20+s17+$0x0], $0xffff  }
0x98: {  	v19 =	vor.u32 v14, v19;
	_ =	sdelay $0x3  }
0x99: {  	s26 =	simm.s32 $0x4;
	[tilespmem:v18+s20+$0x0] =	vst.idx.msk $0xffff, v17  }
0x9a: {  	s28 =	simm.s32 $0x8;
	s25 =	sshll.u32 s23, $0x1;
	v17 =	vadd.s32 s26, v0;
	v18 =	vld.idx.msk [tilespmem:v19+s17+$0x0], $0xffff  }
.LBB2_3:
0x9b: {  	p1 =	sne.s32 s28, $0x3C;
	v19 =	vand.u32 $0x3F, v17;
	v16 =	vor.u32 v15, v16  }
0x9c: {  	v20 =	vor.u32 v1, v19;
	_ =	sdelay $0x3  }
0x9d: {  	v17 =	vshll.u32 v17, $0x7;
	[tilespmem:v16+s20+$0x0] =	vst.idx.msk $0xffff, v18  }
0x9e: {  	v17 =	vand.u32 $0x1F80, v17;
	v16 =	vld.idx.msk [tilespmem:v20+s17+$0x0], $0xffff  }
0x9f: {  	v18 =	vor.u32 v0, v17  }
0xa0: {  	v20 =	vor.u32 v2, v19;
	_ =	sdelay $0x3  }
0xa1: {  	[tilespmem:v18+s20+$0x0] =	vst.idx.msk $0xffff, v16  }
0xa2: {  	v16 =	vld.idx.msk [tilespmem:v20+s17+$0x0], $0xffff  }
0xa3: {  	v18 =	vor.u32 v3, v17  }
0xa4: {  	v20 =	vor.u32 v4, v19;
	_ =	sdelay $0x3  }
0xa5: {  	[tilespmem:v18+s20+$0x0] =	vst.idx.msk $0xffff, v16  }
0xa6: {  	v16 =	vld.idx.msk [tilespmem:v20+s17+$0x0], $0xffff  }
0xa7: {  	v18 =	vor.u32 v5, v17  }
0xa8: {  	v20 =	vor.u32 v6, v19;
	_ =	sdelay $0x3  }
0xa9: {  	[tilespmem:v18+s20+$0x0] =	vst.idx.msk $0xffff, v16  }
0xaa: {  	v16 =	vld.idx.msk [tilespmem:v20+s17+$0x0], $0xffff  }
0xab: {  	v18 =	vor.u32 v7, v17  }
0xac: {  	v20 =	vor.u32 v8, v19;
	_ =	sdelay $0x3  }
0xad: {  	[tilespmem:v18+s20+$0x0] =	vst.idx.msk $0xffff, v16  }
0xae: {  	v16 =	vld.idx.msk [tilespmem:v20+s17+$0x0], $0xffff  }
0xaf: {  	v18 =	vor.u32 v9, v17  }
0xb0: {  	v20 =	vor.u32 v10, v19;
	_ =	sdelay $0x3  }
0xb1: {  	[tilespmem:v18+s20+$0x0] =	vst.idx.msk $0xffff, v16  }
0xb2: {  	v16 =	vld.idx.msk [tilespmem:v20+s17+$0x0], $0xffff  }
0xb3: {  	v18 =	vor.u32 v11, v17  }
0xb4: {  	v20 =	vor.u32 v12, v19;
	_ =	sdelay $0x3  }
0xb5: {  	[tilespmem:v18+s20+$0x0] =	vst.idx.msk $0xffff, v16  }
0xb6: {  	v16 =	vld.idx.msk [tilespmem:v20+s17+$0x0], $0xffff  }
0xb7: {  	v18 =	vor.u32 v13, v17  }
0xb8: {  	v19 =	vor.u32 v14, v19;
	_ =	sdelay $0x3  }
0xb9: {  	s1 =	sadd.s32 $0x1, s26;
	[tilespmem:v18+s20+$0x0] =	vst.idx.msk $0xffff, v16  }
0xba: {  	v18 =	vadd.s32 s1, v0;
	v16 =	vld.idx.msk [tilespmem:v19+s17+$0x0], $0xffff  }
0xbb: {  	v17 =	vor.u32 v15, v17;
	v19 =	vand.u32 $0x3F, v18  }
0xbc: {  	v20 =	vor.u32 v1, v19;
	_ =	sdelay $0x3  }
0xbd: {  	[tilespmem:v17+s20+$0x0] =	vst.idx.msk $0xffff, v16;
	v16 =	vshll.u32 v18, $0x7  }
0xbe: {  	v17 =	vld.idx.msk [tilespmem:v20+s17+$0x0], $0xffff;
	v16 =	vand.u32 $0x1F80, v16  }
0xbf: {  	v18 =	vor.u32 v0, v16  }
0xc0: {  	v20 =	vor.u32 v2, v19;
	_ =	sdelay $0x3  }
0xc1: {  	[tilespmem:v18+s20+$0x0] =	vst.idx.msk $0xffff, v17  }
0xc2: {  	v17 =	vld.idx.msk [tilespmem:v20+s17+$0x0], $0xffff  }
0xc3: {  	v18 =	vor.u32 v3, v16  }
0xc4: {  	v20 =	vor.u32 v4, v19;
	_ =	sdelay $0x3  }
0xc5: {  	[tilespmem:v18+s20+$0x0] =	vst.idx.msk $0xffff, v17  }
0xc6: {  	v17 =	vld.idx.msk [tilespmem:v20+s17+$0x0], $0xffff  }
0xc7: {  	v18 =	vor.u32 v5, v16  }
0xc8: {  	v20 =	vor.u32 v6, v19;
	_ =	sdelay $0x3  }
0xc9: {  	[tilespmem:v18+s20+$0x0] =	vst.idx.msk $0xffff, v17  }
0xca: {  	v17 =	vld.idx.msk [tilespmem:v20+s17+$0x0], $0xffff  }
0xcb: {  	v18 =	vor.u32 v7, v16  }
0xcc: {  	v20 =	vor.u32 v8, v19;
	_ =	sdelay $0x3  }
0xcd: {  	[tilespmem:v18+s20+$0x0] =	vst.idx.msk $0xffff, v17  }
0xce: {  	v17 =	vld.idx.msk [tilespmem:v20+s17+$0x0], $0xffff  }
0xcf: {  	v18 =	vor.u32 v9, v16  }
0xd0: {  	v20 =	vor.u32 v10, v19;
	_ =	sdelay $0x3  }
0xd1: {  	[tilespmem:v18+s20+$0x0] =	vst.idx.msk $0xffff, v17  }
0xd2: {  	v17 =	vld.idx.msk [tilespmem:v20+s17+$0x0], $0xffff  }
0xd3: {  	v18 =	vor.u32 v11, v16  }
0xd4: {  	v20 =	vor.u32 v12, v19;
	_ =	sdelay $0x3  }
0xd5: {  	[tilespmem:v18+s20+$0x0] =	vst.idx.msk $0xffff, v17  }
0xd6: {  	v17 =	vld.idx.msk [tilespmem:v20+s17+$0x0], $0xffff  }
0xd7: {  	v18 =	vor.u32 v13, v16  }
0xd8: {  	v19 =	vor.u32 v14, v19;
	_ =	sdelay $0x3  }
0xd9: {  	s1 =	sadd.s32 $0x2, s26;
	[tilespmem:v18+s20+$0x0] =	vst.idx.msk $0xffff, v17  }
0xda: {  	v18 =	vadd.s32 s1, v0;
	v17 =	vld.idx.msk [tilespmem:v19+s17+$0x0], $0xffff  }
0xdb: {  	v16 =	vor.u32 v15, v16;
	v19 =	vand.u32 $0x3F, v18  }
0xdc: {  	v20 =	vor.u32 v1, v19;
	_ =	sdelay $0x3  }
0xdd: {  	[tilespmem:v16+s20+$0x0] =	vst.idx.msk $0xffff, v17;
	v16 =	vshll.u32 v18, $0x7  }
0xde: {  	v17 =	vld.idx.msk [tilespmem:v20+s17+$0x0], $0xffff;
	v16 =	vand.u32 $0x1F80, v16  }
0xdf: {  	v18 =	vor.u32 v0, v16  }
0xe0: {  	v20 =	vor.u32 v2, v19;
	_ =	sdelay $0x3  }
0xe1: {  	[tilespmem:v18+s20+$0x0] =	vst.idx.msk $0xffff, v17  }
0xe2: {  	v17 =	vld.idx.msk [tilespmem:v20+s17+$0x0], $0xffff  }
0xe3: {  	v18 =	vor.u32 v3, v16  }
0xe4: {  	v20 =	vor.u32 v4, v19;
	_ =	sdelay $0x3  }
0xe5: {  	[tilespmem:v18+s20+$0x0] =	vst.idx.msk $0xffff, v17  }
0xe6: {  	v17 =	vld.idx.msk [tilespmem:v20+s17+$0x0], $0xffff  }
0xe7: {  	v18 =	vor.u32 v5, v16  }
0xe8: {  	v20 =	vor.u32 v6, v19;
	_ =	sdelay $0x3  }
0xe9: {  	[tilespmem:v18+s20+$0x0] =	vst.idx.msk $0xffff, v17  }
0xea: {  	v17 =	vld.idx.msk [tilespmem:v20+s17+$0x0], $0xffff  }
0xeb: {  	v18 =	vor.u32 v7, v16  }
0xec: {  	v20 =	vor.u32 v8, v19;
	_ =	sdelay $0x3  }
0xed: {  	[tilespmem:v18+s20+$0x0] =	vst.idx.msk $0xffff, v17  }
0xee: {  	v17 =	vld.idx.msk [tilespmem:v20+s17+$0x0], $0xffff  }
0xef: {  	v18 =	vor.u32 v9, v16  }
0xf0: {  	v20 =	vor.u32 v10, v19;
	_ =	sdelay $0x3  }
0xf1: {  	[tilespmem:v18+s20+$0x0] =	vst.idx.msk $0xffff, v17  }
0xf2: {  	v17 =	vld.idx.msk [tilespmem:v20+s17+$0x0], $0xffff  }
0xf3: {  	v18 =	vor.u32 v11, v16  }
0xf4: {  	v20 =	vor.u32 v12, v19;
	_ =	sdelay $0x3  }
0xf5: {  	[tilespmem:v18+s20+$0x0] =	vst.idx.msk $0xffff, v17  }
0xf6: {  	v17 =	vld.idx.msk [tilespmem:v20+s17+$0x0], $0xffff  }
0xf7: {  	v18 =	vor.u32 v13, v16  }
0xf8: {  	v19 =	vor.u32 v14, v19;
	_ =	sdelay $0x3  }
0xf9: {  	s1 =	sadd.s32 $0x3, s26;
	s26 =	smov.u32 s28;
	[tilespmem:v18+s20+$0x0] =	vst.idx.msk $0xffff, v17  }
0xfa: {  	v18 =	vadd.s32 s1, v0;
	v17 =	vld.idx.msk [tilespmem:v19+s17+$0x0], $0xffff  }
0xfb: {  	v16 =	vor.u32 v15, v16;
	v19 =	vand.u32 $0x3F, v18  }
0xfc: {  	v20 =	vor.u32 v1, v19;
	_ =	sdelay $0x3  }
0xfd: {  	[tilespmem:v16+s20+$0x0] =	vst.idx.msk $0xffff, v17;
	v16 =	vshll.u32 v18, $0x7  }
0xfe: {  	v17 =	vld.idx.msk [tilespmem:v20+s17+$0x0], $0xffff;
	v16 =	vand.u32 $0x1F80, v16  }
0xff: {  	v18 =	vor.u32 v0, v16  }
0x100: {  	v20 =	vor.u32 v2, v19;
	_ =	sdelay $0x3  }
0x101: {  	[tilespmem:v18+s20+$0x0] =	vst.idx.msk $0xffff, v17  }
0x102: {  	v17 =	vld.idx.msk [tilespmem:v20+s17+$0x0], $0xffff  }
0x103: {  	v18 =	vor.u32 v3, v16  }
0x104: {  	v20 =	vor.u32 v4, v19;
	_ =	sdelay $0x3  }
0x105: {  	[tilespmem:v18+s20+$0x0] =	vst.idx.msk $0xffff, v17  }
0x106: {  	v17 =	vld.idx.msk [tilespmem:v20+s17+$0x0], $0xffff  }
0x107: {  	v18 =	vor.u32 v5, v16  }
0x108: {  	v20 =	vor.u32 v6, v19;
	_ =	sdelay $0x3  }
0x109: {  	[tilespmem:v18+s20+$0x0] =	vst.idx.msk $0xffff, v17  }
0x10a: {  	v17 =	vld.idx.msk [tilespmem:v20+s17+$0x0], $0xffff  }
0x10b: {  	v18 =	vor.u32 v7, v16  }
0x10c: {  	v20 =	vor.u32 v8, v19;
	_ =	sdelay $0x3  }
0x10d: {  	[tilespmem:v18+s20+$0x0] =	vst.idx.msk $0xffff, v17  }
0x10e: {  	v17 =	vld.idx.msk [tilespmem:v20+s17+$0x0], $0xffff  }
0x10f: {  	v18 =	vor.u32 v9, v16  }
0x110: {  	v20 =	vor.u32 v10, v19;
	_ =	sdelay $0x3  }
0x111: {  	[tilespmem:v18+s20+$0x0] =	vst.idx.msk $0xffff, v17  }
0x112: {  	v17 =	vld.idx.msk [tilespmem:v20+s17+$0x0], $0xffff  }
0x113: {  	v18 =	vor.u32 v11, v16  }
0x114: {  	v20 =	vor.u32 v12, v19;
	_ =	sdelay $0x3  }
0x115: {  	[tilespmem:v18+s20+$0x0] =	vst.idx.msk $0xffff, v17  }
0x116: {  	v17 =	vld.idx.msk [tilespmem:v20+s17+$0x0], $0xffff  }
0x117: {  	v18 =	vor.u32 v13, v16  }
0x118: {  	v19 =	vor.u32 v14, v19  }
.Ltmp0:
0x119: {  	(pc) =	sbr.rel @p1 .LBB2_3-.Ltmp0, $3  }
0x11a: {  	_ =	sdelay $0x1  }
0x11b: {  	[tilespmem:v18+s20+$0x0] =	vst.idx.msk $0xffff, v17  }
0x11c: {  	s28 =	sadd.s32 $0x4, s28;
	v17 =	vadd.s32 s26, v0;
	v18 =	vld.idx.msk [tilespmem:v19+s17+$0x0], $0xffff  }
0x11d: {  	v19 =	vand.u32 $0x3F, v17;
	v16 =	vor.u32 v15, v16  }
0x11e: {  	v20 =	vor.u32 v1, v19;
	_ =	sdelay $0x2  }
0x11f: {  	v17 =	vshll.u32 v17, $0x7  }
0x120: {  	[tilespmem:v16+s20+$0x0] =	vst.idx.msk $0xffff, v18;
	v16 =	vand.u32 $0x1F80, v17  }
0x121: {  	v17 =	vld.idx.msk [tilespmem:v20+s17+$0x0], $0xffff;
	v46 =	vor.u32 v0, v16  }
0x122: {  	v47 =	vor.u32 v2, v19;
	_ =	sdelay $0x3  }
0x123: {  	[tilespmem:v46+s20+$0x0] =	vst.idx.msk $0xffff, v17  }
0x124: {  	v48 =	vor.u32 v3, v16;
	v17 =	vld.idx.msk [tilespmem:v47+s17+$0x0], $0xffff  }
0x125: {  	v49 =	vor.u32 v4, v19;
	_ =	sdelay $0x3  }
0x126: {  	[tilespmem:v48+s20+$0x0] =	vst.idx.msk $0xffff, v17  }
0x127: {  	v50 =	vor.u32 v5, v16;
	v17 =	vld.idx.msk [tilespmem:v49+s17+$0x0], $0xffff  }
0x128: {  	v51 =	vor.u32 v6, v19;
	_ =	sdelay $0x3  }
0x129: {  	[tilespmem:v50+s20+$0x0] =	vst.idx.msk $0xffff, v17  }
0x12a: {  	v52 =	vor.u32 v7, v16;
	v17 =	vld.idx.msk [tilespmem:v51+s17+$0x0], $0xffff  }
0x12b: {  	v53 =	vor.u32 v8, v19;
	_ =	sdelay $0x3  }
0x12c: {  	[tilespmem:v52+s20+$0x0] =	vst.idx.msk $0xffff, v17  }
0x12d: {  	v54 =	vor.u32 v9, v16;
	v17 =	vld.idx.msk [tilespmem:v53+s17+$0x0], $0xffff  }
0x12e: {  	v55 =	vor.u32 v10, v19;
	_ =	sdelay $0x3  }
0x12f: {  	[tilespmem:v54+s20+$0x0] =	vst.idx.msk $0xffff, v17  }
0x130: {  	v56 =	vor.u32 v11, v16;
	v17 =	vld.idx.msk [tilespmem:v55+s17+$0x0], $0xffff  }
0x131: {  	v57 =	vor.u32 v12, v19;
	_ =	sdelay $0x3  }
0x132: {  	[tilespmem:v56+s20+$0x0] =	vst.idx.msk $0xffff, v17  }
0x133: {  	v58 =	vor.u32 v13, v16;
	v17 =	vld.idx.msk [tilespmem:v57+s17+$0x0], $0xffff  }
0x134: {  	v19 =	vor.u32 v14, v19;
	_ =	sdelay $0x2  }
0x135: {  	s1 =	sadd.s32 $0x1, s26  }
0x136: {  	[tilespmem:v58+s20+$0x0] =	vst.idx.msk $0xffff, v17;
	v17 =	vadd.s32 s1, v0  }
0x137: {  	v16 =	vor.u32 v15, v16;
	v18 =	vld.idx.msk [tilespmem:v19+s17+$0x0], $0xffff;
	v59 =	vand.u32 $0x3F, v17  }
0x138: {  	v60 =	vor.u32 v1, v59;
	_ =	sdelay $0x2  }
0x139: {  	v17 =	vshll.u32 v17, $0x7  }
0x13a: {  	[tilespmem:v16+s20+$0x0] =	vst.idx.msk $0xffff, v18;
	v16 =	vand.u32 $0x1F80, v17  }
0x13b: {  	v17 =	vld.idx.msk [tilespmem:v60+s17+$0x0], $0xffff;
	v61 =	vor.u32 v0, v16  }
0x13c: {  	v62 =	vor.u32 v2, v59;
	_ =	sdelay $0x3  }
0x13d: {  	[tilespmem:v61+s20+$0x0] =	vst.idx.msk $0xffff, v17  }
0x13e: {  	v63 =	vor.u32 v3, v16;
	v17 =	vld.idx.msk [tilespmem:v62+s17+$0x0], $0xffff  }
0x13f: {  	v24 =	vor.u32 v4, v59;
	_ =	sdelay $0x3  }
0x140: {  	[tilespmem:v63+s20+$0x0] =	vst.idx.msk $0xffff, v17  }
0x141: {  	v25 =	vor.u32 v5, v16;
	v17 =	vld.idx.msk [tilespmem:v24+s17+$0x0], $0xffff  }
0x142: {  	v26 =	vor.u32 v6, v59;
	_ =	sdelay $0x3  }
0x143: {  	[tilespmem:v25+s20+$0x0] =	vst.idx.msk $0xffff, v17  }
0x144: {  	v27 =	vor.u32 v7, v16;
	v17 =	vld.idx.msk [tilespmem:v26+s17+$0x0], $0xffff  }
0x145: {  	v28 =	vor.u32 v8, v59;
	_ =	sdelay $0x3  }
0x146: {  	[tilespmem:v27+s20+$0x0] =	vst.idx.msk $0xffff, v17  }
0x147: {  	v29 =	vor.u32 v9, v16;
	v17 =	vld.idx.msk [tilespmem:v28+s17+$0x0], $0xffff  }
0x148: {  	v30 =	vor.u32 v10, v59;
	_ =	sdelay $0x3  }
0x149: {  	[tilespmem:v29+s20+$0x0] =	vst.idx.msk $0xffff, v17  }
0x14a: {  	v31 =	vor.u32 v11, v16;
	v17 =	vld.idx.msk [tilespmem:v30+s17+$0x0], $0xffff  }
0x14b: {  	v32 =	vor.u32 v12, v59;
	_ =	sdelay $0x3  }
0x14c: {  	[tilespmem:v31+s20+$0x0] =	vst.idx.msk $0xffff, v17  }
0x14d: {  	v33 =	vor.u32 v13, v16;
	v17 =	vld.idx.msk [tilespmem:v32+s17+$0x0], $0xffff  }
0x14e: {  	v19 =	vor.u32 v14, v59;
	_ =	sdelay $0x2  }
0x14f: {  	s28 =	sadd.s32 $0x2, s26  }
0x150: {  	[tilespmem:v33+s20+$0x0] =	vst.idx.msk $0xffff, v17;
	v17 =	vadd.s32 s28, v0  }
0x151: {  	v16 =	vor.u32 v15, v16;
	v18 =	vld.idx.msk [tilespmem:v19+s17+$0x0], $0xffff;
	v34 =	vand.u32 $0x3F, v17  }
0x152: {  	v35 =	vor.u32 v1, v34;
	_ =	sdelay $0x2  }
0x153: {  	v17 =	vshll.u32 v17, $0x7  }
0x154: {  	[tilespmem:v16+s20+$0x0] =	vst.idx.msk $0xffff, v18;
	v16 =	vand.u32 $0x1F80, v17  }
0x155: {  	v17 =	vld.idx.msk [tilespmem:v35+s17+$0x0], $0xffff;
	v36 =	vor.u32 v0, v16  }
0x156: {  	v37 =	vor.u32 v2, v34;
	_ =	sdelay $0x3  }
0x157: {  	[tilespmem:v36+s20+$0x0] =	vst.idx.msk $0xffff, v17  }
0x158: {  	v38 =	vor.u32 v3, v16;
	v17 =	vld.idx.msk [tilespmem:v37+s17+$0x0], $0xffff  }
0x159: {  	v39 =	vor.u32 v4, v34;
	_ =	sdelay $0x3  }
0x15a: {  	[tilespmem:v38+s20+$0x0] =	vst.idx.msk $0xffff, v17  }
0x15b: {  	v40 =	vor.u32 v5, v16;
	v17 =	vld.idx.msk [tilespmem:v39+s17+$0x0], $0xffff  }
0x15c: {  	v41 =	vor.u32 v6, v34;
	_ =	sdelay $0x3  }
0x15d: {  	[tilespmem:v40+s20+$0x0] =	vst.idx.msk $0xffff, v17  }
0x15e: {  	v42 =	vor.u32 v7, v16;
	v17 =	vld.idx.msk [tilespmem:v41+s17+$0x0], $0xffff  }
0x15f: {  	v43 =	vor.u32 v8, v34;
	_ =	sdelay $0x3  }
0x160: {  	[tilespmem:v42+s20+$0x0] =	vst.idx.msk $0xffff, v17  }
0x161: {  	v44 =	vor.u32 v9, v16;
	v17 =	vld.idx.msk [tilespmem:v43+s17+$0x0], $0xffff  }
0x162: {  	v45 =	vor.u32 v10, v34;
	_ =	sdelay $0x3  }
0x163: {  	[tilespmem:v44+s20+$0x0] =	vst.idx.msk $0xffff, v17  }
0x164: {  	v46 =	vor.u32 v11, v16;
	v17 =	vld.idx.msk [tilespmem:v45+s17+$0x0], $0xffff  }
0x165: {  	v47 =	vor.u32 v12, v34;
	_ =	sdelay $0x3  }
0x166: {  	[tilespmem:v46+s20+$0x0] =	vst.idx.msk $0xffff, v17  }
0x167: {  	v48 =	vor.u32 v13, v16;
	v17 =	vld.idx.msk [tilespmem:v47+s17+$0x0], $0xffff  }
0x168: {  	v19 =	vor.u32 v14, v34;
	_ =	sdelay $0x2  }
0x169: {  	s28 =	sadd.s32 $0x3, s26  }
0x16a: {  	[tilespmem:v48+s20+$0x0] =	vst.idx.msk $0xffff, v17;
	v17 =	vadd.s32 s28, v0  }
0x16b: {  	v16 =	vor.u32 v15, v16;
	v18 =	vld.idx.msk [tilespmem:v19+s17+$0x0], $0xffff;
	v49 =	vand.u32 $0x3F, v17  }
0x16c: {  	v50 =	vor.u32 v1, v49;
	_ =	sdelay $0x2  }
0x16d: {  	v17 =	vshll.u32 v17, $0x7  }
0x16e: {  	[tilespmem:v16+s20+$0x0] =	vst.idx.msk $0xffff, v18;
	v16 =	vand.u32 $0x1F80, v17  }
0x16f: {  	v17 =	vld.idx.msk [tilespmem:v50+s17+$0x0], $0xffff;
	v51 =	vor.u32 v0, v16  }
0x170: {  	v52 =	vor.u32 v2, v49;
	_ =	sdelay $0x3  }
0x171: {  	[tilespmem:v51+s20+$0x0] =	vst.idx.msk $0xffff, v17  }
0x172: {  	v53 =	vor.u32 v3, v16;
	v17 =	vld.idx.msk [tilespmem:v52+s17+$0x0], $0xffff  }
0x173: {  	v54 =	vor.u32 v4, v49;
	_ =	sdelay $0x3  }
0x174: {  	[tilespmem:v53+s20+$0x0] =	vst.idx.msk $0xffff, v17  }
0x175: {  	v55 =	vor.u32 v5, v16;
	v17 =	vld.idx.msk [tilespmem:v54+s17+$0x0], $0xffff  }
0x176: {  	v56 =	vor.u32 v6, v49;
	_ =	sdelay $0x3  }
0x177: {  	[tilespmem:v55+s20+$0x0] =	vst.idx.msk $0xffff, v17  }
0x178: {  	v57 =	vor.u32 v7, v16;
	v17 =	vld.idx.msk [tilespmem:v56+s17+$0x0], $0xffff  }
0x179: {  	v58 =	vor.u32 v8, v49;
	_ =	sdelay $0x3  }
0x17a: {  	[tilespmem:v57+s20+$0x0] =	vst.idx.msk $0xffff, v17  }
0x17b: {  	v59 =	vor.u32 v9, v16;
	v17 =	vld.idx.msk [tilespmem:v58+s17+$0x0], $0xffff  }
0x17c: {  	v60 =	vor.u32 v10, v49;
	_ =	sdelay $0x3  }
0x17d: {  	[tilespmem:v59+s20+$0x0] =	vst.idx.msk $0xffff, v17  }
0x17e: {  	v61 =	vor.u32 v11, v16;
	v17 =	vld.idx.msk [tilespmem:v60+s17+$0x0], $0xffff  }
0x17f: {  	v62 =	vor.u32 v12, v49;
	_ =	sdelay $0x3  }
0x180: {  	[tilespmem:v61+s20+$0x0] =	vst.idx.msk $0xffff, v17  }
0x181: {  	v63 =	vor.u32 v13, v16;
	v17 =	vld.idx.msk [tilespmem:v62+s17+$0x0], $0xffff  }
0x182: {  	s1 =	sadd.s32 s5, s25;
	s26 =	sand.u32 $0x3, s23;
	v19 =	vor.u32 v14, v49  }
0x183: {  	p1 =	seq.s32 s1, $0x0;
	p2 =	sne.s32 s26, $0x0  }
0x184: {  	p1 =	por !p2, !p1  }
0x185: {  	s25 =	simm.s32 $0x1;
	p1 =	por !p1, !p1  }
0x186: {  	s25 =	simm.s32 @!p1 $0x0;
	s28 =	sshrl.u32 s1, $0x3;
	[tilespmem:v63+s20+$0x0] =	vst.idx.msk $0xffff, v17  }
0x187: {  	s1 =	sshll.u32 s1, $0xD;
	s25 =	ssub.s32 s28, s25;
	s28 =	sshll.u32 s23, $0x13;
	v16 =	vor.u32 v15, v16;
	v17 =	vld.idx.msk [tilespmem:v19+s17+$0x0], $0xffff  }
0x188: {  	s1 =	sand.u32 $0x7FE00000, s1;
	s26 =	sand.u32 $0x180000, s28;
	s25 =	sshll.u32 s25, $0xA  }
0x189: {  	s1 =	sor.u32 s26, s1;
	s25 =	sand.u32 $0x7C00, s25  }
0x18a: {  	s1 =	sor.u32 s25, s1  }
0x18b: {  	s1 =	sshrl.u32 s1, $0x3  }
0x18c: {  	s28 =	sadd.s32 s2, s1;
	[tilespmem:v16+s20+$0x0] =	vst.idx.msk $0xffff, v17  }
0x18d: {  	[hbm4b:s28+s3] =	stream.linear.scatter [tilespmem:s20], [sflag:$0x3], $0x400, $0x38;
	[tilespmem:$0xE400] =	vst v63  }
0x18e: {  	s26 =	sadd.s32 s1, s7;
	s28 =	simm.s32 $0xA800  }
0x18f: {  	[hbm4b:s26+s3] =	stream.linear.scatter [tilespmem:s28], [sflag:$0x3], $0x400, $0x38;
	[tilespmem:$0xE400] =	vst v63  }
0x190: {  	s26 =	sadd.s32 s1, s8;
	s28 =	simm.s32 $0xAC00  }
0x191: {  	[hbm4b:s26+s3] =	stream.linear.scatter [tilespmem:s28], [sflag:$0x3], $0x400, $0x38;
	[tilespmem:$0xE400] =	vst v63  }
0x192: {  	s26 =	sadd.s32 s1, s9;
	s28 =	simm.s32 $0xB000  }
0x193: {  	[hbm4b:s26+s3] =	stream.linear.scatter [tilespmem:s28], [sflag:$0x3], $0x400, $0x38;
	[tilespmem:$0xE400] =	vst v63  }
0x194: {  	s26 =	sadd.s32 s1, s10;
	s28 =	simm.s32 $0xB400  }
0x195: {  	[hbm4b:s26+s3] =	stream.linear.scatter [tilespmem:s28], [sflag:$0x3], $0x400, $0x38;
	[tilespmem:$0xE400] =	vst v63  }
0x196: {  	p1 =	sne.s32 s23, $0x63;
	s26 =	sadd.s32 s1, s11;
	s28 =	simm.s32 $0xB800  }
0x197: {  	[hbm4b:s26+s3] =	stream.linear.scatter [tilespmem:s28], [sflag:$0x3], $0x400, $0x38;
	[tilespmem:$0xE400] =	vst v63  }
.Ltmp1:
0x198: {  	_ = 	snop;
	(pc) =	sbr.rel @p1 .LBB2_6-.Ltmp1, $4  }
0x199: {  	s26 =	sadd.s32 s1, s12;
	s28 =	simm.s32 $0xBC00  }
0x19a: {  	[hbm4b:s26+s3] =	stream.linear.scatter [tilespmem:s28], [sflag:$0x3], $0x400, $0x38;
	[tilespmem:$0xE400] =	vst v63  }
0x19b: {  	s1 =	sadd.s32 s1, s13;
	s28 =	simm.s32 $0xC000  }
0x19c: {  	[hbm4b:s1+s3] =	stream.linear.scatter [tilespmem:s28], [sflag:$0x3], $0x400, $0x38;
	[tilespmem:$0xE400] =	vst v63  }
.Ltmp2:
0x19d: {  	(pc) =	sbr.rel .LBB2_7-.Ltmp2, $4  }
0x19e: {  	_ = 	snop  }
0x19f: {  	_ =	swait.ge [sflag:s29], $0x2000  }
0x1a0: {  	[sflag:s29] =	ssyncset.done $0x0  }
0x1a1: {  	[sflag:s29] =	ssyncadd.s32 $0xFFFFE000  }
.LBB2_6:
0x1a2: {  	s1 =	sshll.u32 s23, $0x8  }
0x1a3: {  	s1 =	sand.u32 $0x3FFFFF00, s1  }
.Ltmp3:
0x1a4: {  	s1 =	sadd.s32 $0x100, s1;
	(pc) =	sbr.rel @p0 .LBB2_8-.Ltmp3, $4  }
0x1a5: {  	[tilespmem:s17], [sflag:$0x1] =	stream.indirect.gather [hbm4b:s4+s16], $0x40, s1, s16, $0xb8;
	[tilespmem:$0xE400] =	vst v63  }
0x1a6: {  	_ =	swait.ge [sflag:s29], $0x2000  }
0x1a7: {  	[sflag:s29] =	ssyncset.done $0x0  }
0x1a8: {  	[sflag:s29] =	ssyncadd.s32 $0xFFFFE000  }
.LBB2_7:
0x1a9: {  	_ =	swait.ge [sflag:s30], $0x400  }
0x1aa: {  	[sflag:s30] =	ssyncset.done $0x0  }
0x1ab: {  	[sflag:s30] =	ssyncadd.s32 $0xFFFFFC00  }
0x1ac: {  	_ =	swait.ge [sflag:s30], $0x400  }
0x1ad: {  	[sflag:s30] =	ssyncset.done $0x0  }
0x1ae: {  	[sflag:s30] =	ssyncadd.s32 $0xFFFFFC00  }
0x1af: {  	_ =	swait.ge [sflag:s30], $0x400  }
0x1b0: {  	[sflag:s30] =	ssyncset.done $0x0  }
0x1b1: {  	[sflag:s30] =	ssyncadd.s32 $0xFFFFFC00  }
0x1b2: {  	_ =	swait.ge [sflag:s30], $0x400  }
0x1b3: {  	[sflag:s30] =	ssyncset.done $0x0  }
0x1b4: {  	[sflag:s30] =	ssyncadd.s32 $0xFFFFFC00  }
0x1b5: {  	_ =	swait.ge [sflag:s30], $0x400  }
0x1b6: {  	[sflag:s30] =	ssyncset.done $0x0  }
0x1b7: {  	[sflag:s30] =	ssyncadd.s32 $0xFFFFFC00  }
0x1b8: {  	_ =	swait.ge [sflag:s30], $0x400  }
0x1b9: {  	[sflag:s30] =	ssyncset.done $0x0  }
0x1ba: {  	[sflag:s30] =	ssyncadd.s32 $0xFFFFFC00  }
0x1bb: {  	_ =	swait.ge [sflag:s30], $0x400  }
0x1bc: {  	[sflag:s30] =	ssyncset.done $0x0  }
0x1bd: {  	[sflag:s30] =	ssyncadd.s32 $0xFFFFFC00  }
0x1be: {  	_ =	swait.ge [sflag:s30], $0x400  }
0x1bf: {  	[sflag:s30] =	ssyncset.done $0x0  }
0x1c0: {  	[sflag:s30] =	ssyncadd.s32 $0xFFFFFC00  }
.LBB2_8:
0x1c1: {  	s1 =	simm.s32 $0x0  }
0x1c2: {  	v16 =	vadd.s32 s1, v0  }
0x1c3: {  	v17 =	vand.u32 $0x3F, v16  }
0x1c4: {  	v18 =	vor.u32 v1, v17;
	_ =	sdelay $0x2  }
0x1c5: {  	v16 =	vshll.u32 v16, $0x7  }
0x1c6: {  	v16 =	vand.u32 $0x1F80, v16  }
0x1c7: {  	v19 =	vor.u32 v0, v16;
	v18 =	vld.idx.msk [tilespmem:v18+s18+$0x0], $0xffff  }
0x1c8: {  	v20 =	vor.u32 v2, v17;
	_ =	sdelay $0x3  }
0x1c9: {  	[tilespmem:v19+s31+$0x0] =	vst.idx.msk $0xffff, v18  }
0x1ca: {  	v19 =	vor.u32 v3, v16;
	v18 =	vld.idx.msk [tilespmem:v20+s18+$0x0], $0xffff  }
0x1cb: {  	v20 =	vor.u32 v4, v17;
	_ =	sdelay $0x3  }
0x1cc: {  	[tilespmem:v19+s31+$0x0] =	vst.idx.msk $0xffff, v18  }
0x1cd: {  	v19 =	vor.u32 v5, v16;
	v18 =	vld.idx.msk [tilespmem:v20+s18+$0x0], $0xffff  }
0x1ce: {  	v20 =	vor.u32 v6, v17;
	_ =	sdelay $0x3  }
0x1cf: {  	[tilespmem:v19+s31+$0x0] =	vst.idx.msk $0xffff, v18  }
0x1d0: {  	v19 =	vor.u32 v7, v16;
	v18 =	vld.idx.msk [tilespmem:v20+s18+$0x0], $0xffff  }
0x1d1: {  	v20 =	vor.u32 v8, v17;
	_ =	sdelay $0x3  }
0x1d2: {  	[tilespmem:v19+s31+$0x0] =	vst.idx.msk $0xffff, v18  }
0x1d3: {  	v19 =	vor.u32 v9, v16;
	v18 =	vld.idx.msk [tilespmem:v20+s18+$0x0], $0xffff  }
0x1d4: {  	v20 =	vor.u32 v10, v17;
	_ =	sdelay $0x3  }
0x1d5: {  	[tilespmem:v19+s31+$0x0] =	vst.idx.msk $0xffff, v18  }
0x1d6: {  	v19 =	vor.u32 v11, v16;
	v18 =	vld.idx.msk [tilespmem:v20+s18+$0x0], $0xffff  }
0x1d7: {  	v20 =	vor.u32 v12, v17;
	_ =	sdelay $0x3  }
0x1d8: {  	[tilespmem:v19+s31+$0x0] =	vst.idx.msk $0xffff, v18  }
0x1d9: {  	v19 =	vor.u32 v13, v16;
	v18 =	vld.idx.msk [tilespmem:v20+s18+$0x0], $0xffff  }
0x1da: {  	v17 =	vor.u32 v14, v17;
	_ =	sdelay $0x2  }
0x1db: {  	s25 =	simm.s32 $0x1  }
0x1dc: {  	[tilespmem:v19+s31+$0x0] =	vst.idx.msk $0xffff, v18;
	v18 =	vadd.s32 s25, v0  }
0x1dd: {  	v16 =	vor.u32 v15, v16;
	v17 =	vld.idx.msk [tilespmem:v17+s18+$0x0], $0xffff;
	v19 =	vand.u32 $0x3F, v18  }
0x1de: {  	v20 =	vor.u32 v1, v19;
	_ =	sdelay $0x2  }
0x1df: {  	v18 =	vshll.u32 v18, $0x7  }
0x1e0: {  	[tilespmem:v16+s31+$0x0] =	vst.idx.msk $0xffff, v17;
	v16 =	vand.u32 $0x1F80, v18  }
0x1e1: {  	v17 =	vld.idx.msk [tilespmem:v20+s18+$0x0], $0xffff;
	v18 =	vor.u32 v0, v16  }
0x1e2: {  	v20 =	vor.u32 v2, v19;
	_ =	sdelay $0x3  }
0x1e3: {  	[tilespmem:v18+s31+$0x0] =	vst.idx.msk $0xffff, v17  }
0x1e4: {  	v18 =	vor.u32 v3, v16;
	v17 =	vld.idx.msk [tilespmem:v20+s18+$0x0], $0xffff  }
0x1e5: {  	v20 =	vor.u32 v4, v19;
	_ =	sdelay $0x3  }
0x1e6: {  	[tilespmem:v18+s31+$0x0] =	vst.idx.msk $0xffff, v17  }
0x1e7: {  	v18 =	vor.u32 v5, v16;
	v17 =	vld.idx.msk [tilespmem:v20+s18+$0x0], $0xffff  }
0x1e8: {  	v20 =	vor.u32 v6, v19;
	_ =	sdelay $0x3  }
0x1e9: {  	[tilespmem:v18+s31+$0x0] =	vst.idx.msk $0xffff, v17  }
0x1ea: {  	v18 =	vor.u32 v7, v16;
	v17 =	vld.idx.msk [tilespmem:v20+s18+$0x0], $0xffff  }
0x1eb: {  	v20 =	vor.u32 v8, v19;
	_ =	sdelay $0x3  }
0x1ec: {  	[tilespmem:v18+s31+$0x0] =	vst.idx.msk $0xffff, v17  }
0x1ed: {  	v18 =	vor.u32 v9, v16;
	v17 =	vld.idx.msk [tilespmem:v20+s18+$0x0], $0xffff  }
0x1ee: {  	v20 =	vor.u32 v10, v19;
	_ =	sdelay $0x3  }
0x1ef: {  	[tilespmem:v18+s31+$0x0] =	vst.idx.msk $0xffff, v17  }
0x1f0: {  	v18 =	vor.u32 v11, v16;
	v17 =	vld.idx.msk [tilespmem:v20+s18+$0x0], $0xffff  }
0x1f1: {  	v20 =	vor.u32 v12, v19;
	_ =	sdelay $0x3  }
0x1f2: {  	[tilespmem:v18+s31+$0x0] =	vst.idx.msk $0xffff, v17  }
0x1f3: {  	v18 =	vor.u32 v13, v16;
	v17 =	vld.idx.msk [tilespmem:v20+s18+$0x0], $0xffff  }
0x1f4: {  	v19 =	vor.u32 v14, v19;
	_ =	sdelay $0x2  }
0x1f5: {  	s26 =	simm.s32 $0x2  }
0x1f6: {  	[tilespmem:v18+s31+$0x0] =	vst.idx.msk $0xffff, v17;
	v17 =	vadd.s32 s26, v0  }
0x1f7: {  	v16 =	vor.u32 v15, v16;
	v18 =	vld.idx.msk [tilespmem:v19+s18+$0x0], $0xffff;
	v19 =	vand.u32 $0x3F, v17  }
0x1f8: {  	v20 =	vor.u32 v1, v19;
	_ =	sdelay $0x2  }
0x1f9: {  	v17 =	vshll.u32 v17, $0x7  }
0x1fa: {  	[tilespmem:v16+s31+$0x0] =	vst.idx.msk $0xffff, v18;
	v16 =	vand.u32 $0x1F80, v17  }
0x1fb: {  	v17 =	vld.idx.msk [tilespmem:v20+s18+$0x0], $0xffff;
	v18 =	vor.u32 v0, v16  }
0x1fc: {  	v20 =	vor.u32 v2, v19;
	_ =	sdelay $0x3  }
0x1fd: {  	[tilespmem:v18+s31+$0x0] =	vst.idx.msk $0xffff, v17  }
0x1fe: {  	v18 =	vor.u32 v3, v16;
	v17 =	vld.idx.msk [tilespmem:v20+s18+$0x0], $0xffff  }
0x1ff: {  	v20 =	vor.u32 v4, v19;
	_ =	sdelay $0x3  }
0x200: {  	[tilespmem:v18+s31+$0x0] =	vst.idx.msk $0xffff, v17  }
0x201: {  	v18 =	vor.u32 v5, v16;
	v17 =	vld.idx.msk [tilespmem:v20+s18+$0x0], $0xffff  }
0x202: {  	v20 =	vor.u32 v6, v19;
	_ =	sdelay $0x3  }
0x203: {  	[tilespmem:v18+s31+$0x0] =	vst.idx.msk $0xffff, v17  }
0x204: {  	v18 =	vor.u32 v7, v16;
	v17 =	vld.idx.msk [tilespmem:v20+s18+$0x0], $0xffff  }
0x205: {  	v20 =	vor.u32 v8, v19;
	_ =	sdelay $0x3  }
0x206: {  	[tilespmem:v18+s31+$0x0] =	vst.idx.msk $0xffff, v17  }
0x207: {  	v18 =	vor.u32 v9, v16;
	v17 =	vld.idx.msk [tilespmem:v20+s18+$0x0], $0xffff  }
0x208: {  	v20 =	vor.u32 v10, v19;
	_ =	sdelay $0x3  }
0x209: {  	[tilespmem:v18+s31+$0x0] =	vst.idx.msk $0xffff, v17  }
0x20a: {  	v18 =	vor.u32 v11, v16;
	v17 =	vld.idx.msk [tilespmem:v20+s18+$0x0], $0xffff  }
0x20b: {  	v20 =	vor.u32 v12, v19;
	_ =	sdelay $0x3  }
0x20c: {  	[tilespmem:v18+s31+$0x0] =	vst.idx.msk $0xffff, v17  }
0x20d: {  	v18 =	vor.u32 v13, v16;
	v17 =	vld.idx.msk [tilespmem:v20+s18+$0x0], $0xffff  }
0x20e: {  	v19 =	vor.u32 v14, v19;
	_ =	sdelay $0x2  }
0x20f: {  	s28 =	simm.s32 $0x3  }
0x210: {  	[tilespmem:v18+s31+$0x0] =	vst.idx.msk $0xffff, v17;
	v17 =	vadd.s32 s28, v0  }
0x211: {  	v16 =	vor.u32 v15, v16;
	v18 =	vld.idx.msk [tilespmem:v19+s18+$0x0], $0xffff;
	v19 =	vand.u32 $0x3F, v17  }
0x212: {  	v20 =	vor.u32 v1, v19;
	_ =	sdelay $0x2  }
0x213: {  	v17 =	vshll.u32 v17, $0x7  }
0x214: {  	[tilespmem:v16+s31+$0x0] =	vst.idx.msk $0xffff, v18;
	v16 =	vand.u32 $0x1F80, v17  }
0x215: {  	v17 =	vld.idx.msk [tilespmem:v20+s18+$0x0], $0xffff;
	v18 =	vor.u32 v0, v16  }
0x216: {  	v20 =	vor.u32 v2, v19;
	_ =	sdelay $0x3  }
0x217: {  	[tilespmem:v18+s31+$0x0] =	vst.idx.msk $0xffff, v17  }
0x218: {  	v18 =	vor.u32 v3, v16;
	v17 =	vld.idx.msk [tilespmem:v20+s18+$0x0], $0xffff  }
0x219: {  	v20 =	vor.u32 v4, v19;
	_ =	sdelay $0x3  }
0x21a: {  	[tilespmem:v18+s31+$0x0] =	vst.idx.msk $0xffff, v17  }
0x21b: {  	v18 =	vor.u32 v5, v16;
	v17 =	vld.idx.msk [tilespmem:v20+s18+$0x0], $0xffff  }
0x21c: {  	v20 =	vor.u32 v6, v19;
	_ =	sdelay $0x3  }
0x21d: {  	[tilespmem:v18+s31+$0x0] =	vst.idx.msk $0xffff, v17  }
0x21e: {  	v18 =	vor.u32 v7, v16;
	v17 =	vld.idx.msk [tilespmem:v20+s18+$0x0], $0xffff  }
0x21f: {  	v20 =	vor.u32 v8, v19;
	_ =	sdelay $0x3  }
0x220: {  	[tilespmem:v18+s31+$0x0] =	vst.idx.msk $0xffff, v17  }
0x221: {  	v18 =	vor.u32 v9, v16;
	v17 =	vld.idx.msk [tilespmem:v20+s18+$0x0], $0xffff  }
0x222: {  	v20 =	vor.u32 v10, v19;
	_ =	sdelay $0x3  }
0x223: {  	[tilespmem:v18+s31+$0x0] =	vst.idx.msk $0xffff, v17  }
0x224: {  	v18 =	vor.u32 v11, v16;
	v17 =	vld.idx.msk [tilespmem:v20+s18+$0x0], $0xffff  }
0x225: {  	v20 =	vor.u32 v12, v19;
	_ =	sdelay $0x3  }
0x226: {  	[tilespmem:v18+s31+$0x0] =	vst.idx.msk $0xffff, v17  }
0x227: {  	v18 =	vor.u32 v13, v16;
	v17 =	vld.idx.msk [tilespmem:v20+s18+$0x0], $0xffff  }
0x228: {  	v19 =	vor.u32 v14, v19;
	_ =	sdelay $0x3  }
0x229: {  	s25 =	simm.s32 $0x4;
	[tilespmem:v18+s31+$0x0] =	vst.idx.msk $0xffff, v17  }
0x22a: {  	s26 =	simm.s32 $0x8;
	v17 =	vadd.s32 s25, v0;
	v18 =	vld.idx.msk [tilespmem:v19+s18+$0x0], $0xffff  }
.LBB2_9:
0x22b: {  	p0 =	sne.s32 s26, $0x3C;
	v19 =	vand.u32 $0x3F, v17;
	v16 =	vor.u32 v15, v16  }
0x22c: {  	v20 =	vor.u32 v1, v19;
	_ =	sdelay $0x3  }
0x22d: {  	v17 =	vshll.u32 v17, $0x7;
	[tilespmem:v16+s31+$0x0] =	vst.idx.msk $0xffff, v18  }
0x22e: {  	v17 =	vand.u32 $0x1F80, v17;
	v16 =	vld.idx.msk [tilespmem:v20+s18+$0x0], $0xffff  }
0x22f: {  	v18 =	vor.u32 v0, v17  }
0x230: {  	v20 =	vor.u32 v2, v19;
	_ =	sdelay $0x3  }
0x231: {  	[tilespmem:v18+s31+$0x0] =	vst.idx.msk $0xffff, v16  }
0x232: {  	v16 =	vld.idx.msk [tilespmem:v20+s18+$0x0], $0xffff  }
0x233: {  	v18 =	vor.u32 v3, v17  }
0x234: {  	v20 =	vor.u32 v4, v19;
	_ =	sdelay $0x3  }
0x235: {  	[tilespmem:v18+s31+$0x0] =	vst.idx.msk $0xffff, v16  }
0x236: {  	v16 =	vld.idx.msk [tilespmem:v20+s18+$0x0], $0xffff  }
0x237: {  	v18 =	vor.u32 v5, v17  }
0x238: {  	v20 =	vor.u32 v6, v19;
	_ =	sdelay $0x3  }
0x239: {  	[tilespmem:v18+s31+$0x0] =	vst.idx.msk $0xffff, v16  }
0x23a: {  	v16 =	vld.idx.msk [tilespmem:v20+s18+$0x0], $0xffff  }
0x23b: {  	v18 =	vor.u32 v7, v17  }
0x23c: {  	v20 =	vor.u32 v8, v19;
	_ =	sdelay $0x3  }
0x23d: {  	[tilespmem:v18+s31+$0x0] =	vst.idx.msk $0xffff, v16  }
0x23e: {  	v16 =	vld.idx.msk [tilespmem:v20+s18+$0x0], $0xffff  }
0x23f: {  	v18 =	vor.u32 v9, v17  }
0x240: {  	v20 =	vor.u32 v10, v19;
	_ =	sdelay $0x3  }
0x241: {  	[tilespmem:v18+s31+$0x0] =	vst.idx.msk $0xffff, v16  }
0x242: {  	v16 =	vld.idx.msk [tilespmem:v20+s18+$0x0], $0xffff  }
0x243: {  	v18 =	vor.u32 v11, v17  }
0x244: {  	v20 =	vor.u32 v12, v19;
	_ =	sdelay $0x3  }
0x245: {  	[tilespmem:v18+s31+$0x0] =	vst.idx.msk $0xffff, v16  }
0x246: {  	v16 =	vld.idx.msk [tilespmem:v20+s18+$0x0], $0xffff  }
0x247: {  	v18 =	vor.u32 v13, v17  }
0x248: {  	v19 =	vor.u32 v14, v19;
	_ =	sdelay $0x3  }
0x249: {  	s1 =	sadd.s32 $0x1, s25;
	[tilespmem:v18+s31+$0x0] =	vst.idx.msk $0xffff, v16  }
0x24a: {  	v18 =	vadd.s32 s1, v0;
	v16 =	vld.idx.msk [tilespmem:v19+s18+$0x0], $0xffff  }
0x24b: {  	v17 =	vor.u32 v15, v17;
	v19 =	vand.u32 $0x3F, v18  }
0x24c: {  	v20 =	vor.u32 v1, v19;
	_ =	sdelay $0x3  }
0x24d: {  	[tilespmem:v17+s31+$0x0] =	vst.idx.msk $0xffff, v16;
	v16 =	vshll.u32 v18, $0x7  }
0x24e: {  	v17 =	vld.idx.msk [tilespmem:v20+s18+$0x0], $0xffff;
	v16 =	vand.u32 $0x1F80, v16  }
0x24f: {  	v18 =	vor.u32 v0, v16  }
0x250: {  	v20 =	vor.u32 v2, v19;
	_ =	sdelay $0x3  }
0x251: {  	[tilespmem:v18+s31+$0x0] =	vst.idx.msk $0xffff, v17  }
0x252: {  	v17 =	vld.idx.msk [tilespmem:v20+s18+$0x0], $0xffff  }
0x253: {  	v18 =	vor.u32 v3, v16  }
0x254: {  	v20 =	vor.u32 v4, v19;
	_ =	sdelay $0x3  }
0x255: {  	[tilespmem:v18+s31+$0x0] =	vst.idx.msk $0xffff, v17  }
0x256: {  	v17 =	vld.idx.msk [tilespmem:v20+s18+$0x0], $0xffff  }
0x257: {  	v18 =	vor.u32 v5, v16  }
0x258: {  	v20 =	vor.u32 v6, v19;
	_ =	sdelay $0x3  }
0x259: {  	[tilespmem:v18+s31+$0x0] =	vst.idx.msk $0xffff, v17  }
0x25a: {  	v17 =	vld.idx.msk [tilespmem:v20+s18+$0x0], $0xffff  }
0x25b: {  	v18 =	vor.u32 v7, v16  }
0x25c: {  	v20 =	vor.u32 v8, v19;
	_ =	sdelay $0x3  }
0x25d: {  	[tilespmem:v18+s31+$0x0] =	vst.idx.msk $0xffff, v17  }
0x25e: {  	v17 =	vld.idx.msk [tilespmem:v20+s18+$0x0], $0xffff  }
0x25f: {  	v18 =	vor.u32 v9, v16  }
0x260: {  	v20 =	vor.u32 v10, v19;
	_ =	sdelay $0x3  }
0x261: {  	[tilespmem:v18+s31+$0x0] =	vst.idx.msk $0xffff, v17  }
0x262: {  	v17 =	vld.idx.msk [tilespmem:v20+s18+$0x0], $0xffff  }
0x263: {  	v18 =	vor.u32 v11, v16  }
0x264: {  	v20 =	vor.u32 v12, v19;
	_ =	sdelay $0x3  }
0x265: {  	[tilespmem:v18+s31+$0x0] =	vst.idx.msk $0xffff, v17  }
0x266: {  	v17 =	vld.idx.msk [tilespmem:v20+s18+$0x0], $0xffff  }
0x267: {  	v18 =	vor.u32 v13, v16  }
0x268: {  	v19 =	vor.u32 v14, v19;
	_ =	sdelay $0x3  }
0x269: {  	s1 =	sadd.s32 $0x2, s25;
	[tilespmem:v18+s31+$0x0] =	vst.idx.msk $0xffff, v17  }
0x26a: {  	v18 =	vadd.s32 s1, v0;
	v17 =	vld.idx.msk [tilespmem:v19+s18+$0x0], $0xffff  }
0x26b: {  	v16 =	vor.u32 v15, v16;
	v19 =	vand.u32 $0x3F, v18  }
0x26c: {  	v20 =	vor.u32 v1, v19;
	_ =	sdelay $0x3  }
0x26d: {  	[tilespmem:v16+s31+$0x0] =	vst.idx.msk $0xffff, v17;
	v16 =	vshll.u32 v18, $0x7  }
0x26e: {  	v17 =	vld.idx.msk [tilespmem:v20+s18+$0x0], $0xffff;
	v16 =	vand.u32 $0x1F80, v16  }
0x26f: {  	v18 =	vor.u32 v0, v16  }
0x270: {  	v20 =	vor.u32 v2, v19;
	_ =	sdelay $0x3  }
0x271: {  	[tilespmem:v18+s31+$0x0] =	vst.idx.msk $0xffff, v17  }
0x272: {  	v17 =	vld.idx.msk [tilespmem:v20+s18+$0x0], $0xffff  }
0x273: {  	v18 =	vor.u32 v3, v16  }
0x274: {  	v20 =	vor.u32 v4, v19;
	_ =	sdelay $0x3  }
0x275: {  	[tilespmem:v18+s31+$0x0] =	vst.idx.msk $0xffff, v17  }
0x276: {  	v17 =	vld.idx.msk [tilespmem:v20+s18+$0x0], $0xffff  }
0x277: {  	v18 =	vor.u32 v5, v16  }
0x278: {  	v20 =	vor.u32 v6, v19;
	_ =	sdelay $0x3  }
0x279: {  	[tilespmem:v18+s31+$0x0] =	vst.idx.msk $0xffff, v17  }
0x27a: {  	v17 =	vld.idx.msk [tilespmem:v20+s18+$0x0], $0xffff  }
0x27b: {  	v18 =	vor.u32 v7, v16  }
0x27c: {  	v20 =	vor.u32 v8, v19;
	_ =	sdelay $0x3  }
0x27d: {  	[tilespmem:v18+s31+$0x0] =	vst.idx.msk $0xffff, v17  }
0x27e: {  	v17 =	vld.idx.msk [tilespmem:v20+s18+$0x0], $0xffff  }
0x27f: {  	v18 =	vor.u32 v9, v16  }
0x280: {  	v20 =	vor.u32 v10, v19;
	_ =	sdelay $0x3  }
0x281: {  	[tilespmem:v18+s31+$0x0] =	vst.idx.msk $0xffff, v17  }
0x282: {  	v17 =	vld.idx.msk [tilespmem:v20+s18+$0x0], $0xffff  }
0x283: {  	v18 =	vor.u32 v11, v16  }
0x284: {  	v20 =	vor.u32 v12, v19;
	_ =	sdelay $0x3  }
0x285: {  	[tilespmem:v18+s31+$0x0] =	vst.idx.msk $0xffff, v17  }
0x286: {  	v17 =	vld.idx.msk [tilespmem:v20+s18+$0x0], $0xffff  }
0x287: {  	v18 =	vor.u32 v13, v16  }
0x288: {  	v19 =	vor.u32 v14, v19;
	_ =	sdelay $0x3  }
0x289: {  	s1 =	sadd.s32 $0x3, s25;
	s25 =	smov.u32 s26;
	[tilespmem:v18+s31+$0x0] =	vst.idx.msk $0xffff, v17  }
0x28a: {  	v18 =	vadd.s32 s1, v0;
	v17 =	vld.idx.msk [tilespmem:v19+s18+$0x0], $0xffff  }
0x28b: {  	v16 =	vor.u32 v15, v16;
	v19 =	vand.u32 $0x3F, v18  }
0x28c: {  	v20 =	vor.u32 v1, v19;
	_ =	sdelay $0x3  }
0x28d: {  	[tilespmem:v16+s31+$0x0] =	vst.idx.msk $0xffff, v17;
	v16 =	vshll.u32 v18, $0x7  }
0x28e: {  	v17 =	vld.idx.msk [tilespmem:v20+s18+$0x0], $0xffff;
	v16 =	vand.u32 $0x1F80, v16  }
0x28f: {  	v18 =	vor.u32 v0, v16  }
0x290: {  	v20 =	vor.u32 v2, v19;
	_ =	sdelay $0x3  }
0x291: {  	[tilespmem:v18+s31+$0x0] =	vst.idx.msk $0xffff, v17  }
0x292: {  	v17 =	vld.idx.msk [tilespmem:v20+s18+$0x0], $0xffff  }
0x293: {  	v18 =	vor.u32 v3, v16  }
0x294: {  	v20 =	vor.u32 v4, v19;
	_ =	sdelay $0x3  }
0x295: {  	[tilespmem:v18+s31+$0x0] =	vst.idx.msk $0xffff, v17  }
0x296: {  	v17 =	vld.idx.msk [tilespmem:v20+s18+$0x0], $0xffff  }
0x297: {  	v18 =	vor.u32 v5, v16  }
0x298: {  	v20 =	vor.u32 v6, v19;
	_ =	sdelay $0x3  }
0x299: {  	[tilespmem:v18+s31+$0x0] =	vst.idx.msk $0xffff, v17  }
0x29a: {  	v17 =	vld.idx.msk [tilespmem:v20+s18+$0x0], $0xffff  }
0x29b: {  	v18 =	vor.u32 v7, v16  }
0x29c: {  	v20 =	vor.u32 v8, v19;
	_ =	sdelay $0x3  }
0x29d: {  	[tilespmem:v18+s31+$0x0] =	vst.idx.msk $0xffff, v17  }
0x29e: {  	v17 =	vld.idx.msk [tilespmem:v20+s18+$0x0], $0xffff  }
0x29f: {  	v18 =	vor.u32 v9, v16  }
0x2a0: {  	v20 =	vor.u32 v10, v19;
	_ =	sdelay $0x3  }
0x2a1: {  	[tilespmem:v18+s31+$0x0] =	vst.idx.msk $0xffff, v17  }
0x2a2: {  	v17 =	vld.idx.msk [tilespmem:v20+s18+$0x0], $0xffff  }
0x2a3: {  	v18 =	vor.u32 v11, v16  }
0x2a4: {  	v20 =	vor.u32 v12, v19;
	_ =	sdelay $0x3  }
0x2a5: {  	[tilespmem:v18+s31+$0x0] =	vst.idx.msk $0xffff, v17  }
0x2a6: {  	v17 =	vld.idx.msk [tilespmem:v20+s18+$0x0], $0xffff  }
0x2a7: {  	v18 =	vor.u32 v13, v16  }
0x2a8: {  	v19 =	vor.u32 v14, v19  }
.Ltmp4:
0x2a9: {  	(pc) =	sbr.rel @p0 .LBB2_9-.Ltmp4, $3  }
0x2aa: {  	_ =	sdelay $0x1  }
0x2ab: {  	[tilespmem:v18+s31+$0x0] =	vst.idx.msk $0xffff, v17  }
0x2ac: {  	s26 =	sadd.s32 $0x4, s26;
	v17 =	vadd.s32 s25, v0;
	v18 =	vld.idx.msk [tilespmem:v19+s18+$0x0], $0xffff  }
0x2ad: {  	v19 =	vand.u32 $0x3F, v17;
	v16 =	vor.u32 v15, v16  }
0x2ae: {  	v20 =	vor.u32 v1, v19;
	_ =	sdelay $0x2  }
0x2af: {  	v17 =	vshll.u32 v17, $0x7  }
0x2b0: {  	[tilespmem:v16+s31+$0x0] =	vst.idx.msk $0xffff, v18;
	v16 =	vand.u32 $0x1F80, v17  }
0x2b1: {  	v17 =	vld.idx.msk [tilespmem:v20+s18+$0x0], $0xffff;
	v46 =	vor.u32 v0, v16  }
0x2b2: {  	v47 =	vor.u32 v2, v19;
	_ =	sdelay $0x3  }
0x2b3: {  	[tilespmem:v46+s31+$0x0] =	vst.idx.msk $0xffff, v17  }
0x2b4: {  	v48 =	vor.u32 v3, v16;
	v17 =	vld.idx.msk [tilespmem:v47+s18+$0x0], $0xffff  }
0x2b5: {  	v49 =	vor.u32 v4, v19;
	_ =	sdelay $0x3  }
0x2b6: {  	[tilespmem:v48+s31+$0x0] =	vst.idx.msk $0xffff, v17  }
0x2b7: {  	v50 =	vor.u32 v5, v16;
	v17 =	vld.idx.msk [tilespmem:v49+s18+$0x0], $0xffff  }
0x2b8: {  	v51 =	vor.u32 v6, v19;
	_ =	sdelay $0x3  }
0x2b9: {  	[tilespmem:v50+s31+$0x0] =	vst.idx.msk $0xffff, v17  }
0x2ba: {  	v52 =	vor.u32 v7, v16;
	v17 =	vld.idx.msk [tilespmem:v51+s18+$0x0], $0xffff  }
0x2bb: {  	v53 =	vor.u32 v8, v19;
	_ =	sdelay $0x3  }
0x2bc: {  	[tilespmem:v52+s31+$0x0] =	vst.idx.msk $0xffff, v17  }
0x2bd: {  	v54 =	vor.u32 v9, v16;
	v17 =	vld.idx.msk [tilespmem:v53+s18+$0x0], $0xffff  }
0x2be: {  	v55 =	vor.u32 v10, v19;
	_ =	sdelay $0x3  }
0x2bf: {  	[tilespmem:v54+s31+$0x0] =	vst.idx.msk $0xffff, v17  }
0x2c0: {  	v56 =	vor.u32 v11, v16;
	v17 =	vld.idx.msk [tilespmem:v55+s18+$0x0], $0xffff  }
0x2c1: {  	v57 =	vor.u32 v12, v19;
	_ =	sdelay $0x3  }
0x2c2: {  	[tilespmem:v56+s31+$0x0] =	vst.idx.msk $0xffff, v17  }
0x2c3: {  	v58 =	vor.u32 v13, v16;
	v17 =	vld.idx.msk [tilespmem:v57+s18+$0x0], $0xffff  }
0x2c4: {  	v19 =	vor.u32 v14, v19;
	_ =	sdelay $0x2  }
0x2c5: {  	s1 =	sadd.s32 $0x1, s25  }
0x2c6: {  	[tilespmem:v58+s31+$0x0] =	vst.idx.msk $0xffff, v17;
	v17 =	vadd.s32 s1, v0  }
0x2c7: {  	v16 =	vor.u32 v15, v16;
	v18 =	vld.idx.msk [tilespmem:v19+s18+$0x0], $0xffff;
	v59 =	vand.u32 $0x3F, v17  }
0x2c8: {  	v60 =	vor.u32 v1, v59;
	_ =	sdelay $0x2  }
0x2c9: {  	v17 =	vshll.u32 v17, $0x7  }
0x2ca: {  	[tilespmem:v16+s31+$0x0] =	vst.idx.msk $0xffff, v18;
	v16 =	vand.u32 $0x1F80, v17  }
0x2cb: {  	v17 =	vld.idx.msk [tilespmem:v60+s18+$0x0], $0xffff;
	v61 =	vor.u32 v0, v16  }
0x2cc: {  	v62 =	vor.u32 v2, v59;
	_ =	sdelay $0x3  }
0x2cd: {  	[tilespmem:v61+s31+$0x0] =	vst.idx.msk $0xffff, v17  }
0x2ce: {  	v63 =	vor.u32 v3, v16;
	v17 =	vld.idx.msk [tilespmem:v62+s18+$0x0], $0xffff  }
0x2cf: {  	v24 =	vor.u32 v4, v59;
	_ =	sdelay $0x3  }
0x2d0: {  	[tilespmem:v63+s31+$0x0] =	vst.idx.msk $0xffff, v17  }
0x2d1: {  	v25 =	vor.u32 v5, v16;
	v17 =	vld.idx.msk [tilespmem:v24+s18+$0x0], $0xffff  }
0x2d2: {  	v26 =	vor.u32 v6, v59;
	_ =	sdelay $0x3  }
0x2d3: {  	[tilespmem:v25+s31+$0x0] =	vst.idx.msk $0xffff, v17  }
0x2d4: {  	v27 =	vor.u32 v7, v16;
	v17 =	vld.idx.msk [tilespmem:v26+s18+$0x0], $0xffff  }
0x2d5: {  	v28 =	vor.u32 v8, v59;
	_ =	sdelay $0x3  }
0x2d6: {  	[tilespmem:v27+s31+$0x0] =	vst.idx.msk $0xffff, v17  }
0x2d7: {  	v29 =	vor.u32 v9, v16;
	v17 =	vld.idx.msk [tilespmem:v28+s18+$0x0], $0xffff  }
0x2d8: {  	v30 =	vor.u32 v10, v59;
	_ =	sdelay $0x3  }
0x2d9: {  	[tilespmem:v29+s31+$0x0] =	vst.idx.msk $0xffff, v17  }
0x2da: {  	v31 =	vor.u32 v11, v16;
	v17 =	vld.idx.msk [tilespmem:v30+s18+$0x0], $0xffff  }
0x2db: {  	v32 =	vor.u32 v12, v59;
	_ =	sdelay $0x3  }
0x2dc: {  	[tilespmem:v31+s31+$0x0] =	vst.idx.msk $0xffff, v17  }
0x2dd: {  	v33 =	vor.u32 v13, v16;
	v17 =	vld.idx.msk [tilespmem:v32+s18+$0x0], $0xffff  }
0x2de: {  	v19 =	vor.u32 v14, v59;
	_ =	sdelay $0x2  }
0x2df: {  	s28 =	sadd.s32 $0x2, s25  }
0x2e0: {  	[tilespmem:v33+s31+$0x0] =	vst.idx.msk $0xffff, v17;
	v17 =	vadd.s32 s28, v0  }
0x2e1: {  	v16 =	vor.u32 v15, v16;
	v18 =	vld.idx.msk [tilespmem:v19+s18+$0x0], $0xffff;
	v34 =	vand.u32 $0x3F, v17  }
0x2e2: {  	v35 =	vor.u32 v1, v34;
	_ =	sdelay $0x2  }
0x2e3: {  	v17 =	vshll.u32 v17, $0x7  }
0x2e4: {  	[tilespmem:v16+s31+$0x0] =	vst.idx.msk $0xffff, v18;
	v16 =	vand.u32 $0x1F80, v17  }
0x2e5: {  	v17 =	vld.idx.msk [tilespmem:v35+s18+$0x0], $0xffff;
	v36 =	vor.u32 v0, v16  }
0x2e6: {  	v37 =	vor.u32 v2, v34;
	_ =	sdelay $0x3  }
0x2e7: {  	[tilespmem:v36+s31+$0x0] =	vst.idx.msk $0xffff, v17  }
0x2e8: {  	v38 =	vor.u32 v3, v16;
	v17 =	vld.idx.msk [tilespmem:v37+s18+$0x0], $0xffff  }
0x2e9: {  	v39 =	vor.u32 v4, v34;
	_ =	sdelay $0x3  }
0x2ea: {  	[tilespmem:v38+s31+$0x0] =	vst.idx.msk $0xffff, v17  }
0x2eb: {  	v40 =	vor.u32 v5, v16;
	v17 =	vld.idx.msk [tilespmem:v39+s18+$0x0], $0xffff  }
0x2ec: {  	v41 =	vor.u32 v6, v34;
	_ =	sdelay $0x3  }
0x2ed: {  	[tilespmem:v40+s31+$0x0] =	vst.idx.msk $0xffff, v17  }
0x2ee: {  	v42 =	vor.u32 v7, v16;
	v17 =	vld.idx.msk [tilespmem:v41+s18+$0x0], $0xffff  }
0x2ef: {  	v43 =	vor.u32 v8, v34;
	_ =	sdelay $0x3  }
0x2f0: {  	[tilespmem:v42+s31+$0x0] =	vst.idx.msk $0xffff, v17  }
0x2f1: {  	v44 =	vor.u32 v9, v16;
	v17 =	vld.idx.msk [tilespmem:v43+s18+$0x0], $0xffff  }
0x2f2: {  	v45 =	vor.u32 v10, v34;
	_ =	sdelay $0x3  }
0x2f3: {  	[tilespmem:v44+s31+$0x0] =	vst.idx.msk $0xffff, v17  }
0x2f4: {  	v46 =	vor.u32 v11, v16;
	v17 =	vld.idx.msk [tilespmem:v45+s18+$0x0], $0xffff  }
0x2f5: {  	v47 =	vor.u32 v12, v34;
	_ =	sdelay $0x3  }
0x2f6: {  	[tilespmem:v46+s31+$0x0] =	vst.idx.msk $0xffff, v17  }
0x2f7: {  	v48 =	vor.u32 v13, v16;
	v17 =	vld.idx.msk [tilespmem:v47+s18+$0x0], $0xffff  }
0x2f8: {  	v19 =	vor.u32 v14, v34;
	_ =	sdelay $0x2  }
0x2f9: {  	s25 =	sadd.s32 $0x3, s25  }
0x2fa: {  	[tilespmem:v48+s31+$0x0] =	vst.idx.msk $0xffff, v17;
	v17 =	vadd.s32 s25, v0  }
0x2fb: {  	v16 =	vor.u32 v15, v16;
	v18 =	vld.idx.msk [tilespmem:v19+s18+$0x0], $0xffff;
	v49 =	vand.u32 $0x3F, v17  }
0x2fc: {  	v50 =	vor.u32 v1, v49;
	_ =	sdelay $0x2  }
0x2fd: {  	v17 =	vshll.u32 v17, $0x7  }
0x2fe: {  	[tilespmem:v16+s31+$0x0] =	vst.idx.msk $0xffff, v18;
	v16 =	vand.u32 $0x1F80, v17  }
0x2ff: {  	v17 =	vld.idx.msk [tilespmem:v50+s18+$0x0], $0xffff;
	v51 =	vor.u32 v0, v16  }
0x300: {  	v52 =	vor.u32 v2, v49;
	_ =	sdelay $0x3  }
0x301: {  	[tilespmem:v51+s31+$0x0] =	vst.idx.msk $0xffff, v17  }
0x302: {  	v53 =	vor.u32 v3, v16;
	v17 =	vld.idx.msk [tilespmem:v52+s18+$0x0], $0xffff  }
0x303: {  	v54 =	vor.u32 v4, v49;
	_ =	sdelay $0x3  }
0x304: {  	[tilespmem:v53+s31+$0x0] =	vst.idx.msk $0xffff, v17  }
0x305: {  	v55 =	vor.u32 v5, v16;
	v17 =	vld.idx.msk [tilespmem:v54+s18+$0x0], $0xffff  }
0x306: {  	v56 =	vor.u32 v6, v49;
	_ =	sdelay $0x3  }
0x307: {  	[tilespmem:v55+s31+$0x0] =	vst.idx.msk $0xffff, v17  }
0x308: {  	v57 =	vor.u32 v7, v16;
	v17 =	vld.idx.msk [tilespmem:v56+s18+$0x0], $0xffff  }
0x309: {  	v58 =	vor.u32 v8, v49;
	_ =	sdelay $0x3  }
0x30a: {  	[tilespmem:v57+s31+$0x0] =	vst.idx.msk $0xffff, v17  }
0x30b: {  	v59 =	vor.u32 v9, v16;
	v17 =	vld.idx.msk [tilespmem:v58+s18+$0x0], $0xffff  }
0x30c: {  	v60 =	vor.u32 v10, v49;
	_ =	sdelay $0x3  }
0x30d: {  	[tilespmem:v59+s31+$0x0] =	vst.idx.msk $0xffff, v17  }
0x30e: {  	v61 =	vor.u32 v11, v16;
	v17 =	vld.idx.msk [tilespmem:v60+s18+$0x0], $0xffff  }
0x30f: {  	v62 =	vor.u32 v12, v49;
	_ =	sdelay $0x3  }
0x310: {  	[tilespmem:v61+s31+$0x0] =	vst.idx.msk $0xffff, v17  }
0x311: {  	v63 =	vor.u32 v13, v16;
	v17 =	vld.idx.msk [tilespmem:v62+s18+$0x0], $0xffff  }
0x312: {  	v19 =	vor.u32 v14, v49;
	_ =	sdelay $0x3  }
0x313: {  	[tilespmem:v63+s31+$0x0] =	vst.idx.msk $0xffff, v17  }
0x314: {  	s1 =	sadd.s32 s5, s24;
	v16 =	vor.u32 v15, v16;
	v17 =	vld.idx.msk [tilespmem:v19+s18+$0x0], $0xffff  }
0x315: {  	s26 =	sshll.u32 s1, $0xA;
	s28 =	sshll.u32 s24, $0xF  }
0x316: {  	s1 =	sshll.u32 s1, $0x4;
	s24 =	sand.u32 $0x38000, s28;
	s25 =	sand.u32 $0xFFC0000, s26  }
0x317: {  	s1 =	sand.u32 $0xF80, s1;
	s24 =	sor.u32 s24, s25  }
0x318: {  	s1 =	sor.u32 s1, s24  }
0x319: {  	s24 =	sadd.s32 s2, s1;
	[tilespmem:v16+s31+$0x0] =	vst.idx.msk $0xffff, v17  }
0x31a: {  	[hbm4b:s24+s3] =	stream.linear.scatter [tilespmem:s31], [sflag:$0x4], $0x400, $0x38;
	[tilespmem:$0xE400] =	vst v63  }
0x31b: {  	s28 =	simm.s32 $0xC800;
	s26 =	sadd.s32 s1, s7  }
0x31c: {  	[hbm4b:s26+s3] =	stream.linear.scatter [tilespmem:s28], [sflag:$0x4], $0x400, $0x38;
	[tilespmem:$0xE400] =	vst v63  }
0x31d: {  	s26 =	sadd.s32 s1, s8  }
0x31e: {  	[hbm4b:s26+s3] =	stream.linear.scatter [tilespmem:s0], [sflag:$0x4], $0x400, $0x38;
	[tilespmem:$0xE400] =	vst v63  }
0x31f: {  	s28 =	sadd.s32 s1, s9  }
0x320: {  	[hbm4b:s28+s3] =	stream.linear.scatter [tilespmem:s6], [sflag:$0x4], $0x400, $0x38;
	[tilespmem:$0xE400] =	vst v63  }
0x321: {  	s23 =	sadd.s32 $0x1, s23;
	s25 =	sadd.s32 s1, s10  }
0x322: {  	[hbm4b:s25+s3] =	stream.linear.scatter [tilespmem:s14], [sflag:$0x4], $0x400, $0x38;
	[tilespmem:$0xE400] =	vst v63  }
0x323: {  	p0 =	sne.s32 s23, $0x64;
	s26 =	sadd.s32 s1, s11  }
0x324: {  	[hbm4b:s26+s3] =	stream.linear.scatter [tilespmem:s15], [sflag:$0x4], $0x400, $0x38;
	[tilespmem:$0xE400] =	vst v63  }
.Ltmp5:
0x325: {  	_ = 	snop;
	(pc) =	sbr.rel @p0 .LBB2_2-.Ltmp5, $4  }
0x326: {  	s28 =	sadd.s32 s1, s12  }
0x327: {  	[hbm4b:s28+s3] =	stream.linear.scatter [tilespmem:s21], [sflag:$0x4], $0x400, $0x38;
	[tilespmem:$0xE400] =	vst v63  }
0x328: {  	s1 =	sadd.s32 s1, s13  }
0x329: {  	[hbm4b:s1+s3] =	stream.linear.scatter [tilespmem:s22], [sflag:$0x4], $0x400, $0x38;
	[tilespmem:$0xE400] =	vst v63  }
0x32a: {  	s1 =	simm.s32 $0x3  }
0x32b: {  	_ =	swait.ge [sflag:s1], $0x400  }
0x32c: {  	[sflag:s1] =	ssyncset.done $0x0  }
0x32d: {  	[sflag:s1] =	ssyncadd.s32 $0xFFFFFC00  }
0x32e: {  	_ =	swait.ge [sflag:s1], $0x400  }
0x32f: {  	[sflag:s1] =	ssyncset.done $0x0  }
0x330: {  	[sflag:s1] =	ssyncadd.s32 $0xFFFFFC00  }
0x331: {  	_ =	swait.ge [sflag:s1], $0x400  }
0x332: {  	[sflag:s1] =	ssyncset.done $0x0  }
0x333: {  	[sflag:s1] =	ssyncadd.s32 $0xFFFFFC00  }
0x334: {  	_ =	swait.ge [sflag:s1], $0x400  }
0x335: {  	[sflag:s1] =	ssyncset.done $0x0  }
0x336: {  	[sflag:s1] =	ssyncadd.s32 $0xFFFFFC00  }
0x337: {  	_ =	swait.ge [sflag:s1], $0x400  }
0x338: {  	[sflag:s1] =	ssyncset.done $0x0  }
0x339: {  	[sflag:s1] =	ssyncadd.s32 $0xFFFFFC00  }
0x33a: {  	_ =	swait.ge [sflag:s1], $0x400  }
0x33b: {  	[sflag:s1] =	ssyncset.done $0x0  }
0x33c: {  	[sflag:s1] =	ssyncadd.s32 $0xFFFFFC00  }
0x33d: {  	_ =	swait.ge [sflag:s1], $0x400  }
0x33e: {  	[sflag:s1] =	ssyncset.done $0x0  }
0x33f: {  	[sflag:s1] =	ssyncadd.s32 $0xFFFFFC00  }
0x340: {  	_ =	swait.ge [sflag:s1], $0x400  }
0x341: {  	[sflag:s1] =	ssyncset.done $0x0  }
0x342: {  	[sflag:s1] =	ssyncadd.s32 $0xFFFFFC00  }
0x343: {  	_ =	swait.ge [sflag:s30], $0x400  }
0x344: {  	[sflag:s30] =	ssyncset.done $0x0  }
0x345: {  	[sflag:s30] =	ssyncadd.s32 $0xFFFFFC00  }
0x346: {  	_ =	swait.ge [sflag:s30], $0x400  }
0x347: {  	[sflag:s30] =	ssyncset.done $0x0  }
0x348: {  	[sflag:s30] =	ssyncadd.s32 $0xFFFFFC00  }
0x349: {  	_ =	swait.ge [sflag:s30], $0x400  }
0x34a: {  	[sflag:s30] =	ssyncset.done $0x0  }
0x34b: {  	[sflag:s30] =	ssyncadd.s32 $0xFFFFFC00  }
0x34c: {  	_ =	swait.ge [sflag:s30], $0x400  }
0x34d: {  	[sflag:s30] =	ssyncset.done $0x0  }
0x34e: {  	[sflag:s30] =	ssyncadd.s32 $0xFFFFFC00  }
0x34f: {  	_ =	swait.ge [sflag:s30], $0x400  }
0x350: {  	[sflag:s30] =	ssyncset.done $0x0  }
0x351: {  	[sflag:s30] =	ssyncadd.s32 $0xFFFFFC00  }
0x352: {  	_ =	swait.ge [sflag:s30], $0x400  }
0x353: {  	[sflag:s30] =	ssyncset.done $0x0  }
0x354: {  	[sflag:s30] =	ssyncadd.s32 $0xFFFFFC00  }
0x355: {  	_ =	swait.ge [sflag:s30], $0x400  }
0x356: {  	[sflag:s30] =	ssyncset.done $0x0  }
0x357: {  	[sflag:s30] =	ssyncadd.s32 $0xFFFFFC00  }
0x358: {  	_ =	swait.ge [sflag:s30], $0x400  }
0x359: {  	s23 =	rddreg [dreg:$0x6]  }
0x35a: {  	s28 =	rddreg [dreg:$0x5];
	s23 =	sadd.s32 $0x1, s23  }
0x35b: {  	p0 =	sne.s32 s23, s28  }
.Ltmp6:
0x35c: {  	_ = 	snop;
	(pc) =	sbr.rel @p0 .LBB2_1-.Ltmp6, $3  }
0x35d: {  	_ =	sdelay $0x1  }
0x35e: {  	[sflag:s30] =	ssyncset.done $0x0  }
0x35f: {  	[sflag:s30] =	ssyncadd.s32 $0xFFFFFC00  }
0x360: {  	_ =	sfence.sel $0x180000  }
0x361: {  	[bflag:$0x0] =	sbarrier.arrive $0xFFFF  }
0x362: {  	_ =	strace $0x90000047  }
0x363: {  	s0 =	stileid.u32;
	[bflag:$0x2] =	sbarrier.arrive $0xFFFF  }
0x364: {  	p0 =	sne.s32 s0, $0x0;
	s0 =	rddreg [dreg:$0x3]  }
0x365: {  	s0 =	sadd.s32 @!p0 $0x100000, s0  }
0x366: {  	[sflag:s0] =	ssyncadd.tile.s32 @!p0 $0x1;
	_ =	shalt  }
.Lfunc_end2:
_tile_overlayer_lowered:
.L_overlay_start_2:
0x367: {  	(tag) =	ssettag $0x2  }
0x368: {  	s0 =	rddreg [dreg:$0x0];
	s2 =	stileid.u32  }
0x369: {  	s1 =	rddreg [dreg:$0x1];
	p0 =	sne.s32 s2, $0x0  }
0x36a: {  	s3 =	rddreg [dreg:$0x2];
	[bflag:$0x3] =	sbarrier.arrive $0xFFFF;
	s2 =	simm.s32 @!p0 $0x1C05  }
0x36b: {  	[timem:s3], [sflag:s2] =	dma.local @!p0 [hbm:s0], s1  }
0x36c: {  	s0 =	simm.s32 @!p0 $0x5  }
0x36d: {  	_ =	swait.ge @!p0 [sflag:s0], s1  }
0x36e: {  	s1 =	ssub.s32 @!p0 $0x0, s1;
	[sflag:s0] =	ssyncset.done @!p0 $0x0  }
0x36f: {  	[sflag:s0] =	ssyncadd.s32 @!p0 s1  }
0x370: {  	[bflag:$0x3] =	sbarrier.arrive $0xFFFF  }
0x371: {  	_ =	shalt  }

</sc_bundles>
